<compile_context>
chip_gen: v7x
topology: tpu7x:2x2x1
jax: 0.10.2.dev20260603
libtpu: 0.0.44.dev20260713+nightly
codegen_flags: <defaults>
</compile_context>

<pallas_src>
import functools

import jax
import jax.numpy as jnp
from jax import lax
from jax.experimental import pallas as pl
from jax.experimental.pallas import tpu as pltpu
from jax.experimental.pallas import tpu_sc as plsc

NC, NS = 2, 16
NW = NC * NS
N = 10000
H = 128
E = 320000
L = 100000
CH = 128
NCHUNK = E // CH
NGRP = NCHUNK // 4
SEG_STEPS = 20
LP = 100096
LCHUNK = LP // CH
DEC_STEPS = 13
RC = 400
NRC = N // RC
K_RC = -(-NRC // NS)

_MESH = plsc.VectorSubcoreMesh(
    core_axis_name="c", subcore_axis_name="s", num_cores=NC, num_subcores=NS)


def _seg_pair_body(idx_a, tbl_a, init_a, idx_b, tbl_b, init_b,
                   out_a, out_b, *scr):
    rows = scr[0:2]
    ib = scr[2:4]
    acc = scr[4]
    semg = scr[5:7]
    semi = scr[7:9]
    c = lax.axis_index("c")
    t = lax.axis_index("s")

    def rows_loop(body_fn):
        def body(k, carry):
            cid = k * NS + t

            @pl.when(cid < NRC)
            def _():
                body_fn(cid * RC)

            return carry

        lax.fori_loop(0, K_RC, body, 0)

    def run(idx_h, tbl_h, init_h, out_h):
        def pfx(k, jg):
            gid = k * NS + t

            @pl.when(gid < NGRP)
            def _():
                pltpu.async_copy(idx_h.at[gid], ib[jg], semi[jg])

        def wait_i(k, jg):
            gid = k * NS + t

            @pl.when(gid < NGRP)
            def _():
                pltpu.make_async_copy(
                    idx_h.at[gid], ib[jg], semi[jg]).wait()

        def g(k, m, j, jg):
            cid = 4 * (k * NS + t) + m

            @pl.when(cid < NCHUNK)
            def _():
                pltpu.async_copy(tbl_h.at[ib[jg].at[m]], rows[j], semg[j])

        def d(k, m, j, jg, check_neg=False):
            cid = 4 * (k * NS + t) + m
            cond = cid < NCHUNK if not check_neg else (
                (cid >= 0) & (cid < NCHUNK))

            @pl.when(cond)
            def _():
                pltpu.make_async_copy(
                    tbl_h.at[ib[jg].at[m]], rows[j], semg[j]).wait()
                pltpu.sync_copy(rows[j], acc.at[ib[jg].at[4 + m]], add=True)

        pfx(0, 0)
        rows_loop(lambda r0: pltpu.sync_copy(
            init_h.at[pl.ds(r0, RC)], acc.at[pl.ds(r0, RC)]))
        plsc.subcore_barrier()

        def two_groups(gg, carry):
            k0 = 2 * gg
            k1 = k0 + 1
            wait_i(k0, 0)
            g(k0, 0, 0, 0)
            d(k1 - 2, 3, 1, 1, check_neg=True)
            pfx(k1, 1)
            g(k0, 1, 1, 0)
            d(k0, 0, 0, 0)
            g(k0, 2, 0, 0)
            d(k0, 1, 1, 0)
            g(k0, 3, 1, 0)
            d(k0, 2, 0, 0)
            wait_i(k1, 1)
            g(k1, 0, 0, 1)
            d(k0, 3, 1, 0)
            pfx(k0 + 2, 0)
            g(k1, 1, 1, 1)
            d(k1, 0, 0, 1)
            g(k1, 2, 0, 1)
            d(k1, 1, 1, 1)
            g(k1, 3, 1, 1)
            d(k1, 2, 0, 1)
            return carry

        lax.fori_loop(0, SEG_STEPS, two_groups, 0)
        d(2 * SEG_STEPS - 1, 3, 1, 1)
        plsc.subcore_barrier()
        rows_loop(lambda r0: pltpu.sync_copy(
            acc.at[pl.ds(r0, RC)], out_h.at[pl.ds(r0, RC)]))

    @pl.when(c == 0)
    def _():
        run(idx_a, tbl_a, init_a, out_a)

    @pl.when(c == 1)
    def _():
        run(idx_b, tbl_b, init_b, out_b)


_seg_pair = pl.kernel(
    _seg_pair_body,
    out_type=(jax.ShapeDtypeStruct((N, H), jnp.float32),
              jax.ShapeDtypeStruct((N, H), jnp.float32)),
    mesh=_MESH,
    scratch_types=(
        [pltpu.VMEM((CH, H), jnp.float32)] * 2
        + [pltpu.VMEM((8, CH), jnp.int32)] * 2
        + [pltpu.VMEM_SHARED((N, H), jnp.float32)]
        + [pltpu.SemaphoreType.DMA] * 4
    ),
)


def _dec_gather_body(ud, up, lbl_h, s_h, *scr):
    ridx = scr[0:2]
    cidx = scr[2:4]
    buf = scr[4:6]
    sem_a = scr[6:8]
    sem_b = scr[8:10]
    wid = lax.axis_index("c") * NS + lax.axis_index("s")

    def prep(i, j):
        cid = i * NW + wid

        @pl.when(cid < LCHUNK)
        def _():
            pltpu.sync_copy(lbl_h.at[pl.ds(cid * CH, CH)], ridx[j])
            pltpu.async_copy(ud.at[ridx[j]], buf[j], sem_a[j])

    def mid(i, j):
        cid = i * NW + wid

        @pl.when(cid < LCHUNK)
        def _():
            pltpu.make_async_copy(ud.at[ridx[j]], buf[j], sem_a[j]).wait()
            pltpu.sync_copy(lbl_h.at[pl.ds(L + cid * CH, CH)], cidx[j])
            pltpu.async_copy(up.at[cidx[j]], buf[j], sem_b[j], add=True)

    def fin(i, j):
        cid = i * NW + wid

        @pl.when(cid < LCHUNK)
        def _():
            pltpu.make_async_copy(up.at[cidx[j]], buf[j], sem_b[j]).wait()
            pltpu.sync_copy(buf[j], s_h.at[pl.ds(cid * CH, CH)])

    prep(0, 0)

    def pair(kk, carry):
        i0 = 2 * kk
        prep(i0 + 1, 1)
        mid(i0, 0)
        fin(i0, 0)
        prep(i0 + 2, 0)
        mid(i0 + 1, 1)
        fin(i0 + 1, 1)
        return carry

    lax.fori_loop(0, DEC_STEPS, pair, 0)


_dec_gather = pl.kernel(
    _dec_gather_body,
    out_type=jax.ShapeDtypeStruct((LP, H), jnp.float32),
    mesh=_MESH,
    scratch_types=(
        [pltpu.VMEM((CH,), jnp.int32)] * 4
        + [pltpu.VMEM((CH, H), jnp.float32)] * 2
        + [pltpu.SemaphoreType.DMA] * 4
    ),
)


def _dec_out_body(s_ref, w2_ref, b2_ref, o_ref):
    s = jnp.maximum(s_ref[...], 0.0)
    o_ref[...] = jnp.sum(s * w2_ref[...], axis=1, keepdims=True) + b2_ref[...]


def _make_dec_out():
    blk = 2176
    grid = LP // blk
    return pl.pallas_call(
        _dec_out_body,
        grid=(grid,),
        in_specs=[pl.BlockSpec((blk, H), lambda i: (i, 0)),
                  pl.BlockSpec((1, H), lambda i: (0, 0)),
                  pl.BlockSpec((1, 1), lambda i: (0, 0))],
        out_specs=pl.BlockSpec((blk, 1), lambda i: (i, 0)),
        out_shape=jax.ShapeDtypeStruct((LP, 1), jnp.float32),
    )


_dec_out = _make_dec_out()


def _quad_body(a_ref, b_ref, w1, w2, w3, w4, bias1, bias2,
               o1, o2, o3, o4, *, relu):
    a = a_ref[...]
    b = b_ref[...]
    if relu:
        a = jnp.maximum(a, 0.0)
        b = jnp.maximum(b, 0.0)
    f32 = jnp.float32
    o1[...] = jnp.dot(a, w1[...], preferred_element_type=f32)
    o2[...] = jnp.dot(b, w2[...], preferred_element_type=f32) + bias1[...]
    o3[...] = jnp.dot(b, w3[...], preferred_element_type=f32)
    o4[...] = jnp.dot(a, w4[...], preferred_element_type=f32) + bias2[...]


def _make_quad(relu):
    blk = 1000
    grid = N // blk
    row_spec = pl.BlockSpec((blk, H), lambda i: (i, 0))
    full_spec = pl.BlockSpec((H, H), lambda i: (0, 0))
    bias_spec = pl.BlockSpec((1, H), lambda i: (0, 0))
    return pl.pallas_call(
        functools.partial(_quad_body, relu=relu),
        grid=(grid,),
        in_specs=[row_spec, row_spec, full_spec, full_spec, full_spec,
                  full_spec, bias_spec, bias_spec],
        out_specs=[row_spec, row_spec, row_spec, row_spec],
        out_shape=[jax.ShapeDtypeStruct((N, H), jnp.float32)] * 4,
    )


_quad_plain = _make_quad(relu=False)
_quad_relu = _make_quad(relu=True)


def _dual_body(a_ref, b_ref, w1, w2, bias1, o1, o2):
    f32 = jnp.float32
    o1[...] = jnp.dot(a_ref[...], w1[...], preferred_element_type=f32) + bias1[...]
    o2[...] = jnp.dot(b_ref[...], w2[...], preferred_element_type=f32)


def _make_dual():
    blk = 1000
    grid = N // blk
    row_spec = pl.BlockSpec((blk, H), lambda i: (i, 0))
    full_spec = pl.BlockSpec((H, H), lambda i: (0, 0))
    bias_spec = pl.BlockSpec((1, H), lambda i: (0, 0))
    return pl.pallas_call(
        _dual_body,
        grid=(grid,),
        in_specs=[row_spec, row_spec, full_spec, full_spec, bias_spec],
        out_specs=[row_spec, row_spec],
        out_shape=[jax.ShapeDtypeStruct((N, H), jnp.float32)] * 2,
    )


_dual = _make_dual()


def kernel(x_drug, x_protein, edge_index_drug_protein, edge_index_protein_drug,
           edge_label_index, Wl1_dp, bl1_dp, Wr1_dp, Wl1_pd, bl1_pd, Wr1_pd,
           Wl2_dp, bl2_dp, Wr2_dp, Wl2_pd, bl2_pd, Wr2_pd,
           Wdec1, bdec1, Wdec2, bdec2):
    def pack_edges(ei):
        src = ei[0].reshape(NGRP, 4, CH)
        dst = ei[1].reshape(NGRP, 4, CH)
        return jnp.concatenate([src, dst], axis=1)

    idx_dp = pack_edges(edge_index_drug_protein)
    idx_pd = pack_edges(edge_index_protein_drug)
    lbl = jnp.concatenate(
        [edge_label_index.reshape(-1),
         jnp.zeros((LP - L,), edge_label_index.dtype)])

    b1 = bl1_dp.reshape(1, H)
    b2 = bl1_pd.reshape(1, H)
    b3 = bl2_dp.reshape(1, H)
    b4 = bl2_pd.reshape(1, H)

    tbl_dp, init_prot, tbl_pd, init_drug = _quad_plain(
        x_drug, x_protein, Wl1_dp, Wr1_dp, Wl1_pd, Wr1_pd, b1, b2)
    hpre_prot, hpre_drug = _seg_pair(
        idx_dp, tbl_dp, init_prot, idx_pd, tbl_pd, init_drug)

    tbl2_dp, init2_prot, tbl2_pd, init2_drug = _quad_relu(
        hpre_drug, hpre_prot, Wl2_dp, Wr2_dp, Wl2_pd, Wr2_pd, b3, b4)
    z_prot, z_drug = _seg_pair(
        idx_dp, tbl2_dp, init2_prot, idx_pd, tbl2_pd, init2_drug)

    u_drug, u_prot = _dual(z_drug, z_prot, Wdec1[:H], Wdec1[H:],
                           bdec1.reshape(1, H))
    s = _dec_gather(u_drug, u_prot, lbl)
    out2 = _dec_out(s, Wdec2.reshape(1, H), bdec2.reshape(1, 1))
    out = out2.reshape(-1)[:L]
    return (z_drug, z_prot, out)

# --- scband reference (transcript-rebuilt; emitter-appended) ---
"""Pipeline reference for scband-model-82532091560585 (READ-ONLY COPY).

The authoritative reference and input builder live on the scoring server;
editing this copy changes nothing except your own understanding.
"""

import jax, jax.numpy as jnp
import numpy as np

ND = 10000
NP_ = 10000
H = 128
E = 320000
L = 100000


def _init(key, shape, fan_in):
    return jax.random.normal(key, shape, jnp.float32) / np.sqrt(fan_in)


def setup_inputs(seed: int = 0) -> dict:
    key = jax.random.key(seed)
    ks = jax.random.split(key, 32)
    inp = {}
    inp['x_drug'] = jax.random.normal(ks[0], (ND, H), jnp.float32)
    inp['x_protein'] = jax.random.normal(ks[1], (NP_, H), jnp.float32)
    src_dp = jax.random.randint(ks[2], (1, E), 0, ND)
    dst_dp = jax.random.randint(ks[3], (1, E), 0, NP_)
    inp['edge_index_drug_protein'] = jnp.concatenate([src_dp, dst_dp], axis=0)
    src_pd = jax.random.randint(ks[4], (1, E), 0, NP_)
    dst_pd = jax.random.randint(ks[5], (1, E), 0, ND)
    inp['edge_index_protein_drug'] = jnp.concatenate([src_pd, dst_pd], axis=0)
    row = jax.random.randint(ks[6], (1, L), 0, ND)
    col = jax.random.randint(ks[7], (1, L), 0, NP_)
    inp['edge_label_index'] = jnp.concatenate([row, col], axis=0)
    # hetero SAGEConv params: per edge type, per layer (lin_l with bias, lin_r no bias)
    inp['Wl1_dp'] = _init(ks[8], (H, H), H); inp['bl1_dp'] = jnp.zeros((H,), jnp.float32); inp['Wr1_dp'] = _init(ks[9], (H, H), H)
    inp['Wl1_pd'] = _init(ks[10], (H, H), H); inp['bl1_pd'] = jnp.zeros((H,), jnp.float32); inp['Wr1_pd'] = _init(ks[11], (H, H), H)
    inp['Wl2_dp'] = _init(ks[12], (H, H), H); inp['bl2_dp'] = jnp.zeros((H,), jnp.float32); inp['Wr2_dp'] = _init(ks[13], (H, H), H)
    inp['Wl2_pd'] = _init(ks[14], (H, H), H); inp['bl2_pd'] = jnp.zeros((H,), jnp.float32); inp['Wr2_pd'] = _init(ks[15], (H, H), H)
    # decoder MLP
    inp['Wdec1'] = _init(ks[16], (2 * H, H), 2 * H); inp['bdec1'] = jnp.zeros((H,), jnp.float32)
    inp['Wdec2'] = _init(ks[17], (H, 1), H); inp['bdec2'] = jnp.zeros((1,), jnp.float32)
    return inp


def _sage(x_src, x_dst, ei, Wl, bl, Wr):
    # SAGEConv with aggr='sum': lin_l(sum-aggregated messages) + lin_r(x_dst)
    msg = jax.ops.segment_sum(x_src[ei[0]], ei[1], num_segments=x_dst.shape[0])
    return msg @ Wl + bl + x_dst @ Wr


def reference(x_drug, x_protein, edge_index_drug_protein, edge_index_protein_drug,
              edge_label_index, Wl1_dp, bl1_dp, Wr1_dp, Wl1_pd, bl1_pd, Wr1_pd,
              Wl2_dp, bl2_dp, Wr2_dp, Wl2_pd, bl2_pd, Wr2_pd,
              Wdec1, bdec1, Wdec2, bdec2):
    # layer 1 (to_hetero with aggr='sum': each node type has exactly one incoming edge type here)
    h_prot = jax.nn.relu(_sage(x_drug, x_protein, edge_index_drug_protein, Wl1_dp, bl1_dp, Wr1_dp))
    h_drug = jax.nn.relu(_sage(x_protein, x_drug, edge_index_protein_drug, Wl1_pd, bl1_pd, Wr1_pd))
    # dropout is identity in eval mode
    z_prot = _sage(h_drug, h_prot, edge_index_drug_protein, Wl2_dp, bl2_dp, Wr2_dp)
    z_drug = _sage(h_prot, h_drug, edge_index_protein_drug, Wl2_pd, bl2_pd, Wr2_pd)
    # edge decoder
    row = edge_label_index[0]
    col = edge_label_index[1]
    z = jnp.concatenate([z_drug[row], z_prot[col]], axis=-1)
    z = jax.nn.relu(z @ Wdec1 + bdec1)
    out = (z @ Wdec2 + bdec2).reshape(-1)
    return (z_drug, z_prot, out)

if __name__ == "__main__":
    import jax
    _d = setup_inputs()
    print(jax.jit(kernel)(*tuple(_d.values())))

</pallas_src>

<mosaic_0001>
#map = affine_map<(d0, d1) -> (0, 0, 0)>
#map1 = affine_map<(d0, d1) -> (0, 0)>
module attributes {stable_mosaic.version = 14 : i64} {
  func.func @_seg_pair_body(%arg0: i32, %arg1: i32, %arg2: memref<625x8x128xi32, #tpu.memory_space<hbm>>, %arg3: memref<10000x128xf32, #tpu.memory_space<hbm>>, %arg4: memref<10000x128xf32, #tpu.memory_space<hbm>>, %arg5: memref<625x8x128xi32, #tpu.memory_space<hbm>>, %arg6: memref<10000x128xf32, #tpu.memory_space<hbm>>, %arg7: memref<10000x128xf32, #tpu.memory_space<hbm>>, %arg8: memref<10000x128xf32, #tpu.memory_space<hbm>>, %arg9: memref<10000x128xf32, #tpu.memory_space<hbm>>, %arg10: memref<128x128xf32, #tpu.memory_space<vmem>>, %arg11: memref<128x128xf32, #tpu.memory_space<vmem>>, %arg12: memref<8x128xi32, #tpu.memory_space<vmem>>, %arg13: memref<8x128xi32, #tpu.memory_space<vmem>>, %arg14: memref<10000x128xf32, #tpu.memory_space<vmem_shared>>, %arg15: memref<!tpu.dma_semaphore, #tpu.memory_space<semaphore_mem>>, %arg16: memref<!tpu.dma_semaphore, #tpu.memory_space<semaphore_mem>>, %arg17: memref<!tpu.dma_semaphore, #tpu.memory_space<semaphore_mem>>, %arg18: memref<!tpu.dma_semaphore, #tpu.memory_space<semaphore_mem>>) attributes {dimension_semantics = [#tpu.dimension_semantics<core_parallel>, #tpu.dimension_semantics<subcore_parallel>], iteration_bounds = array<i64: 2, 16>, scalar_prefetch = 0 : i64, scratch_operands = 9 : i64, tpu.core_type = #tpu.core_type<sc_vector_subcore>, window_params = [{transform_indices = #map}, {transform_indices = #map1}, {transform_indices = #map1}, {transform_indices = #map}, {transform_indices = #map1}, {transform_indices = #map1}, {transform_indices = #map1}, {transform_indices = #map1}]} {
    %eq3A = arith.constant 0 : i32
    %eq3A_0 = arith.cmpi eq, %arg0, %eq3A : i32
    %convert_element_type3A = arith.extui %eq3A_0 : i1 to i32
    %cond3A = arith.constant 0 : i32
    %cond3A_1 = arith.cmpi ne, %convert_element_type3A, %cond3A : i32
    scf.if %cond3A_1 {
      %add3A = arith.constant 0 : i32
      %add3A_7 = arith.addi %add3A, %arg1 : i32
      %lt3A = arith.constant 625 : i32
      %lt3A_8 = arith.cmpi slt, %add3A_7, %lt3A : i32
      %convert_element_type3A_9 = arith.extui %lt3A_8 : i1 to i32
      %cond3A_10 = arith.constant 0 : i32
      %cond3A_11 = arith.cmpi ne, %convert_element_type3A_9, %cond3A_10 : i32
      scf.if %cond3A_11 {
        %dma_start3A = arith.constant 0 : i32
        %dma_start3A_40 = arith.constant 0 : i32
        %dma_start3A_41 = tpu.memref_slice %arg2[%add3A_7, %dma_start3A, %dma_start3A_40] : memref<625x8x128xi32, #tpu.memory_space<hbm>> -> memref<1x8x128xi32, #tpu.memory_space<hbm>>
        %dma_start3A_42 = tpu.memref_squeeze %dma_start3A_41 : memref<1x8x128xi32, #tpu.memory_space<hbm>> -> memref<8x128xi32, #tpu.memory_space<hbm>>
        %dma_start3A_43 = arith.constant 0 : i32
        %dma_start3A_44 = arith.constant 0 : i32
        %dma_start3A_45 = tpu.memref_slice %arg2[%add3A_7, %dma_start3A_43, %dma_start3A_44] : memref<625x8x128xi32, #tpu.memory_space<hbm>> -> memref<1x8x128xi32, #tpu.memory_space<hbm>>
        %dma_start3A_46 = tpu.memref_squeeze %dma_start3A_45 : memref<1x8x128xi32, #tpu.memory_space<hbm>> -> memref<8x128xi32, #tpu.memory_space<hbm>>
        tpu.enqueue_dma source(%dma_start3A_46 : memref<8x128xi32, #tpu.memory_space<hbm>>) target(%arg12 : memref<8x128xi32, #tpu.memory_space<vmem>>) target_semaphore(%arg17 : memref<!tpu.dma_semaphore, #tpu.memory_space<semaphore_mem>>)
      } else {
      }
      %scan3A = arith.constant 0 : i32
      %scan3A_12 = arith.constant 0 : i32
      %scan3A_13 = arith.constant 2 : i32
      %scan3A_14 = arith.addi %scan3A_12, %scan3A_13 : i32
      %scan3A_15 = arith.constant 1 : i32
      scf.for %scan3A_40 = %scan3A_12 to %scan3A_14 step %scan3A_15  : i32 {
        %mul3A_41 = arith.constant 16 : i32
        %mul3A_42 = arith.muli %scan3A_40, %mul3A_41 : i32
        %add3A_43 = arith.addi %mul3A_42, %arg1 : i32
        %lt3A_44 = arith.constant 25 : i32
        %lt3A_45 = arith.cmpi slt, %add3A_43, %lt3A_44 : i32
        %convert_element_type3A_46 = arith.extui %lt3A_45 : i1 to i32
        %cond3A_47 = arith.constant 0 : i32
        %cond3A_48 = arith.cmpi ne, %convert_element_type3A_46, %cond3A_47 : i32
        scf.if %cond3A_48 {
          %mul3A_49 = arith.constant 400 : i32
          %mul3A_50 = arith.muli %add3A_43, %mul3A_49 : i32
          "tpu.region"() ({
            %run_scoped3A = tpu.sem_alloc : memref<!tpu.dma_semaphore, #tpu.memory_space<semaphore_mem>>
            %dma_start3A = arith.constant 0 : i32
            %dma_start3A_51 = tpu.memref_slice %arg14[%mul3A_50, %dma_start3A] : memref<10000x128xf32, #tpu.memory_space<vmem_shared>> -> memref<400x128xf32, #tpu.memory_space<vmem_shared>>
            %dma_start3A_52 = arith.constant 0 : i32
            %dma_start3A_53 = tpu.memref_slice %arg4[%mul3A_50, %dma_start3A_52] : memref<10000x128xf32, #tpu.memory_space<hbm>> -> memref<400x128xf32, #tpu.memory_space<hbm>>
            tpu.enqueue_dma source(%dma_start3A_53 : memref<400x128xf32, #tpu.memory_space<hbm>>) target(%dma_start3A_51 : memref<400x128xf32, #tpu.memory_space<vmem_shared>>) target_semaphore(%run_scoped3A : memref<!tpu.dma_semaphore, #tpu.memory_space<semaphore_mem>>)
            %dma_wait3A = arith.constant 0 : i32
            %dma_wait3A_54 = tpu.memref_slice %arg14[%mul3A_50, %dma_wait3A] : memref<10000x128xf32, #tpu.memory_space<vmem_shared>> -> memref<400x128xf32, #tpu.memory_space<vmem_shared>>
            %dma_wait3A_55 = arith.constant 0 : i32
            %dma_wait3A_56 = tpu.memref_slice %arg4[%mul3A_50, %dma_wait3A_55] : memref<10000x128xf32, #tpu.memory_space<hbm>> -> memref<400x128xf32, #tpu.memory_space<hbm>>
            tpu.wait_dma2 semaphore(%run_scoped3A : memref<!tpu.dma_semaphore, #tpu.memory_space<semaphore_mem>>) src(%dma_wait3A_56 : memref<400x128xf32, #tpu.memory_space<hbm>>) dst(%dma_wait3A_54 : memref<400x128xf32, #tpu.memory_space<vmem_shared>>)
            tpu.yield
          }) : () -> ()
        } else {
        }
      }
      %scan3A_16 = arith.constant 2 : i32
      %barrier3A = arith.constant 0 : index
      tpu.barrier barrier_id(%barrier3A)
      %scan3A_17 = arith.constant 0 : i32
      %scan3A_18 = arith.constant 0 : i32
      %scan3A_19 = arith.constant 20 : i32
      %scan3A_20 = arith.addi %scan3A_18, %scan3A_19 : i32
      %scan3A_21 = arith.constant 1 : i32
      scf.for %scan3A_40 = %scan3A_18 to %scan3A_20 step %scan3A_21  : i32 {
        %mul3A_41 = arith.constant 2 : i32
        %mul3A_42 = arith.muli %mul3A_41, %scan3A_40 : i32
        %add3A_43 = arith.constant 1 : i32
        %add3A_44 = arith.addi %mul3A_42, %add3A_43 : i32
        %mul3A_45 = arith.constant 16 : i32
        %mul3A_46 = arith.muli %mul3A_42, %mul3A_45 : i32
        %add3A_47 = arith.addi %mul3A_46, %arg1 : i32
        %lt3A_48 = arith.constant 625 : i32
        %lt3A_49 = arith.cmpi slt, %add3A_47, %lt3A_48 : i32
        %convert_element_type3A_50 = arith.extui %lt3A_49 : i1 to i32
        %cond3A_51 = arith.constant 0 : i32
        %cond3A_52 = arith.cmpi ne, %convert_element_type3A_50, %cond3A_51 : i32
        scf.if %cond3A_52 {
          %dma_wait3A = arith.constant 0 : i32
          %dma_wait3A_273 = arith.constant 0 : i32
          %dma_wait3A_274 = tpu.memref_slice %arg2[%add3A_47, %dma_wait3A, %dma_wait3A_273] : memref<625x8x128xi32, #tpu.memory_space<hbm>> -> memref<1x8x128xi32, #tpu.memory_space<hbm>>
          %dma_wait3A_275 = tpu.memref_squeeze %dma_wait3A_274 : memref<1x8x128xi32, #tpu.memory_space<hbm>> -> memref<8x128xi32, #tpu.memory_space<hbm>>
          %dma_wait3A_276 = arith.constant 0 : i32
          %dma_wait3A_277 = arith.constant 0 : i32
          %dma_wait3A_278 = tpu.memref_slice %arg2[%add3A_47, %dma_wait3A_276, %dma_wait3A_277] : memref<625x8x128xi32, #tpu.memory_space<hbm>> -> memref<1x8x128xi32, #tpu.memory_space<hbm>>
          %dma_wait3A_279 = tpu.memref_squeeze %dma_wait3A_278 : memref<1x8x128xi32, #tpu.memory_space<hbm>> -> memref<8x128xi32, #tpu.memory_space<hbm>>
          tpu.wait_dma2 semaphore(%arg17 : memref<!tpu.dma_semaphore, #tpu.memory_space<semaphore_mem>>) src(%dma_wait3A_279 : memref<8x128xi32, #tpu.memory_space<hbm>>) dst(%arg12 : memref<8x128xi32, #tpu.memory_space<vmem>>)
        } else {
        }
        %mul3A_53 = arith.constant 16 : i32
        %mul3A_54 = arith.muli %mul3A_42, %mul3A_53 : i32
        %add3A_55 = arith.addi %mul3A_54, %arg1 : i32
        %mul3A_56 = arith.constant 4 : i32
        %mul3A_57 = arith.muli %mul3A_56, %add3A_55 : i32
        %add3A_58 = arith.constant 0 : i32
        %add3A_59 = arith.addi %mul3A_57, %add3A_58 : i32
        %lt3A_60 = arith.constant 2500 : i32
        %lt3A_61 = arith.cmpi slt, %add3A_59, %lt3A_60 : i32
        %convert_element_type3A_62 = arith.extui %lt3A_61 : i1 to i32
        %cond3A_63 = arith.constant 0 : i32
        %cond3A_64 = arith.cmpi ne, %convert_element_type3A_62, %cond3A_63 : i32
        scf.if %cond3A_64 {
          %dma_start3A = arith.constant 0 : i32
          %dma_start3A_273 = arith.constant 0 : i32
          %dma_start3A_274 = tpu.memref_slice %arg12[%dma_start3A, %dma_start3A_273] : memref<8x128xi32, #tpu.memory_space<vmem>> -> memref<1x128xi32, #tpu.memory_space<vmem>>
          %dma_start3A_275 = tpu.memref_squeeze %dma_start3A_274 : memref<1x128xi32, #tpu.memory_space<vmem>> -> memref<128xi32, #tpu.memory_space<vmem>>
          %dma_start3A_276 = arith.constant 0 : i32
          %dma_start3A_277 = arith.constant 0 : i32
          %dma_start3A_278 = tpu.memref_slice %arg3[%dma_start3A_276, %dma_start3A_277] : memref<10000x128xf32, #tpu.memory_space<hbm>> -> memref<10000x128xf32, #tpu.memory_space<hbm>>
          tpu.enqueue_indirect_dma source(%dma_start3A_278 : memref<10000x128xf32, #tpu.memory_space<hbm>>) target(%arg10 : memref<128x128xf32, #tpu.memory_space<vmem>>) offsets(%dma_start3A_275 : memref<128xi32, #tpu.memory_space<vmem>>) semaphore(%arg15 : memref<!tpu.dma_semaphore, #tpu.memory_space<semaphore_mem>>)
        } else {
        }
        %sub3A = arith.constant 2 : i32
        %sub3A_65 = arith.subi %add3A_44, %sub3A : i32
        %mul3A_66 = arith.constant 16 : i32
        %mul3A_67 = arith.muli %sub3A_65, %mul3A_66 : i32
        %add3A_68 = arith.addi %mul3A_67, %arg1 : i32
        %mul3A_69 = arith.constant 4 : i32
        %mul3A_70 = arith.muli %mul3A_69, %add3A_68 : i32
        %add3A_71 = arith.constant 3 : i32
        %add3A_72 = arith.addi %mul3A_70, %add3A_71 : i32
        %ge3A = arith.constant 0 : i32
        %ge3A_73 = arith.cmpi sge, %add3A_72, %ge3A : i32
        %lt3A_74 = arith.constant 2500 : i32
        %lt3A_75 = arith.cmpi slt, %add3A_72, %lt3A_74 : i32
        %and3A = arith.andi %ge3A_73, %lt3A_75 : i1
        %convert_element_type3A_76 = arith.extui %and3A : i1 to i32
        %cond3A_77 = arith.constant 0 : i32
        %cond3A_78 = arith.cmpi ne, %convert_element_type3A_76, %cond3A_77 : i32
        scf.if %cond3A_78 {
          %dma_wait3A = arith.constant 3 : i32
          %dma_wait3A_273 = arith.constant 0 : i32
          %dma_wait3A_274 = tpu.memref_slice %arg13[%dma_wait3A, %dma_wait3A_273] : memref<8x128xi32, #tpu.memory_space<vmem>> -> memref<1x128xi32, #tpu.memory_space<vmem>>
          %dma_wait3A_275 = tpu.memref_squeeze %dma_wait3A_274 : memref<1x128xi32, #tpu.memory_space<vmem>> -> memref<128xi32, #tpu.memory_space<vmem>>
          %dma_wait3A_276 = arith.constant 0 : i32
          %dma_wait3A_277 = arith.constant 0 : i32
          %dma_wait3A_278 = tpu.memref_slice %arg3[%dma_wait3A_276, %dma_wait3A_277] : memref<10000x128xf32, #tpu.memory_space<hbm>> -> memref<10000x128xf32, #tpu.memory_space<hbm>>
          tpu.wait_indirect_dma semaphore(%arg16 : memref<!tpu.dma_semaphore, #tpu.memory_space<semaphore_mem>>) src(%dma_wait3A_278 : memref<10000x128xf32, #tpu.memory_space<hbm>>) dst(%arg11 : memref<128x128xf32, #tpu.memory_space<vmem>>)
          %run_scoped3A = arith.constant 7 : i32
          "tpu.region"() ({
            %run_scoped3A_279 = tpu.sem_alloc : memref<!tpu.dma_semaphore, #tpu.memory_space<semaphore_mem>>
            %dma_start3A = arith.constant 0 : i32
            %dma_start3A_280 = tpu.memref_slice %arg13[%run_scoped3A, %dma_start3A] : memref<8x128xi32, #tpu.memory_space<vmem>> -> memref<1x128xi32, #tpu.memory_space<vmem>>
            %dma_start3A_281 = tpu.memref_squeeze %dma_start3A_280 : memref<1x128xi32, #tpu.memory_space<vmem>> -> memref<128xi32, #tpu.memory_space<vmem>>
            %dma_start3A_282 = arith.constant 0 : i32
            %dma_start3A_283 = arith.constant 0 : i32
            %dma_start3A_284 = tpu.memref_slice %arg14[%dma_start3A_282, %dma_start3A_283] : memref<10000x128xf32, #tpu.memory_space<vmem_shared>> -> memref<10000x128xf32, #tpu.memory_space<vmem_shared>>
            tpu.enqueue_indirect_dma source(%arg11 : memref<128x128xf32, #tpu.memory_space<vmem>>) target(%dma_start3A_284 : memref<10000x128xf32, #tpu.memory_space<vmem_shared>>) offsets(%dma_start3A_281 : memref<128xi32, #tpu.memory_space<vmem>>) semaphore(%run_scoped3A_279 : memref<!tpu.dma_semaphore, #tpu.memory_space<semaphore_mem>>) {add = true}
            %dma_wait3A_285 = arith.constant 0 : i32
            %dma_wait3A_286 = tpu.memref_slice %arg13[%run_scoped3A, %dma_wait3A_285] : memref<8x128xi32, #tpu.memory_space<vmem>> -> memref<1x128xi32, #tpu.memory_space<vmem>>
            %dma_wait3A_287 = tpu.memref_squeeze %dma_wait3A_286 : memref<1x128xi32, #tpu.memory_space<vmem>> -> memref<128xi32, #tpu.memory_space<vmem>>
            %dma_wait3A_288 = arith.constant 0 : i32
            %dma_wait3A_289 = arith.constant 0 : i32
            %dma_wait3A_290 = tpu.memref_slice %arg14[%dma_wait3A_288, %dma_wait3A_289] : memref<10000x128xf32, #tpu.memory_space<vmem_shared>> -> memref<10000x128xf32, #tpu.memory_space<vmem_shared>>
            tpu.wait_indirect_dma semaphore(%run_scoped3A_279 : memref<!tpu.dma_semaphore, #tpu.memory_space<semaphore_mem>>) src(%arg11 : memref<128x128xf32, #tpu.memory_space<vmem>>) dst(%dma_wait3A_290 : memref<10000x128xf32, #tpu.memory_space<vmem_shared>>)
            tpu.yield
          }) : () -> ()
        } else {
        }
        %mul3A_79 = arith.constant 16 : i32
        %mul3A_80 = arith.muli %add3A_44, %mul3A_79 : i32
        %add3A_81 = arith.addi %mul3A_80, %arg1 : i32
        %lt3A_82 = arith.constant 625 : i32
        %lt3A_83 = arith.cmpi slt, %add3A_81, %lt3A_82 : i32
        %convert_element_type3A_84 = arith.extui %lt3A_83 : i1 to i32
        %cond3A_85 = arith.constant 0 : i32
        %cond3A_86 = arith.cmpi ne, %convert_element_type3A_84, %cond3A_85 : i32
        scf.if %cond3A_86 {
          %dma_start3A = arith.constant 0 : i32
          %dma_start3A_273 = arith.constant 0 : i32
          %dma_start3A_274 = tpu.memref_slice %arg2[%add3A_81, %dma_start3A, %dma_start3A_273] : memref<625x8x128xi32, #tpu.memory_space<hbm>> -> memref<1x8x128xi32, #tpu.memory_space<hbm>>
          %dma_start3A_275 = tpu.memref_squeeze %dma_start3A_274 : memref<1x8x128xi32, #tpu.memory_space<hbm>> -> memref<8x128xi32, #tpu.memory_space<hbm>>
          %dma_start3A_276 = arith.constant 0 : i32
          %dma_start3A_277 = arith.constant 0 : i32
          %dma_start3A_278 = tpu.memref_slice %arg2[%add3A_81, %dma_start3A_276, %dma_start3A_277] : memref<625x8x128xi32, #tpu.memory_space<hbm>> -> memref<1x8x128xi32, #tpu.memory_space<hbm>>
          %dma_start3A_279 = tpu.memref_squeeze %dma_start3A_278 : memref<1x8x128xi32, #tpu.memory_space<hbm>> -> memref<8x128xi32, #tpu.memory_space<hbm>>
          tpu.enqueue_dma source(%dma_start3A_279 : memref<8x128xi32, #tpu.memory_space<hbm>>) target(%arg13 : memref<8x128xi32, #tpu.memory_space<vmem>>) target_semaphore(%arg18 : memref<!tpu.dma_semaphore, #tpu.memory_space<semaphore_mem>>)
        } else {
        }
        %mul3A_87 = arith.constant 16 : i32
        %mul3A_88 = arith.muli %mul3A_42, %mul3A_87 : i32
        %add3A_89 = arith.addi %mul3A_88, %arg1 : i32
        %mul3A_90 = arith.constant 4 : i32
        %mul3A_91 = arith.muli %mul3A_90, %add3A_89 : i32
        %add3A_92 = arith.constant 1 : i32
        %add3A_93 = arith.addi %mul3A_91, %add3A_92 : i32
        %lt3A_94 = arith.constant 2500 : i32
        %lt3A_95 = arith.cmpi slt, %add3A_93, %lt3A_94 : i32
        %convert_element_type3A_96 = arith.extui %lt3A_95 : i1 to i32
        %cond3A_97 = arith.constant 0 : i32
        %cond3A_98 = arith.cmpi ne, %convert_element_type3A_96, %cond3A_97 : i32
        scf.if %cond3A_98 {
          %dma_start3A = arith.constant 1 : i32
          %dma_start3A_273 = arith.constant 0 : i32
          %dma_start3A_274 = tpu.memref_slice %arg12[%dma_start3A, %dma_start3A_273] : memref<8x128xi32, #tpu.memory_space<vmem>> -> memref<1x128xi32, #tpu.memory_space<vmem>>
          %dma_start3A_275 = tpu.memref_squeeze %dma_start3A_274 : memref<1x128xi32, #tpu.memory_space<vmem>> -> memref<128xi32, #tpu.memory_space<vmem>>
          %dma_start3A_276 = arith.constant 0 : i32
          %dma_start3A_277 = arith.constant 0 : i32
          %dma_start3A_278 = tpu.memref_slice %arg3[%dma_start3A_276, %dma_start3A_277] : memref<10000x128xf32, #tpu.memory_space<hbm>> -> memref<10000x128xf32, #tpu.memory_space<hbm>>
          tpu.enqueue_indirect_dma source(%dma_start3A_278 : memref<10000x128xf32, #tpu.memory_space<hbm>>) target(%arg11 : memref<128x128xf32, #tpu.memory_space<vmem>>) offsets(%dma_start3A_275 : memref<128xi32, #tpu.memory_space<vmem>>) semaphore(%arg16 : memref<!tpu.dma_semaphore, #tpu.memory_space<semaphore_mem>>)
        } else {
        }
        %mul3A_99 = arith.constant 16 : i32
        %mul3A_100 = arith.muli %mul3A_42, %mul3A_99 : i32
        %add3A_101 = arith.addi %mul3A_100, %arg1 : i32
        %mul3A_102 = arith.constant 4 : i32
        %mul3A_103 = arith.muli %mul3A_102, %add3A_101 : i32
        %add3A_104 = arith.constant 0 : i32
        %add3A_105 = arith.addi %mul3A_103, %add3A_104 : i32
        %lt3A_106 = arith.constant 2500 : i32
        %lt3A_107 = arith.cmpi slt, %add3A_105, %lt3A_106 : i32
        %convert_element_type3A_108 = arith.extui %lt3A_107 : i1 to i32
        %cond3A_109 = arith.constant 0 : i32
        %cond3A_110 = arith.cmpi ne, %convert_element_type3A_108, %cond3A_109 : i32
        scf.if %cond3A_110 {
          %dma_wait3A = arith.constant 0 : i32
          %dma_wait3A_273 = arith.constant 0 : i32
          %dma_wait3A_274 = tpu.memref_slice %arg12[%dma_wait3A, %dma_wait3A_273] : memref<8x128xi32, #tpu.memory_space<vmem>> -> memref<1x128xi32, #tpu.memory_space<vmem>>
          %dma_wait3A_275 = tpu.memref_squeeze %dma_wait3A_274 : memref<1x128xi32, #tpu.memory_space<vmem>> -> memref<128xi32, #tpu.memory_space<vmem>>
          %dma_wait3A_276 = arith.constant 0 : i32
          %dma_wait3A_277 = arith.constant 0 : i32
          %dma_wait3A_278 = tpu.memref_slice %arg3[%dma_wait3A_276, %dma_wait3A_277] : memref<10000x128xf32, #tpu.memory_space<hbm>> -> memref<10000x128xf32, #tpu.memory_space<hbm>>
          tpu.wait_indirect_dma semaphore(%arg15 : memref<!tpu.dma_semaphore, #tpu.memory_space<semaphore_mem>>) src(%dma_wait3A_278 : memref<10000x128xf32, #tpu.memory_space<hbm>>) dst(%arg10 : memref<128x128xf32, #tpu.memory_space<vmem>>)
          %run_scoped3A = arith.constant 4 : i32
          "tpu.region"() ({
            %run_scoped3A_279 = tpu.sem_alloc : memref<!tpu.dma_semaphore, #tpu.memory_space<semaphore_mem>>
            %dma_start3A = arith.constant 0 : i32
            %dma_start3A_280 = tpu.memref_slice %arg12[%run_scoped3A, %dma_start3A] : memref<8x128xi32, #tpu.memory_space<vmem>> -> memref<1x128xi32, #tpu.memory_space<vmem>>
            %dma_start3A_281 = tpu.memref_squeeze %dma_start3A_280 : memref<1x128xi32, #tpu.memory_space<vmem>> -> memref<128xi32, #tpu.memory_space<vmem>>
            %dma_start3A_282 = arith.constant 0 : i32
            %dma_start3A_283 = arith.constant 0 : i32
            %dma_start3A_284 = tpu.memref_slice %arg14[%dma_start3A_282, %dma_start3A_283] : memref<10000x128xf32, #tpu.memory_space<vmem_shared>> -> memref<10000x128xf32, #tpu.memory_space<vmem_shared>>
            tpu.enqueue_indirect_dma source(%arg10 : memref<128x128xf32, #tpu.memory_space<vmem>>) target(%dma_start3A_284 : memref<10000x128xf32, #tpu.memory_space<vmem_shared>>) offsets(%dma_start3A_281 : memref<128xi32, #tpu.memory_space<vmem>>) semaphore(%run_scoped3A_279 : memref<!tpu.dma_semaphore, #tpu.memory_space<semaphore_mem>>) {add = true}
            %dma_wait3A_285 = arith.constant 0 : i32
            %dma_wait3A_286 = tpu.memref_slice %arg12[%run_scoped3A, %dma_wait3A_285] : memref<8x128xi32, #tpu.memory_space<vmem>> -> memref<1x128xi32, #tpu.memory_space<vmem>>
            %dma_wait3A_287 = tpu.memref_squeeze %dma_wait3A_286 : memref<1x128xi32, #tpu.memory_space<vmem>> -> memref<128xi32, #tpu.memory_space<vmem>>
            %dma_wait3A_288 = arith.constant 0 : i32
            %dma_wait3A_289 = arith.constant 0 : i32
            %dma_wait3A_290 = tpu.memref_slice %arg14[%dma_wait3A_288, %dma_wait3A_289] : memref<10000x128xf32, #tpu.memory_space<vmem_shared>> -> memref<10000x128xf32, #tpu.memory_space<vmem_shared>>
            tpu.wait_indirect_dma semaphore(%run_scoped3A_279 : memref<!tpu.dma_semaphore, #tpu.memory_space<semaphore_mem>>) src(%arg10 : memref<128x128xf32, #tpu.memory_space<vmem>>) dst(%dma_wait3A_290 : memref<10000x128xf32, #tpu.memory_space<vmem_shared>>)
            tpu.yield
          }) : () -> ()
        } else {
        }
        %mul3A_111 = arith.constant 16 : i32
        %mul3A_112 = arith.muli %mul3A_42, %mul3A_111 : i32
        %add3A_113 = arith.addi %mul3A_112, %arg1 : i32
        %mul3A_114 = arith.constant 4 : i32
        %mul3A_115 = arith.muli %mul3A_114, %add3A_113 : i32
        %add3A_116 = arith.constant 2 : i32
        %add3A_117 = arith.addi %mul3A_115, %add3A_116 : i32
        %lt3A_118 = arith.constant 2500 : i32
        %lt3A_119 = arith.cmpi slt, %add3A_117, %lt3A_118 : i32
        %convert_element_type3A_120 = arith.extui %lt3A_119 : i1 to i32
        %cond3A_121 = arith.constant 0 : i32
        %cond3A_122 = arith.cmpi ne, %convert_element_type3A_120, %cond3A_121 : i32
        scf.if %cond3A_122 {
          %dma_start3A = arith.constant 2 : i32
          %dma_start3A_273 = arith.constant 0 : i32
          %dma_start3A_274 = tpu.memref_slice %arg12[%dma_start3A, %dma_start3A_273] : memref<8x128xi32, #tpu.memory_space<vmem>> -> memref<1x128xi32, #tpu.memory_space<vmem>>
          %dma_start3A_275 = tpu.memref_squeeze %dma_start3A_274 : memref<1x128xi32, #tpu.memory_space<vmem>> -> memref<128xi32, #tpu.memory_space<vmem>>
          %dma_start3A_276 = arith.constant 0 : i32
          %dma_start3A_277 = arith.constant 0 : i32
          %dma_start3A_278 = tpu.memref_slice %arg3[%dma_start3A_276, %dma_start3A_277] : memref<10000x128xf32, #tpu.memory_space<hbm>> -> memref<10000x128xf32, #tpu.memory_space<hbm>>
          tpu.enqueue_indirect_dma source(%dma_start3A_278 : memref<10000x128xf32, #tpu.memory_space<hbm>>) target(%arg10 : memref<128x128xf32, #tpu.memory_space<vmem>>) offsets(%dma_start3A_275 : memref<128xi32, #tpu.memory_space<vmem>>) semaphore(%arg15 : memref<!tpu.dma_semaphore, #tpu.memory_space<semaphore_mem>>)
        } else {
        }
        %mul3A_123 = arith.constant 16 : i32
        %mul3A_124 = arith.muli %mul3A_42, %mul3A_123 : i32
        %add3A_125 = arith.addi %mul3A_124, %arg1 : i32
        %mul3A_126 = arith.constant 4 : i32
        %mul3A_127 = arith.muli %mul3A_126, %add3A_125 : i32
        %add3A_128 = arith.constant 1 : i32
        %add3A_129 = arith.addi %mul3A_127, %add3A_128 : i32
        %lt3A_130 = arith.constant 2500 : i32
        %lt3A_131 = arith.cmpi slt, %add3A_129, %lt3A_130 : i32
        %convert_element_type3A_132 = arith.extui %lt3A_131 : i1 to i32
        %cond3A_133 = arith.constant 0 : i32
        %cond3A_134 = arith.cmpi ne, %convert_element_type3A_132, %cond3A_133 : i32
        scf.if %cond3A_134 {
          %dma_wait3A = arith.constant 1 : i32
          %dma_wait3A_273 = arith.constant 0 : i32
          %dma_wait3A_274 = tpu.memref_slice %arg12[%dma_wait3A, %dma_wait3A_273] : memref<8x128xi32, #tpu.memory_space<vmem>> -> memref<1x128xi32, #tpu.memory_space<vmem>>
          %dma_wait3A_275 = tpu.memref_squeeze %dma_wait3A_274 : memref<1x128xi32, #tpu.memory_space<vmem>> -> memref<128xi32, #tpu.memory_space<vmem>>
          %dma_wait3A_276 = arith.constant 0 : i32
          %dma_wait3A_277 = arith.constant 0 : i32
          %dma_wait3A_278 = tpu.memref_slice %arg3[%dma_wait3A_276, %dma_wait3A_277] : memref<10000x128xf32, #tpu.memory_space<hbm>> -> memref<10000x128xf32, #tpu.memory_space<hbm>>
          tpu.wait_indirect_dma semaphore(%arg16 : memref<!tpu.dma_semaphore, #tpu.memory_space<semaphore_mem>>) src(%dma_wait3A_278 : memref<10000x128xf32, #tpu.memory_space<hbm>>) dst(%arg11 : memref<128x128xf32, #tpu.memory_space<vmem>>)
          %run_scoped3A = arith.constant 5 : i32
          "tpu.region"() ({
            %run_scoped3A_279 = tpu.sem_alloc : memref<!tpu.dma_semaphore, #tpu.memory_space<semaphore_mem>>
            %dma_start3A = arith.constant 0 : i32
            %dma_start3A_280 = tpu.memref_slice %arg12[%run_scoped3A, %dma_start3A] : memref<8x128xi32, #tpu.memory_space<vmem>> -> memref<1x128xi32, #tpu.memory_space<vmem>>
            %dma_start3A_281 = tpu.memref_squeeze %dma_start3A_280 : memref<1x128xi32, #tpu.memory_space<vmem>> -> memref<128xi32, #tpu.memory_space<vmem>>
            %dma_start3A_282 = arith.constant 0 : i32
            %dma_start3A_283 = arith.constant 0 : i32
            %dma_start3A_284 = tpu.memref_slice %arg14[%dma_start3A_282, %dma_start3A_283] : memref<10000x128xf32, #tpu.memory_space<vmem_shared>> -> memref<10000x128xf32, #tpu.memory_space<vmem_shared>>
            tpu.enqueue_indirect_dma source(%arg11 : memref<128x128xf32, #tpu.memory_space<vmem>>) target(%dma_start3A_284 : memref<10000x128xf32, #tpu.memory_space<vmem_shared>>) offsets(%dma_start3A_281 : memref<128xi32, #tpu.memory_space<vmem>>) semaphore(%run_scoped3A_279 : memref<!tpu.dma_semaphore, #tpu.memory_space<semaphore_mem>>) {add = true}
            %dma_wait3A_285 = arith.constant 0 : i32
            %dma_wait3A_286 = tpu.memref_slice %arg12[%run_scoped3A, %dma_wait3A_285] : memref<8x128xi32, #tpu.memory_space<vmem>> -> memref<1x128xi32, #tpu.memory_space<vmem>>
            %dma_wait3A_287 = tpu.memref_squeeze %dma_wait3A_286 : memref<1x128xi32, #tpu.memory_space<vmem>> -> memref<128xi32, #tpu.memory_space<vmem>>
            %dma_wait3A_288 = arith.constant 0 : i32
            %dma_wait3A_289 = arith.constant 0 : i32
            %dma_wait3A_290 = tpu.memref_slice %arg14[%dma_wait3A_288, %dma_wait3A_289] : memref<10000x128xf32, #tpu.memory_space<vmem_shared>> -> memref<10000x128xf32, #tpu.memory_space<vmem_shared>>
            tpu.wait_indirect_dma semaphore(%run_scoped3A_279 : memref<!tpu.dma_semaphore, #tpu.memory_space<semaphore_mem>>) src(%arg11 : memref<128x128xf32, #tpu.memory_space<vmem>>) dst(%dma_wait3A_290 : memref<10000x128xf32, #tpu.memory_space<vmem_shared>>)
            tpu.yield
          }) : () -> ()
        } else {
        }
        %mul3A_135 = arith.constant 16 : i32
        %mul3A_136 = arith.muli %mul3A_42, %mul3A_135 : i32
        %add3A_137 = arith.addi %mul3A_136, %arg1 : i32
        %mul3A_138 = arith.constant 4 : i32
        %mul3A_139 = arith.muli %mul3A_138, %add3A_137 : i32
        %add3A_140 = arith.constant 3 : i32
        %add3A_141 = arith.addi %mul3A_139, %add3A_140 : i32
        %lt3A_142 = arith.constant 2500 : i32
        %lt3A_143 = arith.cmpi slt, %add3A_141, %lt3A_142 : i32
        %convert_element_type3A_144 = arith.extui %lt3A_143 : i1 to i32
        %cond3A_145 = arith.constant 0 : i32
        %cond3A_146 = arith.cmpi ne, %convert_element_type3A_144, %cond3A_145 : i32
        scf.if %cond3A_146 {
          %dma_start3A = arith.constant 3 : i32
          %dma_start3A_273 = arith.constant 0 : i32
          %dma_start3A_274 = tpu.memref_slice %arg12[%dma_start3A, %dma_start3A_273] : memref<8x128xi32, #tpu.memory_space<vmem>> -> memref<1x128xi32, #tpu.memory_space<vmem>>
          %dma_start3A_275 = tpu.memref_squeeze %dma_start3A_274 : memref<1x128xi32, #tpu.memory_space<vmem>> -> memref<128xi32, #tpu.memory_space<vmem>>
          %dma_start3A_276 = arith.constant 0 : i32
          %dma_start3A_277 = arith.constant 0 : i32
          %dma_start3A_278 = tpu.memref_slice %arg3[%dma_start3A_276, %dma_start3A_277] : memref<10000x128xf32, #tpu.memory_space<hbm>> -> memref<10000x128xf32, #tpu.memory_space<hbm>>
          tpu.enqueue_indirect_dma source(%dma_start3A_278 : memref<10000x128xf32, #tpu.memory_space<hbm>>) target(%arg11 : memref<128x128xf32, #tpu.memory_space<vmem>>) offsets(%dma_start3A_275 : memref<128xi32, #tpu.memory_space<vmem>>) semaphore(%arg16 : memref<!tpu.dma_semaphore, #tpu.memory_space<semaphore_mem>>)
        } else {
        }
        %mul3A_147 = arith.constant 16 : i32
        %mul3A_148 = arith.muli %mul3A_42, %mul3A_147 : i32
        %add3A_149 = arith.addi %mul3A_148, %arg1 : i32
        %mul3A_150 = arith.constant 4 : i32
        %mul3A_151 = arith.muli %mul3A_150, %add3A_149 : i32
        %add3A_152 = arith.constant 2 : i32
        %add3A_153 = arith.addi %mul3A_151, %add3A_152 : i32
        %lt3A_154 = arith.constant 2500 : i32
        %lt3A_155 = arith.cmpi slt, %add3A_153, %lt3A_154 : i32
        %convert_element_type3A_156 = arith.extui %lt3A_155 : i1 to i32
        %cond3A_157 = arith.constant 0 : i32
        %cond3A_158 = arith.cmpi ne, %convert_element_type3A_156, %cond3A_157 : i32
        scf.if %cond3A_158 {
          %dma_wait3A = arith.constant 2 : i32
          %dma_wait3A_273 = arith.constant 0 : i32
          %dma_wait3A_274 = tpu.memref_slice %arg12[%dma_wait3A, %dma_wait3A_273] : memref<8x128xi32, #tpu.memory_space<vmem>> -> memref<1x128xi32, #tpu.memory_space<vmem>>
          %dma_wait3A_275 = tpu.memref_squeeze %dma_wait3A_274 : memref<1x128xi32, #tpu.memory_space<vmem>> -> memref<128xi32, #tpu.memory_space<vmem>>
          %dma_wait3A_276 = arith.constant 0 : i32
          %dma_wait3A_277 = arith.constant 0 : i32
          %dma_wait3A_278 = tpu.memref_slice %arg3[%dma_wait3A_276, %dma_wait3A_277] : memref<10000x128xf32, #tpu.memory_space<hbm>> -> memref<10000x128xf32, #tpu.memory_space<hbm>>
          tpu.wait_indirect_dma semaphore(%arg15 : memref<!tpu.dma_semaphore, #tpu.memory_space<semaphore_mem>>) src(%dma_wait3A_278 : memref<10000x128xf32, #tpu.memory_space<hbm>>) dst(%arg10 : memref<128x128xf32, #tpu.memory_space<vmem>>)
          %run_scoped3A = arith.constant 6 : i32
          "tpu.region"() ({
            %run_scoped3A_279 = tpu.sem_alloc : memref<!tpu.dma_semaphore, #tpu.memory_space<semaphore_mem>>
            %dma_start3A = arith.constant 0 : i32
            %dma_start3A_280 = tpu.memref_slice %arg12[%run_scoped3A, %dma_start3A] : memref<8x128xi32, #tpu.memory_space<vmem>> -> memref<1x128xi32, #tpu.memory_space<vmem>>
            %dma_start3A_281 = tpu.memref_squeeze %dma_start3A_280 : memref<1x128xi32, #tpu.memory_space<vmem>> -> memref<128xi32, #tpu.memory_space<vmem>>
            %dma_start3A_282 = arith.constant 0 : i32
            %dma_start3A_283 = arith.constant 0 : i32
            %dma_start3A_284 = tpu.memref_slice %arg14[%dma_start3A_282, %dma_start3A_283] : memref<10000x128xf32, #tpu.memory_space<vmem_shared>> -> memref<10000x128xf32, #tpu.memory_space<vmem_shared>>
            tpu.enqueue_indirect_dma source(%arg10 : memref<128x128xf32, #tpu.memory_space<vmem>>) target(%dma_start3A_284 : memref<10000x128xf32, #tpu.memory_space<vmem_shared>>) offsets(%dma_start3A_281 : memref<128xi32, #tpu.memory_space<vmem>>) semaphore(%run_scoped3A_279 : memref<!tpu.dma_semaphore, #tpu.memory_space<semaphore_mem>>) {add = true}
            %dma_wait3A_285 = arith.constant 0 : i32
            %dma_wait3A_286 = tpu.memref_slice %arg12[%run_scoped3A, %dma_wait3A_285] : memref<8x128xi32, #tpu.memory_space<vmem>> -> memref<1x128xi32, #tpu.memory_space<vmem>>
            %dma_wait3A_287 = tpu.memref_squeeze %dma_wait3A_286 : memref<1x128xi32, #tpu.memory_space<vmem>> -> memref<128xi32, #tpu.memory_space<vmem>>
            %dma_wait3A_288 = arith.constant 0 : i32
            %dma_wait3A_289 = arith.constant 0 : i32
            %dma_wait3A_290 = tpu.memref_slice %arg14[%dma_wait3A_288, %dma_wait3A_289] : memref<10000x128xf32, #tpu.memory_space<vmem_shared>> -> memref<10000x128xf32, #tpu.memory_space<vmem_shared>>
            tpu.wait_indirect_dma semaphore(%run_scoped3A_279 : memref<!tpu.dma_semaphore, #tpu.memory_space<semaphore_mem>>) src(%arg10 : memref<128x128xf32, #tpu.memory_space<vmem>>) dst(%dma_wait3A_290 : memref<10000x128xf32, #tpu.memory_space<vmem_shared>>)
            tpu.yield
          }) : () -> ()
        } else {
        }
        %mul3A_159 = arith.constant 16 : i32
        %mul3A_160 = arith.muli %add3A_44, %mul3A_159 : i32
        %add3A_161 = arith.addi %mul3A_160, %arg1 : i32
        %lt3A_162 = arith.constant 625 : i32
        %lt3A_163 = arith.cmpi slt, %add3A_161, %lt3A_162 : i32
        %convert_element_type3A_164 = arith.extui %lt3A_163 : i1 to i32
        %cond3A_165 = arith.constant 0 : i32
        %cond3A_166 = arith.cmpi ne, %convert_element_type3A_164, %cond3A_165 : i32
        scf.if %cond3A_166 {
          %dma_wait3A = arith.constant 0 : i32
          %dma_wait3A_273 = arith.constant 0 : i32
          %dma_wait3A_274 = tpu.memref_slice %arg2[%add3A_161, %dma_wait3A, %dma_wait3A_273] : memref<625x8x128xi32, #tpu.memory_space<hbm>> -> memref<1x8x128xi32, #tpu.memory_space<hbm>>
          %dma_wait3A_275 = tpu.memref_squeeze %dma_wait3A_274 : memref<1x8x128xi32, #tpu.memory_space<hbm>> -> memref<8x128xi32, #tpu.memory_space<hbm>>
          %dma_wait3A_276 = arith.constant 0 : i32
          %dma_wait3A_277 = arith.constant 0 : i32
          %dma_wait3A_278 = tpu.memref_slice %arg2[%add3A_161, %dma_wait3A_276, %dma_wait3A_277] : memref<625x8x128xi32, #tpu.memory_space<hbm>> -> memref<1x8x128xi32, #tpu.memory_space<hbm>>
          %dma_wait3A_279 = tpu.memref_squeeze %dma_wait3A_278 : memref<1x8x128xi32, #tpu.memory_space<hbm>> -> memref<8x128xi32, #tpu.memory_space<hbm>>
          tpu.wait_dma2 semaphore(%arg18 : memref<!tpu.dma_semaphore, #tpu.memory_space<semaphore_mem>>) src(%dma_wait3A_279 : memref<8x128xi32, #tpu.memory_space<hbm>>) dst(%arg13 : memref<8x128xi32, #tpu.memory_space<vmem>>)
        } else {
        }
        %mul3A_167 = arith.constant 16 : i32
        %mul3A_168 = arith.muli %add3A_44, %mul3A_167 : i32
        %add3A_169 = arith.addi %mul3A_168, %arg1 : i32
        %mul3A_170 = arith.constant 4 : i32
        %mul3A_171 = arith.muli %mul3A_170, %add3A_169 : i32
        %add3A_172 = arith.constant 0 : i32
        %add3A_173 = arith.addi %mul3A_171, %add3A_172 : i32
        %lt3A_174 = arith.constant 2500 : i32
        %lt3A_175 = arith.cmpi slt, %add3A_173, %lt3A_174 : i32
        %convert_element_type3A_176 = arith.extui %lt3A_175 : i1 to i32
        %cond3A_177 = arith.constant 0 : i32
        %cond3A_178 = arith.cmpi ne, %convert_element_type3A_176, %cond3A_177 : i32
        scf.if %cond3A_178 {
          %dma_start3A = arith.constant 0 : i32
          %dma_start3A_273 = arith.constant 0 : i32
          %dma_start3A_274 = tpu.memref_slice %arg13[%dma_start3A, %dma_start3A_273] : memref<8x128xi32, #tpu.memory_space<vmem>> -> memref<1x128xi32, #tpu.memory_space<vmem>>
          %dma_start3A_275 = tpu.memref_squeeze %dma_start3A_274 : memref<1x128xi32, #tpu.memory_space<vmem>> -> memref<128xi32, #tpu.memory_space<vmem>>
          %dma_start3A_276 = arith.constant 0 : i32
          %dma_start3A_277 = arith.constant 0 : i32
          %dma_start3A_278 = tpu.memref_slice %arg3[%dma_start3A_276, %dma_start3A_277] : memref<10000x128xf32, #tpu.memory_space<hbm>> -> memref<10000x128xf32, #tpu.memory_space<hbm>>
          tpu.enqueue_indirect_dma source(%dma_start3A_278 : memref<10000x128xf32, #tpu.memory_space<hbm>>) target(%arg10 : memref<128x128xf32, #tpu.memory_space<vmem>>) offsets(%dma_start3A_275 : memref<128xi32, #tpu.memory_space<vmem>>) semaphore(%arg15 : memref<!tpu.dma_semaphore, #tpu.memory_space<semaphore_mem>>)
        } else {
        }
        %mul3A_179 = arith.constant 16 : i32
        %mul3A_180 = arith.muli %mul3A_42, %mul3A_179 : i32
        %add3A_181 = arith.addi %mul3A_180, %arg1 : i32
        %mul3A_182 = arith.constant 4 : i32
        %mul3A_183 = arith.muli %mul3A_182, %add3A_181 : i32
        %add3A_184 = arith.constant 3 : i32
        %add3A_185 = arith.addi %mul3A_183, %add3A_184 : i32
        %lt3A_186 = arith.constant 2500 : i32
        %lt3A_187 = arith.cmpi slt, %add3A_185, %lt3A_186 : i32
        %convert_element_type3A_188 = arith.extui %lt3A_187 : i1 to i32
        %cond3A_189 = arith.constant 0 : i32
        %cond3A_190 = arith.cmpi ne, %convert_element_type3A_188, %cond3A_189 : i32
        scf.if %cond3A_190 {
          %dma_wait3A = arith.constant 3 : i32
          %dma_wait3A_273 = arith.constant 0 : i32
          %dma_wait3A_274 = tpu.memref_slice %arg12[%dma_wait3A, %dma_wait3A_273] : memref<8x128xi32, #tpu.memory_space<vmem>> -> memref<1x128xi32, #tpu.memory_space<vmem>>
          %dma_wait3A_275 = tpu.memref_squeeze %dma_wait3A_274 : memref<1x128xi32, #tpu.memory_space<vmem>> -> memref<128xi32, #tpu.memory_space<vmem>>
          %dma_wait3A_276 = arith.constant 0 : i32
          %dma_wait3A_277 = arith.constant 0 : i32
          %dma_wait3A_278 = tpu.memref_slice %arg3[%dma_wait3A_276, %dma_wait3A_277] : memref<10000x128xf32, #tpu.memory_space<hbm>> -> memref<10000x128xf32, #tpu.memory_space<hbm>>
          tpu.wait_indirect_dma semaphore(%arg16 : memref<!tpu.dma_semaphore, #tpu.memory_space<semaphore_mem>>) src(%dma_wait3A_278 : memref<10000x128xf32, #tpu.memory_space<hbm>>) dst(%arg11 : memref<128x128xf32, #tpu.memory_space<vmem>>)
          %run_scoped3A = arith.constant 7 : i32
          "tpu.region"() ({
            %run_scoped3A_279 = tpu.sem_alloc : memref<!tpu.dma_semaphore, #tpu.memory_space<semaphore_mem>>
            %dma_start3A = arith.constant 0 : i32
            %dma_start3A_280 = tpu.memref_slice %arg12[%run_scoped3A, %dma_start3A] : memref<8x128xi32, #tpu.memory_space<vmem>> -> memref<1x128xi32, #tpu.memory_space<vmem>>
            %dma_start3A_281 = tpu.memref_squeeze %dma_start3A_280 : memref<1x128xi32, #tpu.memory_space<vmem>> -> memref<128xi32, #tpu.memory_space<vmem>>
            %dma_start3A_282 = arith.constant 0 : i32
            %dma_start3A_283 = arith.constant 0 : i32
            %dma_start3A_284 = tpu.memref_slice %arg14[%dma_start3A_282, %dma_start3A_283] : memref<10000x128xf32, #tpu.memory_space<vmem_shared>> -> memref<10000x128xf32, #tpu.memory_space<vmem_shared>>
            tpu.enqueue_indirect_dma source(%arg11 : memref<128x128xf32, #tpu.memory_space<vmem>>) target(%dma_start3A_284 : memref<10000x128xf32, #tpu.memory_space<vmem_shared>>) offsets(%dma_start3A_281 : memref<128xi32, #tpu.memory_space<vmem>>) semaphore(%run_scoped3A_279 : memref<!tpu.dma_semaphore, #tpu.memory_space<semaphore_mem>>) {add = true}
            %dma_wait3A_285 = arith.constant 0 : i32
            %dma_wait3A_286 = tpu.memref_slice %arg12[%run_scoped3A, %dma_wait3A_285] : memref<8x128xi32, #tpu.memory_space<vmem>> -> memref<1x128xi32, #tpu.memory_space<vmem>>
            %dma_wait3A_287 = tpu.memref_squeeze %dma_wait3A_286 : memref<1x128xi32, #tpu.memory_space<vmem>> -> memref<128xi32, #tpu.memory_space<vmem>>
            %dma_wait3A_288 = arith.constant 0 : i32
            %dma_wait3A_289 = arith.constant 0 : i32
            %dma_wait3A_290 = tpu.memref_slice %arg14[%dma_wait3A_288, %dma_wait3A_289] : memref<10000x128xf32, #tpu.memory_space<vmem_shared>> -> memref<10000x128xf32, #tpu.memory_space<vmem_shared>>
            tpu.wait_indirect_dma semaphore(%run_scoped3A_279 : memref<!tpu.dma_semaphore, #tpu.memory_space<semaphore_mem>>) src(%arg11 : memref<128x128xf32, #tpu.memory_space<vmem>>) dst(%dma_wait3A_290 : memref<10000x128xf32, #tpu.memory_space<vmem_shared>>)
            tpu.yield
          }) : () -> ()
        } else {
        }
        %add3A_191 = arith.constant 2 : i32
        %add3A_192 = arith.addi %mul3A_42, %add3A_191 : i32
        %mul3A_193 = arith.constant 16 : i32
        %mul3A_194 = arith.muli %add3A_192, %mul3A_193 : i32
        %add3A_195 = arith.addi %mul3A_194, %arg1 : i32
        %lt3A_196 = arith.constant 625 : i32
        %lt3A_197 = arith.cmpi slt, %add3A_195, %lt3A_196 : i32
        %convert_element_type3A_198 = arith.extui %lt3A_197 : i1 to i32
        %cond3A_199 = arith.constant 0 : i32
        %cond3A_200 = arith.cmpi ne, %convert_element_type3A_198, %cond3A_199 : i32
        scf.if %cond3A_200 {
          %dma_start3A = arith.constant 0 : i32
          %dma_start3A_273 = arith.constant 0 : i32
          %dma_start3A_274 = tpu.memref_slice %arg2[%add3A_195, %dma_start3A, %dma_start3A_273] : memref<625x8x128xi32, #tpu.memory_space<hbm>> -> memref<1x8x128xi32, #tpu.memory_space<hbm>>
          %dma_start3A_275 = tpu.memref_squeeze %dma_start3A_274 : memref<1x8x128xi32, #tpu.memory_space<hbm>> -> memref<8x128xi32, #tpu.memory_space<hbm>>
          %dma_start3A_276 = arith.constant 0 : i32
          %dma_start3A_277 = arith.constant 0 : i32
          %dma_start3A_278 = tpu.memref_slice %arg2[%add3A_195, %dma_start3A_276, %dma_start3A_277] : memref<625x8x128xi32, #tpu.memory_space<hbm>> -> memref<1x8x128xi32, #tpu.memory_space<hbm>>
          %dma_start3A_279 = tpu.memref_squeeze %dma_start3A_278 : memref<1x8x128xi32, #tpu.memory_space<hbm>> -> memref<8x128xi32, #tpu.memory_space<hbm>>
          tpu.enqueue_dma source(%dma_start3A_279 : memref<8x128xi32, #tpu.memory_space<hbm>>) target(%arg12 : memref<8x128xi32, #tpu.memory_space<vmem>>) target_semaphore(%arg17 : memref<!tpu.dma_semaphore, #tpu.memory_space<semaphore_mem>>)
        } else {
        }
        %mul3A_201 = arith.constant 16 : i32
        %mul3A_202 = arith.muli %add3A_44, %mul3A_201 : i32
        %add3A_203 = arith.addi %mul3A_202, %arg1 : i32
        %mul3A_204 = arith.constant 4 : i32
        %mul3A_205 = arith.muli %mul3A_204, %add3A_203 : i32
        %add3A_206 = arith.constant 1 : i32
        %add3A_207 = arith.addi %mul3A_205, %add3A_206 : i32
        %lt3A_208 = arith.constant 2500 : i32
        %lt3A_209 = arith.cmpi slt, %add3A_207, %lt3A_208 : i32
        %convert_element_type3A_210 = arith.extui %lt3A_209 : i1 to i32
        %cond3A_211 = arith.constant 0 : i32
        %cond3A_212 = arith.cmpi ne, %convert_element_type3A_210, %cond3A_211 : i32
        scf.if %cond3A_212 {
          %dma_start3A = arith.constant 1 : i32
          %dma_start3A_273 = arith.constant 0 : i32
          %dma_start3A_274 = tpu.memref_slice %arg13[%dma_start3A, %dma_start3A_273] : memref<8x128xi32, #tpu.memory_space<vmem>> -> memref<1x128xi32, #tpu.memory_space<vmem>>
          %dma_start3A_275 = tpu.memref_squeeze %dma_start3A_274 : memref<1x128xi32, #tpu.memory_space<vmem>> -> memref<128xi32, #tpu.memory_space<vmem>>
          %dma_start3A_276 = arith.constant 0 : i32
          %dma_start3A_277 = arith.constant 0 : i32
          %dma_start3A_278 = tpu.memref_slice %arg3[%dma_start3A_276, %dma_start3A_277] : memref<10000x128xf32, #tpu.memory_space<hbm>> -> memref<10000x128xf32, #tpu.memory_space<hbm>>
          tpu.enqueue_indirect_dma source(%dma_start3A_278 : memref<10000x128xf32, #tpu.memory_space<hbm>>) target(%arg11 : memref<128x128xf32, #tpu.memory_space<vmem>>) offsets(%dma_start3A_275 : memref<128xi32, #tpu.memory_space<vmem>>) semaphore(%arg16 : memref<!tpu.dma_semaphore, #tpu.memory_space<semaphore_mem>>)
        } else {
        }
        %mul3A_213 = arith.constant 16 : i32
        %mul3A_214 = arith.muli %add3A_44, %mul3A_213 : i32
        %add3A_215 = arith.addi %mul3A_214, %arg1 : i32
        %mul3A_216 = arith.constant 4 : i32
        %mul3A_217 = arith.muli %mul3A_216, %add3A_215 : i32
        %add3A_218 = arith.constant 0 : i32
        %add3A_219 = arith.addi %mul3A_217, %add3A_218 : i32
        %lt3A_220 = arith.constant 2500 : i32
        %lt3A_221 = arith.cmpi slt, %add3A_219, %lt3A_220 : i32
        %convert_element_type3A_222 = arith.extui %lt3A_221 : i1 to i32
        %cond3A_223 = arith.constant 0 : i32
        %cond3A_224 = arith.cmpi ne, %convert_element_type3A_222, %cond3A_223 : i32
        scf.if %cond3A_224 {
          %dma_wait3A = arith.constant 0 : i32
          %dma_wait3A_273 = arith.constant 0 : i32
          %dma_wait3A_274 = tpu.memref_slice %arg13[%dma_wait3A, %dma_wait3A_273] : memref<8x128xi32, #tpu.memory_space<vmem>> -> memref<1x128xi32, #tpu.memory_space<vmem>>
          %dma_wait3A_275 = tpu.memref_squeeze %dma_wait3A_274 : memref<1x128xi32, #tpu.memory_space<vmem>> -> memref<128xi32, #tpu.memory_space<vmem>>
          %dma_wait3A_276 = arith.constant 0 : i32
          %dma_wait3A_277 = arith.constant 0 : i32
          %dma_wait3A_278 = tpu.memref_slice %arg3[%dma_wait3A_276, %dma_wait3A_277] : memref<10000x128xf32, #tpu.memory_space<hbm>> -> memref<10000x128xf32, #tpu.memory_space<hbm>>
          tpu.wait_indirect_dma semaphore(%arg15 : memref<!tpu.dma_semaphore, #tpu.memory_space<semaphore_mem>>) src(%dma_wait3A_278 : memref<10000x128xf32, #tpu.memory_space<hbm>>) dst(%arg10 : memref<128x128xf32, #tpu.memory_space<vmem>>)
          %run_scoped3A = arith.constant 4 : i32
          "tpu.region"() ({
            %run_scoped3A_279 = tpu.sem_alloc : memref<!tpu.dma_semaphore, #tpu.memory_space<semaphore_mem>>
            %dma_start3A = arith.constant 0 : i32
            %dma_start3A_280 = tpu.memref_slice %arg13[%run_scoped3A, %dma_start3A] : memref<8x128xi32, #tpu.memory_space<vmem>> -> memref<1x128xi32, #tpu.memory_space<vmem>>
            %dma_start3A_281 = tpu.memref_squeeze %dma_start3A_280 : memref<1x128xi32, #tpu.memory_space<vmem>> -> memref<128xi32, #tpu.memory_space<vmem>>
            %dma_start3A_282 = arith.constant 0 : i32
            %dma_start3A_283 = arith.constant 0 : i32
            %dma_start3A_284 = tpu.memref_slice %arg14[%dma_start3A_282, %dma_start3A_283] : memref<10000x128xf32, #tpu.memory_space<vmem_shared>> -> memref<10000x128xf32, #tpu.memory_space<vmem_shared>>
            tpu.enqueue_indirect_dma source(%arg10 : memref<128x128xf32, #tpu.memory_space<vmem>>) target(%dma_start3A_284 : memref<10000x128xf32, #tpu.memory_space<vmem_shared>>) offsets(%dma_start3A_281 : memref<128xi32, #tpu.memory_space<vmem>>) semaphore(%run_scoped3A_279 : memref<!tpu.dma_semaphore, #tpu.memory_space<semaphore_mem>>) {add = true}
            %dma_wait3A_285 = arith.constant 0 : i32
            %dma_wait3A_286 = tpu.memref_slice %arg13[%run_scoped3A, %dma_wait3A_285] : memref<8x128xi32, #tpu.memory_space<vmem>> -> memref<1x128xi32, #tpu.memory_space<vmem>>
            %dma_wait3A_287 = tpu.memref_squeeze %dma_wait3A_286 : memref<1x128xi32, #tpu.memory_space<vmem>> -> memref<128xi32, #tpu.memory_space<vmem>>
            %dma_wait3A_288 = arith.constant 0 : i32
            %dma_wait3A_289 = arith.constant 0 : i32
            %dma_wait3A_290 = tpu.memref_slice %arg14[%dma_wait3A_288, %dma_wait3A_289] : memref<10000x128xf32, #tpu.memory_space<vmem_shared>> -> memref<10000x128xf32, #tpu.memory_space<vmem_shared>>
            tpu.wait_indirect_dma semaphore(%run_scoped3A_279 : memref<!tpu.dma_semaphore, #tpu.memory_space<semaphore_mem>>) src(%arg10 : memref<128x128xf32, #tpu.memory_space<vmem>>) dst(%dma_wait3A_290 : memref<10000x128xf32, #tpu.memory_space<vmem_shared>>)
            tpu.yield
          }) : () -> ()
        } else {
        }
        %mul3A_225 = arith.constant 16 : i32
        %mul3A_226 = arith.muli %add3A_44, %mul3A_225 : i32
        %add3A_227 = arith.addi %mul3A_226, %arg1 : i32
        %mul3A_228 = arith.constant 4 : i32
        %mul3A_229 = arith.muli %mul3A_228, %add3A_227 : i32
        %add3A_230 = arith.constant 2 : i32
        %add3A_231 = arith.addi %mul3A_229, %add3A_230 : i32
        %lt3A_232 = arith.constant 2500 : i32
        %lt3A_233 = arith.cmpi slt, %add3A_231, %lt3A_232 : i32
        %convert_element_type3A_234 = arith.extui %lt3A_233 : i1 to i32
        %cond3A_235 = arith.constant 0 : i32
        %cond3A_236 = arith.cmpi ne, %convert_element_type3A_234, %cond3A_235 : i32
        scf.if %cond3A_236 {
          %dma_start3A = arith.constant 2 : i32
          %dma_start3A_273 = arith.constant 0 : i32
          %dma_start3A_274 = tpu.memref_slice %arg13[%dma_start3A, %dma_start3A_273] : memref<8x128xi32, #tpu.memory_space<vmem>> -> memref<1x128xi32, #tpu.memory_space<vmem>>
          %dma_start3A_275 = tpu.memref_squeeze %dma_start3A_274 : memref<1x128xi32, #tpu.memory_space<vmem>> -> memref<128xi32, #tpu.memory_space<vmem>>
          %dma_start3A_276 = arith.constant 0 : i32
          %dma_start3A_277 = arith.constant 0 : i32
          %dma_start3A_278 = tpu.memref_slice %arg3[%dma_start3A_276, %dma_start3A_277] : memref<10000x128xf32, #tpu.memory_space<hbm>> -> memref<10000x128xf32, #tpu.memory_space<hbm>>
          tpu.enqueue_indirect_dma source(%dma_start3A_278 : memref<10000x128xf32, #tpu.memory_space<hbm>>) target(%arg10 : memref<128x128xf32, #tpu.memory_space<vmem>>) offsets(%dma_start3A_275 : memref<128xi32, #tpu.memory_space<vmem>>) semaphore(%arg15 : memref<!tpu.dma_semaphore, #tpu.memory_space<semaphore_mem>>)
        } else {
        }
        %mul3A_237 = arith.constant 16 : i32
        %mul3A_238 = arith.muli %add3A_44, %mul3A_237 : i32
        %add3A_239 = arith.addi %mul3A_238, %arg1 : i32
        %mul3A_240 = arith.constant 4 : i32
        %mul3A_241 = arith.muli %mul3A_240, %add3A_239 : i32
        %add3A_242 = arith.constant 1 : i32
        %add3A_243 = arith.addi %mul3A_241, %add3A_242 : i32
        %lt3A_244 = arith.constant 2500 : i32
        %lt3A_245 = arith.cmpi slt, %add3A_243, %lt3A_244 : i32
        %convert_element_type3A_246 = arith.extui %lt3A_245 : i1 to i32
        %cond3A_247 = arith.constant 0 : i32
        %cond3A_248 = arith.cmpi ne, %convert_element_type3A_246, %cond3A_247 : i32
        scf.if %cond3A_248 {
          %dma_wait3A = arith.constant 1 : i32
          %dma_wait3A_273 = arith.constant 0 : i32
          %dma_wait3A_274 = tpu.memref_slice %arg13[%dma_wait3A, %dma_wait3A_273] : memref<8x128xi32, #tpu.memory_space<vmem>> -> memref<1x128xi32, #tpu.memory_space<vmem>>
          %dma_wait3A_275 = tpu.memref_squeeze %dma_wait3A_274 : memref<1x128xi32, #tpu.memory_space<vmem>> -> memref<128xi32, #tpu.memory_space<vmem>>
          %dma_wait3A_276 = arith.constant 0 : i32
          %dma_wait3A_277 = arith.constant 0 : i32
          %dma_wait3A_278 = tpu.memref_slice %arg3[%dma_wait3A_276, %dma_wait3A_277] : memref<10000x128xf32, #tpu.memory_space<hbm>> -> memref<10000x128xf32, #tpu.memory_space<hbm>>
          tpu.wait_indirect_dma semaphore(%arg16 : memref<!tpu.dma_semaphore, #tpu.memory_space<semaphore_mem>>) src(%dma_wait3A_278 : memref<10000x128xf32, #tpu.memory_space<hbm>>) dst(%arg11 : memref<128x128xf32, #tpu.memory_space<vmem>>)
          %run_scoped3A = arith.constant 5 : i32
          "tpu.region"() ({
            %run_scoped3A_279 = tpu.sem_alloc : memref<!tpu.dma_semaphore, #tpu.memory_space<semaphore_mem>>
            %dma_start3A = arith.constant 0 : i32
            %dma_start3A_280 = tpu.memref_slice %arg13[%run_scoped3A, %dma_start3A] : memref<8x128xi32, #tpu.memory_space<vmem>> -> memref<1x128xi32, #tpu.memory_space<vmem>>
            %dma_start3A_281 = tpu.memref_squeeze %dma_start3A_280 : memref<1x128xi32, #tpu.memory_space<vmem>> -> memref<128xi32, #tpu.memory_space<vmem>>
            %dma_start3A_282 = arith.constant 0 : i32
            %dma_start3A_283 = arith.constant 0 : i32
            %dma_start3A_284 = tpu.memref_slice %arg14[%dma_start3A_282, %dma_start3A_283] : memref<10000x128xf32, #tpu.memory_space<vmem_shared>> -> memref<10000x128xf32, #tpu.memory_space<vmem_shared>>
            tpu.enqueue_indirect_dma source(%arg11 : memref<128x128xf32, #tpu.memory_space<vmem>>) target(%dma_start3A_284 : memref<10000x128xf32, #tpu.memory_space<vmem_shared>>) offsets(%dma_start3A_281 : memref<128xi32, #tpu.memory_space<vmem>>) semaphore(%run_scoped3A_279 : memref<!tpu.dma_semaphore, #tpu.memory_space<semaphore_mem>>) {add = true}
            %dma_wait3A_285 = arith.constant 0 : i32
            %dma_wait3A_286 = tpu.memref_slice %arg13[%run_scoped3A, %dma_wait3A_285] : memref<8x128xi32, #tpu.memory_space<vmem>> -> memref<1x128xi32, #tpu.memory_space<vmem>>
            %dma_wait3A_287 = tpu.memref_squeeze %dma_wait3A_286 : memref<1x128xi32, #tpu.memory_space<vmem>> -> memref<128xi32, #tpu.memory_space<vmem>>
            %dma_wait3A_288 = arith.constant 0 : i32
            %dma_wait3A_289 = arith.constant 0 : i32
            %dma_wait3A_290 = tpu.memref_slice %arg14[%dma_wait3A_288, %dma_wait3A_289] : memref<10000x128xf32, #tpu.memory_space<vmem_shared>> -> memref<10000x128xf32, #tpu.memory_space<vmem_shared>>
            tpu.wait_indirect_dma semaphore(%run_scoped3A_279 : memref<!tpu.dma_semaphore, #tpu.memory_space<semaphore_mem>>) src(%arg11 : memref<128x128xf32, #tpu.memory_space<vmem>>) dst(%dma_wait3A_290 : memref<10000x128xf32, #tpu.memory_space<vmem_shared>>)
            tpu.yield
          }) : () -> ()
        } else {
        }
        %mul3A_249 = arith.constant 16 : i32
        %mul3A_250 = arith.muli %add3A_44, %mul3A_249 : i32
        %add3A_251 = arith.addi %mul3A_250, %arg1 : i32
        %mul3A_252 = arith.constant 4 : i32
        %mul3A_253 = arith.muli %mul3A_252, %add3A_251 : i32
        %add3A_254 = arith.constant 3 : i32
        %add3A_255 = arith.addi %mul3A_253, %add3A_254 : i32
        %lt3A_256 = arith.constant 2500 : i32
        %lt3A_257 = arith.cmpi slt, %add3A_255, %lt3A_256 : i32
        %convert_element_type3A_258 = arith.extui %lt3A_257 : i1 to i32
        %cond3A_259 = arith.constant 0 : i32
        %cond3A_260 = arith.cmpi ne, %convert_element_type3A_258, %cond3A_259 : i32
        scf.if %cond3A_260 {
          %dma_start3A = arith.constant 3 : i32
          %dma_start3A_273 = arith.constant 0 : i32
          %dma_start3A_274 = tpu.memref_slice %arg13[%dma_start3A, %dma_start3A_273] : memref<8x128xi32, #tpu.memory_space<vmem>> -> memref<1x128xi32, #tpu.memory_space<vmem>>
          %dma_start3A_275 = tpu.memref_squeeze %dma_start3A_274 : memref<1x128xi32, #tpu.memory_space<vmem>> -> memref<128xi32, #tpu.memory_space<vmem>>
          %dma_start3A_276 = arith.constant 0 : i32
          %dma_start3A_277 = arith.constant 0 : i32
          %dma_start3A_278 = tpu.memref_slice %arg3[%dma_start3A_276, %dma_start3A_277] : memref<10000x128xf32, #tpu.memory_space<hbm>> -> memref<10000x128xf32, #tpu.memory_space<hbm>>
          tpu.enqueue_indirect_dma source(%dma_start3A_278 : memref<10000x128xf32, #tpu.memory_space<hbm>>) target(%arg11 : memref<128x128xf32, #tpu.memory_space<vmem>>) offsets(%dma_start3A_275 : memref<128xi32, #tpu.memory_space<vmem>>) semaphore(%arg16 : memref<!tpu.dma_semaphore, #tpu.memory_space<semaphore_mem>>)
        } else {
        }
        %mul3A_261 = arith.constant 16 : i32
        %mul3A_262 = arith.muli %add3A_44, %mul3A_261 : i32
        %add3A_263 = arith.addi %mul3A_262, %arg1 : i32
        %mul3A_264 = arith.constant 4 : i32
        %mul3A_265 = arith.muli %mul3A_264, %add3A_263 : i32
        %add3A_266 = arith.constant 2 : i32
        %add3A_267 = arith.addi %mul3A_265, %add3A_266 : i32
        %lt3A_268 = arith.constant 2500 : i32
        %lt3A_269 = arith.cmpi slt, %add3A_267, %lt3A_268 : i32
        %convert_element_type3A_270 = arith.extui %lt3A_269 : i1 to i32
        %cond3A_271 = arith.constant 0 : i32
        %cond3A_272 = arith.cmpi ne, %convert_element_type3A_270, %cond3A_271 : i32
        scf.if %cond3A_272 {
          %dma_wait3A = arith.constant 2 : i32
          %dma_wait3A_273 = arith.constant 0 : i32
          %dma_wait3A_274 = tpu.memref_slice %arg13[%dma_wait3A, %dma_wait3A_273] : memref<8x128xi32, #tpu.memory_space<vmem>> -> memref<1x128xi32, #tpu.memory_space<vmem>>
          %dma_wait3A_275 = tpu.memref_squeeze %dma_wait3A_274 : memref<1x128xi32, #tpu.memory_space<vmem>> -> memref<128xi32, #tpu.memory_space<vmem>>
          %dma_wait3A_276 = arith.constant 0 : i32
          %dma_wait3A_277 = arith.constant 0 : i32
          %dma_wait3A_278 = tpu.memref_slice %arg3[%dma_wait3A_276, %dma_wait3A_277] : memref<10000x128xf32, #tpu.memory_space<hbm>> -> memref<10000x128xf32, #tpu.memory_space<hbm>>
          tpu.wait_indirect_dma semaphore(%arg15 : memref<!tpu.dma_semaphore, #tpu.memory_space<semaphore_mem>>) src(%dma_wait3A_278 : memref<10000x128xf32, #tpu.memory_space<hbm>>) dst(%arg10 : memref<128x128xf32, #tpu.memory_space<vmem>>)
          %run_scoped3A = arith.constant 6 : i32
          "tpu.region"() ({
            %run_scoped3A_279 = tpu.sem_alloc : memref<!tpu.dma_semaphore, #tpu.memory_space<semaphore_mem>>
            %dma_start3A = arith.constant 0 : i32
            %dma_start3A_280 = tpu.memref_slice %arg13[%run_scoped3A, %dma_start3A] : memref<8x128xi32, #tpu.memory_space<vmem>> -> memref<1x128xi32, #tpu.memory_space<vmem>>
            %dma_start3A_281 = tpu.memref_squeeze %dma_start3A_280 : memref<1x128xi32, #tpu.memory_space<vmem>> -> memref<128xi32, #tpu.memory_space<vmem>>
            %dma_start3A_282 = arith.constant 0 : i32
            %dma_start3A_283 = arith.constant 0 : i32
            %dma_start3A_284 = tpu.memref_slice %arg14[%dma_start3A_282, %dma_start3A_283] : memref<10000x128xf32, #tpu.memory_space<vmem_shared>> -> memref<10000x128xf32, #tpu.memory_space<vmem_shared>>
            tpu.enqueue_indirect_dma source(%arg10 : memref<128x128xf32, #tpu.memory_space<vmem>>) target(%dma_start3A_284 : memref<10000x128xf32, #tpu.memory_space<vmem_shared>>) offsets(%dma_start3A_281 : memref<128xi32, #tpu.memory_space<vmem>>) semaphore(%run_scoped3A_279 : memref<!tpu.dma_semaphore, #tpu.memory_space<semaphore_mem>>) {add = true}
            %dma_wait3A_285 = arith.constant 0 : i32
            %dma_wait3A_286 = tpu.memref_slice %arg13[%run_scoped3A, %dma_wait3A_285] : memref<8x128xi32, #tpu.memory_space<vmem>> -> memref<1x128xi32, #tpu.memory_space<vmem>>
            %dma_wait3A_287 = tpu.memref_squeeze %dma_wait3A_286 : memref<1x128xi32, #tpu.memory_space<vmem>> -> memref<128xi32, #tpu.memory_space<vmem>>
            %dma_wait3A_288 = arith.constant 0 : i32
            %dma_wait3A_289 = arith.constant 0 : i32
            %dma_wait3A_290 = tpu.memref_slice %arg14[%dma_wait3A_288, %dma_wait3A_289] : memref<10000x128xf32, #tpu.memory_space<vmem_shared>> -> memref<10000x128xf32, #tpu.memory_space<vmem_shared>>
            tpu.wait_indirect_dma semaphore(%run_scoped3A_279 : memref<!tpu.dma_semaphore, #tpu.memory_space<semaphore_mem>>) src(%arg10 : memref<128x128xf32, #tpu.memory_space<vmem>>) dst(%dma_wait3A_290 : memref<10000x128xf32, #tpu.memory_space<vmem_shared>>)
            tpu.yield
          }) : () -> ()
        } else {
        }
      }
      %scan3A_22 = arith.constant 20 : i32
      %add3A_23 = arith.constant 624 : i32
      %add3A_24 = arith.addi %add3A_23, %arg1 : i32
      %mul3A = arith.constant 4 : i32
      %mul3A_25 = arith.muli %mul3A, %add3A_24 : i32
      %add3A_26 = arith.constant 3 : i32
      %add3A_27 = arith.addi %mul3A_25, %add3A_26 : i32
      %lt3A_28 = arith.constant 2500 : i32
      %lt3A_29 = arith.cmpi slt, %add3A_27, %lt3A_28 : i32
      %convert_element_type3A_30 = arith.extui %lt3A_29 : i1 to i32
      %cond3A_31 = arith.constant 0 : i32
      %cond3A_32 = arith.cmpi ne, %convert_element_type3A_30, %cond3A_31 : i32
      scf.if %cond3A_32 {
        %dma_wait3A = arith.constant 3 : i32
        %dma_wait3A_40 = arith.constant 0 : i32
        %dma_wait3A_41 = tpu.memref_slice %arg13[%dma_wait3A, %dma_wait3A_40] : memref<8x128xi32, #tpu.memory_space<vmem>> -> memref<1x128xi32, #tpu.memory_space<vmem>>
        %dma_wait3A_42 = tpu.memref_squeeze %dma_wait3A_41 : memref<1x128xi32, #tpu.memory_space<vmem>> -> memref<128xi32, #tpu.memory_space<vmem>>
        %dma_wait3A_43 = arith.constant 0 : i32
        %dma_wait3A_44 = arith.constant 0 : i32
        %dma_wait3A_45 = tpu.memref_slice %arg3[%dma_wait3A_43, %dma_wait3A_44] : memref<10000x128xf32, #tpu.memory_space<hbm>> -> memref<10000x128xf32, #tpu.memory_space<hbm>>
        tpu.wait_indirect_dma semaphore(%arg16 : memref<!tpu.dma_semaphore, #tpu.memory_space<semaphore_mem>>) src(%dma_wait3A_45 : memref<10000x128xf32, #tpu.memory_space<hbm>>) dst(%arg11 : memref<128x128xf32, #tpu.memory_space<vmem>>)
        %run_scoped3A = arith.constant 7 : i32
        "tpu.region"() ({
          %run_scoped3A_46 = tpu.sem_alloc : memref<!tpu.dma_semaphore, #tpu.memory_space<semaphore_mem>>
          %dma_start3A = arith.constant 0 : i32
          %dma_start3A_47 = tpu.memref_slice %arg13[%run_scoped3A, %dma_start3A] : memref<8x128xi32, #tpu.memory_space<vmem>> -> memref<1x128xi32, #tpu.memory_space<vmem>>
          %dma_start3A_48 = tpu.memref_squeeze %dma_start3A_47 : memref<1x128xi32, #tpu.memory_space<vmem>> -> memref<128xi32, #tpu.memory_space<vmem>>
          %dma_start3A_49 = arith.constant 0 : i32
          %dma_start3A_50 = arith.constant 0 : i32
          %dma_start3A_51 = tpu.memref_slice %arg14[%dma_start3A_49, %dma_start3A_50] : memref<10000x128xf32, #tpu.memory_space<vmem_shared>> -> memref<10000x128xf32, #tpu.memory_space<vmem_shared>>
          tpu.enqueue_indirect_dma source(%arg11 : memref<128x128xf32, #tpu.memory_space<vmem>>) target(%dma_start3A_51 : memref<10000x128xf32, #tpu.memory_space<vmem_shared>>) offsets(%dma_start3A_48 : memref<128xi32, #tpu.memory_space<vmem>>) semaphore(%run_scoped3A_46 : memref<!tpu.dma_semaphore, #tpu.memory_space<semaphore_mem>>) {add = true}
          %dma_wait3A_52 = arith.constant 0 : i32
          %dma_wait3A_53 = tpu.memref_slice %arg13[%run_scoped3A, %dma_wait3A_52] : memref<8x128xi32, #tpu.memory_space<vmem>> -> memref<1x128xi32, #tpu.memory_space<vmem>>
          %dma_wait3A_54 = tpu.memref_squeeze %dma_wait3A_53 : memref<1x128xi32, #tpu.memory_space<vmem>> -> memref<128xi32, #tpu.memory_space<vmem>>
          %dma_wait3A_55 = arith.constant 0 : i32
          %dma_wait3A_56 = arith.constant 0 : i32
          %dma_wait3A_57 = tpu.memref_slice %arg14[%dma_wait3A_55, %dma_wait3A_56] : memref<10000x128xf32, #tpu.memory_space<vmem_shared>> -> memref<10000x128xf32, #tpu.memory_space<vmem_shared>>
          tpu.wait_indirect_dma semaphore(%run_scoped3A_46 : memref<!tpu.dma_semaphore, #tpu.memory_space<semaphore_mem>>) src(%arg11 : memref<128x128xf32, #tpu.memory_space<vmem>>) dst(%dma_wait3A_57 : memref<10000x128xf32, #tpu.memory_space<vmem_shared>>)
          tpu.yield
        }) : () -> ()
      } else {
      }
      %barrier3A_33 = arith.constant 0 : index
      tpu.barrier barrier_id(%barrier3A_33)
      %scan3A_34 = arith.constant 0 : i32
      %scan3A_35 = arith.constant 0 : i32
      %scan3A_36 = arith.constant 2 : i32
      %scan3A_37 = arith.addi %scan3A_35, %scan3A_36 : i32
      %scan3A_38 = arith.constant 1 : i32
      scf.for %scan3A_40 = %scan3A_35 to %scan3A_37 step %scan3A_38  : i32 {
        %mul3A_41 = arith.constant 16 : i32
        %mul3A_42 = arith.muli %scan3A_40, %mul3A_41 : i32
        %add3A_43 = arith.addi %mul3A_42, %arg1 : i32
        %lt3A_44 = arith.constant 25 : i32
        %lt3A_45 = arith.cmpi slt, %add3A_43, %lt3A_44 : i32
        %convert_element_type3A_46 = arith.extui %lt3A_45 : i1 to i32
        %cond3A_47 = arith.constant 0 : i32
        %cond3A_48 = arith.cmpi ne, %convert_element_type3A_46, %cond3A_47 : i32
        scf.if %cond3A_48 {
          %mul3A_49 = arith.constant 400 : i32
          %mul3A_50 = arith.muli %add3A_43, %mul3A_49 : i32
          "tpu.region"() ({
            %run_scoped3A = tpu.sem_alloc : memref<!tpu.dma_semaphore, #tpu.memory_space<semaphore_mem>>
            %dma_start3A = arith.constant 0 : i32
            %dma_start3A_51 = tpu.memref_slice %arg8[%mul3A_50, %dma_start3A] : memref<10000x128xf32, #tpu.memory_space<hbm>> -> memref<400x128xf32, #tpu.memory_space<hbm>>
            %dma_start3A_52 = arith.constant 0 : i32
            %dma_start3A_53 = tpu.memref_slice %arg14[%mul3A_50, %dma_start3A_52] : memref<10000x128xf32, #tpu.memory_space<vmem_shared>> -> memref<400x128xf32, #tpu.memory_space<vmem_shared>>
            tpu.enqueue_dma source(%dma_start3A_53 : memref<400x128xf32, #tpu.memory_space<vmem_shared>>) target(%dma_start3A_51 : memref<400x128xf32, #tpu.memory_space<hbm>>) target_semaphore(%run_scoped3A : memref<!tpu.dma_semaphore, #tpu.memory_space<semaphore_mem>>)
            %dma_wait3A = arith.constant 0 : i32
            %dma_wait3A_54 = tpu.memref_slice %arg8[%mul3A_50, %dma_wait3A] : memref<10000x128xf32, #tpu.memory_space<hbm>> -> memref<400x128xf32, #tpu.memory_space<hbm>>
            %dma_wait3A_55 = arith.constant 0 : i32
            %dma_wait3A_56 = tpu.memref_slice %arg14[%mul3A_50, %dma_wait3A_55] : memref<10000x128xf32, #tpu.memory_space<vmem_shared>> -> memref<400x128xf32, #tpu.memory_space<vmem_shared>>
            tpu.wait_dma2 semaphore(%run_scoped3A : memref<!tpu.dma_semaphore, #tpu.memory_space<semaphore_mem>>) src(%dma_wait3A_56 : memref<400x128xf32, #tpu.memory_space<vmem_shared>>) dst(%dma_wait3A_54 : memref<400x128xf32, #tpu.memory_space<hbm>>)
            tpu.yield
          }) : () -> ()
        } else {
        }
      }
      %scan3A_39 = arith.constant 2 : i32
    } else {
    }
    %eq3A_2 = arith.constant 1 : i32
    %eq3A_3 = arith.cmpi eq, %arg0, %eq3A_2 : i32
    %convert_element_type3A_4 = arith.extui %eq3A_3 : i1 to i32
    %cond3A_5 = arith.constant 0 : i32
    %cond3A_6 = arith.cmpi ne, %convert_element_type3A_4, %cond3A_5 : i32
    scf.if %cond3A_6 {
      %add3A = arith.constant 0 : i32
      %add3A_7 = arith.addi %add3A, %arg1 : i32
      %lt3A = arith.constant 625 : i32
      %lt3A_8 = arith.cmpi slt, %add3A_7, %lt3A : i32
      %convert_element_type3A_9 = arith.extui %lt3A_8 : i1 to i32
      %cond3A_10 = arith.constant 0 : i32
      %cond3A_11 = arith.cmpi ne, %convert_element_type3A_9, %cond3A_10 : i32
      scf.if %cond3A_11 {
        %dma_start3A = arith.constant 0 : i32
        %dma_start3A_40 = arith.constant 0 : i32
        %dma_start3A_41 = tpu.memref_slice %arg5[%add3A_7, %dma_start3A, %dma_start3A_40] : memref<625x8x128xi32, #tpu.memory_space<hbm>> -> memref<1x8x128xi32, #tpu.memory_space<hbm>>
        %dma_start3A_42 = tpu.memref_squeeze %dma_start3A_41 : memref<1x8x128xi32, #tpu.memory_space<hbm>> -> memref<8x128xi32, #tpu.memory_space<hbm>>
        %dma_start3A_43 = arith.constant 0 : i32
        %dma_start3A_44 = arith.constant 0 : i32
        %dma_start3A_45 = tpu.memref_slice %arg5[%add3A_7, %dma_start3A_43, %dma_start3A_44] : memref<625x8x128xi32, #tpu.memory_space<hbm>> -> memref<1x8x128xi32, #tpu.memory_space<hbm>>
        %dma_start3A_46 = tpu.memref_squeeze %dma_start3A_45 : memref<1x8x128xi32, #tpu.memory_space<hbm>> -> memref<8x128xi32, #tpu.memory_space<hbm>>
        tpu.enqueue_dma source(%dma_start3A_46 : memref<8x128xi32, #tpu.memory_space<hbm>>) target(%arg12 : memref<8x128xi32, #tpu.memory_space<vmem>>) target_semaphore(%arg17 : memref<!tpu.dma_semaphore, #tpu.memory_space<semaphore_mem>>)
      } else {
      }
      %scan3A = arith.constant 0 : i32
      %scan3A_12 = arith.constant 0 : i32
      %scan3A_13 = arith.constant 2 : i32
      %scan3A_14 = arith.addi %scan3A_12, %scan3A_13 : i32
      %scan3A_15 = arith.constant 1 : i32
      scf.for %scan3A_40 = %scan3A_12 to %scan3A_14 step %scan3A_15  : i32 {
        %mul3A_41 = arith.constant 16 : i32
        %mul3A_42 = arith.muli %scan3A_40, %mul3A_41 : i32
        %add3A_43 = arith.addi %mul3A_42, %arg1 : i32
        %lt3A_44 = arith.constant 25 : i32
        %lt3A_45 = arith.cmpi slt, %add3A_43, %lt3A_44 : i32
        %convert_element_type3A_46 = arith.extui %lt3A_45 : i1 to i32
        %cond3A_47 = arith.constant 0 : i32
        %cond3A_48 = arith.cmpi ne, %convert_element_type3A_46, %cond3A_47 : i32
        scf.if %cond3A_48 {
          %mul3A_49 = arith.constant 400 : i32
          %mul3A_50 = arith.muli %add3A_43, %mul3A_49 : i32
          "tpu.region"() ({
            %run_scoped3A = tpu.sem_alloc : memref<!tpu.dma_semaphore, #tpu.memory_space<semaphore_mem>>
            %dma_start3A = arith.constant 0 : i32
            %dma_start3A_51 = tpu.memref_slice %arg14[%mul3A_50, %dma_start3A] : memref<10000x128xf32, #tpu.memory_space<vmem_shared>> -> memref<400x128xf32, #tpu.memory_space<vmem_shared>>
            %dma_start3A_52 = arith.constant 0 : i32
            %dma_start3A_53 = tpu.memref_slice %arg7[%mul3A_50, %dma_start3A_52] : memref<10000x128xf32, #tpu.memory_space<hbm>> -> memref<400x128xf32, #tpu.memory_space<hbm>>
            tpu.enqueue_dma source(%dma_start3A_53 : memref<400x128xf32, #tpu.memory_space<hbm>>) target(%dma_start3A_51 : memref<400x128xf32, #tpu.memory_space<vmem_shared>>) target_semaphore(%run_scoped3A : memref<!tpu.dma_semaphore, #tpu.memory_space<semaphore_mem>>)
            %dma_wait3A = arith.constant 0 : i32
            %dma_wait3A_54 = tpu.memref_slice %arg14[%mul3A_50, %dma_wait3A] : memref<10000x128xf32, #tpu.memory_space<vmem_shared>> -> memref<400x128xf32, #tpu.memory_space<vmem_shared>>
            %dma_wait3A_55 = arith.constant 0 : i32
            %dma_wait3A_56 = tpu.memref_slice %arg7[%mul3A_50, %dma_wait3A_55] : memref<10000x128xf32, #tpu.memory_space<hbm>> -> memref<400x128xf32, #tpu.memory_space<hbm>>
            tpu.wait_dma2 semaphore(%run_scoped3A : memref<!tpu.dma_semaphore, #tpu.memory_space<semaphore_mem>>) src(%dma_wait3A_56 : memref<400x128xf32, #tpu.memory_space<hbm>>) dst(%dma_wait3A_54 : memref<400x128xf32, #tpu.memory_space<vmem_shared>>)
            tpu.yield
          }) : () -> ()
        } else {
        }
      }
      %scan3A_16 = arith.constant 2 : i32
      %barrier3A = arith.constant 0 : index
      tpu.barrier barrier_id(%barrier3A)
      %scan3A_17 = arith.constant 0 : i32
      %scan3A_18 = arith.constant 0 : i32
      %scan3A_19 = arith.constant 20 : i32
      %scan3A_20 = arith.addi %scan3A_18, %scan3A_19 : i32
      %scan3A_21 = arith.constant 1 : i32
      scf.for %scan3A_40 = %scan3A_18 to %scan3A_20 step %scan3A_21  : i32 {
        %mul3A_41 = arith.constant 2 : i32
        %mul3A_42 = arith.muli %mul3A_41, %scan3A_40 : i32
        %add3A_43 = arith.constant 1 : i32
        %add3A_44 = arith.addi %mul3A_42, %add3A_43 : i32
        %mul3A_45 = arith.constant 16 : i32
        %mul3A_46 = arith.muli %mul3A_42, %mul3A_45 : i32
        %add3A_47 = arith.addi %mul3A_46, %arg1 : i32
        %lt3A_48 = arith.constant 625 : i32
        %lt3A_49 = arith.cmpi slt, %add3A_47, %lt3A_48 : i32
        %convert_element_type3A_50 = arith.extui %lt3A_49 : i1 to i32
        %cond3A_51 = arith.constant 0 : i32
        %cond3A_52 = arith.cmpi ne, %convert_element_type3A_50, %cond3A_51 : i32
        scf.if %cond3A_52 {
          %dma_wait3A = arith.constant 0 : i32
          %dma_wait3A_273 = arith.constant 0 : i32
          %dma_wait3A_274 = tpu.memref_slice %arg5[%add3A_47, %dma_wait3A, %dma_wait3A_273] : memref<625x8x128xi32, #tpu.memory_space<hbm>> -> memref<1x8x128xi32, #tpu.memory_space<hbm>>
          %dma_wait3A_275 = tpu.memref_squeeze %dma_wait3A_274 : memref<1x8x128xi32, #tpu.memory_space<hbm>> -> memref<8x128xi32, #tpu.memory_space<hbm>>
          %dma_wait3A_276 = arith.constant 0 : i32
          %dma_wait3A_277 = arith.constant 0 : i32
          %dma_wait3A_278 = tpu.memref_slice %arg5[%add3A_47, %dma_wait3A_276, %dma_wait3A_277] : memref<625x8x128xi32, #tpu.memory_space<hbm>> -> memref<1x8x128xi32, #tpu.memory_space<hbm>>
          %dma_wait3A_279 = tpu.memref_squeeze %dma_wait3A_278 : memref<1x8x128xi32, #tpu.memory_space<hbm>> -> memref<8x128xi32, #tpu.memory_space<hbm>>
          tpu.wait_dma2 semaphore(%arg17 : memref<!tpu.dma_semaphore, #tpu.memory_space<semaphore_mem>>) src(%dma_wait3A_279 : memref<8x128xi32, #tpu.memory_space<hbm>>) dst(%arg12 : memref<8x128xi32, #tpu.memory_space<vmem>>)
        } else {
        }
        %mul3A_53 = arith.constant 16 : i32
        %mul3A_54 = arith.muli %mul3A_42, %mul3A_53 : i32
        %add3A_55 = arith.addi %mul3A_54, %arg1 : i32
        %mul3A_56 = arith.constant 4 : i32
        %mul3A_57 = arith.muli %mul3A_56, %add3A_55 : i32
        %add3A_58 = arith.constant 0 : i32
        %add3A_59 = arith.addi %mul3A_57, %add3A_58 : i32
        %lt3A_60 = arith.constant 2500 : i32
        %lt3A_61 = arith.cmpi slt, %add3A_59, %lt3A_60 : i32
        %convert_element_type3A_62 = arith.extui %lt3A_61 : i1 to i32
        %cond3A_63 = arith.constant 0 : i32
        %cond3A_64 = arith.cmpi ne, %convert_element_type3A_62, %cond3A_63 : i32
        scf.if %cond3A_64 {
          %dma_start3A = arith.constant 0 : i32
          %dma_start3A_273 = arith.constant 0 : i32
          %dma_start3A_274 = tpu.memref_slice %arg12[%dma_start3A, %dma_start3A_273] : memref<8x128xi32, #tpu.memory_space<vmem>> -> memref<1x128xi32, #tpu.memory_space<vmem>>
          %dma_start3A_275 = tpu.memref_squeeze %dma_start3A_274 : memref<1x128xi32, #tpu.memory_space<vmem>> -> memref<128xi32, #tpu.memory_space<vmem>>
          %dma_start3A_276 = arith.constant 0 : i32
          %dma_start3A_277 = arith.constant 0 : i32
          %dma_start3A_278 = tpu.memref_slice %arg6[%dma_start3A_276, %dma_start3A_277] : memref<10000x128xf32, #tpu.memory_space<hbm>> -> memref<10000x128xf32, #tpu.memory_space<hbm>>
          tpu.enqueue_indirect_dma source(%dma_start3A_278 : memref<10000x128xf32, #tpu.memory_space<hbm>>) target(%arg10 : memref<128x128xf32, #tpu.memory_space<vmem>>) offsets(%dma_start3A_275 : memref<128xi32, #tpu.memory_space<vmem>>) semaphore(%arg15 : memref<!tpu.dma_semaphore, #tpu.memory_space<semaphore_mem>>)
        } else {
        }
        %sub3A = arith.constant 2 : i32
        %sub3A_65 = arith.subi %add3A_44, %sub3A : i32
        %mul3A_66 = arith.constant 16 : i32
        %mul3A_67 = arith.muli %sub3A_65, %mul3A_66 : i32
        %add3A_68 = arith.addi %mul3A_67, %arg1 : i32
        %mul3A_69 = arith.constant 4 : i32
        %mul3A_70 = arith.muli %mul3A_69, %add3A_68 : i32
        %add3A_71 = arith.constant 3 : i32
        %add3A_72 = arith.addi %mul3A_70, %add3A_71 : i32
        %ge3A = arith.constant 0 : i32
        %ge3A_73 = arith.cmpi sge, %add3A_72, %ge3A : i32
        %lt3A_74 = arith.constant 2500 : i32
        %lt3A_75 = arith.cmpi slt, %add3A_72, %lt3A_74 : i32
        %and3A = arith.andi %ge3A_73, %lt3A_75 : i1
        %convert_element_type3A_76 = arith.extui %and3A : i1 to i32
        %cond3A_77 = arith.constant 0 : i32
        %cond3A_78 = arith.cmpi ne, %convert_element_type3A_76, %cond3A_77 : i32
        scf.if %cond3A_78 {
          %dma_wait3A = arith.constant 3 : i32
          %dma_wait3A_273 = arith.constant 0 : i32
          %dma_wait3A_274 = tpu.memref_slice %arg13[%dma_wait3A, %dma_wait3A_273] : memref<8x128xi32, #tpu.memory_space<vmem>> -> memref<1x128xi32, #tpu.memory_space<vmem>>
          %dma_wait3A_275 = tpu.memref_squeeze %dma_wait3A_274 : memref<1x128xi32, #tpu.memory_space<vmem>> -> memref<128xi32, #tpu.memory_space<vmem>>
          %dma_wait3A_276 = arith.constant 0 : i32
          %dma_wait3A_277 = arith.constant 0 : i32
          %dma_wait3A_278 = tpu.memref_slice %arg6[%dma_wait3A_276, %dma_wait3A_277] : memref<10000x128xf32, #tpu.memory_space<hbm>> -> memref<10000x128xf32, #tpu.memory_space<hbm>>
          tpu.wait_indirect_dma semaphore(%arg16 : memref<!tpu.dma_semaphore, #tpu.memory_space<semaphore_mem>>) src(%dma_wait3A_278 : memref<10000x128xf32, #tpu.memory_space<hbm>>) dst(%arg11 : memref<128x128xf32, #tpu.memory_space<vmem>>)
          %run_scoped3A = arith.constant 7 : i32
          "tpu.region"() ({
            %run_scoped3A_279 = tpu.sem_alloc : memref<!tpu.dma_semaphore, #tpu.memory_space<semaphore_mem>>
            %dma_start3A = arith.constant 0 : i32
            %dma_start3A_280 = tpu.memref_slice %arg13[%run_scoped3A, %dma_start3A] : memref<8x128xi32, #tpu.memory_space<vmem>> -> memref<1x128xi32, #tpu.memory_space<vmem>>
            %dma_start3A_281 = tpu.memref_squeeze %dma_start3A_280 : memref<1x128xi32, #tpu.memory_space<vmem>> -> memref<128xi32, #tpu.memory_space<vmem>>
            %dma_start3A_282 = arith.constant 0 : i32
            %dma_start3A_283 = arith.constant 0 : i32
            %dma_start3A_284 = tpu.memref_slice %arg14[%dma_start3A_282, %dma_start3A_283] : memref<10000x128xf32, #tpu.memory_space<vmem_shared>> -> memref<10000x128xf32, #tpu.memory_space<vmem_shared>>
            tpu.enqueue_indirect_dma source(%arg11 : memref<128x128xf32, #tpu.memory_space<vmem>>) target(%dma_start3A_284 : memref<10000x128xf32, #tpu.memory_space<vmem_shared>>) offsets(%dma_start3A_281 : memref<128xi32, #tpu.memory_space<vmem>>) semaphore(%run_scoped3A_279 : memref<!tpu.dma_semaphore, #tpu.memory_space<semaphore_mem>>) {add = true}
            %dma_wait3A_285 = arith.constant 0 : i32
            %dma_wait3A_286 = tpu.memref_slice %arg13[%run_scoped3A, %dma_wait3A_285] : memref<8x128xi32, #tpu.memory_space<vmem>> -> memref<1x128xi32, #tpu.memory_space<vmem>>
            %dma_wait3A_287 = tpu.memref_squeeze %dma_wait3A_286 : memref<1x128xi32, #tpu.memory_space<vmem>> -> memref<128xi32, #tpu.memory_space<vmem>>
            %dma_wait3A_288 = arith.constant 0 : i32
            %dma_wait3A_289 = arith.constant 0 : i32
            %dma_wait3A_290 = tpu.memref_slice %arg14[%dma_wait3A_288, %dma_wait3A_289] : memref<10000x128xf32, #tpu.memory_space<vmem_shared>> -> memref<10000x128xf32, #tpu.memory_space<vmem_shared>>
            tpu.wait_indirect_dma semaphore(%run_scoped3A_279 : memref<!tpu.dma_semaphore, #tpu.memory_space<semaphore_mem>>) src(%arg11 : memref<128x128xf32, #tpu.memory_space<vmem>>) dst(%dma_wait3A_290 : memref<10000x128xf32, #tpu.memory_space<vmem_shared>>)
            tpu.yield
          }) : () -> ()
        } else {
        }
        %mul3A_79 = arith.constant 16 : i32
        %mul3A_80 = arith.muli %add3A_44, %mul3A_79 : i32
        %add3A_81 = arith.addi %mul3A_80, %arg1 : i32
        %lt3A_82 = arith.constant 625 : i32
        %lt3A_83 = arith.cmpi slt, %add3A_81, %lt3A_82 : i32
        %convert_element_type3A_84 = arith.extui %lt3A_83 : i1 to i32
        %cond3A_85 = arith.constant 0 : i32
        %cond3A_86 = arith.cmpi ne, %convert_element_type3A_84, %cond3A_85 : i32
        scf.if %cond3A_86 {
          %dma_start3A = arith.constant 0 : i32
          %dma_start3A_273 = arith.constant 0 : i32
          %dma_start3A_274 = tpu.memref_slice %arg5[%add3A_81, %dma_start3A, %dma_start3A_273] : memref<625x8x128xi32, #tpu.memory_space<hbm>> -> memref<1x8x128xi32, #tpu.memory_space<hbm>>
          %dma_start3A_275 = tpu.memref_squeeze %dma_start3A_274 : memref<1x8x128xi32, #tpu.memory_space<hbm>> -> memref<8x128xi32, #tpu.memory_space<hbm>>
          %dma_start3A_276 = arith.constant 0 : i32
          %dma_start3A_277 = arith.constant 0 : i32
          %dma_start3A_278 = tpu.memref_slice %arg5[%add3A_81, %dma_start3A_276, %dma_start3A_277] : memref<625x8x128xi32, #tpu.memory_space<hbm>> -> memref<1x8x128xi32, #tpu.memory_space<hbm>>
          %dma_start3A_279 = tpu.memref_squeeze %dma_start3A_278 : memref<1x8x128xi32, #tpu.memory_space<hbm>> -> memref<8x128xi32, #tpu.memory_space<hbm>>
          tpu.enqueue_dma source(%dma_start3A_279 : memref<8x128xi32, #tpu.memory_space<hbm>>) target(%arg13 : memref<8x128xi32, #tpu.memory_space<vmem>>) target_semaphore(%arg18 : memref<!tpu.dma_semaphore, #tpu.memory_space<semaphore_mem>>)
        } else {
        }
        %mul3A_87 = arith.constant 16 : i32
        %mul3A_88 = arith.muli %mul3A_42, %mul3A_87 : i32
        %add3A_89 = arith.addi %mul3A_88, %arg1 : i32
        %mul3A_90 = arith.constant 4 : i32
        %mul3A_91 = arith.muli %mul3A_90, %add3A_89 : i32
        %add3A_92 = arith.constant 1 : i32
        %add3A_93 = arith.addi %mul3A_91, %add3A_92 : i32
        %lt3A_94 = arith.constant 2500 : i32
        %lt3A_95 = arith.cmpi slt, %add3A_93, %lt3A_94 : i32
        %convert_element_type3A_96 = arith.extui %lt3A_95 : i1 to i32
        %cond3A_97 = arith.constant 0 : i32
        %cond3A_98 = arith.cmpi ne, %convert_element_type3A_96, %cond3A_97 : i32
        scf.if %cond3A_98 {
          %dma_start3A = arith.constant 1 : i32
          %dma_start3A_273 = arith.constant 0 : i32
          %dma_start3A_274 = tpu.memref_slice %arg12[%dma_start3A, %dma_start3A_273] : memref<8x128xi32, #tpu.memory_space<vmem>> -> memref<1x128xi32, #tpu.memory_space<vmem>>
          %dma_start3A_275 = tpu.memref_squeeze %dma_start3A_274 : memref<1x128xi32, #tpu.memory_space<vmem>> -> memref<128xi32, #tpu.memory_space<vmem>>
          %dma_start3A_276 = arith.constant 0 : i32
          %dma_start3A_277 = arith.constant 0 : i32
          %dma_start3A_278 = tpu.memref_slice %arg6[%dma_start3A_276, %dma_start3A_277] : memref<10000x128xf32, #tpu.memory_space<hbm>> -> memref<10000x128xf32, #tpu.memory_space<hbm>>
          tpu.enqueue_indirect_dma source(%dma_start3A_278 : memref<10000x128xf32, #tpu.memory_space<hbm>>) target(%arg11 : memref<128x128xf32, #tpu.memory_space<vmem>>) offsets(%dma_start3A_275 : memref<128xi32, #tpu.memory_space<vmem>>) semaphore(%arg16 : memref<!tpu.dma_semaphore, #tpu.memory_space<semaphore_mem>>)
        } else {
        }
        %mul3A_99 = arith.constant 16 : i32
        %mul3A_100 = arith.muli %mul3A_42, %mul3A_99 : i32
        %add3A_101 = arith.addi %mul3A_100, %arg1 : i32
        %mul3A_102 = arith.constant 4 : i32
        %mul3A_103 = arith.muli %mul3A_102, %add3A_101 : i32
        %add3A_104 = arith.constant 0 : i32
        %add3A_105 = arith.addi %mul3A_103, %add3A_104 : i32
        %lt3A_106 = arith.constant 2500 : i32
        %lt3A_107 = arith.cmpi slt, %add3A_105, %lt3A_106 : i32
        %convert_element_type3A_108 = arith.extui %lt3A_107 : i1 to i32
        %cond3A_109 = arith.constant 0 : i32
        %cond3A_110 = arith.cmpi ne, %convert_element_type3A_108, %cond3A_109 : i32
        scf.if %cond3A_110 {
          %dma_wait3A = arith.constant 0 : i32
          %dma_wait3A_273 = arith.constant 0 : i32
          %dma_wait3A_274 = tpu.memref_slice %arg12[%dma_wait3A, %dma_wait3A_273] : memref<8x128xi32, #tpu.memory_space<vmem>> -> memref<1x128xi32, #tpu.memory_space<vmem>>
          %dma_wait3A_275 = tpu.memref_squeeze %dma_wait3A_274 : memref<1x128xi32, #tpu.memory_space<vmem>> -> memref<128xi32, #tpu.memory_space<vmem>>
          %dma_wait3A_276 = arith.constant 0 : i32
          %dma_wait3A_277 = arith.constant 0 : i32
          %dma_wait3A_278 = tpu.memref_slice %arg6[%dma_wait3A_276, %dma_wait3A_277] : memref<10000x128xf32, #tpu.memory_space<hbm>> -> memref<10000x128xf32, #tpu.memory_space<hbm>>
          tpu.wait_indirect_dma semaphore(%arg15 : memref<!tpu.dma_semaphore, #tpu.memory_space<semaphore_mem>>) src(%dma_wait3A_278 : memref<10000x128xf32, #tpu.memory_space<hbm>>) dst(%arg10 : memref<128x128xf32, #tpu.memory_space<vmem>>)
          %run_scoped3A = arith.constant 4 : i32
          "tpu.region"() ({
            %run_scoped3A_279 = tpu.sem_alloc : memref<!tpu.dma_semaphore, #tpu.memory_space<semaphore_mem>>
            %dma_start3A = arith.constant 0 : i32
            %dma_start3A_280 = tpu.memref_slice %arg12[%run_scoped3A, %dma_start3A] : memref<8x128xi32, #tpu.memory_space<vmem>> -> memref<1x128xi32, #tpu.memory_space<vmem>>
            %dma_start3A_281 = tpu.memref_squeeze %dma_start3A_280 : memref<1x128xi32, #tpu.memory_space<vmem>> -> memref<128xi32, #tpu.memory_space<vmem>>
            %dma_start3A_282 = arith.constant 0 : i32
            %dma_start3A_283 = arith.constant 0 : i32
            %dma_start3A_284 = tpu.memref_slice %arg14[%dma_start3A_282, %dma_start3A_283] : memref<10000x128xf32, #tpu.memory_space<vmem_shared>> -> memref<10000x128xf32, #tpu.memory_space<vmem_shared>>
            tpu.enqueue_indirect_dma source(%arg10 : memref<128x128xf32, #tpu.memory_space<vmem>>) target(%dma_start3A_284 : memref<10000x128xf32, #tpu.memory_space<vmem_shared>>) offsets(%dma_start3A_281 : memref<128xi32, #tpu.memory_space<vmem>>) semaphore(%run_scoped3A_279 : memref<!tpu.dma_semaphore, #tpu.memory_space<semaphore_mem>>) {add = true}
            %dma_wait3A_285 = arith.constant 0 : i32
            %dma_wait3A_286 = tpu.memref_slice %arg12[%run_scoped3A, %dma_wait3A_285] : memref<8x128xi32, #tpu.memory_space<vmem>> -> memref<1x128xi32, #tpu.memory_space<vmem>>
            %dma_wait3A_287 = tpu.memref_squeeze %dma_wait3A_286 : memref<1x128xi32, #tpu.memory_space<vmem>> -> memref<128xi32, #tpu.memory_space<vmem>>
            %dma_wait3A_288 = arith.constant 0 : i32
            %dma_wait3A_289 = arith.constant 0 : i32
            %dma_wait3A_290 = tpu.memref_slice %arg14[%dma_wait3A_288, %dma_wait3A_289] : memref<10000x128xf32, #tpu.memory_space<vmem_shared>> -> memref<10000x128xf32, #tpu.memory_space<vmem_shared>>
            tpu.wait_indirect_dma semaphore(%run_scoped3A_279 : memref<!tpu.dma_semaphore, #tpu.memory_space<semaphore_mem>>) src(%arg10 : memref<128x128xf32, #tpu.memory_space<vmem>>) dst(%dma_wait3A_290 : memref<10000x128xf32, #tpu.memory_space<vmem_shared>>)
            tpu.yield
          }) : () -> ()
        } else {
        }
        %mul3A_111 = arith.constant 16 : i32
        %mul3A_112 = arith.muli %mul3A_42, %mul3A_111 : i32
        %add3A_113 = arith.addi %mul3A_112, %arg1 : i32
        %mul3A_114 = arith.constant 4 : i32
        %mul3A_115 = arith.muli %mul3A_114, %add3A_113 : i32
        %add3A_116 = arith.constant 2 : i32
        %add3A_117 = arith.addi %mul3A_115, %add3A_116 : i32
        %lt3A_118 = arith.constant 2500 : i32
        %lt3A_119 = arith.cmpi slt, %add3A_117, %lt3A_118 : i32
        %convert_element_type3A_120 = arith.extui %lt3A_119 : i1 to i32
        %cond3A_121 = arith.constant 0 : i32
        %cond3A_122 = arith.cmpi ne, %convert_element_type3A_120, %cond3A_121 : i32
        scf.if %cond3A_122 {
          %dma_start3A = arith.constant 2 : i32
          %dma_start3A_273 = arith.constant 0 : i32
          %dma_start3A_274 = tpu.memref_slice %arg12[%dma_start3A, %dma_start3A_273] : memref<8x128xi32, #tpu.memory_space<vmem>> -> memref<1x128xi32, #tpu.memory_space<vmem>>
          %dma_start3A_275 = tpu.memref_squeeze %dma_start3A_274 : memref<1x128xi32, #tpu.memory_space<vmem>> -> memref<128xi32, #tpu.memory_space<vmem>>
          %dma_start3A_276 = arith.constant 0 : i32
          %dma_start3A_277 = arith.constant 0 : i32
          %dma_start3A_278 = tpu.memref_slice %arg6[%dma_start3A_276, %dma_start3A_277] : memref<10000x128xf32, #tpu.memory_space<hbm>> -> memref<10000x128xf32, #tpu.memory_space<hbm>>
          tpu.enqueue_indirect_dma source(%dma_start3A_278 : memref<10000x128xf32, #tpu.memory_space<hbm>>) target(%arg10 : memref<128x128xf32, #tpu.memory_space<vmem>>) offsets(%dma_start3A_275 : memref<128xi32, #tpu.memory_space<vmem>>) semaphore(%arg15 : memref<!tpu.dma_semaphore, #tpu.memory_space<semaphore_mem>>)
        } else {
        }
        %mul3A_123 = arith.constant 16 : i32
        %mul3A_124 = arith.muli %mul3A_42, %mul3A_123 : i32
        %add3A_125 = arith.addi %mul3A_124, %arg1 : i32
        %mul3A_126 = arith.constant 4 : i32
        %mul3A_127 = arith.muli %mul3A_126, %add3A_125 : i32
        %add3A_128 = arith.constant 1 : i32
        %add3A_129 = arith.addi %mul3A_127, %add3A_128 : i32
        %lt3A_130 = arith.constant 2500 : i32
        %lt3A_131 = arith.cmpi slt, %add3A_129, %lt3A_130 : i32
        %convert_element_type3A_132 = arith.extui %lt3A_131 : i1 to i32
        %cond3A_133 = arith.constant 0 : i32
        %cond3A_134 = arith.cmpi ne, %convert_element_type3A_132, %cond3A_133 : i32
        scf.if %cond3A_134 {
          %dma_wait3A = arith.constant 1 : i32
          %dma_wait3A_273 = arith.constant 0 : i32
          %dma_wait3A_274 = tpu.memref_slice %arg12[%dma_wait3A, %dma_wait3A_273] : memref<8x128xi32, #tpu.memory_space<vmem>> -> memref<1x128xi32, #tpu.memory_space<vmem>>
          %dma_wait3A_275 = tpu.memref_squeeze %dma_wait3A_274 : memref<1x128xi32, #tpu.memory_space<vmem>> -> memref<128xi32, #tpu.memory_space<vmem>>
          %dma_wait3A_276 = arith.constant 0 : i32
          %dma_wait3A_277 = arith.constant 0 : i32
          %dma_wait3A_278 = tpu.memref_slice %arg6[%dma_wait3A_276, %dma_wait3A_277] : memref<10000x128xf32, #tpu.memory_space<hbm>> -> memref<10000x128xf32, #tpu.memory_space<hbm>>
          tpu.wait_indirect_dma semaphore(%arg16 : memref<!tpu.dma_semaphore, #tpu.memory_space<semaphore_mem>>) src(%dma_wait3A_278 : memref<10000x128xf32, #tpu.memory_space<hbm>>) dst(%arg11 : memref<128x128xf32, #tpu.memory_space<vmem>>)
          %run_scoped3A = arith.constant 5 : i32
          "tpu.region"() ({
            %run_scoped3A_279 = tpu.sem_alloc : memref<!tpu.dma_semaphore, #tpu.memory_space<semaphore_mem>>
            %dma_start3A = arith.constant 0 : i32
            %dma_start3A_280 = tpu.memref_slice %arg12[%run_scoped3A, %dma_start3A] : memref<8x128xi32, #tpu.memory_space<vmem>> -> memref<1x128xi32, #tpu.memory_space<vmem>>
            %dma_start3A_281 = tpu.memref_squeeze %dma_start3A_280 : memref<1x128xi32, #tpu.memory_space<vmem>> -> memref<128xi32, #tpu.memory_space<vmem>>
            %dma_start3A_282 = arith.constant 0 : i32
            %dma_start3A_283 = arith.constant 0 : i32
            %dma_start3A_284 = tpu.memref_slice %arg14[%dma_start3A_282, %dma_start3A_283] : memref<10000x128xf32, #tpu.memory_space<vmem_shared>> -> memref<10000x128xf32, #tpu.memory_space<vmem_shared>>
            tpu.enqueue_indirect_dma source(%arg11 : memref<128x128xf32, #tpu.memory_space<vmem>>) target(%dma_start3A_284 : memref<10000x128xf32, #tpu.memory_space<vmem_shared>>) offsets(%dma_start3A_281 : memref<128xi32, #tpu.memory_space<vmem>>) semaphore(%run_scoped3A_279 : memref<!tpu.dma_semaphore, #tpu.memory_space<semaphore_mem>>) {add = true}
            %dma_wait3A_285 = arith.constant 0 : i32
            %dma_wait3A_286 = tpu.memref_slice %arg12[%run_scoped3A, %dma_wait3A_285] : memref<8x128xi32, #tpu.memory_space<vmem>> -> memref<1x128xi32, #tpu.memory_space<vmem>>
            %dma_wait3A_287 = tpu.memref_squeeze %dma_wait3A_286 : memref<1x128xi32, #tpu.memory_space<vmem>> -> memref<128xi32, #tpu.memory_space<vmem>>
            %dma_wait3A_288 = arith.constant 0 : i32
            %dma_wait3A_289 = arith.constant 0 : i32
            %dma_wait3A_290 = tpu.memref_slice %arg14[%dma_wait3A_288, %dma_wait3A_289] : memref<10000x128xf32, #tpu.memory_space<vmem_shared>> -> memref<10000x128xf32, #tpu.memory_space<vmem_shared>>
            tpu.wait_indirect_dma semaphore(%run_scoped3A_279 : memref<!tpu.dma_semaphore, #tpu.memory_space<semaphore_mem>>) src(%arg11 : memref<128x128xf32, #tpu.memory_space<vmem>>) dst(%dma_wait3A_290 : memref<10000x128xf32, #tpu.memory_space<vmem_shared>>)
            tpu.yield
          }) : () -> ()
        } else {
        }
        %mul3A_135 = arith.constant 16 : i32
        %mul3A_136 = arith.muli %mul3A_42, %mul3A_135 : i32
        %add3A_137 = arith.addi %mul3A_136, %arg1 : i32
        %mul3A_138 = arith.constant 4 : i32
        %mul3A_139 = arith.muli %mul3A_138, %add3A_137 : i32
        %add3A_140 = arith.constant 3 : i32
        %add3A_141 = arith.addi %mul3A_139, %add3A_140 : i32
        %lt3A_142 = arith.constant 2500 : i32
        %lt3A_143 = arith.cmpi slt, %add3A_141, %lt3A_142 : i32
        %convert_element_type3A_144 = arith.extui %lt3A_143 : i1 to i32
        %cond3A_145 = arith.constant 0 : i32
        %cond3A_146 = arith.cmpi ne, %convert_element_type3A_144, %cond3A_145 : i32
        scf.if %cond3A_146 {
          %dma_start3A = arith.constant 3 : i32
          %dma_start3A_273 = arith.constant 0 : i32
          %dma_start3A_274 = tpu.memref_slice %arg12[%dma_start3A, %dma_start3A_273] : memref<8x128xi32, #tpu.memory_space<vmem>> -> memref<1x128xi32, #tpu.memory_space<vmem>>
          %dma_start3A_275 = tpu.memref_squeeze %dma_start3A_274 : memref<1x128xi32, #tpu.memory_space<vmem>> -> memref<128xi32, #tpu.memory_space<vmem>>
          %dma_start3A_276 = arith.constant 0 : i32
          %dma_start3A_277 = arith.constant 0 : i32
          %dma_start3A_278 = tpu.memref_slice %arg6[%dma_start3A_276, %dma_start3A_277] : memref<10000x128xf32, #tpu.memory_space<hbm>> -> memref<10000x128xf32, #tpu.memory_space<hbm>>
          tpu.enqueue_indirect_dma source(%dma_start3A_278 : memref<10000x128xf32, #tpu.memory_space<hbm>>) target(%arg11 : memref<128x128xf32, #tpu.memory_space<vmem>>) offsets(%dma_start3A_275 : memref<128xi32, #tpu.memory_space<vmem>>) semaphore(%arg16 : memref<!tpu.dma_semaphore, #tpu.memory_space<semaphore_mem>>)
        } else {
        }
        %mul3A_147 = arith.constant 16 : i32
        %mul3A_148 = arith.muli %mul3A_42, %mul3A_147 : i32
        %add3A_149 = arith.addi %mul3A_148, %arg1 : i32
        %mul3A_150 = arith.constant 4 : i32
        %mul3A_151 = arith.muli %mul3A_150, %add3A_149 : i32
        %add3A_152 = arith.constant 2 : i32
        %add3A_153 = arith.addi %mul3A_151, %add3A_152 : i32
        %lt3A_154 = arith.constant 2500 : i32
        %lt3A_155 = arith.cmpi slt, %add3A_153, %lt3A_154 : i32
        %convert_element_type3A_156 = arith.extui %lt3A_155 : i1 to i32
        %cond3A_157 = arith.constant 0 : i32
        %cond3A_158 = arith.cmpi ne, %convert_element_type3A_156, %cond3A_157 : i32
        scf.if %cond3A_158 {
          %dma_wait3A = arith.constant 2 : i32
          %dma_wait3A_273 = arith.constant 0 : i32
          %dma_wait3A_274 = tpu.memref_slice %arg12[%dma_wait3A, %dma_wait3A_273] : memref<8x128xi32, #tpu.memory_space<vmem>> -> memref<1x128xi32, #tpu.memory_space<vmem>>
          %dma_wait3A_275 = tpu.memref_squeeze %dma_wait3A_274 : memref<1x128xi32, #tpu.memory_space<vmem>> -> memref<128xi32, #tpu.memory_space<vmem>>
          %dma_wait3A_276 = arith.constant 0 : i32
          %dma_wait3A_277 = arith.constant 0 : i32
          %dma_wait3A_278 = tpu.memref_slice %arg6[%dma_wait3A_276, %dma_wait3A_277] : memref<10000x128xf32, #tpu.memory_space<hbm>> -> memref<10000x128xf32, #tpu.memory_space<hbm>>
          tpu.wait_indirect_dma semaphore(%arg15 : memref<!tpu.dma_semaphore, #tpu.memory_space<semaphore_mem>>) src(%dma_wait3A_278 : memref<10000x128xf32, #tpu.memory_space<hbm>>) dst(%arg10 : memref<128x128xf32, #tpu.memory_space<vmem>>)
          %run_scoped3A = arith.constant 6 : i32
          "tpu.region"() ({
            %run_scoped3A_279 = tpu.sem_alloc : memref<!tpu.dma_semaphore, #tpu.memory_space<semaphore_mem>>
            %dma_start3A = arith.constant 0 : i32
            %dma_start3A_280 = tpu.memref_slice %arg12[%run_scoped3A, %dma_start3A] : memref<8x128xi32, #tpu.memory_space<vmem>> -> memref<1x128xi32, #tpu.memory_space<vmem>>
            %dma_start3A_281 = tpu.memref_squeeze %dma_start3A_280 : memref<1x128xi32, #tpu.memory_space<vmem>> -> memref<128xi32, #tpu.memory_space<vmem>>
            %dma_start3A_282 = arith.constant 0 : i32
            %dma_start3A_283 = arith.constant 0 : i32
            %dma_start3A_284 = tpu.memref_slice %arg14[%dma_start3A_282, %dma_start3A_283] : memref<10000x128xf32, #tpu.memory_space<vmem_shared>> -> memref<10000x128xf32, #tpu.memory_space<vmem_shared>>
            tpu.enqueue_indirect_dma source(%arg10 : memref<128x128xf32, #tpu.memory_space<vmem>>) target(%dma_start3A_284 : memref<10000x128xf32, #tpu.memory_space<vmem_shared>>) offsets(%dma_start3A_281 : memref<128xi32, #tpu.memory_space<vmem>>) semaphore(%run_scoped3A_279 : memref<!tpu.dma_semaphore, #tpu.memory_space<semaphore_mem>>) {add = true}
            %dma_wait3A_285 = arith.constant 0 : i32
            %dma_wait3A_286 = tpu.memref_slice %arg12[%run_scoped3A, %dma_wait3A_285] : memref<8x128xi32, #tpu.memory_space<vmem>> -> memref<1x128xi32, #tpu.memory_space<vmem>>
            %dma_wait3A_287 = tpu.memref_squeeze %dma_wait3A_286 : memref<1x128xi32, #tpu.memory_space<vmem>> -> memref<128xi32, #tpu.memory_space<vmem>>
            %dma_wait3A_288 = arith.constant 0 : i32
            %dma_wait3A_289 = arith.constant 0 : i32
            %dma_wait3A_290 = tpu.memref_slice %arg14[%dma_wait3A_288, %dma_wait3A_289] : memref<10000x128xf32, #tpu.memory_space<vmem_shared>> -> memref<10000x128xf32, #tpu.memory_space<vmem_shared>>
            tpu.wait_indirect_dma semaphore(%run_scoped3A_279 : memref<!tpu.dma_semaphore, #tpu.memory_space<semaphore_mem>>) src(%arg10 : memref<128x128xf32, #tpu.memory_space<vmem>>) dst(%dma_wait3A_290 : memref<10000x128xf32, #tpu.memory_space<vmem_shared>>)
            tpu.yield
          }) : () -> ()
        } else {
        }
        %mul3A_159 = arith.constant 16 : i32
        %mul3A_160 = arith.muli %add3A_44, %mul3A_159 : i32
        %add3A_161 = arith.addi %mul3A_160, %arg1 : i32
        %lt3A_162 = arith.constant 625 : i32
        %lt3A_163 = arith.cmpi slt, %add3A_161, %lt3A_162 : i32
        %convert_element_type3A_164 = arith.extui %lt3A_163 : i1 to i32
        %cond3A_165 = arith.constant 0 : i32
        %cond3A_166 = arith.cmpi ne, %convert_element_type3A_164, %cond3A_165 : i32
        scf.if %cond3A_166 {
          %dma_wait3A = arith.constant 0 : i32
          %dma_wait3A_273 = arith.constant 0 : i32
          %dma_wait3A_274 = tpu.memref_slice %arg5[%add3A_161, %dma_wait3A, %dma_wait3A_273] : memref<625x8x128xi32, #tpu.memory_space<hbm>> -> memref<1x8x128xi32, #tpu.memory_space<hbm>>
          %dma_wait3A_275 = tpu.memref_squeeze %dma_wait3A_274 : memref<1x8x128xi32, #tpu.memory_space<hbm>> -> memref<8x128xi32, #tpu.memory_space<hbm>>
          %dma_wait3A_276 = arith.constant 0 : i32
          %dma_wait3A_277 = arith.constant 0 : i32
          %dma_wait3A_278 = tpu.memref_slice %arg5[%add3A_161, %dma_wait3A_276, %dma_wait3A_277] : memref<625x8x128xi32, #tpu.memory_space<hbm>> -> memref<1x8x128xi32, #tpu.memory_space<hbm>>
          %dma_wait3A_279 = tpu.memref_squeeze %dma_wait3A_278 : memref<1x8x128xi32, #tpu.memory_space<hbm>> -> memref<8x128xi32, #tpu.memory_space<hbm>>
          tpu.wait_dma2 semaphore(%arg18 : memref<!tpu.dma_semaphore, #tpu.memory_space<semaphore_mem>>) src(%dma_wait3A_279 : memref<8x128xi32, #tpu.memory_space<hbm>>) dst(%arg13 : memref<8x128xi32, #tpu.memory_space<vmem>>)
        } else {
        }
        %mul3A_167 = arith.constant 16 : i32
        %mul3A_168 = arith.muli %add3A_44, %mul3A_167 : i32
        %add3A_169 = arith.addi %mul3A_168, %arg1 : i32
        %mul3A_170 = arith.constant 4 : i32
        %mul3A_171 = arith.muli %mul3A_170, %add3A_169 : i32
        %add3A_172 = arith.constant 0 : i32
        %add3A_173 = arith.addi %mul3A_171, %add3A_172 : i32
        %lt3A_174 = arith.constant 2500 : i32
        %lt3A_175 = arith.cmpi slt, %add3A_173, %lt3A_174 : i32
        %convert_element_type3A_176 = arith.extui %lt3A_175 : i1 to i32
        %cond3A_177 = arith.constant 0 : i32
        %cond3A_178 = arith.cmpi ne, %convert_element_type3A_176, %cond3A_177 : i32
        scf.if %cond3A_178 {
          %dma_start3A = arith.constant 0 : i32
          %dma_start3A_273 = arith.constant 0 : i32
          %dma_start3A_274 = tpu.memref_slice %arg13[%dma_start3A, %dma_start3A_273] : memref<8x128xi32, #tpu.memory_space<vmem>> -> memref<1x128xi32, #tpu.memory_space<vmem>>
          %dma_start3A_275 = tpu.memref_squeeze %dma_start3A_274 : memref<1x128xi32, #tpu.memory_space<vmem>> -> memref<128xi32, #tpu.memory_space<vmem>>
          %dma_start3A_276 = arith.constant 0 : i32
          %dma_start3A_277 = arith.constant 0 : i32
          %dma_start3A_278 = tpu.memref_slice %arg6[%dma_start3A_276, %dma_start3A_277] : memref<10000x128xf32, #tpu.memory_space<hbm>> -> memref<10000x128xf32, #tpu.memory_space<hbm>>
          tpu.enqueue_indirect_dma source(%dma_start3A_278 : memref<10000x128xf32, #tpu.memory_space<hbm>>) target(%arg10 : memref<128x128xf32, #tpu.memory_space<vmem>>) offsets(%dma_start3A_275 : memref<128xi32, #tpu.memory_space<vmem>>) semaphore(%arg15 : memref<!tpu.dma_semaphore, #tpu.memory_space<semaphore_mem>>)
        } else {
        }
        %mul3A_179 = arith.constant 16 : i32
        %mul3A_180 = arith.muli %mul3A_42, %mul3A_179 : i32
        %add3A_181 = arith.addi %mul3A_180, %arg1 : i32
        %mul3A_182 = arith.constant 4 : i32
        %mul3A_183 = arith.muli %mul3A_182, %add3A_181 : i32
        %add3A_184 = arith.constant 3 : i32
        %add3A_185 = arith.addi %mul3A_183, %add3A_184 : i32
        %lt3A_186 = arith.constant 2500 : i32
        %lt3A_187 = arith.cmpi slt, %add3A_185, %lt3A_186 : i32
        %convert_element_type3A_188 = arith.extui %lt3A_187 : i1 to i32
        %cond3A_189 = arith.constant 0 : i32
        %cond3A_190 = arith.cmpi ne, %convert_element_type3A_188, %cond3A_189 : i32
        scf.if %cond3A_190 {
          %dma_wait3A = arith.constant 3 : i32
          %dma_wait3A_273 = arith.constant 0 : i32
          %dma_wait3A_274 = tpu.memref_slice %arg12[%dma_wait3A, %dma_wait3A_273] : memref<8x128xi32, #tpu.memory_space<vmem>> -> memref<1x128xi32, #tpu.memory_space<vmem>>
          %dma_wait3A_275 = tpu.memref_squeeze %dma_wait3A_274 : memref<1x128xi32, #tpu.memory_space<vmem>> -> memref<128xi32, #tpu.memory_space<vmem>>
          %dma_wait3A_276 = arith.constant 0 : i32
          %dma_wait3A_277 = arith.constant 0 : i32
          %dma_wait3A_278 = tpu.memref_slice %arg6[%dma_wait3A_276, %dma_wait3A_277] : memref<10000x128xf32, #tpu.memory_space<hbm>> -> memref<10000x128xf32, #tpu.memory_space<hbm>>
          tpu.wait_indirect_dma semaphore(%arg16 : memref<!tpu.dma_semaphore, #tpu.memory_space<semaphore_mem>>) src(%dma_wait3A_278 : memref<10000x128xf32, #tpu.memory_space<hbm>>) dst(%arg11 : memref<128x128xf32, #tpu.memory_space<vmem>>)
          %run_scoped3A = arith.constant 7 : i32
          "tpu.region"() ({
            %run_scoped3A_279 = tpu.sem_alloc : memref<!tpu.dma_semaphore, #tpu.memory_space<semaphore_mem>>
            %dma_start3A = arith.constant 0 : i32
            %dma_start3A_280 = tpu.memref_slice %arg12[%run_scoped3A, %dma_start3A] : memref<8x128xi32, #tpu.memory_space<vmem>> -> memref<1x128xi32, #tpu.memory_space<vmem>>
            %dma_start3A_281 = tpu.memref_squeeze %dma_start3A_280 : memref<1x128xi32, #tpu.memory_space<vmem>> -> memref<128xi32, #tpu.memory_space<vmem>>
            %dma_start3A_282 = arith.constant 0 : i32
            %dma_start3A_283 = arith.constant 0 : i32
            %dma_start3A_284 = tpu.memref_slice %arg14[%dma_start3A_282, %dma_start3A_283] : memref<10000x128xf32, #tpu.memory_space<vmem_shared>> -> memref<10000x128xf32, #tpu.memory_space<vmem_shared>>
            tpu.enqueue_indirect_dma source(%arg11 : memref<128x128xf32, #tpu.memory_space<vmem>>) target(%dma_start3A_284 : memref<10000x128xf32, #tpu.memory_space<vmem_shared>>) offsets(%dma_start3A_281 : memref<128xi32, #tpu.memory_space<vmem>>) semaphore(%run_scoped3A_279 : memref<!tpu.dma_semaphore, #tpu.memory_space<semaphore_mem>>) {add = true}
            %dma_wait3A_285 = arith.constant 0 : i32
            %dma_wait3A_286 = tpu.memref_slice %arg12[%run_scoped3A, %dma_wait3A_285] : memref<8x128xi32, #tpu.memory_space<vmem>> -> memref<1x128xi32, #tpu.memory_space<vmem>>
            %dma_wait3A_287 = tpu.memref_squeeze %dma_wait3A_286 : memref<1x128xi32, #tpu.memory_space<vmem>> -> memref<128xi32, #tpu.memory_space<vmem>>
            %dma_wait3A_288 = arith.constant 0 : i32
            %dma_wait3A_289 = arith.constant 0 : i32
            %dma_wait3A_290 = tpu.memref_slice %arg14[%dma_wait3A_288, %dma_wait3A_289] : memref<10000x128xf32, #tpu.memory_space<vmem_shared>> -> memref<10000x128xf32, #tpu.memory_space<vmem_shared>>
            tpu.wait_indirect_dma semaphore(%run_scoped3A_279 : memref<!tpu.dma_semaphore, #tpu.memory_space<semaphore_mem>>) src(%arg11 : memref<128x128xf32, #tpu.memory_space<vmem>>) dst(%dma_wait3A_290 : memref<10000x128xf32, #tpu.memory_space<vmem_shared>>)
            tpu.yield
          }) : () -> ()
        } else {
        }
        %add3A_191 = arith.constant 2 : i32
        %add3A_192 = arith.addi %mul3A_42, %add3A_191 : i32
        %mul3A_193 = arith.constant 16 : i32
        %mul3A_194 = arith.muli %add3A_192, %mul3A_193 : i32
        %add3A_195 = arith.addi %mul3A_194, %arg1 : i32
        %lt3A_196 = arith.constant 625 : i32
        %lt3A_197 = arith.cmpi slt, %add3A_195, %lt3A_196 : i32
        %convert_element_type3A_198 = arith.extui %lt3A_197 : i1 to i32
        %cond3A_199 = arith.constant 0 : i32
        %cond3A_200 = arith.cmpi ne, %convert_element_type3A_198, %cond3A_199 : i32
        scf.if %cond3A_200 {
          %dma_start3A = arith.constant 0 : i32
          %dma_start3A_273 = arith.constant 0 : i32
          %dma_start3A_274 = tpu.memref_slice %arg5[%add3A_195, %dma_start3A, %dma_start3A_273] : memref<625x8x128xi32, #tpu.memory_space<hbm>> -> memref<1x8x128xi32, #tpu.memory_space<hbm>>
          %dma_start3A_275 = tpu.memref_squeeze %dma_start3A_274 : memref<1x8x128xi32, #tpu.memory_space<hbm>> -> memref<8x128xi32, #tpu.memory_space<hbm>>
          %dma_start3A_276 = arith.constant 0 : i32
          %dma_start3A_277 = arith.constant 0 : i32
          %dma_start3A_278 = tpu.memref_slice %arg5[%add3A_195, %dma_start3A_276, %dma_start3A_277] : memref<625x8x128xi32, #tpu.memory_space<hbm>> -> memref<1x8x128xi32, #tpu.memory_space<hbm>>
          %dma_start3A_279 = tpu.memref_squeeze %dma_start3A_278 : memref<1x8x128xi32, #tpu.memory_space<hbm>> -> memref<8x128xi32, #tpu.memory_space<hbm>>
          tpu.enqueue_dma source(%dma_start3A_279 : memref<8x128xi32, #tpu.memory_space<hbm>>) target(%arg12 : memref<8x128xi32, #tpu.memory_space<vmem>>) target_semaphore(%arg17 : memref<!tpu.dma_semaphore, #tpu.memory_space<semaphore_mem>>)
        } else {
        }
        %mul3A_201 = arith.constant 16 : i32
        %mul3A_202 = arith.muli %add3A_44, %mul3A_201 : i32
        %add3A_203 = arith.addi %mul3A_202, %arg1 : i32
        %mul3A_204 = arith.constant 4 : i32
        %mul3A_205 = arith.muli %mul3A_204, %add3A_203 : i32
        %add3A_206 = arith.constant 1 : i32
        %add3A_207 = arith.addi %mul3A_205, %add3A_206 : i32
        %lt3A_208 = arith.constant 2500 : i32
        %lt3A_209 = arith.cmpi slt, %add3A_207, %lt3A_208 : i32
        %convert_element_type3A_210 = arith.extui %lt3A_209 : i1 to i32
        %cond3A_211 = arith.constant 0 : i32
        %cond3A_212 = arith.cmpi ne, %convert_element_type3A_210, %cond3A_211 : i32
        scf.if %cond3A_212 {
          %dma_start3A = arith.constant 1 : i32
          %dma_start3A_273 = arith.constant 0 : i32
          %dma_start3A_274 = tpu.memref_slice %arg13[%dma_start3A, %dma_start3A_273] : memref<8x128xi32, #tpu.memory_space<vmem>> -> memref<1x128xi32, #tpu.memory_space<vmem>>
          %dma_start3A_275 = tpu.memref_squeeze %dma_start3A_274 : memref<1x128xi32, #tpu.memory_space<vmem>> -> memref<128xi32, #tpu.memory_space<vmem>>
          %dma_start3A_276 = arith.constant 0 : i32
          %dma_start3A_277 = arith.constant 0 : i32
          %dma_start3A_278 = tpu.memref_slice %arg6[%dma_start3A_276, %dma_start3A_277] : memref<10000x128xf32, #tpu.memory_space<hbm>> -> memref<10000x128xf32, #tpu.memory_space<hbm>>
          tpu.enqueue_indirect_dma source(%dma_start3A_278 : memref<10000x128xf32, #tpu.memory_space<hbm>>) target(%arg11 : memref<128x128xf32, #tpu.memory_space<vmem>>) offsets(%dma_start3A_275 : memref<128xi32, #tpu.memory_space<vmem>>) semaphore(%arg16 : memref<!tpu.dma_semaphore, #tpu.memory_space<semaphore_mem>>)
        } else {
        }
        %mul3A_213 = arith.constant 16 : i32
        %mul3A_214 = arith.muli %add3A_44, %mul3A_213 : i32
        %add3A_215 = arith.addi %mul3A_214, %arg1 : i32
        %mul3A_216 = arith.constant 4 : i32
        %mul3A_217 = arith.muli %mul3A_216, %add3A_215 : i32
        %add3A_218 = arith.constant 0 : i32
        %add3A_219 = arith.addi %mul3A_217, %add3A_218 : i32
        %lt3A_220 = arith.constant 2500 : i32
        %lt3A_221 = arith.cmpi slt, %add3A_219, %lt3A_220 : i32
        %convert_element_type3A_222 = arith.extui %lt3A_221 : i1 to i32
        %cond3A_223 = arith.constant 0 : i32
        %cond3A_224 = arith.cmpi ne, %convert_element_type3A_222, %cond3A_223 : i32
        scf.if %cond3A_224 {
          %dma_wait3A = arith.constant 0 : i32
          %dma_wait3A_273 = arith.constant 0 : i32
          %dma_wait3A_274 = tpu.memref_slice %arg13[%dma_wait3A, %dma_wait3A_273] : memref<8x128xi32, #tpu.memory_space<vmem>> -> memref<1x128xi32, #tpu.memory_space<vmem>>
          %dma_wait3A_275 = tpu.memref_squeeze %dma_wait3A_274 : memref<1x128xi32, #tpu.memory_space<vmem>> -> memref<128xi32, #tpu.memory_space<vmem>>
          %dma_wait3A_276 = arith.constant 0 : i32
          %dma_wait3A_277 = arith.constant 0 : i32
          %dma_wait3A_278 = tpu.memref_slice %arg6[%dma_wait3A_276, %dma_wait3A_277] : memref<10000x128xf32, #tpu.memory_space<hbm>> -> memref<10000x128xf32, #tpu.memory_space<hbm>>
          tpu.wait_indirect_dma semaphore(%arg15 : memref<!tpu.dma_semaphore, #tpu.memory_space<semaphore_mem>>) src(%dma_wait3A_278 : memref<10000x128xf32, #tpu.memory_space<hbm>>) dst(%arg10 : memref<128x128xf32, #tpu.memory_space<vmem>>)
          %run_scoped3A = arith.constant 4 : i32
          "tpu.region"() ({
            %run_scoped3A_279 = tpu.sem_alloc : memref<!tpu.dma_semaphore, #tpu.memory_space<semaphore_mem>>
            %dma_start3A = arith.constant 0 : i32
            %dma_start3A_280 = tpu.memref_slice %arg13[%run_scoped3A, %dma_start3A] : memref<8x128xi32, #tpu.memory_space<vmem>> -> memref<1x128xi32, #tpu.memory_space<vmem>>
            %dma_start3A_281 = tpu.memref_squeeze %dma_start3A_280 : memref<1x128xi32, #tpu.memory_space<vmem>> -> memref<128xi32, #tpu.memory_space<vmem>>
            %dma_start3A_282 = arith.constant 0 : i32
            %dma_start3A_283 = arith.constant 0 : i32
            %dma_start3A_284 = tpu.memref_slice %arg14[%dma_start3A_282, %dma_start3A_283] : memref<10000x128xf32, #tpu.memory_space<vmem_shared>> -> memref<10000x128xf32, #tpu.memory_space<vmem_shared>>
            tpu.enqueue_indirect_dma source(%arg10 : memref<128x128xf32, #tpu.memory_space<vmem>>) target(%dma_start3A_284 : memref<10000x128xf32, #tpu.memory_space<vmem_shared>>) offsets(%dma_start3A_281 : memref<128xi32, #tpu.memory_space<vmem>>) semaphore(%run_scoped3A_279 : memref<!tpu.dma_semaphore, #tpu.memory_space<semaphore_mem>>) {add = true}
            %dma_wait3A_285 = arith.constant 0 : i32
            %dma_wait3A_286 = tpu.memref_slice %arg13[%run_scoped3A, %dma_wait3A_285] : memref<8x128xi32, #tpu.memory_space<vmem>> -> memref<1x128xi32, #tpu.memory_space<vmem>>
            %dma_wait3A_287 = tpu.memref_squeeze %dma_wait3A_286 : memref<1x128xi32, #tpu.memory_space<vmem>> -> memref<128xi32, #tpu.memory_space<vmem>>
            %dma_wait3A_288 = arith.constant 0 : i32
            %dma_wait3A_289 = arith.constant 0 : i32
            %dma_wait3A_290 = tpu.memref_slice %arg14[%dma_wait3A_288, %dma_wait3A_289] : memref<10000x128xf32, #tpu.memory_space<vmem_shared>> -> memref<10000x128xf32, #tpu.memory_space<vmem_shared>>
            tpu.wait_indirect_dma semaphore(%run_scoped3A_279 : memref<!tpu.dma_semaphore, #tpu.memory_space<semaphore_mem>>) src(%arg10 : memref<128x128xf32, #tpu.memory_space<vmem>>) dst(%dma_wait3A_290 : memref<10000x128xf32, #tpu.memory_space<vmem_shared>>)
            tpu.yield
          }) : () -> ()
        } else {
        }
        %mul3A_225 = arith.constant 16 : i32
        %mul3A_226 = arith.muli %add3A_44, %mul3A_225 : i32
        %add3A_227 = arith.addi %mul3A_226, %arg1 : i32
        %mul3A_228 = arith.constant 4 : i32
        %mul3A_229 = arith.muli %mul3A_228, %add3A_227 : i32
        %add3A_230 = arith.constant 2 : i32
        %add3A_231 = arith.addi %mul3A_229, %add3A_230 : i32
        %lt3A_232 = arith.constant 2500 : i32
        %lt3A_233 = arith.cmpi slt, %add3A_231, %lt3A_232 : i32
        %convert_element_type3A_234 = arith.extui %lt3A_233 : i1 to i32
        %cond3A_235 = arith.constant 0 : i32
        %cond3A_236 = arith.cmpi ne, %convert_element_type3A_234, %cond3A_235 : i32
        scf.if %cond3A_236 {
          %dma_start3A = arith.constant 2 : i32
          %dma_start3A_273 = arith.constant 0 : i32
          %dma_start3A_274 = tpu.memref_slice %arg13[%dma_start3A, %dma_start3A_273] : memref<8x128xi32, #tpu.memory_space<vmem>> -> memref<1x128xi32, #tpu.memory_space<vmem>>
          %dma_start3A_275 = tpu.memref_squeeze %dma_start3A_274 : memref<1x128xi32, #tpu.memory_space<vmem>> -> memref<128xi32, #tpu.memory_space<vmem>>
          %dma_start3A_276 = arith.constant 0 : i32
          %dma_start3A_277 = arith.constant 0 : i32
          %dma_start3A_278 = tpu.memref_slice %arg6[%dma_start3A_276, %dma_start3A_277] : memref<10000x128xf32, #tpu.memory_space<hbm>> -> memref<10000x128xf32, #tpu.memory_space<hbm>>
          tpu.enqueue_indirect_dma source(%dma_start3A_278 : memref<10000x128xf32, #tpu.memory_space<hbm>>) target(%arg10 : memref<128x128xf32, #tpu.memory_space<vmem>>) offsets(%dma_start3A_275 : memref<128xi32, #tpu.memory_space<vmem>>) semaphore(%arg15 : memref<!tpu.dma_semaphore, #tpu.memory_space<semaphore_mem>>)
        } else {
        }
        %mul3A_237 = arith.constant 16 : i32
        %mul3A_238 = arith.muli %add3A_44, %mul3A_237 : i32
        %add3A_239 = arith.addi %mul3A_238, %arg1 : i32
        %mul3A_240 = arith.constant 4 : i32
        %mul3A_241 = arith.muli %mul3A_240, %add3A_239 : i32
        %add3A_242 = arith.constant 1 : i32
        %add3A_243 = arith.addi %mul3A_241, %add3A_242 : i32
        %lt3A_244 = arith.constant 2500 : i32
        %lt3A_245 = arith.cmpi slt, %add3A_243, %lt3A_244 : i32
        %convert_element_type3A_246 = arith.extui %lt3A_245 : i1 to i32
        %cond3A_247 = arith.constant 0 : i32
        %cond3A_248 = arith.cmpi ne, %convert_element_type3A_246, %cond3A_247 : i32
        scf.if %cond3A_248 {
          %dma_wait3A = arith.constant 1 : i32
          %dma_wait3A_273 = arith.constant 0 : i32
          %dma_wait3A_274 = tpu.memref_slice %arg13[%dma_wait3A, %dma_wait3A_273] : memref<8x128xi32, #tpu.memory_space<vmem>> -> memref<1x128xi32, #tpu.memory_space<vmem>>
          %dma_wait3A_275 = tpu.memref_squeeze %dma_wait3A_274 : memref<1x128xi32, #tpu.memory_space<vmem>> -> memref<128xi32, #tpu.memory_space<vmem>>
          %dma_wait3A_276 = arith.constant 0 : i32
          %dma_wait3A_277 = arith.constant 0 : i32
          %dma_wait3A_278 = tpu.memref_slice %arg6[%dma_wait3A_276, %dma_wait3A_277] : memref<10000x128xf32, #tpu.memory_space<hbm>> -> memref<10000x128xf32, #tpu.memory_space<hbm>>
          tpu.wait_indirect_dma semaphore(%arg16 : memref<!tpu.dma_semaphore, #tpu.memory_space<semaphore_mem>>) src(%dma_wait3A_278 : memref<10000x128xf32, #tpu.memory_space<hbm>>) dst(%arg11 : memref<128x128xf32, #tpu.memory_space<vmem>>)
          %run_scoped3A = arith.constant 5 : i32
          "tpu.region"() ({
            %run_scoped3A_279 = tpu.sem_alloc : memref<!tpu.dma_semaphore, #tpu.memory_space<semaphore_mem>>
            %dma_start3A = arith.constant 0 : i32
            %dma_start3A_280 = tpu.memref_slice %arg13[%run_scoped3A, %dma_start3A] : memref<8x128xi32, #tpu.memory_space<vmem>> -> memref<1x128xi32, #tpu.memory_space<vmem>>
            %dma_start3A_281 = tpu.memref_squeeze %dma_start3A_280 : memref<1x128xi32, #tpu.memory_space<vmem>> -> memref<128xi32, #tpu.memory_space<vmem>>
            %dma_start3A_282 = arith.constant 0 : i32
            %dma_start3A_283 = arith.constant 0 : i32
            %dma_start3A_284 = tpu.memref_slice %arg14[%dma_start3A_282, %dma_start3A_283] : memref<10000x128xf32, #tpu.memory_space<vmem_shared>> -> memref<10000x128xf32, #tpu.memory_space<vmem_shared>>
            tpu.enqueue_indirect_dma source(%arg11 : memref<128x128xf32, #tpu.memory_space<vmem>>) target(%dma_start3A_284 : memref<10000x128xf32, #tpu.memory_space<vmem_shared>>) offsets(%dma_start3A_281 : memref<128xi32, #tpu.memory_space<vmem>>) semaphore(%run_scoped3A_279 : memref<!tpu.dma_semaphore, #tpu.memory_space<semaphore_mem>>) {add = true}
            %dma_wait3A_285 = arith.constant 0 : i32
            %dma_wait3A_286 = tpu.memref_slice %arg13[%run_scoped3A, %dma_wait3A_285] : memref<8x128xi32, #tpu.memory_space<vmem>> -> memref<1x128xi32, #tpu.memory_space<vmem>>
            %dma_wait3A_287 = tpu.memref_squeeze %dma_wait3A_286 : memref<1x128xi32, #tpu.memory_space<vmem>> -> memref<128xi32, #tpu.memory_space<vmem>>
            %dma_wait3A_288 = arith.constant 0 : i32
            %dma_wait3A_289 = arith.constant 0 : i32
            %dma_wait3A_290 = tpu.memref_slice %arg14[%dma_wait3A_288, %dma_wait3A_289] : memref<10000x128xf32, #tpu.memory_space<vmem_shared>> -> memref<10000x128xf32, #tpu.memory_space<vmem_shared>>
            tpu.wait_indirect_dma semaphore(%run_scoped3A_279 : memref<!tpu.dma_semaphore, #tpu.memory_space<semaphore_mem>>) src(%arg11 : memref<128x128xf32, #tpu.memory_space<vmem>>) dst(%dma_wait3A_290 : memref<10000x128xf32, #tpu.memory_space<vmem_shared>>)
            tpu.yield
          }) : () -> ()
        } else {
        }
        %mul3A_249 = arith.constant 16 : i32
        %mul3A_250 = arith.muli %add3A_44, %mul3A_249 : i32
        %add3A_251 = arith.addi %mul3A_250, %arg1 : i32
        %mul3A_252 = arith.constant 4 : i32
        %mul3A_253 = arith.muli %mul3A_252, %add3A_251 : i32
        %add3A_254 = arith.constant 3 : i32
        %add3A_255 = arith.addi %mul3A_253, %add3A_254 : i32
        %lt3A_256 = arith.constant 2500 : i32
        %lt3A_257 = arith.cmpi slt, %add3A_255, %lt3A_256 : i32
        %convert_element_type3A_258 = arith.extui %lt3A_257 : i1 to i32
        %cond3A_259 = arith.constant 0 : i32
        %cond3A_260 = arith.cmpi ne, %convert_element_type3A_258, %cond3A_259 : i32
        scf.if %cond3A_260 {
          %dma_start3A = arith.constant 3 : i32
          %dma_start3A_273 = arith.constant 0 : i32
          %dma_start3A_274 = tpu.memref_slice %arg13[%dma_start3A, %dma_start3A_273] : memref<8x128xi32, #tpu.memory_space<vmem>> -> memref<1x128xi32, #tpu.memory_space<vmem>>
          %dma_start3A_275 = tpu.memref_squeeze %dma_start3A_274 : memref<1x128xi32, #tpu.memory_space<vmem>> -> memref<128xi32, #tpu.memory_space<vmem>>
          %dma_start3A_276 = arith.constant 0 : i32
          %dma_start3A_277 = arith.constant 0 : i32
          %dma_start3A_278 = tpu.memref_slice %arg6[%dma_start3A_276, %dma_start3A_277] : memref<10000x128xf32, #tpu.memory_space<hbm>> -> memref<10000x128xf32, #tpu.memory_space<hbm>>
          tpu.enqueue_indirect_dma source(%dma_start3A_278 : memref<10000x128xf32, #tpu.memory_space<hbm>>) target(%arg11 : memref<128x128xf32, #tpu.memory_space<vmem>>) offsets(%dma_start3A_275 : memref<128xi32, #tpu.memory_space<vmem>>) semaphore(%arg16 : memref<!tpu.dma_semaphore, #tpu.memory_space<semaphore_mem>>)
        } else {
        }
        %mul3A_261 = arith.constant 16 : i32
        %mul3A_262 = arith.muli %add3A_44, %mul3A_261 : i32
        %add3A_263 = arith.addi %mul3A_262, %arg1 : i32
        %mul3A_264 = arith.constant 4 : i32
        %mul3A_265 = arith.muli %mul3A_264, %add3A_263 : i32
        %add3A_266 = arith.constant 2 : i32
        %add3A_267 = arith.addi %mul3A_265, %add3A_266 : i32
        %lt3A_268 = arith.constant 2500 : i32
        %lt3A_269 = arith.cmpi slt, %add3A_267, %lt3A_268 : i32
        %convert_element_type3A_270 = arith.extui %lt3A_269 : i1 to i32
        %cond3A_271 = arith.constant 0 : i32
        %cond3A_272 = arith.cmpi ne, %convert_element_type3A_270, %cond3A_271 : i32
        scf.if %cond3A_272 {
          %dma_wait3A = arith.constant 2 : i32
          %dma_wait3A_273 = arith.constant 0 : i32
          %dma_wait3A_274 = tpu.memref_slice %arg13[%dma_wait3A, %dma_wait3A_273] : memref<8x128xi32, #tpu.memory_space<vmem>> -> memref<1x128xi32, #tpu.memory_space<vmem>>
          %dma_wait3A_275 = tpu.memref_squeeze %dma_wait3A_274 : memref<1x128xi32, #tpu.memory_space<vmem>> -> memref<128xi32, #tpu.memory_space<vmem>>
          %dma_wait3A_276 = arith.constant 0 : i32
          %dma_wait3A_277 = arith.constant 0 : i32
          %dma_wait3A_278 = tpu.memref_slice %arg6[%dma_wait3A_276, %dma_wait3A_277] : memref<10000x128xf32, #tpu.memory_space<hbm>> -> memref<10000x128xf32, #tpu.memory_space<hbm>>
          tpu.wait_indirect_dma semaphore(%arg15 : memref<!tpu.dma_semaphore, #tpu.memory_space<semaphore_mem>>) src(%dma_wait3A_278 : memref<10000x128xf32, #tpu.memory_space<hbm>>) dst(%arg10 : memref<128x128xf32, #tpu.memory_space<vmem>>)
          %run_scoped3A = arith.constant 6 : i32
          "tpu.region"() ({
            %run_scoped3A_279 = tpu.sem_alloc : memref<!tpu.dma_semaphore, #tpu.memory_space<semaphore_mem>>
            %dma_start3A = arith.constant 0 : i32
            %dma_start3A_280 = tpu.memref_slice %arg13[%run_scoped3A, %dma_start3A] : memref<8x128xi32, #tpu.memory_space<vmem>> -> memref<1x128xi32, #tpu.memory_space<vmem>>
            %dma_start3A_281 = tpu.memref_squeeze %dma_start3A_280 : memref<1x128xi32, #tpu.memory_space<vmem>> -> memref<128xi32, #tpu.memory_space<vmem>>
            %dma_start3A_282 = arith.constant 0 : i32
            %dma_start3A_283 = arith.constant 0 : i32
            %dma_start3A_284 = tpu.memref_slice %arg14[%dma_start3A_282, %dma_start3A_283] : memref<10000x128xf32, #tpu.memory_space<vmem_shared>> -> memref<10000x128xf32, #tpu.memory_space<vmem_shared>>
            tpu.enqueue_indirect_dma source(%arg10 : memref<128x128xf32, #tpu.memory_space<vmem>>) target(%dma_start3A_284 : memref<10000x128xf32, #tpu.memory_space<vmem_shared>>) offsets(%dma_start3A_281 : memref<128xi32, #tpu.memory_space<vmem>>) semaphore(%run_scoped3A_279 : memref<!tpu.dma_semaphore, #tpu.memory_space<semaphore_mem>>) {add = true}
            %dma_wait3A_285 = arith.constant 0 : i32
            %dma_wait3A_286 = tpu.memref_slice %arg13[%run_scoped3A, %dma_wait3A_285] : memref<8x128xi32, #tpu.memory_space<vmem>> -> memref<1x128xi32, #tpu.memory_space<vmem>>
            %dma_wait3A_287 = tpu.memref_squeeze %dma_wait3A_286 : memref<1x128xi32, #tpu.memory_space<vmem>> -> memref<128xi32, #tpu.memory_space<vmem>>
            %dma_wait3A_288 = arith.constant 0 : i32
            %dma_wait3A_289 = arith.constant 0 : i32
            %dma_wait3A_290 = tpu.memref_slice %arg14[%dma_wait3A_288, %dma_wait3A_289] : memref<10000x128xf32, #tpu.memory_space<vmem_shared>> -> memref<10000x128xf32, #tpu.memory_space<vmem_shared>>
            tpu.wait_indirect_dma semaphore(%run_scoped3A_279 : memref<!tpu.dma_semaphore, #tpu.memory_space<semaphore_mem>>) src(%arg10 : memref<128x128xf32, #tpu.memory_space<vmem>>) dst(%dma_wait3A_290 : memref<10000x128xf32, #tpu.memory_space<vmem_shared>>)
            tpu.yield
          }) : () -> ()
        } else {
        }
      }
      %scan3A_22 = arith.constant 20 : i32
      %add3A_23 = arith.constant 624 : i32
      %add3A_24 = arith.addi %add3A_23, %arg1 : i32
      %mul3A = arith.constant 4 : i32
      %mul3A_25 = arith.muli %mul3A, %add3A_24 : i32
      %add3A_26 = arith.constant 3 : i32
      %add3A_27 = arith.addi %mul3A_25, %add3A_26 : i32
      %lt3A_28 = arith.constant 2500 : i32
      %lt3A_29 = arith.cmpi slt, %add3A_27, %lt3A_28 : i32
      %convert_element_type3A_30 = arith.extui %lt3A_29 : i1 to i32
      %cond3A_31 = arith.constant 0 : i32
      %cond3A_32 = arith.cmpi ne, %convert_element_type3A_30, %cond3A_31 : i32
      scf.if %cond3A_32 {
        %dma_wait3A = arith.constant 3 : i32
        %dma_wait3A_40 = arith.constant 0 : i32
        %dma_wait3A_41 = tpu.memref_slice %arg13[%dma_wait3A, %dma_wait3A_40] : memref<8x128xi32, #tpu.memory_space<vmem>> -> memref<1x128xi32, #tpu.memory_space<vmem>>
        %dma_wait3A_42 = tpu.memref_squeeze %dma_wait3A_41 : memref<1x128xi32, #tpu.memory_space<vmem>> -> memref<128xi32, #tpu.memory_space<vmem>>
        %dma_wait3A_43 = arith.constant 0 : i32
        %dma_wait3A_44 = arith.constant 0 : i32
        %dma_wait3A_45 = tpu.memref_slice %arg6[%dma_wait3A_43, %dma_wait3A_44] : memref<10000x128xf32, #tpu.memory_space<hbm>> -> memref<10000x128xf32, #tpu.memory_space<hbm>>
        tpu.wait_indirect_dma semaphore(%arg16 : memref<!tpu.dma_semaphore, #tpu.memory_space<semaphore_mem>>) src(%dma_wait3A_45 : memref<10000x128xf32, #tpu.memory_space<hbm>>) dst(%arg11 : memref<128x128xf32, #tpu.memory_space<vmem>>)
        %run_scoped3A = arith.constant 7 : i32
        "tpu.region"() ({
          %run_scoped3A_46 = tpu.sem_alloc : memref<!tpu.dma_semaphore, #tpu.memory_space<semaphore_mem>>
          %dma_start3A = arith.constant 0 : i32
          %dma_start3A_47 = tpu.memref_slice %arg13[%run_scoped3A, %dma_start3A] : memref<8x128xi32, #tpu.memory_space<vmem>> -> memref<1x128xi32, #tpu.memory_space<vmem>>
          %dma_start3A_48 = tpu.memref_squeeze %dma_start3A_47 : memref<1x128xi32, #tpu.memory_space<vmem>> -> memref<128xi32, #tpu.memory_space<vmem>>
          %dma_start3A_49 = arith.constant 0 : i32
          %dma_start3A_50 = arith.constant 0 : i32
          %dma_start3A_51 = tpu.memref_slice %arg14[%dma_start3A_49, %dma_start3A_50] : memref<10000x128xf32, #tpu.memory_space<vmem_shared>> -> memref<10000x128xf32, #tpu.memory_space<vmem_shared>>
          tpu.enqueue_indirect_dma source(%arg11 : memref<128x128xf32, #tpu.memory_space<vmem>>) target(%dma_start3A_51 : memref<10000x128xf32, #tpu.memory_space<vmem_shared>>) offsets(%dma_start3A_48 : memref<128xi32, #tpu.memory_space<vmem>>) semaphore(%run_scoped3A_46 : memref<!tpu.dma_semaphore, #tpu.memory_space<semaphore_mem>>) {add = true}
          %dma_wait3A_52 = arith.constant 0 : i32
          %dma_wait3A_53 = tpu.memref_slice %arg13[%run_scoped3A, %dma_wait3A_52] : memref<8x128xi32, #tpu.memory_space<vmem>> -> memref<1x128xi32, #tpu.memory_space<vmem>>
          %dma_wait3A_54 = tpu.memref_squeeze %dma_wait3A_53 : memref<1x128xi32, #tpu.memory_space<vmem>> -> memref<128xi32, #tpu.memory_space<vmem>>
          %dma_wait3A_55 = arith.constant 0 : i32
          %dma_wait3A_56 = arith.constant 0 : i32
          %dma_wait3A_57 = tpu.memref_slice %arg14[%dma_wait3A_55, %dma_wait3A_56] : memref<10000x128xf32, #tpu.memory_space<vmem_shared>> -> memref<10000x128xf32, #tpu.memory_space<vmem_shared>>
          tpu.wait_indirect_dma semaphore(%run_scoped3A_46 : memref<!tpu.dma_semaphore, #tpu.memory_space<semaphore_mem>>) src(%arg11 : memref<128x128xf32, #tpu.memory_space<vmem>>) dst(%dma_wait3A_57 : memref<10000x128xf32, #tpu.memory_space<vmem_shared>>)
          tpu.yield
        }) : () -> ()
      } else {
      }
      %barrier3A_33 = arith.constant 0 : index
      tpu.barrier barrier_id(%barrier3A_33)
      %scan3A_34 = arith.constant 0 : i32
      %scan3A_35 = arith.constant 0 : i32
      %scan3A_36 = arith.constant 2 : i32
      %scan3A_37 = arith.addi %scan3A_35, %scan3A_36 : i32
      %scan3A_38 = arith.constant 1 : i32
      scf.for %scan3A_40 = %scan3A_35 to %scan3A_37 step %scan3A_38  : i32 {
        %mul3A_41 = arith.constant 16 : i32
        %mul3A_42 = arith.muli %scan3A_40, %mul3A_41 : i32
        %add3A_43 = arith.addi %mul3A_42, %arg1 : i32
        %lt3A_44 = arith.constant 25 : i32
        %lt3A_45 = arith.cmpi slt, %add3A_43, %lt3A_44 : i32
        %convert_element_type3A_46 = arith.extui %lt3A_45 : i1 to i32
        %cond3A_47 = arith.constant 0 : i32
        %cond3A_48 = arith.cmpi ne, %convert_element_type3A_46, %cond3A_47 : i32
        scf.if %cond3A_48 {
          %mul3A_49 = arith.constant 400 : i32
          %mul3A_50 = arith.muli %add3A_43, %mul3A_49 : i32
          "tpu.region"() ({
            %run_scoped3A = tpu.sem_alloc : memref<!tpu.dma_semaphore, #tpu.memory_space<semaphore_mem>>
            %dma_start3A = arith.constant 0 : i32
            %dma_start3A_51 = tpu.memref_slice %arg9[%mul3A_50, %dma_start3A] : memref<10000x128xf32, #tpu.memory_space<hbm>> -> memref<400x128xf32, #tpu.memory_space<hbm>>
            %dma_start3A_52 = arith.constant 0 : i32
            %dma_start3A_53 = tpu.memref_slice %arg14[%mul3A_50, %dma_start3A_52] : memref<10000x128xf32, #tpu.memory_space<vmem_shared>> -> memref<400x128xf32, #tpu.memory_space<vmem_shared>>
            tpu.enqueue_dma source(%dma_start3A_53 : memref<400x128xf32, #tpu.memory_space<vmem_shared>>) target(%dma_start3A_51 : memref<400x128xf32, #tpu.memory_space<hbm>>) target_semaphore(%run_scoped3A : memref<!tpu.dma_semaphore, #tpu.memory_space<semaphore_mem>>)
            %dma_wait3A = arith.constant 0 : i32
            %dma_wait3A_54 = tpu.memref_slice %arg9[%mul3A_50, %dma_wait3A] : memref<10000x128xf32, #tpu.memory_space<hbm>> -> memref<400x128xf32, #tpu.memory_space<hbm>>
            %dma_wait3A_55 = arith.constant 0 : i32
            %dma_wait3A_56 = tpu.memref_slice %arg14[%mul3A_50, %dma_wait3A_55] : memref<10000x128xf32, #tpu.memory_space<vmem_shared>> -> memref<400x128xf32, #tpu.memory_space<vmem_shared>>
            tpu.wait_dma2 semaphore(%run_scoped3A : memref<!tpu.dma_semaphore, #tpu.memory_space<semaphore_mem>>) src(%dma_wait3A_56 : memref<400x128xf32, #tpu.memory_space<vmem_shared>>) dst(%dma_wait3A_54 : memref<400x128xf32, #tpu.memory_space<hbm>>)
            tpu.yield
          }) : () -> ()
        } else {
        }
      }
      %scan3A_39 = arith.constant 2 : i32
    } else {
    }
    return
  }
}

#map = affine_map<(d0, d1) -> (0, 0, 0)>
#map1 = affine_map<(d0, d1) -> (0, 0)>
module attributes {stable_mosaic.version = 14 : i64} {
  func.func @_seg_pair_body(%arg0: i32, %arg1: i32, %arg2: memref<625x8x128xi32, #tpu.memory_space<hbm>>, %arg3: memref<10000x128xf32, #tpu.memory_space<hbm>>, %arg4: memref<10000x128xf32, #tpu.memory_space<hbm>>, %arg5: memref<625x8x128xi32, #tpu.memory_space<hbm>>, %arg6: memref<10000x128xf32, #tpu.memory_space<hbm>>, %arg7: memref<10000x128xf32, #tpu.memory_space<hbm>>, %arg8: memref<10000x128xf32, #tpu.memory_space<hbm>>, %arg9: memref<10000x128xf32, #tpu.memory_space<hbm>>, %arg10: memref<128x128xf32, #tpu.memory_space<vmem>>, %arg11: memref<128x128xf32, #tpu.memory_space<vmem>>, %arg12: memref<8x128xi32, #tpu.memory_space<vmem>>, %arg13: memref<8x128xi32, #tpu.memory_space<vmem>>, %arg14: memref<10000x128xf32, #tpu.memory_space<vmem_shared>>, %arg15: memref<!tpu.dma_semaphore, #tpu.memory_space<semaphore_mem>>, %arg16: memref<!tpu.dma_semaphore, #tpu.memory_space<semaphore_mem>>, %arg17: memref<!tpu.dma_semaphore, #tpu.memory_space<semaphore_mem>>, %arg18: memref<!tpu.dma_semaphore, #tpu.memory_space<semaphore_mem>>) attributes {dimension_semantics = [#tpu.dimension_semantics<core_parallel>, #tpu.dimension_semantics<subcore_parallel>], iteration_bounds = array<i64: 2, 16>, scalar_prefetch = 0 : i64, scratch_operands = 9 : i64, tpu.core_type = #tpu.core_type<sc_vector_subcore>, window_params = [{transform_indices = #map}, {transform_indices = #map1}, {transform_indices = #map1}, {transform_indices = #map}, {transform_indices = #map1}, {transform_indices = #map1}, {transform_indices = #map1}, {transform_indices = #map1}]} {
    %eq3A = arith.constant 0 : i32
    %eq3A_0 = arith.cmpi eq, %arg0, %eq3A : i32
    %convert_element_type3A = arith.extui %eq3A_0 : i1 to i32
    %cond3A = arith.constant 0 : i32
    %cond3A_1 = arith.cmpi ne, %convert_element_type3A, %cond3A : i32
    scf.if %cond3A_1 {
      %add3A = arith.constant 0 : i32
      %add3A_7 = arith.addi %add3A, %arg1 : i32
      %lt3A = arith.constant 625 : i32
      %lt3A_8 = arith.cmpi slt, %add3A_7, %lt3A : i32
      %convert_element_type3A_9 = arith.extui %lt3A_8 : i1 to i32
      %cond3A_10 = arith.constant 0 : i32
      %cond3A_11 = arith.cmpi ne, %convert_element_type3A_9, %cond3A_10 : i32
      scf.if %cond3A_11 {
        %dma_start3A = arith.constant 0 : i32
        %dma_start3A_40 = arith.constant 0 : i32
        %dma_start3A_41 = tpu.memref_slice %arg2[%add3A_7, %dma_start3A, %dma_start3A_40] : memref<625x8x128xi32, #tpu.memory_space<hbm>> -> memref<1x8x128xi32, #tpu.memory_space<hbm>>
        %dma_start3A_42 = tpu.memref_squeeze %dma_start3A_41 : memref<1x8x128xi32, #tpu.memory_space<hbm>> -> memref<8x128xi32, #tpu.memory_space<hbm>>
        %dma_start3A_43 = arith.constant 0 : i32
        %dma_start3A_44 = arith.constant 0 : i32
        %dma_start3A_45 = tpu.memref_slice %arg2[%add3A_7, %dma_start3A_43, %dma_start3A_44] : memref<625x8x128xi32, #tpu.memory_space<hbm>> -> memref<1x8x128xi32, #tpu.memory_space<hbm>>
        %dma_start3A_46 = tpu.memref_squeeze %dma_start3A_45 : memref<1x8x128xi32, #tpu.memory_space<hbm>> -> memref<8x128xi32, #tpu.memory_space<hbm>>
        tpu.enqueue_dma source(%dma_start3A_46 : memref<8x128xi32, #tpu.memory_space<hbm>>) target(%arg12 : memref<8x128xi32, #tpu.memory_space<vmem>>) target_semaphore(%arg17 : memref<!tpu.dma_semaphore, #tpu.memory_space<semaphore_mem>>)
      } else {
      }
      %scan3A = arith.constant 0 : i32
      %scan3A_12 = arith.constant 0 : i32
      %scan3A_13 = arith.constant 2 : i32
      %scan3A_14 = arith.addi %scan3A_12, %scan3A_13 : i32
      %scan3A_15 = arith.constant 1 : i32
      scf.for %scan3A_40 = %scan3A_12 to %scan3A_14 step %scan3A_15  : i32 {
        %mul3A_41 = arith.constant 16 : i32
        %mul3A_42 = arith.muli %scan3A_40, %mul3A_41 : i32
        %add3A_43 = arith.addi %mul3A_42, %arg1 : i32
        %lt3A_44 = arith.constant 25 : i32
        %lt3A_45 = arith.cmpi slt, %add3A_43, %lt3A_44 : i32
        %convert_element_type3A_46 = arith.extui %lt3A_45 : i1 to i32
        %cond3A_47 = arith.constant 0 : i32
        %cond3A_48 = arith.cmpi ne, %convert_element_type3A_46, %cond3A_47 : i32
        scf.if %cond3A_48 {
          %mul3A_49 = arith.constant 400 : i32
          %mul3A_50 = arith.muli %add3A_43, %mul3A_49 : i32
          "tpu.region"() ({
            %run_scoped3A = tpu.sem_alloc : memref<!tpu.dma_semaphore, #tpu.memory_space<semaphore_mem>>
            %dma_start3A = arith.constant 0 : i32
            %dma_start3A_51 = tpu.memref_slice %arg14[%mul3A_50, %dma_start3A] : memref<10000x128xf32, #tpu.memory_space<vmem_shared>> -> memref<400x128xf32, #tpu.memory_space<vmem_shared>>
            %dma_start3A_52 = arith.constant 0 : i32
            %dma_start3A_53 = tpu.memref_slice %arg4[%mul3A_50, %dma_start3A_52] : memref<10000x128xf32, #tpu.memory_space<hbm>> -> memref<400x128xf32, #tpu.memory_space<hbm>>
            tpu.enqueue_dma source(%dma_start3A_53 : memref<400x128xf32, #tpu.memory_space<hbm>>) target(%dma_start3A_51 : memref<400x128xf32, #tpu.memory_space<vmem_shared>>) target_semaphore(%run_scoped3A : memref<!tpu.dma_semaphore, #tpu.memory_space<semaphore_mem>>)
            %dma_wait3A = arith.constant 0 : i32
            %dma_wait3A_54 = tpu.memref_slice %arg14[%mul3A_50, %dma_wait3A] : memref<10000x128xf32, #tpu.memory_space<vmem_shared>> -> memref<400x128xf32, #tpu.memory_space<vmem_shared>>
            %dma_wait3A_55 = arith.constant 0 : i32
            %dma_wait3A_56 = tpu.memref_slice %arg4[%mul3A_50, %dma_wait3A_55] : memref<10000x128xf32, #tpu.memory_space<hbm>> -> memref<400x128xf32, #tpu.memory_space<hbm>>
            tpu.wait_dma2 semaphore(%run_scoped3A : memref<!tpu.dma_semaphore, #tpu.memory_space<semaphore_mem>>) src(%dma_wait3A_56 : memref<400x128xf32, #tpu.memory_space<hbm>>) dst(%dma_wait3A_54 : memref<400x128xf32, #tpu.memory_space<vmem_shared>>)
            tpu.yield
          }) : () -> ()
        } else {
        }
      }
      %scan3A_16 = arith.constant 2 : i32
      %barrier3A = arith.constant 0 : index
      tpu.barrier barrier_id(%barrier3A)
      %scan3A_17 = arith.constant 0 : i32
      %scan3A_18 = arith.constant 0 : i32
      %scan3A_19 = arith.constant 20 : i32
      %scan3A_20 = arith.addi %scan3A_18, %scan3A_19 : i32
      %scan3A_21 = arith.constant 1 : i32
      scf.for %scan3A_40 = %scan3A_18 to %scan3A_20 step %scan3A_21  : i32 {
        %mul3A_41 = arith.constant 2 : i32
        %mul3A_42 = arith.muli %mul3A_41, %scan3A_40 : i32
        %add3A_43 = arith.constant 1 : i32
        %add3A_44 = arith.addi %mul3A_42, %add3A_43 : i32
        %mul3A_45 = arith.constant 16 : i32
        %mul3A_46 = arith.muli %mul3A_42, %mul3A_45 : i32
        %add3A_47 = arith.addi %mul3A_46, %arg1 : i32
        %lt3A_48 = arith.constant 625 : i32
        %lt3A_49 = arith.cmpi slt, %add3A_47, %lt3A_48 : i32
        %convert_element_type3A_50 = arith.extui %lt3A_49 : i1 to i32
        %cond3A_51 = arith.constant 0 : i32
        %cond3A_52 = arith.cmpi ne, %convert_element_type3A_50, %cond3A_51 : i32
        scf.if %cond3A_52 {
          %dma_wait3A = arith.constant 0 : i32
          %dma_wait3A_273 = arith.constant 0 : i32
          %dma_wait3A_274 = tpu.memref_slice %arg2[%add3A_47, %dma_wait3A, %dma_wait3A_273] : memref<625x8x128xi32, #tpu.memory_space<hbm>> -> memref<1x8x128xi32, #tpu.memory_space<hbm>>
          %dma_wait3A_275 = tpu.memref_squeeze %dma_wait3A_274 : memref<1x8x128xi32, #tpu.memory_space<hbm>> -> memref<8x128xi32, #tpu.memory_space<hbm>>
          %dma_wait3A_276 = arith.constant 0 : i32
          %dma_wait3A_277 = arith.constant 0 : i32
          %dma_wait3A_278 = tpu.memref_slice %arg2[%add3A_47, %dma_wait3A_276, %dma_wait3A_277] : memref<625x8x128xi32, #tpu.memory_space<hbm>> -> memref<1x8x128xi32, #tpu.memory_space<hbm>>
          %dma_wait3A_279 = tpu.memref_squeeze %dma_wait3A_278 : memref<1x8x128xi32, #tpu.memory_space<hbm>> -> memref<8x128xi32, #tpu.memory_space<hbm>>
          tpu.wait_dma2 semaphore(%arg17 : memref<!tpu.dma_semaphore, #tpu.memory_space<semaphore_mem>>) src(%dma_wait3A_279 : memref<8x128xi32, #tpu.memory_space<hbm>>) dst(%arg12 : memref<8x128xi32, #tpu.memory_space<vmem>>)
        } else {
        }
        %mul3A_53 = arith.constant 16 : i32
        %mul3A_54 = arith.muli %mul3A_42, %mul3A_53 : i32
        %add3A_55 = arith.addi %mul3A_54, %arg1 : i32
        %mul3A_56 = arith.constant 4 : i32
        %mul3A_57 = arith.muli %mul3A_56, %add3A_55 : i32
        %add3A_58 = arith.constant 0 : i32
        %add3A_59 = arith.addi %mul3A_57, %add3A_58 : i32
        %lt3A_60 = arith.constant 2500 : i32
        %lt3A_61 = arith.cmpi slt, %add3A_59, %lt3A_60 : i32
        %convert_element_type3A_62 = arith.extui %lt3A_61 : i1 to i32
        %cond3A_63 = arith.constant 0 : i32
        %cond3A_64 = arith.cmpi ne, %convert_element_type3A_62, %cond3A_63 : i32
        scf.if %cond3A_64 {
          %dma_start3A = arith.constant 0 : i32
          %dma_start3A_273 = arith.constant 0 : i32
          %dma_start3A_274 = tpu.memref_slice %arg12[%dma_start3A, %dma_start3A_273] : memref<8x128xi32, #tpu.memory_space<vmem>> -> memref<1x128xi32, #tpu.memory_space<vmem>>
          %dma_start3A_275 = tpu.memref_squeeze %dma_start3A_274 : memref<1x128xi32, #tpu.memory_space<vmem>> -> memref<128xi32, #tpu.memory_space<vmem>>
          %dma_start3A_276 = arith.constant 0 : i32
          %dma_start3A_277 = arith.constant 0 : i32
          %dma_start3A_278 = tpu.memref_slice %arg3[%dma_start3A_276, %dma_start3A_277] : memref<10000x128xf32, #tpu.memory_space<hbm>> -> memref<10000x128xf32, #tpu.memory_space<hbm>>
          tpu.enqueue_indirect_dma source(%dma_start3A_278 : memref<10000x128xf32, #tpu.memory_space<hbm>>) target(%arg10 : memref<128x128xf32, #tpu.memory_space<vmem>>) offsets(%dma_start3A_275 : memref<128xi32, #tpu.memory_space<vmem>>) semaphore(%arg15 : memref<!tpu.dma_semaphore, #tpu.memory_space<semaphore_mem>>)
        } else {
        }
        %sub3A = arith.constant 2 : i32
        %sub3A_65 = arith.subi %add3A_44, %sub3A : i32
        %mul3A_66 = arith.constant 16 : i32
        %mul3A_67 = arith.muli %sub3A_65, %mul3A_66 : i32
        %add3A_68 = arith.addi %mul3A_67, %arg1 : i32
        %mul3A_69 = arith.constant 4 : i32
        %mul3A_70 = arith.muli %mul3A_69, %add3A_68 : i32
        %add3A_71 = arith.constant 3 : i32
        %add3A_72 = arith.addi %mul3A_70, %add3A_71 : i32
        %ge3A = arith.constant 0 : i32
        %ge3A_73 = arith.cmpi sge, %add3A_72, %ge3A : i32
        %lt3A_74 = arith.constant 2500 : i32
        %lt3A_75 = arith.cmpi slt, %add3A_72, %lt3A_74 : i32
        %and3A = arith.andi %ge3A_73, %lt3A_75 : i1
        %convert_element_type3A_76 = arith.extui %and3A : i1 to i32
        %cond3A_77 = arith.constant 0 : i32
        %cond3A_78 = arith.cmpi ne, %convert_element_type3A_76, %cond3A_77 : i32
        scf.if %cond3A_78 {
          %dma_wait3A = arith.constant 3 : i32
          %dma_wait3A_273 = arith.constant 0 : i32
          %dma_wait3A_274 = tpu.memref_slice %arg13[%dma_wait3A, %dma_wait3A_273] : memref<8x128xi32, #tpu.memory_space<vmem>> -> memref<1x128xi32, #tpu.memory_space<vmem>>
          %dma_wait3A_275 = tpu.memref_squeeze %dma_wait3A_274 : memref<1x128xi32, #tpu.memory_space<vmem>> -> memref<128xi32, #tpu.memory_space<vmem>>
          %dma_wait3A_276 = arith.constant 0 : i32
          %dma_wait3A_277 = arith.constant 0 : i32
          %dma_wait3A_278 = tpu.memref_slice %arg3[%dma_wait3A_276, %dma_wait3A_277] : memref<10000x128xf32, #tpu.memory_space<hbm>> -> memref<10000x128xf32, #tpu.memory_space<hbm>>
          tpu.wait_indirect_dma semaphore(%arg16 : memref<!tpu.dma_semaphore, #tpu.memory_space<semaphore_mem>>) src(%dma_wait3A_278 : memref<10000x128xf32, #tpu.memory_space<hbm>>) dst(%arg11 : memref<128x128xf32, #tpu.memory_space<vmem>>)
          %run_scoped3A = arith.constant 7 : i32
          "tpu.region"() ({
            %run_scoped3A_279 = tpu.sem_alloc : memref<!tpu.dma_semaphore, #tpu.memory_space<semaphore_mem>>
            %dma_start3A = arith.constant 0 : i32
            %dma_start3A_280 = tpu.memref_slice %arg13[%run_scoped3A, %dma_start3A] : memref<8x128xi32, #tpu.memory_space<vmem>> -> memref<1x128xi32, #tpu.memory_space<vmem>>
            %dma_start3A_281 = tpu.memref_squeeze %dma_start3A_280 : memref<1x128xi32, #tpu.memory_space<vmem>> -> memref<128xi32, #tpu.memory_space<vmem>>
            %dma_start3A_282 = arith.constant 0 : i32
            %dma_start3A_283 = arith.constant 0 : i32
            %dma_start3A_284 = tpu.memref_slice %arg14[%dma_start3A_282, %dma_start3A_283] : memref<10000x128xf32, #tpu.memory_space<vmem_shared>> -> memref<10000x128xf32, #tpu.memory_space<vmem_shared>>
            tpu.enqueue_indirect_dma source(%arg11 : memref<128x128xf32, #tpu.memory_space<vmem>>) target(%dma_start3A_284 : memref<10000x128xf32, #tpu.memory_space<vmem_shared>>) offsets(%dma_start3A_281 : memref<128xi32, #tpu.memory_space<vmem>>) semaphore(%run_scoped3A_279 : memref<!tpu.dma_semaphore, #tpu.memory_space<semaphore_mem>>) {add = true}
            %dma_wait3A_285 = arith.constant 0 : i32
            %dma_wait3A_286 = tpu.memref_slice %arg13[%run_scoped3A, %dma_wait3A_285] : memref<8x128xi32, #tpu.memory_space<vmem>> -> memref<1x128xi32, #tpu.memory_space<vmem>>
            %dma_wait3A_287 = tpu.memref_squeeze %dma_wait3A_286 : memref<1x128xi32, #tpu.memory_space<vmem>> -> memref<128xi32, #tpu.memory_space<vmem>>
            %dma_wait3A_288 = arith.constant 0 : i32
            %dma_wait3A_289 = arith.constant 0 : i32
            %dma_wait3A_290 = tpu.memref_slice %arg14[%dma_wait3A_288, %dma_wait3A_289] : memref<10000x128xf32, #tpu.memory_space<vmem_shared>> -> memref<10000x128xf32, #tpu.memory_space<vmem_shared>>
            tpu.wait_indirect_dma semaphore(%run_scoped3A_279 : memref<!tpu.dma_semaphore, #tpu.memory_space<semaphore_mem>>) src(%arg11 : memref<128x128xf32, #tpu.memory_space<vmem>>) dst(%dma_wait3A_290 : memref<10000x128xf32, #tpu.memory_space<vmem_shared>>)
            tpu.yield
          }) : () -> ()
        } else {
        }
        %mul3A_79 = arith.constant 16 : i32
        %mul3A_80 = arith.muli %add3A_44, %mul3A_79 : i32
        %add3A_81 = arith.addi %mul3A_80, %arg1 : i32
        %lt3A_82 = arith.constant 625 : i32
        %lt3A_83 = arith.cmpi slt, %add3A_81, %lt3A_82 : i32
        %convert_element_type3A_84 = arith.extui %lt3A_83 : i1 to i32
        %cond3A_85 = arith.constant 0 : i32
        %cond3A_86 = arith.cmpi ne, %convert_element_type3A_84, %cond3A_85 : i32
        scf.if %cond3A_86 {
          %dma_start3A = arith.constant 0 : i32
          %dma_start3A_273 = arith.constant 0 : i32
          %dma_start3A_274 = tpu.memref_slice %arg2[%add3A_81, %dma_start3A, %dma_start3A_273] : memref<625x8x128xi32, #tpu.memory_space<hbm>> -> memref<1x8x128xi32, #tpu.memory_space<hbm>>
          %dma_start3A_275 = tpu.memref_squeeze %dma_start3A_274 : memref<1x8x128xi32, #tpu.memory_space<hbm>> -> memref<8x128xi32, #tpu.memory_space<hbm>>
          %dma_start3A_276 = arith.constant 0 : i32
          %dma_start3A_277 = arith.constant 0 : i32
          %dma_start3A_278 = tpu.memref_slice %arg2[%add3A_81, %dma_start3A_276, %dma_start3A_277] : memref<625x8x128xi32, #tpu.memory_space<hbm>> -> memref<1x8x128xi32, #tpu.memory_space<hbm>>
          %dma_start3A_279 = tpu.memref_squeeze %dma_start3A_278 : memref<1x8x128xi32, #tpu.memory_space<hbm>> -> memref<8x128xi32, #tpu.memory_space<hbm>>
          tpu.enqueue_dma source(%dma_start3A_279 : memref<8x128xi32, #tpu.memory_space<hbm>>) target(%arg13 : memref<8x128xi32, #tpu.memory_space<vmem>>) target_semaphore(%arg18 : memref<!tpu.dma_semaphore, #tpu.memory_space<semaphore_mem>>)
        } else {
        }
        %mul3A_87 = arith.constant 16 : i32
        %mul3A_88 = arith.muli %mul3A_42, %mul3A_87 : i32
        %add3A_89 = arith.addi %mul3A_88, %arg1 : i32
        %mul3A_90 = arith.constant 4 : i32
        %mul3A_91 = arith.muli %mul3A_90, %add3A_89 : i32
        %add3A_92 = arith.constant 1 : i32
        %add3A_93 = arith.addi %mul3A_91, %add3A_92 : i32
        %lt3A_94 = arith.constant 2500 : i32
        %lt3A_95 = arith.cmpi slt, %add3A_93, %lt3A_94 : i32
        %convert_element_type3A_96 = arith.extui %lt3A_95 : i1 to i32
        %cond3A_97 = arith.constant 0 : i32
        %cond3A_98 = arith.cmpi ne, %convert_element_type3A_96, %cond3A_97 : i32
        scf.if %cond3A_98 {
          %dma_start3A = arith.constant 1 : i32
          %dma_start3A_273 = arith.constant 0 : i32
          %dma_start3A_274 = tpu.memref_slice %arg12[%dma_start3A, %dma_start3A_273] : memref<8x128xi32, #tpu.memory_space<vmem>> -> memref<1x128xi32, #tpu.memory_space<vmem>>
          %dma_start3A_275 = tpu.memref_squeeze %dma_start3A_274 : memref<1x128xi32, #tpu.memory_space<vmem>> -> memref<128xi32, #tpu.memory_space<vmem>>
          %dma_start3A_276 = arith.constant 0 : i32
          %dma_start3A_277 = arith.constant 0 : i32
          %dma_start3A_278 = tpu.memref_slice %arg3[%dma_start3A_276, %dma_start3A_277] : memref<10000x128xf32, #tpu.memory_space<hbm>> -> memref<10000x128xf32, #tpu.memory_space<hbm>>
          tpu.enqueue_indirect_dma source(%dma_start3A_278 : memref<10000x128xf32, #tpu.memory_space<hbm>>) target(%arg11 : memref<128x128xf32, #tpu.memory_space<vmem>>) offsets(%dma_start3A_275 : memref<128xi32, #tpu.memory_space<vmem>>) semaphore(%arg16 : memref<!tpu.dma_semaphore, #tpu.memory_space<semaphore_mem>>)
        } else {
        }
        %mul3A_99 = arith.constant 16 : i32
        %mul3A_100 = arith.muli %mul3A_42, %mul3A_99 : i32
        %add3A_101 = arith.addi %mul3A_100, %arg1 : i32
        %mul3A_102 = arith.constant 4 : i32
        %mul3A_103 = arith.muli %mul3A_102, %add3A_101 : i32
        %add3A_104 = arith.constant 0 : i32
        %add3A_105 = arith.addi %mul3A_103, %add3A_104 : i32
        %lt3A_106 = arith.constant 2500 : i32
        %lt3A_107 = arith.cmpi slt, %add3A_105, %lt3A_106 : i32
        %convert_element_type3A_108 = arith.extui %lt3A_107 : i1 to i32
        %cond3A_109 = arith.constant 0 : i32
        %cond3A_110 = arith.cmpi ne, %convert_element_type3A_108, %cond3A_109 : i32
        scf.if %cond3A_110 {
          %dma_wait3A = arith.constant 0 : i32
          %dma_wait3A_273 = arith.constant 0 : i32
          %dma_wait3A_274 = tpu.memref_slice %arg12[%dma_wait3A, %dma_wait3A_273] : memref<8x128xi32, #tpu.memory_space<vmem>> -> memref<1x128xi32, #tpu.memory_space<vmem>>
          %dma_wait3A_275 = tpu.memref_squeeze %dma_wait3A_274 : memref<1x128xi32, #tpu.memory_space<vmem>> -> memref<128xi32, #tpu.memory_space<vmem>>
          %dma_wait3A_276 = arith.constant 0 : i32
          %dma_wait3A_277 = arith.constant 0 : i32
          %dma_wait3A_278 = tpu.memref_slice %arg3[%dma_wait3A_276, %dma_wait3A_277] : memref<10000x128xf32, #tpu.memory_space<hbm>> -> memref<10000x128xf32, #tpu.memory_space<hbm>>
          tpu.wait_indirect_dma semaphore(%arg15 : memref<!tpu.dma_semaphore, #tpu.memory_space<semaphore_mem>>) src(%dma_wait3A_278 : memref<10000x128xf32, #tpu.memory_space<hbm>>) dst(%arg10 : memref<128x128xf32, #tpu.memory_space<vmem>>)
          %run_scoped3A = arith.constant 4 : i32
          "tpu.region"() ({
            %run_scoped3A_279 = tpu.sem_alloc : memref<!tpu.dma_semaphore, #tpu.memory_space<semaphore_mem>>
            %dma_start3A = arith.constant 0 : i32
            %dma_start3A_280 = tpu.memref_slice %arg12[%run_scoped3A, %dma_start3A] : memref<8x128xi32, #tpu.memory_space<vmem>> -> memref<1x128xi32, #tpu.memory_space<vmem>>
            %dma_start3A_281 = tpu.memref_squeeze %dma_start3A_280 : memref<1x128xi32, #tpu.memory_space<vmem>> -> memref<128xi32, #tpu.memory_space<vmem>>
            %dma_start3A_282 = arith.constant 0 : i32
            %dma_start3A_283 = arith.constant 0 : i32
            %dma_start3A_284 = tpu.memref_slice %arg14[%dma_start3A_282, %dma_start3A_283] : memref<10000x128xf32, #tpu.memory_space<vmem_shared>> -> memref<10000x128xf32, #tpu.memory_space<vmem_shared>>
            tpu.enqueue_indirect_dma source(%arg10 : memref<128x128xf32, #tpu.memory_space<vmem>>) target(%dma_start3A_284 : memref<10000x128xf32, #tpu.memory_space<vmem_shared>>) offsets(%dma_start3A_281 : memref<128xi32, #tpu.memory_space<vmem>>) semaphore(%run_scoped3A_279 : memref<!tpu.dma_semaphore, #tpu.memory_space<semaphore_mem>>) {add = true}
            %dma_wait3A_285 = arith.constant 0 : i32
            %dma_wait3A_286 = tpu.memref_slice %arg12[%run_scoped3A, %dma_wait3A_285] : memref<8x128xi32, #tpu.memory_space<vmem>> -> memref<1x128xi32, #tpu.memory_space<vmem>>
            %dma_wait3A_287 = tpu.memref_squeeze %dma_wait3A_286 : memref<1x128xi32, #tpu.memory_space<vmem>> -> memref<128xi32, #tpu.memory_space<vmem>>
            %dma_wait3A_288 = arith.constant 0 : i32
            %dma_wait3A_289 = arith.constant 0 : i32
            %dma_wait3A_290 = tpu.memref_slice %arg14[%dma_wait3A_288, %dma_wait3A_289] : memref<10000x128xf32, #tpu.memory_space<vmem_shared>> -> memref<10000x128xf32, #tpu.memory_space<vmem_shared>>
            tpu.wait_indirect_dma semaphore(%run_scoped3A_279 : memref<!tpu.dma_semaphore, #tpu.memory_space<semaphore_mem>>) src(%arg10 : memref<128x128xf32, #tpu.memory_space<vmem>>) dst(%dma_wait3A_290 : memref<10000x128xf32, #tpu.memory_space<vmem_shared>>)
            tpu.yield
          }) : () -> ()
        } else {
        }
        %mul3A_111 = arith.constant 16 : i32
        %mul3A_112 = arith.muli %mul3A_42, %mul3A_111 : i32
        %add3A_113 = arith.addi %mul3A_112, %arg1 : i32
        %mul3A_114 = arith.constant 4 : i32
        %mul3A_115 = arith.muli %mul3A_114, %add3A_113 : i32
        %add3A_116 = arith.constant 2 : i32
        %add3A_117 = arith.addi %mul3A_115, %add3A_116 : i32
        %lt3A_118 = arith.constant 2500 : i32
        %lt3A_119 = arith.cmpi slt, %add3A_117, %lt3A_118 : i32
        %convert_element_type3A_120 = arith.extui %lt3A_119 : i1 to i32
        %cond3A_121 = arith.constant 0 : i32
        %cond3A_122 = arith.cmpi ne, %convert_element_type3A_120, %cond3A_121 : i32
        scf.if %cond3A_122 {
          %dma_start3A = arith.constant 2 : i32
          %dma_start3A_273 = arith.constant 0 : i32
          %dma_start3A_274 = tpu.memref_slice %arg12[%dma_start3A, %dma_start3A_273] : memref<8x128xi32, #tpu.memory_space<vmem>> -> memref<1x128xi32, #tpu.memory_space<vmem>>
          %dma_start3A_275 = tpu.memref_squeeze %dma_start3A_274 : memref<1x128xi32, #tpu.memory_space<vmem>> -> memref<128xi32, #tpu.memory_space<vmem>>
          %dma_start3A_276 = arith.constant 0 : i32
          %dma_start3A_277 = arith.constant 0 : i32
          %dma_start3A_278 = tpu.memref_slice %arg3[%dma_start3A_276, %dma_start3A_277] : memref<10000x128xf32, #tpu.memory_space<hbm>> -> memref<10000x128xf32, #tpu.memory_space<hbm>>
          tpu.enqueue_indirect_dma source(%dma_start3A_278 : memref<10000x128xf32, #tpu.memory_space<hbm>>) target(%arg10 : memref<128x128xf32, #tpu.memory_space<vmem>>) offsets(%dma_start3A_275 : memref<128xi32, #tpu.memory_space<vmem>>) semaphore(%arg15 : memref<!tpu.dma_semaphore, #tpu.memory_space<semaphore_mem>>)
        } else {
        }
        %mul3A_123 = arith.constant 16 : i32
        %mul3A_124 = arith.muli %mul3A_42, %mul3A_123 : i32
        %add3A_125 = arith.addi %mul3A_124, %arg1 : i32
        %mul3A_126 = arith.constant 4 : i32
        %mul3A_127 = arith.muli %mul3A_126, %add3A_125 : i32
        %add3A_128 = arith.constant 1 : i32
        %add3A_129 = arith.addi %mul3A_127, %add3A_128 : i32
        %lt3A_130 = arith.constant 2500 : i32
        %lt3A_131 = arith.cmpi slt, %add3A_129, %lt3A_130 : i32
        %convert_element_type3A_132 = arith.extui %lt3A_131 : i1 to i32
        %cond3A_133 = arith.constant 0 : i32
        %cond3A_134 = arith.cmpi ne, %convert_element_type3A_132, %cond3A_133 : i32
        scf.if %cond3A_134 {
          %dma_wait3A = arith.constant 1 : i32
          %dma_wait3A_273 = arith.constant 0 : i32
          %dma_wait3A_274 = tpu.memref_slice %arg12[%dma_wait3A, %dma_wait3A_273] : memref<8x128xi32, #tpu.memory_space<vmem>> -> memref<1x128xi32, #tpu.memory_space<vmem>>
          %dma_wait3A_275 = tpu.memref_squeeze %dma_wait3A_274 : memref<1x128xi32, #tpu.memory_space<vmem>> -> memref<128xi32, #tpu.memory_space<vmem>>
          %dma_wait3A_276 = arith.constant 0 : i32
          %dma_wait3A_277 = arith.constant 0 : i32
          %dma_wait3A_278 = tpu.memref_slice %arg3[%dma_wait3A_276, %dma_wait3A_277] : memref<10000x128xf32, #tpu.memory_space<hbm>> -> memref<10000x128xf32, #tpu.memory_space<hbm>>
          tpu.wait_indirect_dma semaphore(%arg16 : memref<!tpu.dma_semaphore, #tpu.memory_space<semaphore_mem>>) src(%dma_wait3A_278 : memref<10000x128xf32, #tpu.memory_space<hbm>>) dst(%arg11 : memref<128x128xf32, #tpu.memory_space<vmem>>)
          %run_scoped3A = arith.constant 5 : i32
          "tpu.region"() ({
            %run_scoped3A_279 = tpu.sem_alloc : memref<!tpu.dma_semaphore, #tpu.memory_space<semaphore_mem>>
            %dma_start3A = arith.constant 0 : i32
            %dma_start3A_280 = tpu.memref_slice %arg12[%run_scoped3A, %dma_start3A] : memref<8x128xi32, #tpu.memory_space<vmem>> -> memref<1x128xi32, #tpu.memory_space<vmem>>
            %dma_start3A_281 = tpu.memref_squeeze %dma_start3A_280 : memref<1x128xi32, #tpu.memory_space<vmem>> -> memref<128xi32, #tpu.memory_space<vmem>>
            %dma_start3A_282 = arith.constant 0 : i32
            %dma_start3A_283 = arith.constant 0 : i32
            %dma_start3A_284 = tpu.memref_slice %arg14[%dma_start3A_282, %dma_start3A_283] : memref<10000x128xf32, #tpu.memory_space<vmem_shared>> -> memref<10000x128xf32, #tpu.memory_space<vmem_shared>>
            tpu.enqueue_indirect_dma source(%arg11 : memref<128x128xf32, #tpu.memory_space<vmem>>) target(%dma_start3A_284 : memref<10000x128xf32, #tpu.memory_space<vmem_shared>>) offsets(%dma_start3A_281 : memref<128xi32, #tpu.memory_space<vmem>>) semaphore(%run_scoped3A_279 : memref<!tpu.dma_semaphore, #tpu.memory_space<semaphore_mem>>) {add = true}
            %dma_wait3A_285 = arith.constant 0 : i32
            %dma_wait3A_286 = tpu.memref_slice %arg12[%run_scoped3A, %dma_wait3A_285] : memref<8x128xi32, #tpu.memory_space<vmem>> -> memref<1x128xi32, #tpu.memory_space<vmem>>
            %dma_wait3A_287 = tpu.memref_squeeze %dma_wait3A_286 : memref<1x128xi32, #tpu.memory_space<vmem>> -> memref<128xi32, #tpu.memory_space<vmem>>
            %dma_wait3A_288 = arith.constant 0 : i32
            %dma_wait3A_289 = arith.constant 0 : i32
            %dma_wait3A_290 = tpu.memref_slice %arg14[%dma_wait3A_288, %dma_wait3A_289] : memref<10000x128xf32, #tpu.memory_space<vmem_shared>> -> memref<10000x128xf32, #tpu.memory_space<vmem_shared>>
            tpu.wait_indirect_dma semaphore(%run_scoped3A_279 : memref<!tpu.dma_semaphore, #tpu.memory_space<semaphore_mem>>) src(%arg11 : memref<128x128xf32, #tpu.memory_space<vmem>>) dst(%dma_wait3A_290 : memref<10000x128xf32, #tpu.memory_space<vmem_shared>>)
            tpu.yield
          }) : () -> ()
        } else {
        }
        %mul3A_135 = arith.constant 16 : i32
        %mul3A_136 = arith.muli %mul3A_42, %mul3A_135 : i32
        %add3A_137 = arith.addi %mul3A_136, %arg1 : i32
        %mul3A_138 = arith.constant 4 : i32
        %mul3A_139 = arith.muli %mul3A_138, %add3A_137 : i32
        %add3A_140 = arith.constant 3 : i32
        %add3A_141 = arith.addi %mul3A_139, %add3A_140 : i32
        %lt3A_142 = arith.constant 2500 : i32
        %lt3A_143 = arith.cmpi slt, %add3A_141, %lt3A_142 : i32
        %convert_element_type3A_144 = arith.extui %lt3A_143 : i1 to i32
        %cond3A_145 = arith.constant 0 : i32
        %cond3A_146 = arith.cmpi ne, %convert_element_type3A_144, %cond3A_145 : i32
        scf.if %cond3A_146 {
          %dma_start3A = arith.constant 3 : i32
          %dma_start3A_273 = arith.constant 0 : i32
          %dma_start3A_274 = tpu.memref_slice %arg12[%dma_start3A, %dma_start3A_273] : memref<8x128xi32, #tpu.memory_space<vmem>> -> memref<1x128xi32, #tpu.memory_space<vmem>>
          %dma_start3A_275 = tpu.memref_squeeze %dma_start3A_274 : memref<1x128xi32, #tpu.memory_space<vmem>> -> memref<128xi32, #tpu.memory_space<vmem>>
          %dma_start3A_276 = arith.constant 0 : i32
          %dma_start3A_277 = arith.constant 0 : i32
          %dma_start3A_278 = tpu.memref_slice %arg3[%dma_start3A_276, %dma_start3A_277] : memref<10000x128xf32, #tpu.memory_space<hbm>> -> memref<10000x128xf32, #tpu.memory_space<hbm>>
          tpu.enqueue_indirect_dma source(%dma_start3A_278 : memref<10000x128xf32, #tpu.memory_space<hbm>>) target(%arg11 : memref<128x128xf32, #tpu.memory_space<vmem>>) offsets(%dma_start3A_275 : memref<128xi32, #tpu.memory_space<vmem>>) semaphore(%arg16 : memref<!tpu.dma_semaphore, #tpu.memory_space<semaphore_mem>>)
        } else {
        }
        %mul3A_147 = arith.constant 16 : i32
        %mul3A_148 = arith.muli %mul3A_42, %mul3A_147 : i32
        %add3A_149 = arith.addi %mul3A_148, %arg1 : i32
        %mul3A_150 = arith.constant 4 : i32
        %mul3A_151 = arith.muli %mul3A_150, %add3A_149 : i32
        %add3A_152 = arith.constant 2 : i32
        %add3A_153 = arith.addi %mul3A_151, %add3A_152 : i32
        %lt3A_154 = arith.constant 2500 : i32
        %lt3A_155 = arith.cmpi slt, %add3A_153, %lt3A_154 : i32
        %convert_element_type3A_156 = arith.extui %lt3A_155 : i1 to i32
        %cond3A_157 = arith.constant 0 : i32
        %cond3A_158 = arith.cmpi ne, %convert_element_type3A_156, %cond3A_157 : i32
        scf.if %cond3A_158 {
          %dma_wait3A = arith.constant 2 : i32
          %dma_wait3A_273 = arith.constant 0 : i32
          %dma_wait3A_274 = tpu.memref_slice %arg12[%dma_wait3A, %dma_wait3A_273] : memref<8x128xi32, #tpu.memory_space<vmem>> -> memref<1x128xi32, #tpu.memory_space<vmem>>
          %dma_wait3A_275 = tpu.memref_squeeze %dma_wait3A_274 : memref<1x128xi32, #tpu.memory_space<vmem>> -> memref<128xi32, #tpu.memory_space<vmem>>
          %dma_wait3A_276 = arith.constant 0 : i32
          %dma_wait3A_277 = arith.constant 0 : i32
          %dma_wait3A_278 = tpu.memref_slice %arg3[%dma_wait3A_276, %dma_wait3A_277] : memref<10000x128xf32, #tpu.memory_space<hbm>> -> memref<10000x128xf32, #tpu.memory_space<hbm>>
          tpu.wait_indirect_dma semaphore(%arg15 : memref<!tpu.dma_semaphore, #tpu.memory_space<semaphore_mem>>) src(%dma_wait3A_278 : memref<10000x128xf32, #tpu.memory_space<hbm>>) dst(%arg10 : memref<128x128xf32, #tpu.memory_space<vmem>>)
          %run_scoped3A = arith.constant 6 : i32
          "tpu.region"() ({
            %run_scoped3A_279 = tpu.sem_alloc : memref<!tpu.dma_semaphore, #tpu.memory_space<semaphore_mem>>
            %dma_start3A = arith.constant 0 : i32
            %dma_start3A_280 = tpu.memref_slice %arg12[%run_scoped3A, %dma_start3A] : memref<8x128xi32, #tpu.memory_space<vmem>> -> memref<1x128xi32, #tpu.memory_space<vmem>>
            %dma_start3A_281 = tpu.memref_squeeze %dma_start3A_280 : memref<1x128xi32, #tpu.memory_space<vmem>> -> memref<128xi32, #tpu.memory_space<vmem>>
            %dma_start3A_282 = arith.constant 0 : i32
            %dma_start3A_283 = arith.constant 0 : i32
            %dma_start3A_284 = tpu.memref_slice %arg14[%dma_start3A_282, %dma_start3A_283] : memref<10000x128xf32, #tpu.memory_space<vmem_shared>> -> memref<10000x128xf32, #tpu.memory_space<vmem_shared>>
            tpu.enqueue_indirect_dma source(%arg10 : memref<128x128xf32, #tpu.memory_space<vmem>>) target(%dma_start3A_284 : memref<10000x128xf32, #tpu.memory_space<vmem_shared>>) offsets(%dma_start3A_281 : memref<128xi32, #tpu.memory_space<vmem>>) semaphore(%run_scoped3A_279 : memref<!tpu.dma_semaphore, #tpu.memory_space<semaphore_mem>>) {add = true}
            %dma_wait3A_285 = arith.constant 0 : i32
            %dma_wait3A_286 = tpu.memref_slice %arg12[%run_scoped3A, %dma_wait3A_285] : memref<8x128xi32, #tpu.memory_space<vmem>> -> memref<1x128xi32, #tpu.memory_space<vmem>>
            %dma_wait3A_287 = tpu.memref_squeeze %dma_wait3A_286 : memref<1x128xi32, #tpu.memory_space<vmem>> -> memref<128xi32, #tpu.memory_space<vmem>>
            %dma_wait3A_288 = arith.constant 0 : i32
            %dma_wait3A_289 = arith.constant 0 : i32
            %dma_wait3A_290 = tpu.memref_slice %arg14[%dma_wait3A_288, %dma_wait3A_289] : memref<10000x128xf32, #tpu.memory_space<vmem_shared>> -> memref<10000x128xf32, #tpu.memory_space<vmem_shared>>
            tpu.wait_indirect_dma semaphore(%run_scoped3A_279 : memref<!tpu.dma_semaphore, #tpu.memory_space<semaphore_mem>>) src(%arg10 : memref<128x128xf32, #tpu.memory_space<vmem>>) dst(%dma_wait3A_290 : memref<10000x128xf32, #tpu.memory_space<vmem_shared>>)
            tpu.yield
          }) : () -> ()
        } else {
        }
        %mul3A_159 = arith.constant 16 : i32
        %mul3A_160 = arith.muli %add3A_44, %mul3A_159 : i32
        %add3A_161 = arith.addi %mul3A_160, %arg1 : i32
        %lt3A_162 = arith.constant 625 : i32
        %lt3A_163 = arith.cmpi slt, %add3A_161, %lt3A_162 : i32
        %convert_element_type3A_164 = arith.extui %lt3A_163 : i1 to i32
        %cond3A_165 = arith.constant 0 : i32
        %cond3A_166 = arith.cmpi ne, %convert_element_type3A_164, %cond3A_165 : i32
        scf.if %cond3A_166 {
          %dma_wait3A = arith.constant 0 : i32
          %dma_wait3A_273 = arith.constant 0 : i32
          %dma_wait3A_274 = tpu.memref_slice %arg2[%add3A_161, %dma_wait3A, %dma_wait3A_273] : memref<625x8x128xi32, #tpu.memory_space<hbm>> -> memref<1x8x128xi32, #tpu.memory_space<hbm>>
          %dma_wait3A_275 = tpu.memref_squeeze %dma_wait3A_274 : memref<1x8x128xi32, #tpu.memory_space<hbm>> -> memref<8x128xi32, #tpu.memory_space<hbm>>
          %dma_wait3A_276 = arith.constant 0 : i32
          %dma_wait3A_277 = arith.constant 0 : i32
          %dma_wait3A_278 = tpu.memref_slice %arg2[%add3A_161, %dma_wait3A_276, %dma_wait3A_277] : memref<625x8x128xi32, #tpu.memory_space<hbm>> -> memref<1x8x128xi32, #tpu.memory_space<hbm>>
          %dma_wait3A_279 = tpu.memref_squeeze %dma_wait3A_278 : memref<1x8x128xi32, #tpu.memory_space<hbm>> -> memref<8x128xi32, #tpu.memory_space<hbm>>
          tpu.wait_dma2 semaphore(%arg18 : memref<!tpu.dma_semaphore, #tpu.memory_space<semaphore_mem>>) src(%dma_wait3A_279 : memref<8x128xi32, #tpu.memory_space<hbm>>) dst(%arg13 : memref<8x128xi32, #tpu.memory_space<vmem>>)
        } else {
        }
        %mul3A_167 = arith.constant 16 : i32
        %mul3A_168 = arith.muli %add3A_44, %mul3A_167 : i32
        %add3A_169 = arith.addi %mul3A_168, %arg1 : i32
        %mul3A_170 = arith.constant 4 : i32
        %mul3A_171 = arith.muli %mul3A_170, %add3A_169 : i32
        %add3A_172 = arith.constant 0 : i32
        %add3A_173 = arith.addi %mul3A_171, %add3A_172 : i32
        %lt3A_174 = arith.constant 2500 : i32
        %lt3A_175 = arith.cmpi slt, %add3A_173, %lt3A_174 : i32
        %convert_element_type3A_176 = arith.extui %lt3A_175 : i1 to i32
        %cond3A_177 = arith.constant 0 : i32
        %cond3A_178 = arith.cmpi ne, %convert_element_type3A_176, %cond3A_177 : i32
        scf.if %cond3A_178 {
          %dma_start3A = arith.constant 0 : i32
          %dma_start3A_273 = arith.constant 0 : i32
          %dma_start3A_274 = tpu.memref_slice %arg13[%dma_start3A, %dma_start3A_273] : memref<8x128xi32, #tpu.memory_space<vmem>> -> memref<1x128xi32, #tpu.memory_space<vmem>>
          %dma_start3A_275 = tpu.memref_squeeze %dma_start3A_274 : memref<1x128xi32, #tpu.memory_space<vmem>> -> memref<128xi32, #tpu.memory_space<vmem>>
          %dma_start3A_276 = arith.constant 0 : i32
          %dma_start3A_277 = arith.constant 0 : i32
          %dma_start3A_278 = tpu.memref_slice %arg3[%dma_start3A_276, %dma_start3A_277] : memref<10000x128xf32, #tpu.memory_space<hbm>> -> memref<10000x128xf32, #tpu.memory_space<hbm>>
          tpu.enqueue_indirect_dma source(%dma_start3A_278 : memref<10000x128xf32, #tpu.memory_space<hbm>>) target(%arg10 : memref<128x128xf32, #tpu.memory_space<vmem>>) offsets(%dma_start3A_275 : memref<128xi32, #tpu.memory_space<vmem>>) semaphore(%arg15 : memref<!tpu.dma_semaphore, #tpu.memory_space<semaphore_mem>>)
        } else {
        }
        %mul3A_179 = arith.constant 16 : i32
        %mul3A_180 = arith.muli %mul3A_42, %mul3A_179 : i32
        %add3A_181 = arith.addi %mul3A_180, %arg1 : i32
        %mul3A_182 = arith.constant 4 : i32
        %mul3A_183 = arith.muli %mul3A_182, %add3A_181 : i32
        %add3A_184 = arith.constant 3 : i32
        %add3A_185 = arith.addi %mul3A_183, %add3A_184 : i32
        %lt3A_186 = arith.constant 2500 : i32
        %lt3A_187 = arith.cmpi slt, %add3A_185, %lt3A_186 : i32
        %convert_element_type3A_188 = arith.extui %lt3A_187 : i1 to i32
        %cond3A_189 = arith.constant 0 : i32
        %cond3A_190 = arith.cmpi ne, %convert_element_type3A_188, %cond3A_189 : i32
        scf.if %cond3A_190 {
          %dma_wait3A = arith.constant 3 : i32
          %dma_wait3A_273 = arith.constant 0 : i32
          %dma_wait3A_274 = tpu.memref_slice %arg12[%dma_wait3A, %dma_wait3A_273] : memref<8x128xi32, #tpu.memory_space<vmem>> -> memref<1x128xi32, #tpu.memory_space<vmem>>
          %dma_wait3A_275 = tpu.memref_squeeze %dma_wait3A_274 : memref<1x128xi32, #tpu.memory_space<vmem>> -> memref<128xi32, #tpu.memory_space<vmem>>
          %dma_wait3A_276 = arith.constant 0 : i32
          %dma_wait3A_277 = arith.constant 0 : i32
          %dma_wait3A_278 = tpu.memref_slice %arg3[%dma_wait3A_276, %dma_wait3A_277] : memref<10000x128xf32, #tpu.memory_space<hbm>> -> memref<10000x128xf32, #tpu.memory_space<hbm>>
          tpu.wait_indirect_dma semaphore(%arg16 : memref<!tpu.dma_semaphore, #tpu.memory_space<semaphore_mem>>) src(%dma_wait3A_278 : memref<10000x128xf32, #tpu.memory_space<hbm>>) dst(%arg11 : memref<128x128xf32, #tpu.memory_space<vmem>>)
          %run_scoped3A = arith.constant 7 : i32
          "tpu.region"() ({
            %run_scoped3A_279 = tpu.sem_alloc : memref<!tpu.dma_semaphore, #tpu.memory_space<semaphore_mem>>
            %dma_start3A = arith.constant 0 : i32
            %dma_start3A_280 = tpu.memref_slice %arg12[%run_scoped3A, %dma_start3A] : memref<8x128xi32, #tpu.memory_space<vmem>> -> memref<1x128xi32, #tpu.memory_space<vmem>>
            %dma_start3A_281 = tpu.memref_squeeze %dma_start3A_280 : memref<1x128xi32, #tpu.memory_space<vmem>> -> memref<128xi32, #tpu.memory_space<vmem>>
            %dma_start3A_282 = arith.constant 0 : i32
            %dma_start3A_283 = arith.constant 0 : i32
            %dma_start3A_284 = tpu.memref_slice %arg14[%dma_start3A_282, %dma_start3A_283] : memref<10000x128xf32, #tpu.memory_space<vmem_shared>> -> memref<10000x128xf32, #tpu.memory_space<vmem_shared>>
            tpu.enqueue_indirect_dma source(%arg11 : memref<128x128xf32, #tpu.memory_space<vmem>>) target(%dma_start3A_284 : memref<10000x128xf32, #tpu.memory_space<vmem_shared>>) offsets(%dma_start3A_281 : memref<128xi32, #tpu.memory_space<vmem>>) semaphore(%run_scoped3A_279 : memref<!tpu.dma_semaphore, #tpu.memory_space<semaphore_mem>>) {add = true}
            %dma_wait3A_285 = arith.constant 0 : i32
            %dma_wait3A_286 = tpu.memref_slice %arg12[%run_scoped3A, %dma_wait3A_285] : memref<8x128xi32, #tpu.memory_space<vmem>> -> memref<1x128xi32, #tpu.memory_space<vmem>>
            %dma_wait3A_287 = tpu.memref_squeeze %dma_wait3A_286 : memref<1x128xi32, #tpu.memory_space<vmem>> -> memref<128xi32, #tpu.memory_space<vmem>>
            %dma_wait3A_288 = arith.constant 0 : i32
            %dma_wait3A_289 = arith.constant 0 : i32
            %dma_wait3A_290 = tpu.memref_slice %arg14[%dma_wait3A_288, %dma_wait3A_289] : memref<10000x128xf32, #tpu.memory_space<vmem_shared>> -> memref<10000x128xf32, #tpu.memory_space<vmem_shared>>
            tpu.wait_indirect_dma semaphore(%run_scoped3A_279 : memref<!tpu.dma_semaphore, #tpu.memory_space<semaphore_mem>>) src(%arg11 : memref<128x128xf32, #tpu.memory_space<vmem>>) dst(%dma_wait3A_290 : memref<10000x128xf32, #tpu.memory_space<vmem_shared>>)
            tpu.yield
          }) : () -> ()
        } else {
        }
        %add3A_191 = arith.constant 2 : i32
        %add3A_192 = arith.addi %mul3A_42, %add3A_191 : i32
        %mul3A_193 = arith.constant 16 : i32
        %mul3A_194 = arith.muli %add3A_192, %mul3A_193 : i32
        %add3A_195 = arith.addi %mul3A_194, %arg1 : i32
        %lt3A_196 = arith.constant 625 : i32
        %lt3A_197 = arith.cmpi slt, %add3A_195, %lt3A_196 : i32
        %convert_element_type3A_198 = arith.extui %lt3A_197 : i1 to i32
        %cond3A_199 = arith.constant 0 : i32
        %cond3A_200 = arith.cmpi ne, %convert_element_type3A_198, %cond3A_199 : i32
        scf.if %cond3A_200 {
          %dma_start3A = arith.constant 0 : i32
          %dma_start3A_273 = arith.constant 0 : i32
          %dma_start3A_274 = tpu.memref_slice %arg2[%add3A_195, %dma_start3A, %dma_start3A_273] : memref<625x8x128xi32, #tpu.memory_space<hbm>> -> memref<1x8x128xi32, #tpu.memory_space<hbm>>
          %dma_start3A_275 = tpu.memref_squeeze %dma_start3A_274 : memref<1x8x128xi32, #tpu.memory_space<hbm>> -> memref<8x128xi32, #tpu.memory_space<hbm>>
          %dma_start3A_276 = arith.constant 0 : i32
          %dma_start3A_277 = arith.constant 0 : i32
          %dma_start3A_278 = tpu.memref_slice %arg2[%add3A_195, %dma_start3A_276, %dma_start3A_277] : memref<625x8x128xi32, #tpu.memory_space<hbm>> -> memref<1x8x128xi32, #tpu.memory_space<hbm>>
          %dma_start3A_279 = tpu.memref_squeeze %dma_start3A_278 : memref<1x8x128xi32, #tpu.memory_space<hbm>> -> memref<8x128xi32, #tpu.memory_space<hbm>>
          tpu.enqueue_dma source(%dma_start3A_279 : memref<8x128xi32, #tpu.memory_space<hbm>>) target(%arg12 : memref<8x128xi32, #tpu.memory_space<vmem>>) target_semaphore(%arg17 : memref<!tpu.dma_semaphore, #tpu.memory_space<semaphore_mem>>)
        } else {
        }
        %mul3A_201 = arith.constant 16 : i32
        %mul3A_202 = arith.muli %add3A_44, %mul3A_201 : i32
        %add3A_203 = arith.addi %mul3A_202, %arg1 : i32
        %mul3A_204 = arith.constant 4 : i32
        %mul3A_205 = arith.muli %mul3A_204, %add3A_203 : i32
        %add3A_206 = arith.constant 1 : i32
        %add3A_207 = arith.addi %mul3A_205, %add3A_206 : i32
        %lt3A_208 = arith.constant 2500 : i32
        %lt3A_209 = arith.cmpi slt, %add3A_207, %lt3A_208 : i32
        %convert_element_type3A_210 = arith.extui %lt3A_209 : i1 to i32
        %cond3A_211 = arith.constant 0 : i32
        %cond3A_212 = arith.cmpi ne, %convert_element_type3A_210, %cond3A_211 : i32
        scf.if %cond3A_212 {
          %dma_start3A = arith.constant 1 : i32
          %dma_start3A_273 = arith.constant 0 : i32
          %dma_start3A_274 = tpu.memref_slice %arg13[%dma_start3A, %dma_start3A_273] : memref<8x128xi32, #tpu.memory_space<vmem>> -> memref<1x128xi32, #tpu.memory_space<vmem>>
          %dma_start3A_275 = tpu.memref_squeeze %dma_start3A_274 : memref<1x128xi32, #tpu.memory_space<vmem>> -> memref<128xi32, #tpu.memory_space<vmem>>
          %dma_start3A_276 = arith.constant 0 : i32
          %dma_start3A_277 = arith.constant 0 : i32
          %dma_start3A_278 = tpu.memref_slice %arg3[%dma_start3A_276, %dma_start3A_277] : memref<10000x128xf32, #tpu.memory_space<hbm>> -> memref<10000x128xf32, #tpu.memory_space<hbm>>
          tpu.enqueue_indirect_dma source(%dma_start3A_278 : memref<10000x128xf32, #tpu.memory_space<hbm>>) target(%arg11 : memref<128x128xf32, #tpu.memory_space<vmem>>) offsets(%dma_start3A_275 : memref<128xi32, #tpu.memory_space<vmem>>) semaphore(%arg16 : memref<!tpu.dma_semaphore, #tpu.memory_space<semaphore_mem>>)
        } else {
        }
        %mul3A_213 = arith.constant 16 : i32
        %mul3A_214 = arith.muli %add3A_44, %mul3A_213 : i32
        %add3A_215 = arith.addi %mul3A_214, %arg1 : i32
        %mul3A_216 = arith.constant 4 : i32
        %mul3A_217 = arith.muli %mul3A_216, %add3A_215 : i32
        %add3A_218 = arith.constant 0 : i32
        %add3A_219 = arith.addi %mul3A_217, %add3A_218 : i32
        %lt3A_220 = arith.constant 2500 : i32
        %lt3A_221 = arith.cmpi slt, %add3A_219, %lt3A_220 : i32
        %convert_element_type3A_222 = arith.extui %lt3A_221 : i1 to i32
        %cond3A_223 = arith.constant 0 : i32
        %cond3A_224 = arith.cmpi ne, %convert_element_type3A_222, %cond3A_223 : i32
        scf.if %cond3A_224 {
          %dma_wait3A = arith.constant 0 : i32
          %dma_wait3A_273 = arith.constant 0 : i32
          %dma_wait3A_274 = tpu.memref_slice %arg13[%dma_wait3A, %dma_wait3A_273] : memref<8x128xi32, #tpu.memory_space<vmem>> -> memref<1x128xi32, #tpu.memory_space<vmem>>
          %dma_wait3A_275 = tpu.memref_squeeze %dma_wait3A_274 : memref<1x128xi32, #tpu.memory_space<vmem>> -> memref<128xi32, #tpu.memory_space<vmem>>
          %dma_wait3A_276 = arith.constant 0 : i32
          %dma_wait3A_277 = arith.constant 0 : i32
          %dma_wait3A_278 = tpu.memref_slice %arg3[%dma_wait3A_276, %dma_wait3A_277] : memref<10000x128xf32, #tpu.memory_space<hbm>> -> memref<10000x128xf32, #tpu.memory_space<hbm>>
          tpu.wait_indirect_dma semaphore(%arg15 : memref<!tpu.dma_semaphore, #tpu.memory_space<semaphore_mem>>) src(%dma_wait3A_278 : memref<10000x128xf32, #tpu.memory_space<hbm>>) dst(%arg10 : memref<128x128xf32, #tpu.memory_space<vmem>>)
          %run_scoped3A = arith.constant 4 : i32
          "tpu.region"() ({
            %run_scoped3A_279 = tpu.sem_alloc : memref<!tpu.dma_semaphore, #tpu.memory_space<semaphore_mem>>
            %dma_start3A = arith.constant 0 : i32
            %dma_start3A_280 = tpu.memref_slice %arg13[%run_scoped3A, %dma_start3A] : memref<8x128xi32, #tpu.memory_space<vmem>> -> memref<1x128xi32, #tpu.memory_space<vmem>>
            %dma_start3A_281 = tpu.memref_squeeze %dma_start3A_280 : memref<1x128xi32, #tpu.memory_space<vmem>> -> memref<128xi32, #tpu.memory_space<vmem>>
            %dma_start3A_282 = arith.constant 0 : i32
            %dma_start3A_283 = arith.constant 0 : i32
            %dma_start3A_284 = tpu.memref_slice %arg14[%dma_start3A_282, %dma_start3A_283] : memref<10000x128xf32, #tpu.memory_space<vmem_shared>> -> memref<10000x128xf32, #tpu.memory_space<vmem_shared>>
            tpu.enqueue_indirect_dma source(%arg10 : memref<128x128xf32, #tpu.memory_space<vmem>>) target(%dma_start3A_284 : memref<10000x128xf32, #tpu.memory_space<vmem_shared>>) offsets(%dma_start3A_281 : memref<128xi32, #tpu.memory_space<vmem>>) semaphore(%run_scoped3A_279 : memref<!tpu.dma_semaphore, #tpu.memory_space<semaphore_mem>>) {add = true}
            %dma_wait3A_285 = arith.constant 0 : i32
            %dma_wait3A_286 = tpu.memref_slice %arg13[%run_scoped3A, %dma_wait3A_285] : memref<8x128xi32, #tpu.memory_space<vmem>> -> memref<1x128xi32, #tpu.memory_space<vmem>>
            %dma_wait3A_287 = tpu.memref_squeeze %dma_wait3A_286 : memref<1x128xi32, #tpu.memory_space<vmem>> -> memref<128xi32, #tpu.memory_space<vmem>>
            %dma_wait3A_288 = arith.constant 0 : i32
            %dma_wait3A_289 = arith.constant 0 : i32
            %dma_wait3A_290 = tpu.memref_slice %arg14[%dma_wait3A_288, %dma_wait3A_289] : memref<10000x128xf32, #tpu.memory_space<vmem_shared>> -> memref<10000x128xf32, #tpu.memory_space<vmem_shared>>
            tpu.wait_indirect_dma semaphore(%run_scoped3A_279 : memref<!tpu.dma_semaphore, #tpu.memory_space<semaphore_mem>>) src(%arg10 : memref<128x128xf32, #tpu.memory_space<vmem>>) dst(%dma_wait3A_290 : memref<10000x128xf32, #tpu.memory_space<vmem_shared>>)
            tpu.yield
          }) : () -> ()
        } else {
        }
        %mul3A_225 = arith.constant 16 : i32
        %mul3A_226 = arith.muli %add3A_44, %mul3A_225 : i32
        %add3A_227 = arith.addi %mul3A_226, %arg1 : i32
        %mul3A_228 = arith.constant 4 : i32
        %mul3A_229 = arith.muli %mul3A_228, %add3A_227 : i32
        %add3A_230 = arith.constant 2 : i32
        %add3A_231 = arith.addi %mul3A_229, %add3A_230 : i32
        %lt3A_232 = arith.constant 2500 : i32
        %lt3A_233 = arith.cmpi slt, %add3A_231, %lt3A_232 : i32
        %convert_element_type3A_234 = arith.extui %lt3A_233 : i1 to i32
        %cond3A_235 = arith.constant 0 : i32
        %cond3A_236 = arith.cmpi ne, %convert_element_type3A_234, %cond3A_235 : i32
        scf.if %cond3A_236 {
          %dma_start3A = arith.constant 2 : i32
          %dma_start3A_273 = arith.constant 0 : i32
          %dma_start3A_274 = tpu.memref_slice %arg13[%dma_start3A, %dma_start3A_273] : memref<8x128xi32, #tpu.memory_space<vmem>> -> memref<1x128xi32, #tpu.memory_space<vmem>>
          %dma_start3A_275 = tpu.memref_squeeze %dma_start3A_274 : memref<1x128xi32, #tpu.memory_space<vmem>> -> memref<128xi32, #tpu.memory_space<vmem>>
          %dma_start3A_276 = arith.constant 0 : i32
          %dma_start3A_277 = arith.constant 0 : i32
          %dma_start3A_278 = tpu.memref_slice %arg3[%dma_start3A_276, %dma_start3A_277] : memref<10000x128xf32, #tpu.memory_space<hbm>> -> memref<10000x128xf32, #tpu.memory_space<hbm>>
          tpu.enqueue_indirect_dma source(%dma_start3A_278 : memref<10000x128xf32, #tpu.memory_space<hbm>>) target(%arg10 : memref<128x128xf32, #tpu.memory_space<vmem>>) offsets(%dma_start3A_275 : memref<128xi32, #tpu.memory_space<vmem>>) semaphore(%arg15 : memref<!tpu.dma_semaphore, #tpu.memory_space<semaphore_mem>>)
        } else {
        }
        %mul3A_237 = arith.constant 16 : i32
        %mul3A_238 = arith.muli %add3A_44, %mul3A_237 : i32
        %add3A_239 = arith.addi %mul3A_238, %arg1 : i32
        %mul3A_240 = arith.constant 4 : i32
        %mul3A_241 = arith.muli %mul3A_240, %add3A_239 : i32
        %add3A_242 = arith.constant 1 : i32
        %add3A_243 = arith.addi %mul3A_241, %add3A_242 : i32
        %lt3A_244 = arith.constant 2500 : i32
        %lt3A_245 = arith.cmpi slt, %add3A_243, %lt3A_244 : i32
        %convert_element_type3A_246 = arith.extui %lt3A_245 : i1 to i32
        %cond3A_247 = arith.constant 0 : i32
        %cond3A_248 = arith.cmpi ne, %convert_element_type3A_246, %cond3A_247 : i32
        scf.if %cond3A_248 {
          %dma_wait3A = arith.constant 1 : i32
          %dma_wait3A_273 = arith.constant 0 : i32
          %dma_wait3A_274 = tpu.memref_slice %arg13[%dma_wait3A, %dma_wait3A_273] : memref<8x128xi32, #tpu.memory_space<vmem>> -> memref<1x128xi32, #tpu.memory_space<vmem>>
          %dma_wait3A_275 = tpu.memref_squeeze %dma_wait3A_274 : memref<1x128xi32, #tpu.memory_space<vmem>> -> memref<128xi32, #tpu.memory_space<vmem>>
          %dma_wait3A_276 = arith.constant 0 : i32
          %dma_wait3A_277 = arith.constant 0 : i32
          %dma_wait3A_278 = tpu.memref_slice %arg3[%dma_wait3A_276, %dma_wait3A_277] : memref<10000x128xf32, #tpu.memory_space<hbm>> -> memref<10000x128xf32, #tpu.memory_space<hbm>>
          tpu.wait_indirect_dma semaphore(%arg16 : memref<!tpu.dma_semaphore, #tpu.memory_space<semaphore_mem>>) src(%dma_wait3A_278 : memref<10000x128xf32, #tpu.memory_space<hbm>>) dst(%arg11 : memref<128x128xf32, #tpu.memory_space<vmem>>)
          %run_scoped3A = arith.constant 5 : i32
          "tpu.region"() ({
            %run_scoped3A_279 = tpu.sem_alloc : memref<!tpu.dma_semaphore, #tpu.memory_space<semaphore_mem>>
            %dma_start3A = arith.constant 0 : i32
            %dma_start3A_280 = tpu.memref_slice %arg13[%run_scoped3A, %dma_start3A] : memref<8x128xi32, #tpu.memory_space<vmem>> -> memref<1x128xi32, #tpu.memory_space<vmem>>
            %dma_start3A_281 = tpu.memref_squeeze %dma_start3A_280 : memref<1x128xi32, #tpu.memory_space<vmem>> -> memref<128xi32, #tpu.memory_space<vmem>>
            %dma_start3A_282 = arith.constant 0 : i32
            %dma_start3A_283 = arith.constant 0 : i32
            %dma_start3A_284 = tpu.memref_slice %arg14[%dma_start3A_282, %dma_start3A_283] : memref<10000x128xf32, #tpu.memory_space<vmem_shared>> -> memref<10000x128xf32, #tpu.memory_space<vmem_shared>>
            tpu.enqueue_indirect_dma source(%arg11 : memref<128x128xf32, #tpu.memory_space<vmem>>) target(%dma_start3A_284 : memref<10000x128xf32, #tpu.memory_space<vmem_shared>>) offsets(%dma_start3A_281 : memref<128xi32, #tpu.memory_space<vmem>>) semaphore(%run_scoped3A_279 : memref<!tpu.dma_semaphore, #tpu.memory_space<semaphore_mem>>) {add = true}
            %dma_wait3A_285 = arith.constant 0 : i32
            %dma_wait3A_286 = tpu.memref_slice %arg13[%run_scoped3A, %dma_wait3A_285] : memref<8x128xi32, #tpu.memory_space<vmem>> -> memref<1x128xi32, #tpu.memory_space<vmem>>
            %dma_wait3A_287 = tpu.memref_squeeze %dma_wait3A_286 : memref<1x128xi32, #tpu.memory_space<vmem>> -> memref<128xi32, #tpu.memory_space<vmem>>
            %dma_wait3A_288 = arith.constant 0 : i32
            %dma_wait3A_289 = arith.constant 0 : i32
            %dma_wait3A_290 = tpu.memref_slice %arg14[%dma_wait3A_288, %dma_wait3A_289] : memref<10000x128xf32, #tpu.memory_space<vmem_shared>> -> memref<10000x128xf32, #tpu.memory_space<vmem_shared>>
            tpu.wait_indirect_dma semaphore(%run_scoped3A_279 : memref<!tpu.dma_semaphore, #tpu.memory_space<semaphore_mem>>) src(%arg11 : memref<128x128xf32, #tpu.memory_space<vmem>>) dst(%dma_wait3A_290 : memref<10000x128xf32, #tpu.memory_space<vmem_shared>>)
            tpu.yield
          }) : () -> ()
        } else {
        }
        %mul3A_249 = arith.constant 16 : i32
        %mul3A_250 = arith.muli %add3A_44, %mul3A_249 : i32
        %add3A_251 = arith.addi %mul3A_250, %arg1 : i32
        %mul3A_252 = arith.constant 4 : i32
        %mul3A_253 = arith.muli %mul3A_252, %add3A_251 : i32
        %add3A_254 = arith.constant 3 : i32
        %add3A_255 = arith.addi %mul3A_253, %add3A_254 : i32
        %lt3A_256 = arith.constant 2500 : i32
        %lt3A_257 = arith.cmpi slt, %add3A_255, %lt3A_256 : i32
        %convert_element_type3A_258 = arith.extui %lt3A_257 : i1 to i32
        %cond3A_259 = arith.constant 0 : i32
        %cond3A_260 = arith.cmpi ne, %convert_element_type3A_258, %cond3A_259 : i32
        scf.if %cond3A_260 {
          %dma_start3A = arith.constant 3 : i32
          %dma_start3A_273 = arith.constant 0 : i32
          %dma_start3A_274 = tpu.memref_slice %arg13[%dma_start3A, %dma_start3A_273] : memref<8x128xi32, #tpu.memory_space<vmem>> -> memref<1x128xi32, #tpu.memory_space<vmem>>
          %dma_start3A_275 = tpu.memref_squeeze %dma_start3A_274 : memref<1x128xi32, #tpu.memory_space<vmem>> -> memref<128xi32, #tpu.memory_space<vmem>>
          %dma_start3A_276 = arith.constant 0 : i32
          %dma_start3A_277 = arith.constant 0 : i32
          %dma_start3A_278 = tpu.memref_slice %arg3[%dma_start3A_276, %dma_start3A_277] : memref<10000x128xf32, #tpu.memory_space<hbm>> -> memref<10000x128xf32, #tpu.memory_space<hbm>>
          tpu.enqueue_indirect_dma source(%dma_start3A_278 : memref<10000x128xf32, #tpu.memory_space<hbm>>) target(%arg11 : memref<128x128xf32, #tpu.memory_space<vmem>>) offsets(%dma_start3A_275 : memref<128xi32, #tpu.memory_space<vmem>>) semaphore(%arg16 : memref<!tpu.dma_semaphore, #tpu.memory_space<semaphore_mem>>)
        } else {
        }
        %mul3A_261 = arith.constant 16 : i32
        %mul3A_262 = arith.muli %add3A_44, %mul3A_261 : i32
        %add3A_263 = arith.addi %mul3A_262, %arg1 : i32
        %mul3A_264 = arith.constant 4 : i32
        %mul3A_265 = arith.muli %mul3A_264, %add3A_263 : i32
        %add3A_266 = arith.constant 2 : i32
        %add3A_267 = arith.addi %mul3A_265, %add3A_266 : i32
        %lt3A_268 = arith.constant 2500 : i32
        %lt3A_269 = arith.cmpi slt, %add3A_267, %lt3A_268 : i32
        %convert_element_type3A_270 = arith.extui %lt3A_269 : i1 to i32
        %cond3A_271 = arith.constant 0 : i32
        %cond3A_272 = arith.cmpi ne, %convert_element_type3A_270, %cond3A_271 : i32
        scf.if %cond3A_272 {
          %dma_wait3A = arith.constant 2 : i32
          %dma_wait3A_273 = arith.constant 0 : i32
          %dma_wait3A_274 = tpu.memref_slice %arg13[%dma_wait3A, %dma_wait3A_273] : memref<8x128xi32, #tpu.memory_space<vmem>> -> memref<1x128xi32, #tpu.memory_space<vmem>>
          %dma_wait3A_275 = tpu.memref_squeeze %dma_wait3A_274 : memref<1x128xi32, #tpu.memory_space<vmem>> -> memref<128xi32, #tpu.memory_space<vmem>>
          %dma_wait3A_276 = arith.constant 0 : i32
          %dma_wait3A_277 = arith.constant 0 : i32
          %dma_wait3A_278 = tpu.memref_slice %arg3[%dma_wait3A_276, %dma_wait3A_277] : memref<10000x128xf32, #tpu.memory_space<hbm>> -> memref<10000x128xf32, #tpu.memory_space<hbm>>
          tpu.wait_indirect_dma semaphore(%arg15 : memref<!tpu.dma_semaphore, #tpu.memory_space<semaphore_mem>>) src(%dma_wait3A_278 : memref<10000x128xf32, #tpu.memory_space<hbm>>) dst(%arg10 : memref<128x128xf32, #tpu.memory_space<vmem>>)
          %run_scoped3A = arith.constant 6 : i32
          "tpu.region"() ({
            %run_scoped3A_279 = tpu.sem_alloc : memref<!tpu.dma_semaphore, #tpu.memory_space<semaphore_mem>>
            %dma_start3A = arith.constant 0 : i32
            %dma_start3A_280 = tpu.memref_slice %arg13[%run_scoped3A, %dma_start3A] : memref<8x128xi32, #tpu.memory_space<vmem>> -> memref<1x128xi32, #tpu.memory_space<vmem>>
            %dma_start3A_281 = tpu.memref_squeeze %dma_start3A_280 : memref<1x128xi32, #tpu.memory_space<vmem>> -> memref<128xi32, #tpu.memory_space<vmem>>
            %dma_start3A_282 = arith.constant 0 : i32
            %dma_start3A_283 = arith.constant 0 : i32
            %dma_start3A_284 = tpu.memref_slice %arg14[%dma_start3A_282, %dma_start3A_283] : memref<10000x128xf32, #tpu.memory_space<vmem_shared>> -> memref<10000x128xf32, #tpu.memory_space<vmem_shared>>
            tpu.enqueue_indirect_dma source(%arg10 : memref<128x128xf32, #tpu.memory_space<vmem>>) target(%dma_start3A_284 : memref<10000x128xf32, #tpu.memory_space<vmem_shared>>) offsets(%dma_start3A_281 : memref<128xi32, #tpu.memory_space<vmem>>) semaphore(%run_scoped3A_279 : memref<!tpu.dma_semaphore, #tpu.memory_space<semaphore_mem>>) {add = true}
            %dma_wait3A_285 = arith.constant 0 : i32
            %dma_wait3A_286 = tpu.memref_slice %arg13[%run_scoped3A, %dma_wait3A_285] : memref<8x128xi32, #tpu.memory_space<vmem>> -> memref<1x128xi32, #tpu.memory_space<vmem>>
            %dma_wait3A_287 = tpu.memref_squeeze %dma_wait3A_286 : memref<1x128xi32, #tpu.memory_space<vmem>> -> memref<128xi32, #tpu.memory_space<vmem>>
            %dma_wait3A_288 = arith.constant 0 : i32
            %dma_wait3A_289 = arith.constant 0 : i32
            %dma_wait3A_290 = tpu.memref_slice %arg14[%dma_wait3A_288, %dma_wait3A_289] : memref<10000x128xf32, #tpu.memory_space<vmem_shared>> -> memref<10000x128xf32, #tpu.memory_space<vmem_shared>>
            tpu.wait_indirect_dma semaphore(%run_scoped3A_279 : memref<!tpu.dma_semaphore, #tpu.memory_space<semaphore_mem>>) src(%arg10 : memref<128x128xf32, #tpu.memory_space<vmem>>) dst(%dma_wait3A_290 : memref<10000x128xf32, #tpu.memory_space<vmem_shared>>)
            tpu.yield
          }) : () -> ()
        } else {
        }
      }
      %scan3A_22 = arith.constant 20 : i32
      %add3A_23 = arith.constant 624 : i32
      %add3A_24 = arith.addi %add3A_23, %arg1 : i32
      %mul3A = arith.constant 4 : i32
      %mul3A_25 = arith.muli %mul3A, %add3A_24 : i32
      %add3A_26 = arith.constant 3 : i32
      %add3A_27 = arith.addi %mul3A_25, %add3A_26 : i32
      %lt3A_28 = arith.constant 2500 : i32
      %lt3A_29 = arith.cmpi slt, %add3A_27, %lt3A_28 : i32
      %convert_element_type3A_30 = arith.extui %lt3A_29 : i1 to i32
      %cond3A_31 = arith.constant 0 : i32
      %cond3A_32 = arith.cmpi ne, %convert_element_type3A_30, %cond3A_31 : i32
      scf.if %cond3A_32 {
        %dma_wait3A = arith.constant 3 : i32
        %dma_wait3A_40 = arith.constant 0 : i32
        %dma_wait3A_41 = tpu.memref_slice %arg13[%dma_wait3A, %dma_wait3A_40] : memref<8x128xi32, #tpu.memory_space<vmem>> -> memref<1x128xi32, #tpu.memory_space<vmem>>
        %dma_wait3A_42 = tpu.memref_squeeze %dma_wait3A_41 : memref<1x128xi32, #tpu.memory_space<vmem>> -> memref<128xi32, #tpu.memory_space<vmem>>
        %dma_wait3A_43 = arith.constant 0 : i32
        %dma_wait3A_44 = arith.constant 0 : i32
        %dma_wait3A_45 = tpu.memref_slice %arg3[%dma_wait3A_43, %dma_wait3A_44] : memref<10000x128xf32, #tpu.memory_space<hbm>> -> memref<10000x128xf32, #tpu.memory_space<hbm>>
        tpu.wait_indirect_dma semaphore(%arg16 : memref<!tpu.dma_semaphore, #tpu.memory_space<semaphore_mem>>) src(%dma_wait3A_45 : memref<10000x128xf32, #tpu.memory_space<hbm>>) dst(%arg11 : memref<128x128xf32, #tpu.memory_space<vmem>>)
        %run_scoped3A = arith.constant 7 : i32
        "tpu.region"() ({
          %run_scoped3A_46 = tpu.sem_alloc : memref<!tpu.dma_semaphore, #tpu.memory_space<semaphore_mem>>
          %dma_start3A = arith.constant 0 : i32
          %dma_start3A_47 = tpu.memref_slice %arg13[%run_scoped3A, %dma_start3A] : memref<8x128xi32, #tpu.memory_space<vmem>> -> memref<1x128xi32, #tpu.memory_space<vmem>>
          %dma_start3A_48 = tpu.memref_squeeze %dma_start3A_47 : memref<1x128xi32, #tpu.memory_space<vmem>> -> memref<128xi32, #tpu.memory_space<vmem>>
          %dma_start3A_49 = arith.constant 0 : i32
          %dma_start3A_50 = arith.constant 0 : i32
          %dma_start3A_51 = tpu.memref_slice %arg14[%dma_start3A_49, %dma_start3A_50] : memref<10000x128xf32, #tpu.memory_space<vmem_shared>> -> memref<10000x128xf32, #tpu.memory_space<vmem_shared>>
          tpu.enqueue_indirect_dma source(%arg11 : memref<128x128xf32, #tpu.memory_space<vmem>>) target(%dma_start3A_51 : memref<10000x128xf32, #tpu.memory_space<vmem_shared>>) offsets(%dma_start3A_48 : memref<128xi32, #tpu.memory_space<vmem>>) semaphore(%run_scoped3A_46 : memref<!tpu.dma_semaphore, #tpu.memory_space<semaphore_mem>>) {add = true}
          %dma_wait3A_52 = arith.constant 0 : i32
          %dma_wait3A_53 = tpu.memref_slice %arg13[%run_scoped3A, %dma_wait3A_52] : memref<8x128xi32, #tpu.memory_space<vmem>> -> memref<1x128xi32, #tpu.memory_space<vmem>>
          %dma_wait3A_54 = tpu.memref_squeeze %dma_wait3A_53 : memref<1x128xi32, #tpu.memory_space<vmem>> -> memref<128xi32, #tpu.memory_space<vmem>>
          %dma_wait3A_55 = arith.constant 0 : i32
          %dma_wait3A_56 = arith.constant 0 : i32
          %dma_wait3A_57 = tpu.memref_slice %arg14[%dma_wait3A_55, %dma_wait3A_56] : memref<10000x128xf32, #tpu.memory_space<vmem_shared>> -> memref<10000x128xf32, #tpu.memory_space<vmem_shared>>
          tpu.wait_indirect_dma semaphore(%run_scoped3A_46 : memref<!tpu.dma_semaphore, #tpu.memory_space<semaphore_mem>>) src(%arg11 : memref<128x128xf32, #tpu.memory_space<vmem>>) dst(%dma_wait3A_57 : memref<10000x128xf32, #tpu.memory_space<vmem_shared>>)
          tpu.yield
        }) : () -> ()
      } else {
      }
      %barrier3A_33 = arith.constant 0 : index
      tpu.barrier barrier_id(%barrier3A_33)
      %scan3A_34 = arith.constant 0 : i32
      %scan3A_35 = arith.constant 0 : i32
      %scan3A_36 = arith.constant 2 : i32
      %scan3A_37 = arith.addi %scan3A_35, %scan3A_36 : i32
      %scan3A_38 = arith.constant 1 : i32
      scf.for %scan3A_40 = %scan3A_35 to %scan3A_37 step %scan3A_38  : i32 {
        %mul3A_41 = arith.constant 16 : i32
        %mul3A_42 = arith.muli %scan3A_40, %mul3A_41 : i32
        %add3A_43 = arith.addi %mul3A_42, %arg1 : i32
        %lt3A_44 = arith.constant 25 : i32
        %lt3A_45 = arith.cmpi slt, %add3A_43, %lt3A_44 : i32
        %convert_element_type3A_46 = arith.extui %lt3A_45 : i1 to i32
        %cond3A_47 = arith.constant 0 : i32
        %cond3A_48 = arith.cmpi ne, %convert_element_type3A_46, %cond3A_47 : i32
        scf.if %cond3A_48 {
          %mul3A_49 = arith.constant 400 : i32
          %mul3A_50 = arith.muli %add3A_43, %mul3A_49 : i32
          "tpu.region"() ({
            %run_scoped3A = tpu.sem_alloc : memref<!tpu.dma_semaphore, #tpu.memory_space<semaphore_mem>>
            %dma_start3A = arith.constant 0 : i32
            %dma_start3A_51 = tpu.memref_slice %arg8[%mul3A_50, %dma_start3A] : memref<10000x128xf32, #tpu.memory_space<hbm>> -> memref<400x128xf32, #tpu.memory_space<hbm>>
            %dma_start3A_52 = arith.constant 0 : i32
            %dma_start3A_53 = tpu.memref_slice %arg14[%mul3A_50, %dma_start3A_52] : memref<10000x128xf32, #tpu.memory_space<vmem_shared>> -> memref<400x128xf32, #tpu.memory_space<vmem_shared>>
            tpu.enqueue_dma source(%dma_start3A_53 : memref<400x128xf32, #tpu.memory_space<vmem_shared>>) target(%dma_start3A_51 : memref<400x128xf32, #tpu.memory_space<hbm>>) target_semaphore(%run_scoped3A : memref<!tpu.dma_semaphore, #tpu.memory_space<semaphore_mem>>)
            %dma_wait3A = arith.constant 0 : i32
            %dma_wait3A_54 = tpu.memref_slice %arg8[%mul3A_50, %dma_wait3A] : memref<10000x128xf32, #tpu.memory_space<hbm>> -> memref<400x128xf32, #tpu.memory_space<hbm>>
            %dma_wait3A_55 = arith.constant 0 : i32
            %dma_wait3A_56 = tpu.memref_slice %arg14[%mul3A_50, %dma_wait3A_55] : memref<10000x128xf32, #tpu.memory_space<vmem_shared>> -> memref<400x128xf32, #tpu.memory_space<vmem_shared>>
            tpu.wait_dma2 semaphore(%run_scoped3A : memref<!tpu.dma_semaphore, #tpu.memory_space<semaphore_mem>>) src(%dma_wait3A_56 : memref<400x128xf32, #tpu.memory_space<vmem_shared>>) dst(%dma_wait3A_54 : memref<400x128xf32, #tpu.memory_space<hbm>>)
            tpu.yield
          }) : () -> ()
        } else {
        }
      }
      %scan3A_39 = arith.constant 2 : i32
    } else {
    }
    %eq3A_2 = arith.constant 1 : i32
    %eq3A_3 = arith.cmpi eq, %arg0, %eq3A_2 : i32
    %convert_element_type3A_4 = arith.extui %eq3A_3 : i1 to i32
    %cond3A_5 = arith.constant 0 : i32
    %cond3A_6 = arith.cmpi ne, %convert_element_type3A_4, %cond3A_5 : i32
    scf.if %cond3A_6 {
      %add3A = arith.constant 0 : i32
      %add3A_7 = arith.addi %add3A, %arg1 : i32
      %lt3A = arith.constant 625 : i32
      %lt3A_8 = arith.cmpi slt, %add3A_7, %lt3A : i32
      %convert_element_type3A_9 = arith.extui %lt3A_8 : i1 to i32
      %cond3A_10 = arith.constant 0 : i32
      %cond3A_11 = arith.cmpi ne, %convert_element_type3A_9, %cond3A_10 : i32
      scf.if %cond3A_11 {
        %dma_start3A = arith.constant 0 : i32
        %dma_start3A_40 = arith.constant 0 : i32
        %dma_start3A_41 = tpu.memref_slice %arg5[%add3A_7, %dma_start3A, %dma_start3A_40] : memref<625x8x128xi32, #tpu.memory_space<hbm>> -> memref<1x8x128xi32, #tpu.memory_space<hbm>>
        %dma_start3A_42 = tpu.memref_squeeze %dma_start3A_41 : memref<1x8x128xi32, #tpu.memory_space<hbm>> -> memref<8x128xi32, #tpu.memory_space<hbm>>
        %dma_start3A_43 = arith.constant 0 : i32
        %dma_start3A_44 = arith.constant 0 : i32
        %dma_start3A_45 = tpu.memref_slice %arg5[%add3A_7, %dma_start3A_43, %dma_start3A_44] : memref<625x8x128xi32, #tpu.memory_space<hbm>> -> memref<1x8x128xi32, #tpu.memory_space<hbm>>
        %dma_start3A_46 = tpu.memref_squeeze %dma_start3A_45 : memref<1x8x128xi32, #tpu.memory_space<hbm>> -> memref<8x128xi32, #tpu.memory_space<hbm>>
        tpu.enqueue_dma source(%dma_start3A_46 : memref<8x128xi32, #tpu.memory_space<hbm>>) target(%arg12 : memref<8x128xi32, #tpu.memory_space<vmem>>) target_semaphore(%arg17 : memref<!tpu.dma_semaphore, #tpu.memory_space<semaphore_mem>>)
      } else {
      }
      %scan3A = arith.constant 0 : i32
      %scan3A_12 = arith.constant 0 : i32
      %scan3A_13 = arith.constant 2 : i32
      %scan3A_14 = arith.addi %scan3A_12, %scan3A_13 : i32
      %scan3A_15 = arith.constant 1 : i32
      scf.for %scan3A_40 = %scan3A_12 to %scan3A_14 step %scan3A_15  : i32 {
        %mul3A_41 = arith.constant 16 : i32
        %mul3A_42 = arith.muli %scan3A_40, %mul3A_41 : i32
        %add3A_43 = arith.addi %mul3A_42, %arg1 : i32
        %lt3A_44 = arith.constant 25 : i32
        %lt3A_45 = arith.cmpi slt, %add3A_43, %lt3A_44 : i32
        %convert_element_type3A_46 = arith.extui %lt3A_45 : i1 to i32
        %cond3A_47 = arith.constant 0 : i32
        %cond3A_48 = arith.cmpi ne, %convert_element_type3A_46, %cond3A_47 : i32
        scf.if %cond3A_48 {
          %mul3A_49 = arith.constant 400 : i32
          %mul3A_50 = arith.muli %add3A_43, %mul3A_49 : i32
          "tpu.region"() ({
            %run_scoped3A = tpu.sem_alloc : memref<!tpu.dma_semaphore, #tpu.memory_space<semaphore_mem>>
            %dma_start3A = arith.constant 0 : i32
            %dma_start3A_51 = tpu.memref_slice %arg14[%mul3A_50, %dma_start3A] : memref<10000x128xf32, #tpu.memory_space<vmem_shared>> -> memref<400x128xf32, #tpu.memory_space<vmem_shared>>
            %dma_start3A_52 = arith.constant 0 : i32
            %dma_start3A_53 = tpu.memref_slice %arg7[%mul3A_50, %dma_start3A_52] : memref<10000x128xf32, #tpu.memory_space<hbm>> -> memref<400x128xf32, #tpu.memory_space<hbm>>
            tpu.enqueue_dma source(%dma_start3A_53 : memref<400x128xf32, #tpu.memory_space<hbm>>) target(%dma_start3A_51 : memref<400x128xf32, #tpu.memory_space<vmem_shared>>) target_semaphore(%run_scoped3A : memref<!tpu.dma_semaphore, #tpu.memory_space<semaphore_mem>>)
            %dma_wait3A = arith.constant 0 : i32
            %dma_wait3A_54 = tpu.memref_slice %arg14[%mul3A_50, %dma_wait3A] : memref<10000x128xf32, #tpu.memory_space<vmem_shared>> -> memref<400x128xf32, #tpu.memory_space<vmem_shared>>
            %dma_wait3A_55 = arith.constant 0 : i32
            %dma_wait3A_56 = tpu.memref_slice %arg7[%mul3A_50, %dma_wait3A_55] : memref<10000x128xf32, #tpu.memory_space<hbm>> -> memref<400x128xf32, #tpu.memory_space<hbm>>
            tpu.wait_dma2 semaphore(%run_scoped3A : memref<!tpu.dma_semaphore, #tpu.memory_space<semaphore_mem>>) src(%dma_wait3A_56 : memref<400x128xf32, #tpu.memory_space<hbm>>) dst(%dma_wait3A_54 : memref<400x128xf32, #tpu.memory_space<vmem_shared>>)
            tpu.yield
          }) : () -> ()
        } else {
        }
      }
      %scan3A_16 = arith.constant 2 : i32
      %barrier3A = arith.constant 0 : index
      tpu.barrier barrier_id(%barrier3A)
      %scan3A_17 = arith.constant 0 : i32
      %scan3A_18 = arith.constant 0 : i32
      %scan3A_19 = arith.constant 20 : i32
      %scan3A_20 = arith.addi %scan3A_18, %scan3A_19 : i32
      %scan3A_21 = arith.constant 1 : i32
      scf.for %scan3A_40 = %scan3A_18 to %scan3A_20 step %scan3A_21  : i32 {
        %mul3A_41 = arith.constant 2 : i32
        %mul3A_42 = arith.muli %mul3A_41, %scan3A_40 : i32
        %add3A_43 = arith.constant 1 : i32
        %add3A_44 = arith.addi %mul3A_42, %add3A_43 : i32
        %mul3A_45 = arith.constant 16 : i32
        %mul3A_46 = arith.muli %mul3A_42, %mul3A_45 : i32
        %add3A_47 = arith.addi %mul3A_46, %arg1 : i32
        %lt3A_48 = arith.constant 625 : i32
        %lt3A_49 = arith.cmpi slt, %add3A_47, %lt3A_48 : i32
        %convert_element_type3A_50 = arith.extui %lt3A_49 : i1 to i32
        %cond3A_51 = arith.constant 0 : i32
        %cond3A_52 = arith.cmpi ne, %convert_element_type3A_50, %cond3A_51 : i32
        scf.if %cond3A_52 {
          %dma_wait3A = arith.constant 0 : i32
          %dma_wait3A_273 = arith.constant 0 : i32
          %dma_wait3A_274 = tpu.memref_slice %arg5[%add3A_47, %dma_wait3A, %dma_wait3A_273] : memref<625x8x128xi32, #tpu.memory_space<hbm>> -> memref<1x8x128xi32, #tpu.memory_space<hbm>>
          %dma_wait3A_275 = tpu.memref_squeeze %dma_wait3A_274 : memref<1x8x128xi32, #tpu.memory_space<hbm>> -> memref<8x128xi32, #tpu.memory_space<hbm>>
          %dma_wait3A_276 = arith.constant 0 : i32
          %dma_wait3A_277 = arith.constant 0 : i32
          %dma_wait3A_278 = tpu.memref_slice %arg5[%add3A_47, %dma_wait3A_276, %dma_wait3A_277] : memref<625x8x128xi32, #tpu.memory_space<hbm>> -> memref<1x8x128xi32, #tpu.memory_space<hbm>>
          %dma_wait3A_279 = tpu.memref_squeeze %dma_wait3A_278 : memref<1x8x128xi32, #tpu.memory_space<hbm>> -> memref<8x128xi32, #tpu.memory_space<hbm>>
          tpu.wait_dma2 semaphore(%arg17 : memref<!tpu.dma_semaphore, #tpu.memory_space<semaphore_mem>>) src(%dma_wait3A_279 : memref<8x128xi32, #tpu.memory_space<hbm>>) dst(%arg12 : memref<8x128xi32, #tpu.memory_space<vmem>>)
        } else {
        }
        %mul3A_53 = arith.constant 16 : i32
        %mul3A_54 = arith.muli %mul3A_42, %mul3A_53 : i32
        %add3A_55 = arith.addi %mul3A_54, %arg1 : i32
        %mul3A_56 = arith.constant 4 : i32
        %mul3A_57 = arith.muli %mul3A_56, %add3A_55 : i32
        %add3A_58 = arith.constant 0 : i32
        %add3A_59 = arith.addi %mul3A_57, %add3A_58 : i32
        %lt3A_60 = arith.constant 2500 : i32
        %lt3A_61 = arith.cmpi slt, %add3A_59, %lt3A_60 : i32
        %convert_element_type3A_62 = arith.extui %lt3A_61 : i1 to i32
        %cond3A_63 = arith.constant 0 : i32
        %cond3A_64 = arith.cmpi ne, %convert_element_type3A_62, %cond3A_63 : i32
        scf.if %cond3A_64 {
          %dma_start3A = arith.constant 0 : i32
          %dma_start3A_273 = arith.constant 0 : i32
          %dma_start3A_274 = tpu.memref_slice %arg12[%dma_start3A, %dma_start3A_273] : memref<8x128xi32, #tpu.memory_space<vmem>> -> memref<1x128xi32, #tpu.memory_space<vmem>>
          %dma_start3A_275 = tpu.memref_squeeze %dma_start3A_274 : memref<1x128xi32, #tpu.memory_space<vmem>> -> memref<128xi32, #tpu.memory_space<vmem>>
          %dma_start3A_276 = arith.constant 0 : i32
          %dma_start3A_277 = arith.constant 0 : i32
          %dma_start3A_278 = tpu.memref_slice %arg6[%dma_start3A_276, %dma_start3A_277] : memref<10000x128xf32, #tpu.memory_space<hbm>> -> memref<10000x128xf32, #tpu.memory_space<hbm>>
          tpu.enqueue_indirect_dma source(%dma_start3A_278 : memref<10000x128xf32, #tpu.memory_space<hbm>>) target(%arg10 : memref<128x128xf32, #tpu.memory_space<vmem>>) offsets(%dma_start3A_275 : memref<128xi32, #tpu.memory_space<vmem>>) semaphore(%arg15 : memref<!tpu.dma_semaphore, #tpu.memory_space<semaphore_mem>>)
        } else {
        }
        %sub3A = arith.constant 2 : i32
        %sub3A_65 = arith.subi %add3A_44, %sub3A : i32
        %mul3A_66 = arith.constant 16 : i32
        %mul3A_67 = arith.muli %sub3A_65, %mul3A_66 : i32
        %add3A_68 = arith.addi %mul3A_67, %arg1 : i32
        %mul3A_69 = arith.constant 4 : i32
        %mul3A_70 = arith.muli %mul3A_69, %add3A_68 : i32
        %add3A_71 = arith.constant 3 : i32
        %add3A_72 = arith.addi %mul3A_70, %add3A_71 : i32
        %ge3A = arith.constant 0 : i32
        %ge3A_73 = arith.cmpi sge, %add3A_72, %ge3A : i32
        %lt3A_74 = arith.constant 2500 : i32
        %lt3A_75 = arith.cmpi slt, %add3A_72, %lt3A_74 : i32
        %and3A = arith.andi %ge3A_73, %lt3A_75 : i1
        %convert_element_type3A_76 = arith.extui %and3A : i1 to i32
        %cond3A_77 = arith.constant 0 : i32
        %cond3A_78 = arith.cmpi ne, %convert_element_type3A_76, %cond3A_77 : i32
        scf.if %cond3A_78 {
          %dma_wait3A = arith.constant 3 : i32
          %dma_wait3A_273 = arith.constant 0 : i32
          %dma_wait3A_274 = tpu.memref_slice %arg13[%dma_wait3A, %dma_wait3A_273] : memref<8x128xi32, #tpu.memory_space<vmem>> -> memref<1x128xi32, #tpu.memory_space<vmem>>
          %dma_wait3A_275 = tpu.memref_squeeze %dma_wait3A_274 : memref<1x128xi32, #tpu.memory_space<vmem>> -> memref<128xi32, #tpu.memory_space<vmem>>
          %dma_wait3A_276 = arith.constant 0 : i32
          %dma_wait3A_277 = arith.constant 0 : i32
          %dma_wait3A_278 = tpu.memref_slice %arg6[%dma_wait3A_276, %dma_wait3A_277] : memref<10000x128xf32, #tpu.memory_space<hbm>> -> memref<10000x128xf32, #tpu.memory_space<hbm>>
          tpu.wait_indirect_dma semaphore(%arg16 : memref<!tpu.dma_semaphore, #tpu.memory_space<semaphore_mem>>) src(%dma_wait3A_278 : memref<10000x128xf32, #tpu.memory_space<hbm>>) dst(%arg11 : memref<128x128xf32, #tpu.memory_space<vmem>>)
          %run_scoped3A = arith.constant 7 : i32
          "tpu.region"() ({
            %run_scoped3A_279 = tpu.sem_alloc : memref<!tpu.dma_semaphore, #tpu.memory_space<semaphore_mem>>
            %dma_start3A = arith.constant 0 : i32
            %dma_start3A_280 = tpu.memref_slice %arg13[%run_scoped3A, %dma_start3A] : memref<8x128xi32, #tpu.memory_space<vmem>> -> memref<1x128xi32, #tpu.memory_space<vmem>>
            %dma_start3A_281 = tpu.memref_squeeze %dma_start3A_280 : memref<1x128xi32, #tpu.memory_space<vmem>> -> memref<128xi32, #tpu.memory_space<vmem>>
            %dma_start3A_282 = arith.constant 0 : i32
            %dma_start3A_283 = arith.constant 0 : i32
            %dma_start3A_284 = tpu.memref_slice %arg14[%dma_start3A_282, %dma_start3A_283] : memref<10000x128xf32, #tpu.memory_space<vmem_shared>> -> memref<10000x128xf32, #tpu.memory_space<vmem_shared>>
            tpu.enqueue_indirect_dma source(%arg11 : memref<128x128xf32, #tpu.memory_space<vmem>>) target(%dma_start3A_284 : memref<10000x128xf32, #tpu.memory_space<vmem_shared>>) offsets(%dma_start3A_281 : memref<128xi32, #tpu.memory_space<vmem>>) semaphore(%run_scoped3A_279 : memref<!tpu.dma_semaphore, #tpu.memory_space<semaphore_mem>>) {add = true}
            %dma_wait3A_285 = arith.constant 0 : i32
            %dma_wait3A_286 = tpu.memref_slice %arg13[%run_scoped3A, %dma_wait3A_285] : memref<8x128xi32, #tpu.memory_space<vmem>> -> memref<1x128xi32, #tpu.memory_space<vmem>>
            %dma_wait3A_287 = tpu.memref_squeeze %dma_wait3A_286 : memref<1x128xi32, #tpu.memory_space<vmem>> -> memref<128xi32, #tpu.memory_space<vmem>>
            %dma_wait3A_288 = arith.constant 0 : i32
            %dma_wait3A_289 = arith.constant 0 : i32
            %dma_wait3A_290 = tpu.memref_slice %arg14[%dma_wait3A_288, %dma_wait3A_289] : memref<10000x128xf32, #tpu.memory_space<vmem_shared>> -> memref<10000x128xf32, #tpu.memory_space<vmem_shared>>
            tpu.wait_indirect_dma semaphore(%run_scoped3A_279 : memref<!tpu.dma_semaphore, #tpu.memory_space<semaphore_mem>>) src(%arg11 : memref<128x128xf32, #tpu.memory_space<vmem>>) dst(%dma_wait3A_290 : memref<10000x128xf32, #tpu.memory_space<vmem_shared>>)
            tpu.yield
          }) : () -> ()
        } else {
        }
        %mul3A_79 = arith.constant 16 : i32
        %mul3A_80 = arith.muli %add3A_44, %mul3A_79 : i32
        %add3A_81 = arith.addi %mul3A_80, %arg1 : i32
        %lt3A_82 = arith.constant 625 : i32
        %lt3A_83 = arith.cmpi slt, %add3A_81, %lt3A_82 : i32
        %convert_element_type3A_84 = arith.extui %lt3A_83 : i1 to i32
        %cond3A_85 = arith.constant 0 : i32
        %cond3A_86 = arith.cmpi ne, %convert_element_type3A_84, %cond3A_85 : i32
        scf.if %cond3A_86 {
          %dma_start3A = arith.constant 0 : i32
          %dma_start3A_273 = arith.constant 0 : i32
          %dma_start3A_274 = tpu.memref_slice %arg5[%add3A_81, %dma_start3A, %dma_start3A_273] : memref<625x8x128xi32, #tpu.memory_space<hbm>> -> memref<1x8x128xi32, #tpu.memory_space<hbm>>
          %dma_start3A_275 = tpu.memref_squeeze %dma_start3A_274 : memref<1x8x128xi32, #tpu.memory_space<hbm>> -> memref<8x128xi32, #tpu.memory_space<hbm>>
          %dma_start3A_276 = arith.constant 0 : i32
          %dma_start3A_277 = arith.constant 0 : i32
          %dma_start3A_278 = tpu.memref_slice %arg5[%add3A_81, %dma_start3A_276, %dma_start3A_277] : memref<625x8x128xi32, #tpu.memory_space<hbm>> -> memref<1x8x128xi32, #tpu.memory_space<hbm>>
          %dma_start3A_279 = tpu.memref_squeeze %dma_start3A_278 : memref<1x8x128xi32, #tpu.memory_space<hbm>> -> memref<8x128xi32, #tpu.memory_space<hbm>>
          tpu.enqueue_dma source(%dma_start3A_279 : memref<8x128xi32, #tpu.memory_space<hbm>>) target(%arg13 : memref<8x128xi32, #tpu.memory_space<vmem>>) target_semaphore(%arg18 : memref<!tpu.dma_semaphore, #tpu.memory_space<semaphore_mem>>)
        } else {
        }
        %mul3A_87 = arith.constant 16 : i32
        %mul3A_88 = arith.muli %mul3A_42, %mul3A_87 : i32
        %add3A_89 = arith.addi %mul3A_88, %arg1 : i32
        %mul3A_90 = arith.constant 4 : i32
        %mul3A_91 = arith.muli %mul3A_90, %add3A_89 : i32
        %add3A_92 = arith.constant 1 : i32
        %add3A_93 = arith.addi %mul3A_91, %add3A_92 : i32
        %lt3A_94 = arith.constant 2500 : i32
        %lt3A_95 = arith.cmpi slt, %add3A_93, %lt3A_94 : i32
        %convert_element_type3A_96 = arith.extui %lt3A_95 : i1 to i32
        %cond3A_97 = arith.constant 0 : i32
        %cond3A_98 = arith.cmpi ne, %convert_element_type3A_96, %cond3A_97 : i32
        scf.if %cond3A_98 {
          %dma_start3A = arith.constant 1 : i32
          %dma_start3A_273 = arith.constant 0 : i32
          %dma_start3A_274 = tpu.memref_slice %arg12[%dma_start3A, %dma_start3A_273] : memref<8x128xi32, #tpu.memory_space<vmem>> -> memref<1x128xi32, #tpu.memory_space<vmem>>
          %dma_start3A_275 = tpu.memref_squeeze %dma_start3A_274 : memref<1x128xi32, #tpu.memory_space<vmem>> -> memref<128xi32, #tpu.memory_space<vmem>>
          %dma_start3A_276 = arith.constant 0 : i32
          %dma_start3A_277 = arith.constant 0 : i32
          %dma_start3A_278 = tpu.memref_slice %arg6[%dma_start3A_276, %dma_start3A_277] : memref<10000x128xf32, #tpu.memory_space<hbm>> -> memref<10000x128xf32, #tpu.memory_space<hbm>>
          tpu.enqueue_indirect_dma source(%dma_start3A_278 : memref<10000x128xf32, #tpu.memory_space<hbm>>) target(%arg11 : memref<128x128xf32, #tpu.memory_space<vmem>>) offsets(%dma_start3A_275 : memref<128xi32, #tpu.memory_space<vmem>>) semaphore(%arg16 : memref<!tpu.dma_semaphore, #tpu.memory_space<semaphore_mem>>)
        } else {
        }
        %mul3A_99 = arith.constant 16 : i32
        %mul3A_100 = arith.muli %mul3A_42, %mul3A_99 : i32
        %add3A_101 = arith.addi %mul3A_100, %arg1 : i32
        %mul3A_102 = arith.constant 4 : i32
        %mul3A_103 = arith.muli %mul3A_102, %add3A_101 : i32
        %add3A_104 = arith.constant 0 : i32
        %add3A_105 = arith.addi %mul3A_103, %add3A_104 : i32
        %lt3A_106 = arith.constant 2500 : i32
        %lt3A_107 = arith.cmpi slt, %add3A_105, %lt3A_106 : i32
        %convert_element_type3A_108 = arith.extui %lt3A_107 : i1 to i32
        %cond3A_109 = arith.constant 0 : i32
        %cond3A_110 = arith.cmpi ne, %convert_element_type3A_108, %cond3A_109 : i32
        scf.if %cond3A_110 {
          %dma_wait3A = arith.constant 0 : i32
          %dma_wait3A_273 = arith.constant 0 : i32
          %dma_wait3A_274 = tpu.memref_slice %arg12[%dma_wait3A, %dma_wait3A_273] : memref<8x128xi32, #tpu.memory_space<vmem>> -> memref<1x128xi32, #tpu.memory_space<vmem>>
          %dma_wait3A_275 = tpu.memref_squeeze %dma_wait3A_274 : memref<1x128xi32, #tpu.memory_space<vmem>> -> memref<128xi32, #tpu.memory_space<vmem>>
          %dma_wait3A_276 = arith.constant 0 : i32
          %dma_wait3A_277 = arith.constant 0 : i32
          %dma_wait3A_278 = tpu.memref_slice %arg6[%dma_wait3A_276, %dma_wait3A_277] : memref<10000x128xf32, #tpu.memory_space<hbm>> -> memref<10000x128xf32, #tpu.memory_space<hbm>>
          tpu.wait_indirect_dma semaphore(%arg15 : memref<!tpu.dma_semaphore, #tpu.memory_space<semaphore_mem>>) src(%dma_wait3A_278 : memref<10000x128xf32, #tpu.memory_space<hbm>>) dst(%arg10 : memref<128x128xf32, #tpu.memory_space<vmem>>)
          %run_scoped3A = arith.constant 4 : i32
          "tpu.region"() ({
            %run_scoped3A_279 = tpu.sem_alloc : memref<!tpu.dma_semaphore, #tpu.memory_space<semaphore_mem>>
            %dma_start3A = arith.constant 0 : i32
            %dma_start3A_280 = tpu.memref_slice %arg12[%run_scoped3A, %dma_start3A] : memref<8x128xi32, #tpu.memory_space<vmem>> -> memref<1x128xi32, #tpu.memory_space<vmem>>
            %dma_start3A_281 = tpu.memref_squeeze %dma_start3A_280 : memref<1x128xi32, #tpu.memory_space<vmem>> -> memref<128xi32, #tpu.memory_space<vmem>>
            %dma_start3A_282 = arith.constant 0 : i32
            %dma_start3A_283 = arith.constant 0 : i32
            %dma_start3A_284 = tpu.memref_slice %arg14[%dma_start3A_282, %dma_start3A_283] : memref<10000x128xf32, #tpu.memory_space<vmem_shared>> -> memref<10000x128xf32, #tpu.memory_space<vmem_shared>>
            tpu.enqueue_indirect_dma source(%arg10 : memref<128x128xf32, #tpu.memory_space<vmem>>) target(%dma_start3A_284 : memref<10000x128xf32, #tpu.memory_space<vmem_shared>>) offsets(%dma_start3A_281 : memref<128xi32, #tpu.memory_space<vmem>>) semaphore(%run_scoped3A_279 : memref<!tpu.dma_semaphore, #tpu.memory_space<semaphore_mem>>) {add = true}
            %dma_wait3A_285 = arith.constant 0 : i32
            %dma_wait3A_286 = tpu.memref_slice %arg12[%run_scoped3A, %dma_wait3A_285] : memref<8x128xi32, #tpu.memory_space<vmem>> -> memref<1x128xi32, #tpu.memory_space<vmem>>
            %dma_wait3A_287 = tpu.memref_squeeze %dma_wait3A_286 : memref<1x128xi32, #tpu.memory_space<vmem>> -> memref<128xi32, #tpu.memory_space<vmem>>
            %dma_wait3A_288 = arith.constant 0 : i32
            %dma_wait3A_289 = arith.constant 0 : i32
            %dma_wait3A_290 = tpu.memref_slice %arg14[%dma_wait3A_288, %dma_wait3A_289] : memref<10000x128xf32, #tpu.memory_space<vmem_shared>> -> memref<10000x128xf32, #tpu.memory_space<vmem_shared>>
            tpu.wait_indirect_dma semaphore(%run_scoped3A_279 : memref<!tpu.dma_semaphore, #tpu.memory_space<semaphore_mem>>) src(%arg10 : memref<128x128xf32, #tpu.memory_space<vmem>>) dst(%dma_wait3A_290 : memref<10000x128xf32, #tpu.memory_space<vmem_shared>>)
            tpu.yield
          }) : () -> ()
        } else {
        }
        %mul3A_111 = arith.constant 16 : i32
        %mul3A_112 = arith.muli %mul3A_42, %mul3A_111 : i32
        %add3A_113 = arith.addi %mul3A_112, %arg1 : i32
        %mul3A_114 = arith.constant 4 : i32
        %mul3A_115 = arith.muli %mul3A_114, %add3A_113 : i32
        %add3A_116 = arith.constant 2 : i32
        %add3A_117 = arith.addi %mul3A_115, %add3A_116 : i32
        %lt3A_118 = arith.constant 2500 : i32
        %lt3A_119 = arith.cmpi slt, %add3A_117, %lt3A_118 : i32
        %convert_element_type3A_120 = arith.extui %lt3A_119 : i1 to i32
        %cond3A_121 = arith.constant 0 : i32
        %cond3A_122 = arith.cmpi ne, %convert_element_type3A_120, %cond3A_121 : i32
        scf.if %cond3A_122 {
          %dma_start3A = arith.constant 2 : i32
          %dma_start3A_273 = arith.constant 0 : i32
          %dma_start3A_274 = tpu.memref_slice %arg12[%dma_start3A, %dma_start3A_273] : memref<8x128xi32, #tpu.memory_space<vmem>> -> memref<1x128xi32, #tpu.memory_space<vmem>>
          %dma_start3A_275 = tpu.memref_squeeze %dma_start3A_274 : memref<1x128xi32, #tpu.memory_space<vmem>> -> memref<128xi32, #tpu.memory_space<vmem>>
          %dma_start3A_276 = arith.constant 0 : i32
          %dma_start3A_277 = arith.constant 0 : i32
          %dma_start3A_278 = tpu.memref_slice %arg6[%dma_start3A_276, %dma_start3A_277] : memref<10000x128xf32, #tpu.memory_space<hbm>> -> memref<10000x128xf32, #tpu.memory_space<hbm>>
          tpu.enqueue_indirect_dma source(%dma_start3A_278 : memref<10000x128xf32, #tpu.memory_space<hbm>>) target(%arg10 : memref<128x128xf32, #tpu.memory_space<vmem>>) offsets(%dma_start3A_275 : memref<128xi32, #tpu.memory_space<vmem>>) semaphore(%arg15 : memref<!tpu.dma_semaphore, #tpu.memory_space<semaphore_mem>>)
        } else {
        }
        %mul3A_123 = arith.constant 16 : i32
        %mul3A_124 = arith.muli %mul3A_42, %mul3A_123 : i32
        %add3A_125 = arith.addi %mul3A_124, %arg1 : i32
        %mul3A_126 = arith.constant 4 : i32
        %mul3A_127 = arith.muli %mul3A_126, %add3A_125 : i32
        %add3A_128 = arith.constant 1 : i32
        %add3A_129 = arith.addi %mul3A_127, %add3A_128 : i32
        %lt3A_130 = arith.constant 2500 : i32
        %lt3A_131 = arith.cmpi slt, %add3A_129, %lt3A_130 : i32
        %convert_element_type3A_132 = arith.extui %lt3A_131 : i1 to i32
        %cond3A_133 = arith.constant 0 : i32
        %cond3A_134 = arith.cmpi ne, %convert_element_type3A_132, %cond3A_133 : i32
        scf.if %cond3A_134 {
          %dma_wait3A = arith.constant 1 : i32
          %dma_wait3A_273 = arith.constant 0 : i32
          %dma_wait3A_274 = tpu.memref_slice %arg12[%dma_wait3A, %dma_wait3A_273] : memref<8x128xi32, #tpu.memory_space<vmem>> -> memref<1x128xi32, #tpu.memory_space<vmem>>
          %dma_wait3A_275 = tpu.memref_squeeze %dma_wait3A_274 : memref<1x128xi32, #tpu.memory_space<vmem>> -> memref<128xi32, #tpu.memory_space<vmem>>
          %dma_wait3A_276 = arith.constant 0 : i32
          %dma_wait3A_277 = arith.constant 0 : i32
          %dma_wait3A_278 = tpu.memref_slice %arg6[%dma_wait3A_276, %dma_wait3A_277] : memref<10000x128xf32, #tpu.memory_space<hbm>> -> memref<10000x128xf32, #tpu.memory_space<hbm>>
          tpu.wait_indirect_dma semaphore(%arg16 : memref<!tpu.dma_semaphore, #tpu.memory_space<semaphore_mem>>) src(%dma_wait3A_278 : memref<10000x128xf32, #tpu.memory_space<hbm>>) dst(%arg11 : memref<128x128xf32, #tpu.memory_space<vmem>>)
          %run_scoped3A = arith.constant 5 : i32
          "tpu.region"() ({
            %run_scoped3A_279 = tpu.sem_alloc : memref<!tpu.dma_semaphore, #tpu.memory_space<semaphore_mem>>
            %dma_start3A = arith.constant 0 : i32
            %dma_start3A_280 = tpu.memref_slice %arg12[%run_scoped3A, %dma_start3A] : memref<8x128xi32, #tpu.memory_space<vmem>> -> memref<1x128xi32, #tpu.memory_space<vmem>>
            %dma_start3A_281 = tpu.memref_squeeze %dma_start3A_280 : memref<1x128xi32, #tpu.memory_space<vmem>> -> memref<128xi32, #tpu.memory_space<vmem>>
            %dma_start3A_282 = arith.constant 0 : i32
            %dma_start3A_283 = arith.constant 0 : i32
            %dma_start3A_284 = tpu.memref_slice %arg14[%dma_start3A_282, %dma_start3A_283] : memref<10000x128xf32, #tpu.memory_space<vmem_shared>> -> memref<10000x128xf32, #tpu.memory_space<vmem_shared>>
            tpu.enqueue_indirect_dma source(%arg11 : memref<128x128xf32, #tpu.memory_space<vmem>>) target(%dma_start3A_284 : memref<10000x128xf32, #tpu.memory_space<vmem_shared>>) offsets(%dma_start3A_281 : memref<128xi32, #tpu.memory_space<vmem>>) semaphore(%run_scoped3A_279 : memref<!tpu.dma_semaphore, #tpu.memory_space<semaphore_mem>>) {add = true}
            %dma_wait3A_285 = arith.constant 0 : i32
            %dma_wait3A_286 = tpu.memref_slice %arg12[%run_scoped3A, %dma_wait3A_285] : memref<8x128xi32, #tpu.memory_space<vmem>> -> memref<1x128xi32, #tpu.memory_space<vmem>>
            %dma_wait3A_287 = tpu.memref_squeeze %dma_wait3A_286 : memref<1x128xi32, #tpu.memory_space<vmem>> -> memref<128xi32, #tpu.memory_space<vmem>>
            %dma_wait3A_288 = arith.constant 0 : i32
            %dma_wait3A_289 = arith.constant 0 : i32
            %dma_wait3A_290 = tpu.memref_slice %arg14[%dma_wait3A_288, %dma_wait3A_289] : memref<10000x128xf32, #tpu.memory_space<vmem_shared>> -> memref<10000x128xf32, #tpu.memory_space<vmem_shared>>
            tpu.wait_indirect_dma semaphore(%run_scoped3A_279 : memref<!tpu.dma_semaphore, #tpu.memory_space<semaphore_mem>>) src(%arg11 : memref<128x128xf32, #tpu.memory_space<vmem>>) dst(%dma_wait3A_290 : memref<10000x128xf32, #tpu.memory_space<vmem_shared>>)
            tpu.yield
          }) : () -> ()
        } else {
        }
        %mul3A_135 = arith.constant 16 : i32
        %mul3A_136 = arith.muli %mul3A_42, %mul3A_135 : i32
        %add3A_137 = arith.addi %mul3A_136, %arg1 : i32
        %mul3A_138 = arith.constant 4 : i32
        %mul3A_139 = arith.muli %mul3A_138, %add3A_137 : i32
        %add3A_140 = arith.constant 3 : i32
        %add3A_141 = arith.addi %mul3A_139, %add3A_140 : i32
        %lt3A_142 = arith.constant 2500 : i32
        %lt3A_143 = arith.cmpi slt, %add3A_141, %lt3A_142 : i32
        %convert_element_type3A_144 = arith.extui %lt3A_143 : i1 to i32
        %cond3A_145 = arith.constant 0 : i32
        %cond3A_146 = arith.cmpi ne, %convert_element_type3A_144, %cond3A_145 : i32
        scf.if %cond3A_146 {
          %dma_start3A = arith.constant 3 : i32
          %dma_start3A_273 = arith.constant 0 : i32
          %dma_start3A_274 = tpu.memref_slice %arg12[%dma_start3A, %dma_start3A_273] : memref<8x128xi32, #tpu.memory_space<vmem>> -> memref<1x128xi32, #tpu.memory_space<vmem>>
          %dma_start3A_275 = tpu.memref_squeeze %dma_start3A_274 : memref<1x128xi32, #tpu.memory_space<vmem>> -> memref<128xi32, #tpu.memory_space<vmem>>
          %dma_start3A_276 = arith.constant 0 : i32
          %dma_start3A_277 = arith.constant 0 : i32
          %dma_start3A_278 = tpu.memref_slice %arg6[%dma_start3A_276, %dma_start3A_277] : memref<10000x128xf32, #tpu.memory_space<hbm>> -> memref<10000x128xf32, #tpu.memory_space<hbm>>
          tpu.enqueue_indirect_dma source(%dma_start3A_278 : memref<10000x128xf32, #tpu.memory_space<hbm>>) target(%arg11 : memref<128x128xf32, #tpu.memory_space<vmem>>) offsets(%dma_start3A_275 : memref<128xi32, #tpu.memory_space<vmem>>) semaphore(%arg16 : memref<!tpu.dma_semaphore, #tpu.memory_space<semaphore_mem>>)
        } else {
        }
        %mul3A_147 = arith.constant 16 : i32
        %mul3A_148 = arith.muli %mul3A_42, %mul3A_147 : i32
        %add3A_149 = arith.addi %mul3A_148, %arg1 : i32
        %mul3A_150 = arith.constant 4 : i32
        %mul3A_151 = arith.muli %mul3A_150, %add3A_149 : i32
        %add3A_152 = arith.constant 2 : i32
        %add3A_153 = arith.addi %mul3A_151, %add3A_152 : i32
        %lt3A_154 = arith.constant 2500 : i32
        %lt3A_155 = arith.cmpi slt, %add3A_153, %lt3A_154 : i32
        %convert_element_type3A_156 = arith.extui %lt3A_155 : i1 to i32
        %cond3A_157 = arith.constant 0 : i32
        %cond3A_158 = arith.cmpi ne, %convert_element_type3A_156, %cond3A_157 : i32
        scf.if %cond3A_158 {
          %dma_wait3A = arith.constant 2 : i32
          %dma_wait3A_273 = arith.constant 0 : i32
          %dma_wait3A_274 = tpu.memref_slice %arg12[%dma_wait3A, %dma_wait3A_273] : memref<8x128xi32, #tpu.memory_space<vmem>> -> memref<1x128xi32, #tpu.memory_space<vmem>>
          %dma_wait3A_275 = tpu.memref_squeeze %dma_wait3A_274 : memref<1x128xi32, #tpu.memory_space<vmem>> -> memref<128xi32, #tpu.memory_space<vmem>>
          %dma_wait3A_276 = arith.constant 0 : i32
          %dma_wait3A_277 = arith.constant 0 : i32
          %dma_wait3A_278 = tpu.memref_slice %arg6[%dma_wait3A_276, %dma_wait3A_277] : memref<10000x128xf32, #tpu.memory_space<hbm>> -> memref<10000x128xf32, #tpu.memory_space<hbm>>
          tpu.wait_indirect_dma semaphore(%arg15 : memref<!tpu.dma_semaphore, #tpu.memory_space<semaphore_mem>>) src(%dma_wait3A_278 : memref<10000x128xf32, #tpu.memory_space<hbm>>) dst(%arg10 : memref<128x128xf32, #tpu.memory_space<vmem>>)
          %run_scoped3A = arith.constant 6 : i32
          "tpu.region"() ({
            %run_scoped3A_279 = tpu.sem_alloc : memref<!tpu.dma_semaphore, #tpu.memory_space<semaphore_mem>>
            %dma_start3A = arith.constant 0 : i32
            %dma_start3A_280 = tpu.memref_slice %arg12[%run_scoped3A, %dma_start3A] : memref<8x128xi32, #tpu.memory_space<vmem>> -> memref<1x128xi32, #tpu.memory_space<vmem>>
            %dma_start3A_281 = tpu.memref_squeeze %dma_start3A_280 : memref<1x128xi32, #tpu.memory_space<vmem>> -> memref<128xi32, #tpu.memory_space<vmem>>
            %dma_start3A_282 = arith.constant 0 : i32
            %dma_start3A_283 = arith.constant 0 : i32
            %dma_start3A_284 = tpu.memref_slice %arg14[%dma_start3A_282, %dma_start3A_283] : memref<10000x128xf32, #tpu.memory_space<vmem_shared>> -> memref<10000x128xf32, #tpu.memory_space<vmem_shared>>
            tpu.enqueue_indirect_dma source(%arg10 : memref<128x128xf32, #tpu.memory_space<vmem>>) target(%dma_start3A_284 : memref<10000x128xf32, #tpu.memory_space<vmem_shared>>) offsets(%dma_start3A_281 : memref<128xi32, #tpu.memory_space<vmem>>) semaphore(%run_scoped3A_279 : memref<!tpu.dma_semaphore, #tpu.memory_space<semaphore_mem>>) {add = true}
            %dma_wait3A_285 = arith.constant 0 : i32
            %dma_wait3A_286 = tpu.memref_slice %arg12[%run_scoped3A, %dma_wait3A_285] : memref<8x128xi32, #tpu.memory_space<vmem>> -> memref<1x128xi32, #tpu.memory_space<vmem>>
            %dma_wait3A_287 = tpu.memref_squeeze %dma_wait3A_286 : memref<1x128xi32, #tpu.memory_space<vmem>> -> memref<128xi32, #tpu.memory_space<vmem>>
            %dma_wait3A_288 = arith.constant 0 : i32
            %dma_wait3A_289 = arith.constant 0 : i32
            %dma_wait3A_290 = tpu.memref_slice %arg14[%dma_wait3A_288, %dma_wait3A_289] : memref<10000x128xf32, #tpu.memory_space<vmem_shared>> -> memref<10000x128xf32, #tpu.memory_space<vmem_shared>>
            tpu.wait_indirect_dma semaphore(%run_scoped3A_279 : memref<!tpu.dma_semaphore, #tpu.memory_space<semaphore_mem>>) src(%arg10 : memref<128x128xf32, #tpu.memory_space<vmem>>) dst(%dma_wait3A_290 : memref<10000x128xf32, #tpu.memory_space<vmem_shared>>)
            tpu.yield
          }) : () -> ()
        } else {
        }
        %mul3A_159 = arith.constant 16 : i32
        %mul3A_160 = arith.muli %add3A_44, %mul3A_159 : i32
        %add3A_161 = arith.addi %mul3A_160, %arg1 : i32
        %lt3A_162 = arith.constant 625 : i32
        %lt3A_163 = arith.cmpi slt, %add3A_161, %lt3A_162 : i32
        %convert_element_type3A_164 = arith.extui %lt3A_163 : i1 to i32
        %cond3A_165 = arith.constant 0 : i32
        %cond3A_166 = arith.cmpi ne, %convert_element_type3A_164, %cond3A_165 : i32
        scf.if %cond3A_166 {
          %dma_wait3A = arith.constant 0 : i32
          %dma_wait3A_273 = arith.constant 0 : i32
          %dma_wait3A_274 = tpu.memref_slice %arg5[%add3A_161, %dma_wait3A, %dma_wait3A_273] : memref<625x8x128xi32, #tpu.memory_space<hbm>> -> memref<1x8x128xi32, #tpu.memory_space<hbm>>
          %dma_wait3A_275 = tpu.memref_squeeze %dma_wait3A_274 : memref<1x8x128xi32, #tpu.memory_space<hbm>> -> memref<8x128xi32, #tpu.memory_space<hbm>>
          %dma_wait3A_276 = arith.constant 0 : i32
          %dma_wait3A_277 = arith.constant 0 : i32
          %dma_wait3A_278 = tpu.memref_slice %arg5[%add3A_161, %dma_wait3A_276, %dma_wait3A_277] : memref<625x8x128xi32, #tpu.memory_space<hbm>> -> memref<1x8x128xi32, #tpu.memory_space<hbm>>
          %dma_wait3A_279 = tpu.memref_squeeze %dma_wait3A_278 : memref<1x8x128xi32, #tpu.memory_space<hbm>> -> memref<8x128xi32, #tpu.memory_space<hbm>>
          tpu.wait_dma2 semaphore(%arg18 : memref<!tpu.dma_semaphore, #tpu.memory_space<semaphore_mem>>) src(%dma_wait3A_279 : memref<8x128xi32, #tpu.memory_space<hbm>>) dst(%arg13 : memref<8x128xi32, #tpu.memory_space<vmem>>)
        } else {
        }
        %mul3A_167 = arith.constant 16 : i32
        %mul3A_168 = arith.muli %add3A_44, %mul3A_167 : i32
        %add3A_169 = arith.addi %mul3A_168, %arg1 : i32
        %mul3A_170 = arith.constant 4 : i32
        %mul3A_171 = arith.muli %mul3A_170, %add3A_169 : i32
        %add3A_172 = arith.constant 0 : i32
        %add3A_173 = arith.addi %mul3A_171, %add3A_172 : i32
        %lt3A_174 = arith.constant 2500 : i32
        %lt3A_175 = arith.cmpi slt, %add3A_173, %lt3A_174 : i32
        %convert_element_type3A_176 = arith.extui %lt3A_175 : i1 to i32
        %cond3A_177 = arith.constant 0 : i32
        %cond3A_178 = arith.cmpi ne, %convert_element_type3A_176, %cond3A_177 : i32
        scf.if %cond3A_178 {
          %dma_start3A = arith.constant 0 : i32
          %dma_start3A_273 = arith.constant 0 : i32
          %dma_start3A_274 = tpu.memref_slice %arg13[%dma_start3A, %dma_start3A_273] : memref<8x128xi32, #tpu.memory_space<vmem>> -> memref<1x128xi32, #tpu.memory_space<vmem>>
          %dma_start3A_275 = tpu.memref_squeeze %dma_start3A_274 : memref<1x128xi32, #tpu.memory_space<vmem>> -> memref<128xi32, #tpu.memory_space<vmem>>
          %dma_start3A_276 = arith.constant 0 : i32
          %dma_start3A_277 = arith.constant 0 : i32
          %dma_start3A_278 = tpu.memref_slice %arg6[%dma_start3A_276, %dma_start3A_277] : memref<10000x128xf32, #tpu.memory_space<hbm>> -> memref<10000x128xf32, #tpu.memory_space<hbm>>
          tpu.enqueue_indirect_dma source(%dma_start3A_278 : memref<10000x128xf32, #tpu.memory_space<hbm>>) target(%arg10 : memref<128x128xf32, #tpu.memory_space<vmem>>) offsets(%dma_start3A_275 : memref<128xi32, #tpu.memory_space<vmem>>) semaphore(%arg15 : memref<!tpu.dma_semaphore, #tpu.memory_space<semaphore_mem>>)
        } else {
        }
        %mul3A_179 = arith.constant 16 : i32
        %mul3A_180 = arith.muli %mul3A_42, %mul3A_179 : i32
        %add3A_181 = arith.addi %mul3A_180, %arg1 : i32
        %mul3A_182 = arith.constant 4 : i32
        %mul3A_183 = arith.muli %mul3A_182, %add3A_181 : i32
        %add3A_184 = arith.constant 3 : i32
        %add3A_185 = arith.addi %mul3A_183, %add3A_184 : i32
        %lt3A_186 = arith.constant 2500 : i32
        %lt3A_187 = arith.cmpi slt, %add3A_185, %lt3A_186 : i32
        %convert_element_type3A_188 = arith.extui %lt3A_187 : i1 to i32
        %cond3A_189 = arith.constant 0 : i32
        %cond3A_190 = arith.cmpi ne, %convert_element_type3A_188, %cond3A_189 : i32
        scf.if %cond3A_190 {
          %dma_wait3A = arith.constant 3 : i32
          %dma_wait3A_273 = arith.constant 0 : i32
          %dma_wait3A_274 = tpu.memref_slice %arg12[%dma_wait3A, %dma_wait3A_273] : memref<8x128xi32, #tpu.memory_space<vmem>> -> memref<1x128xi32, #tpu.memory_space<vmem>>
          %dma_wait3A_275 = tpu.memref_squeeze %dma_wait3A_274 : memref<1x128xi32, #tpu.memory_space<vmem>> -> memref<128xi32, #tpu.memory_space<vmem>>
          %dma_wait3A_276 = arith.constant 0 : i32
          %dma_wait3A_277 = arith.constant 0 : i32
          %dma_wait3A_278 = tpu.memref_slice %arg6[%dma_wait3A_276, %dma_wait3A_277] : memref<10000x128xf32, #tpu.memory_space<hbm>> -> memref<10000x128xf32, #tpu.memory_space<hbm>>
          tpu.wait_indirect_dma semaphore(%arg16 : memref<!tpu.dma_semaphore, #tpu.memory_space<semaphore_mem>>) src(%dma_wait3A_278 : memref<10000x128xf32, #tpu.memory_space<hbm>>) dst(%arg11 : memref<128x128xf32, #tpu.memory_space<vmem>>)
          %run_scoped3A = arith.constant 7 : i32
          "tpu.region"() ({
            %run_scoped3A_279 = tpu.sem_alloc : memref<!tpu.dma_semaphore, #tpu.memory_space<semaphore_mem>>
            %dma_start3A = arith.constant 0 : i32
            %dma_start3A_280 = tpu.memref_slice %arg12[%run_scoped3A, %dma_start3A] : memref<8x128xi32, #tpu.memory_space<vmem>> -> memref<1x128xi32, #tpu.memory_space<vmem>>
            %dma_start3A_281 = tpu.memref_squeeze %dma_start3A_280 : memref<1x128xi32, #tpu.memory_space<vmem>> -> memref<128xi32, #tpu.memory_space<vmem>>
            %dma_start3A_282 = arith.constant 0 : i32
            %dma_start3A_283 = arith.constant 0 : i32
            %dma_start3A_284 = tpu.memref_slice %arg14[%dma_start3A_282, %dma_start3A_283] : memref<10000x128xf32, #tpu.memory_space<vmem_shared>> -> memref<10000x128xf32, #tpu.memory_space<vmem_shared>>
            tpu.enqueue_indirect_dma source(%arg11 : memref<128x128xf32, #tpu.memory_space<vmem>>) target(%dma_start3A_284 : memref<10000x128xf32, #tpu.memory_space<vmem_shared>>) offsets(%dma_start3A_281 : memref<128xi32, #tpu.memory_space<vmem>>) semaphore(%run_scoped3A_279 : memref<!tpu.dma_semaphore, #tpu.memory_space<semaphore_mem>>) {add = true}
            %dma_wait3A_285 = arith.constant 0 : i32
            %dma_wait3A_286 = tpu.memref_slice %arg12[%run_scoped3A, %dma_wait3A_285] : memref<8x128xi32, #tpu.memory_space<vmem>> -> memref<1x128xi32, #tpu.memory_space<vmem>>
            %dma_wait3A_287 = tpu.memref_squeeze %dma_wait3A_286 : memref<1x128xi32, #tpu.memory_space<vmem>> -> memref<128xi32, #tpu.memory_space<vmem>>
            %dma_wait3A_288 = arith.constant 0 : i32
            %dma_wait3A_289 = arith.constant 0 : i32
            %dma_wait3A_290 = tpu.memref_slice %arg14[%dma_wait3A_288, %dma_wait3A_289] : memref<10000x128xf32, #tpu.memory_space<vmem_shared>> -> memref<10000x128xf32, #tpu.memory_space<vmem_shared>>
            tpu.wait_indirect_dma semaphore(%run_scoped3A_279 : memref<!tpu.dma_semaphore, #tpu.memory_space<semaphore_mem>>) src(%arg11 : memref<128x128xf32, #tpu.memory_space<vmem>>) dst(%dma_wait3A_290 : memref<10000x128xf32, #tpu.memory_space<vmem_shared>>)
            tpu.yield
          }) : () -> ()
        } else {
        }
        %add3A_191 = arith.constant 2 : i32
        %add3A_192 = arith.addi %mul3A_42, %add3A_191 : i32
        %mul3A_193 = arith.constant 16 : i32
        %mul3A_194 = arith.muli %add3A_192, %mul3A_193 : i32
        %add3A_195 = arith.addi %mul3A_194, %arg1 : i32
        %lt3A_196 = arith.constant 625 : i32
        %lt3A_197 = arith.cmpi slt, %add3A_195, %lt3A_196 : i32
        %convert_element_type3A_198 = arith.extui %lt3A_197 : i1 to i32
        %cond3A_199 = arith.constant 0 : i32
        %cond3A_200 = arith.cmpi ne, %convert_element_type3A_198, %cond3A_199 : i32
        scf.if %cond3A_200 {
          %dma_start3A = arith.constant 0 : i32
          %dma_start3A_273 = arith.constant 0 : i32
          %dma_start3A_274 = tpu.memref_slice %arg5[%add3A_195, %dma_start3A, %dma_start3A_273] : memref<625x8x128xi32, #tpu.memory_space<hbm>> -> memref<1x8x128xi32, #tpu.memory_space<hbm>>
          %dma_start3A_275 = tpu.memref_squeeze %dma_start3A_274 : memref<1x8x128xi32, #tpu.memory_space<hbm>> -> memref<8x128xi32, #tpu.memory_space<hbm>>
          %dma_start3A_276 = arith.constant 0 : i32
          %dma_start3A_277 = arith.constant 0 : i32
          %dma_start3A_278 = tpu.memref_slice %arg5[%add3A_195, %dma_start3A_276, %dma_start3A_277] : memref<625x8x128xi32, #tpu.memory_space<hbm>> -> memref<1x8x128xi32, #tpu.memory_space<hbm>>
          %dma_start3A_279 = tpu.memref_squeeze %dma_start3A_278 : memref<1x8x128xi32, #tpu.memory_space<hbm>> -> memref<8x128xi32, #tpu.memory_space<hbm>>
          tpu.enqueue_dma source(%dma_start3A_279 : memref<8x128xi32, #tpu.memory_space<hbm>>) target(%arg12 : memref<8x128xi32, #tpu.memory_space<vmem>>) target_semaphore(%arg17 : memref<!tpu.dma_semaphore, #tpu.memory_space<semaphore_mem>>)
        } else {
        }
        %mul3A_201 = arith.constant 16 : i32
        %mul3A_202 = arith.muli %add3A_44, %mul3A_201 : i32
        %add3A_203 = arith.addi %mul3A_202, %arg1 : i32
        %mul3A_204 = arith.constant 4 : i32
        %mul3A_205 = arith.muli %mul3A_204, %add3A_203 : i32
        %add3A_206 = arith.constant 1 : i32
        %add3A_207 = arith.addi %mul3A_205, %add3A_206 : i32
        %lt3A_208 = arith.constant 2500 : i32
        %lt3A_209 = arith.cmpi slt, %add3A_207, %lt3A_208 : i32
        %convert_element_type3A_210 = arith.extui %lt3A_209 : i1 to i32
        %cond3A_211 = arith.constant 0 : i32
        %cond3A_212 = arith.cmpi ne, %convert_element_type3A_210, %cond3A_211 : i32
        scf.if %cond3A_212 {
          %dma_start3A = arith.constant 1 : i32
          %dma_start3A_273 = arith.constant 0 : i32
          %dma_start3A_274 = tpu.memref_slice %arg13[%dma_start3A, %dma_start3A_273] : memref<8x128xi32, #tpu.memory_space<vmem>> -> memref<1x128xi32, #tpu.memory_space<vmem>>
          %dma_start3A_275 = tpu.memref_squeeze %dma_start3A_274 : memref<1x128xi32, #tpu.memory_space<vmem>> -> memref<128xi32, #tpu.memory_space<vmem>>
          %dma_start3A_276 = arith.constant 0 : i32
          %dma_start3A_277 = arith.constant 0 : i32
          %dma_start3A_278 = tpu.memref_slice %arg6[%dma_start3A_276, %dma_start3A_277] : memref<10000x128xf32, #tpu.memory_space<hbm>> -> memref<10000x128xf32, #tpu.memory_space<hbm>>
          tpu.enqueue_indirect_dma source(%dma_start3A_278 : memref<10000x128xf32, #tpu.memory_space<hbm>>) target(%arg11 : memref<128x128xf32, #tpu.memory_space<vmem>>) offsets(%dma_start3A_275 : memref<128xi32, #tpu.memory_space<vmem>>) semaphore(%arg16 : memref<!tpu.dma_semaphore, #tpu.memory_space<semaphore_mem>>)
        } else {
        }
        %mul3A_213 = arith.constant 16 : i32
        %mul3A_214 = arith.muli %add3A_44, %mul3A_213 : i32
        %add3A_215 = arith.addi %mul3A_214, %arg1 : i32
        %mul3A_216 = arith.constant 4 : i32
        %mul3A_217 = arith.muli %mul3A_216, %add3A_215 : i32
        %add3A_218 = arith.constant 0 : i32
        %add3A_219 = arith.addi %mul3A_217, %add3A_218 : i32
        %lt3A_220 = arith.constant 2500 : i32
        %lt3A_221 = arith.cmpi slt, %add3A_219, %lt3A_220 : i32
        %convert_element_type3A_222 = arith.extui %lt3A_221 : i1 to i32
        %cond3A_223 = arith.constant 0 : i32
        %cond3A_224 = arith.cmpi ne, %convert_element_type3A_222, %cond3A_223 : i32
        scf.if %cond3A_224 {
          %dma_wait3A = arith.constant 0 : i32
          %dma_wait3A_273 = arith.constant 0 : i32
          %dma_wait3A_274 = tpu.memref_slice %arg13[%dma_wait3A, %dma_wait3A_273] : memref<8x128xi32, #tpu.memory_space<vmem>> -> memref<1x128xi32, #tpu.memory_space<vmem>>
          %dma_wait3A_275 = tpu.memref_squeeze %dma_wait3A_274 : memref<1x128xi32, #tpu.memory_space<vmem>> -> memref<128xi32, #tpu.memory_space<vmem>>
          %dma_wait3A_276 = arith.constant 0 : i32
          %dma_wait3A_277 = arith.constant 0 : i32
          %dma_wait3A_278 = tpu.memref_slice %arg6[%dma_wait3A_276, %dma_wait3A_277] : memref<10000x128xf32, #tpu.memory_space<hbm>> -> memref<10000x128xf32, #tpu.memory_space<hbm>>
          tpu.wait_indirect_dma semaphore(%arg15 : memref<!tpu.dma_semaphore, #tpu.memory_space<semaphore_mem>>) src(%dma_wait3A_278 : memref<10000x128xf32, #tpu.memory_space<hbm>>) dst(%arg10 : memref<128x128xf32, #tpu.memory_space<vmem>>)
          %run_scoped3A = arith.constant 4 : i32
          "tpu.region"() ({
            %run_scoped3A_279 = tpu.sem_alloc : memref<!tpu.dma_semaphore, #tpu.memory_space<semaphore_mem>>
            %dma_start3A = arith.constant 0 : i32
            %dma_start3A_280 = tpu.memref_slice %arg13[%run_scoped3A, %dma_start3A] : memref<8x128xi32, #tpu.memory_space<vmem>> -> memref<1x128xi32, #tpu.memory_space<vmem>>
            %dma_start3A_281 = tpu.memref_squeeze %dma_start3A_280 : memref<1x128xi32, #tpu.memory_space<vmem>> -> memref<128xi32, #tpu.memory_space<vmem>>
            %dma_start3A_282 = arith.constant 0 : i32
            %dma_start3A_283 = arith.constant 0 : i32
            %dma_start3A_284 = tpu.memref_slice %arg14[%dma_start3A_282, %dma_start3A_283] : memref<10000x128xf32, #tpu.memory_space<vmem_shared>> -> memref<10000x128xf32, #tpu.memory_space<vmem_shared>>
            tpu.enqueue_indirect_dma source(%arg10 : memref<128x128xf32, #tpu.memory_space<vmem>>) target(%dma_start3A_284 : memref<10000x128xf32, #tpu.memory_space<vmem_shared>>) offsets(%dma_start3A_281 : memref<128xi32, #tpu.memory_space<vmem>>) semaphore(%run_scoped3A_279 : memref<!tpu.dma_semaphore, #tpu.memory_space<semaphore_mem>>) {add = true}
            %dma_wait3A_285 = arith.constant 0 : i32
            %dma_wait3A_286 = tpu.memref_slice %arg13[%run_scoped3A, %dma_wait3A_285] : memref<8x128xi32, #tpu.memory_space<vmem>> -> memref<1x128xi32, #tpu.memory_space<vmem>>
            %dma_wait3A_287 = tpu.memref_squeeze %dma_wait3A_286 : memref<1x128xi32, #tpu.memory_space<vmem>> -> memref<128xi32, #tpu.memory_space<vmem>>
            %dma_wait3A_288 = arith.constant 0 : i32
            %dma_wait3A_289 = arith.constant 0 : i32
            %dma_wait3A_290 = tpu.memref_slice %arg14[%dma_wait3A_288, %dma_wait3A_289] : memref<10000x128xf32, #tpu.memory_space<vmem_shared>> -> memref<10000x128xf32, #tpu.memory_space<vmem_shared>>
            tpu.wait_indirect_dma semaphore(%run_scoped3A_279 : memref<!tpu.dma_semaphore, #tpu.memory_space<semaphore_mem>>) src(%arg10 : memref<128x128xf32, #tpu.memory_space<vmem>>) dst(%dma_wait3A_290 : memref<10000x128xf32, #tpu.memory_space<vmem_shared>>)
            tpu.yield
          }) : () -> ()
        } else {
        }
        %mul3A_225 = arith.constant 16 : i32
        %mul3A_226 = arith.muli %add3A_44, %mul3A_225 : i32
        %add3A_227 = arith.addi %mul3A_226, %arg1 : i32
        %mul3A_228 = arith.constant 4 : i32
        %mul3A_229 = arith.muli %mul3A_228, %add3A_227 : i32
        %add3A_230 = arith.constant 2 : i32
        %add3A_231 = arith.addi %mul3A_229, %add3A_230 : i32
        %lt3A_232 = arith.constant 2500 : i32
        %lt3A_233 = arith.cmpi slt, %add3A_231, %lt3A_232 : i32
        %convert_element_type3A_234 = arith.extui %lt3A_233 : i1 to i32
        %cond3A_235 = arith.constant 0 : i32
        %cond3A_236 = arith.cmpi ne, %convert_element_type3A_234, %cond3A_235 : i32
        scf.if %cond3A_236 {
          %dma_start3A = arith.constant 2 : i32
          %dma_start3A_273 = arith.constant 0 : i32
          %dma_start3A_274 = tpu.memref_slice %arg13[%dma_start3A, %dma_start3A_273] : memref<8x128xi32, #tpu.memory_space<vmem>> -> memref<1x128xi32, #tpu.memory_space<vmem>>
          %dma_start3A_275 = tpu.memref_squeeze %dma_start3A_274 : memref<1x128xi32, #tpu.memory_space<vmem>> -> memref<128xi32, #tpu.memory_space<vmem>>
          %dma_start3A_276 = arith.constant 0 : i32
          %dma_start3A_277 = arith.constant 0 : i32
          %dma_start3A_278 = tpu.memref_slice %arg6[%dma_start3A_276, %dma_start3A_277] : memref<10000x128xf32, #tpu.memory_space<hbm>> -> memref<10000x128xf32, #tpu.memory_space<hbm>>
          tpu.enqueue_indirect_dma source(%dma_start3A_278 : memref<10000x128xf32, #tpu.memory_space<hbm>>) target(%arg10 : memref<128x128xf32, #tpu.memory_space<vmem>>) offsets(%dma_start3A_275 : memref<128xi32, #tpu.memory_space<vmem>>) semaphore(%arg15 : memref<!tpu.dma_semaphore, #tpu.memory_space<semaphore_mem>>)
        } else {
        }
        %mul3A_237 = arith.constant 16 : i32
        %mul3A_238 = arith.muli %add3A_44, %mul3A_237 : i32
        %add3A_239 = arith.addi %mul3A_238, %arg1 : i32
        %mul3A_240 = arith.constant 4 : i32
        %mul3A_241 = arith.muli %mul3A_240, %add3A_239 : i32
        %add3A_242 = arith.constant 1 : i32
        %add3A_243 = arith.addi %mul3A_241, %add3A_242 : i32
        %lt3A_244 = arith.constant 2500 : i32
        %lt3A_245 = arith.cmpi slt, %add3A_243, %lt3A_244 : i32
        %convert_element_type3A_246 = arith.extui %lt3A_245 : i1 to i32
        %cond3A_247 = arith.constant 0 : i32
        %cond3A_248 = arith.cmpi ne, %convert_element_type3A_246, %cond3A_247 : i32
        scf.if %cond3A_248 {
          %dma_wait3A = arith.constant 1 : i32
          %dma_wait3A_273 = arith.constant 0 : i32
          %dma_wait3A_274 = tpu.memref_slice %arg13[%dma_wait3A, %dma_wait3A_273] : memref<8x128xi32, #tpu.memory_space<vmem>> -> memref<1x128xi32, #tpu.memory_space<vmem>>
          %dma_wait3A_275 = tpu.memref_squeeze %dma_wait3A_274 : memref<1x128xi32, #tpu.memory_space<vmem>> -> memref<128xi32, #tpu.memory_space<vmem>>
          %dma_wait3A_276 = arith.constant 0 : i32
          %dma_wait3A_277 = arith.constant 0 : i32
          %dma_wait3A_278 = tpu.memref_slice %arg6[%dma_wait3A_276, %dma_wait3A_277] : memref<10000x128xf32, #tpu.memory_space<hbm>> -> memref<10000x128xf32, #tpu.memory_space<hbm>>
          tpu.wait_indirect_dma semaphore(%arg16 : memref<!tpu.dma_semaphore, #tpu.memory_space<semaphore_mem>>) src(%dma_wait3A_278 : memref<10000x128xf32, #tpu.memory_space<hbm>>) dst(%arg11 : memref<128x128xf32, #tpu.memory_space<vmem>>)
          %run_scoped3A = arith.constant 5 : i32
          "tpu.region"() ({
            %run_scoped3A_279 = tpu.sem_alloc : memref<!tpu.dma_semaphore, #tpu.memory_space<semaphore_mem>>
            %dma_start3A = arith.constant 0 : i32
            %dma_start3A_280 = tpu.memref_slice %arg13[%run_scoped3A, %dma_start3A] : memref<8x128xi32, #tpu.memory_space<vmem>> -> memref<1x128xi32, #tpu.memory_space<vmem>>
            %dma_start3A_281 = tpu.memref_squeeze %dma_start3A_280 : memref<1x128xi32, #tpu.memory_space<vmem>> -> memref<128xi32, #tpu.memory_space<vmem>>
            %dma_start3A_282 = arith.constant 0 : i32
            %dma_start3A_283 = arith.constant 0 : i32
            %dma_start3A_284 = tpu.memref_slice %arg14[%dma_start3A_282, %dma_start3A_283] : memref<10000x128xf32, #tpu.memory_space<vmem_shared>> -> memref<10000x128xf32, #tpu.memory_space<vmem_shared>>
            tpu.enqueue_indirect_dma source(%arg11 : memref<128x128xf32, #tpu.memory_space<vmem>>) target(%dma_start3A_284 : memref<10000x128xf32, #tpu.memory_space<vmem_shared>>) offsets(%dma_start3A_281 : memref<128xi32, #tpu.memory_space<vmem>>) semaphore(%run_scoped3A_279 : memref<!tpu.dma_semaphore, #tpu.memory_space<semaphore_mem>>) {add = true}
            %dma_wait3A_285 = arith.constant 0 : i32
            %dma_wait3A_286 = tpu.memref_slice %arg13[%run_scoped3A, %dma_wait3A_285] : memref<8x128xi32, #tpu.memory_space<vmem>> -> memref<1x128xi32, #tpu.memory_space<vmem>>
            %dma_wait3A_287 = tpu.memref_squeeze %dma_wait3A_286 : memref<1x128xi32, #tpu.memory_space<vmem>> -> memref<128xi32, #tpu.memory_space<vmem>>
            %dma_wait3A_288 = arith.constant 0 : i32
            %dma_wait3A_289 = arith.constant 0 : i32
            %dma_wait3A_290 = tpu.memref_slice %arg14[%dma_wait3A_288, %dma_wait3A_289] : memref<10000x128xf32, #tpu.memory_space<vmem_shared>> -> memref<10000x128xf32, #tpu.memory_space<vmem_shared>>
            tpu.wait_indirect_dma semaphore(%run_scoped3A_279 : memref<!tpu.dma_semaphore, #tpu.memory_space<semaphore_mem>>) src(%arg11 : memref<128x128xf32, #tpu.memory_space<vmem>>) dst(%dma_wait3A_290 : memref<10000x128xf32, #tpu.memory_space<vmem_shared>>)
            tpu.yield
          }) : () -> ()
        } else {
        }
        %mul3A_249 = arith.constant 16 : i32
        %mul3A_250 = arith.muli %add3A_44, %mul3A_249 : i32
        %add3A_251 = arith.addi %mul3A_250, %arg1 : i32
        %mul3A_252 = arith.constant 4 : i32
        %mul3A_253 = arith.muli %mul3A_252, %add3A_251 : i32
        %add3A_254 = arith.constant 3 : i32
        %add3A_255 = arith.addi %mul3A_253, %add3A_254 : i32
        %lt3A_256 = arith.constant 2500 : i32
        %lt3A_257 = arith.cmpi slt, %add3A_255, %lt3A_256 : i32
        %convert_element_type3A_258 = arith.extui %lt3A_257 : i1 to i32
        %cond3A_259 = arith.constant 0 : i32
        %cond3A_260 = arith.cmpi ne, %convert_element_type3A_258, %cond3A_259 : i32
        scf.if %cond3A_260 {
          %dma_start3A = arith.constant 3 : i32
          %dma_start3A_273 = arith.constant 0 : i32
          %dma_start3A_274 = tpu.memref_slice %arg13[%dma_start3A, %dma_start3A_273] : memref<8x128xi32, #tpu.memory_space<vmem>> -> memref<1x128xi32, #tpu.memory_space<vmem>>
          %dma_start3A_275 = tpu.memref_squeeze %dma_start3A_274 : memref<1x128xi32, #tpu.memory_space<vmem>> -> memref<128xi32, #tpu.memory_space<vmem>>
          %dma_start3A_276 = arith.constant 0 : i32
          %dma_start3A_277 = arith.constant 0 : i32
          %dma_start3A_278 = tpu.memref_slice %arg6[%dma_start3A_276, %dma_start3A_277] : memref<10000x128xf32, #tpu.memory_space<hbm>> -> memref<10000x128xf32, #tpu.memory_space<hbm>>
          tpu.enqueue_indirect_dma source(%dma_start3A_278 : memref<10000x128xf32, #tpu.memory_space<hbm>>) target(%arg11 : memref<128x128xf32, #tpu.memory_space<vmem>>) offsets(%dma_start3A_275 : memref<128xi32, #tpu.memory_space<vmem>>) semaphore(%arg16 : memref<!tpu.dma_semaphore, #tpu.memory_space<semaphore_mem>>)
        } else {
        }
        %mul3A_261 = arith.constant 16 : i32
        %mul3A_262 = arith.muli %add3A_44, %mul3A_261 : i32
        %add3A_263 = arith.addi %mul3A_262, %arg1 : i32
        %mul3A_264 = arith.constant 4 : i32
        %mul3A_265 = arith.muli %mul3A_264, %add3A_263 : i32
        %add3A_266 = arith.constant 2 : i32
        %add3A_267 = arith.addi %mul3A_265, %add3A_266 : i32
        %lt3A_268 = arith.constant 2500 : i32
        %lt3A_269 = arith.cmpi slt, %add3A_267, %lt3A_268 : i32
        %convert_element_type3A_270 = arith.extui %lt3A_269 : i1 to i32
        %cond3A_271 = arith.constant 0 : i32
        %cond3A_272 = arith.cmpi ne, %convert_element_type3A_270, %cond3A_271 : i32
        scf.if %cond3A_272 {
          %dma_wait3A = arith.constant 2 : i32
          %dma_wait3A_273 = arith.constant 0 : i32
          %dma_wait3A_274 = tpu.memref_slice %arg13[%dma_wait3A, %dma_wait3A_273] : memref<8x128xi32, #tpu.memory_space<vmem>> -> memref<1x128xi32, #tpu.memory_space<vmem>>
          %dma_wait3A_275 = tpu.memref_squeeze %dma_wait3A_274 : memref<1x128xi32, #tpu.memory_space<vmem>> -> memref<128xi32, #tpu.memory_space<vmem>>
          %dma_wait3A_276 = arith.constant 0 : i32
          %dma_wait3A_277 = arith.constant 0 : i32
          %dma_wait3A_278 = tpu.memref_slice %arg6[%dma_wait3A_276, %dma_wait3A_277] : memref<10000x128xf32, #tpu.memory_space<hbm>> -> memref<10000x128xf32, #tpu.memory_space<hbm>>
          tpu.wait_indirect_dma semaphore(%arg15 : memref<!tpu.dma_semaphore, #tpu.memory_space<semaphore_mem>>) src(%dma_wait3A_278 : memref<10000x128xf32, #tpu.memory_space<hbm>>) dst(%arg10 : memref<128x128xf32, #tpu.memory_space<vmem>>)
          %run_scoped3A = arith.constant 6 : i32
          "tpu.region"() ({
            %run_scoped3A_279 = tpu.sem_alloc : memref<!tpu.dma_semaphore, #tpu.memory_space<semaphore_mem>>
            %dma_start3A = arith.constant 0 : i32
            %dma_start3A_280 = tpu.memref_slice %arg13[%run_scoped3A, %dma_start3A] : memref<8x128xi32, #tpu.memory_space<vmem>> -> memref<1x128xi32, #tpu.memory_space<vmem>>
            %dma_start3A_281 = tpu.memref_squeeze %dma_start3A_280 : memref<1x128xi32, #tpu.memory_space<vmem>> -> memref<128xi32, #tpu.memory_space<vmem>>
            %dma_start3A_282 = arith.constant 0 : i32
            %dma_start3A_283 = arith.constant 0 : i32
            %dma_start3A_284 = tpu.memref_slice %arg14[%dma_start3A_282, %dma_start3A_283] : memref<10000x128xf32, #tpu.memory_space<vmem_shared>> -> memref<10000x128xf32, #tpu.memory_space<vmem_shared>>
            tpu.enqueue_indirect_dma source(%arg10 : memref<128x128xf32, #tpu.memory_space<vmem>>) target(%dma_start3A_284 : memref<10000x128xf32, #tpu.memory_space<vmem_shared>>) offsets(%dma_start3A_281 : memref<128xi32, #tpu.memory_space<vmem>>) semaphore(%run_scoped3A_279 : memref<!tpu.dma_semaphore, #tpu.memory_space<semaphore_mem>>) {add = true}
            %dma_wait3A_285 = arith.constant 0 : i32
            %dma_wait3A_286 = tpu.memref_slice %arg13[%run_scoped3A, %dma_wait3A_285] : memref<8x128xi32, #tpu.memory_space<vmem>> -> memref<1x128xi32, #tpu.memory_space<vmem>>
            %dma_wait3A_287 = tpu.memref_squeeze %dma_wait3A_286 : memref<1x128xi32, #tpu.memory_space<vmem>> -> memref<128xi32, #tpu.memory_space<vmem>>
            %dma_wait3A_288 = arith.constant 0 : i32
            %dma_wait3A_289 = arith.constant 0 : i32
            %dma_wait3A_290 = tpu.memref_slice %arg14[%dma_wait3A_288, %dma_wait3A_289] : memref<10000x128xf32, #tpu.memory_space<vmem_shared>> -> memref<10000x128xf32, #tpu.memory_space<vmem_shared>>
            tpu.wait_indirect_dma semaphore(%run_scoped3A_279 : memref<!tpu.dma_semaphore, #tpu.memory_space<semaphore_mem>>) src(%arg10 : memref<128x128xf32, #tpu.memory_space<vmem>>) dst(%dma_wait3A_290 : memref<10000x128xf32, #tpu.memory_space<vmem_shared>>)
            tpu.yield
          }) : () -> ()
        } else {
        }
      }
      %scan3A_22 = arith.constant 20 : i32
      %add3A_23 = arith.constant 624 : i32
      %add3A_24 = arith.addi %add3A_23, %arg1 : i32
      %mul3A = arith.constant 4 : i32
      %mul3A_25 = arith.muli %mul3A, %add3A_24 : i32
      %add3A_26 = arith.constant 3 : i32
      %add3A_27 = arith.addi %mul3A_25, %add3A_26 : i32
      %lt3A_28 = arith.constant 2500 : i32
      %lt3A_29 = arith.cmpi slt, %add3A_27, %lt3A_28 : i32
      %convert_element_type3A_30 = arith.extui %lt3A_29 : i1 to i32
      %cond3A_31 = arith.constant 0 : i32
      %cond3A_32 = arith.cmpi ne, %convert_element_type3A_30, %cond3A_31 : i32
      scf.if %cond3A_32 {
        %dma_wait3A = arith.constant 3 : i32
        %dma_wait3A_40 = arith.constant 0 : i32
        %dma_wait3A_41 = tpu.memref_slice %arg13[%dma_wait3A, %dma_wait3A_40] : memref<8x128xi32, #tpu.memory_space<vmem>> -> memref<1x128xi32, #tpu.memory_space<vmem>>
        %dma_wait3A_42 = tpu.memref_squeeze %dma_wait3A_41 : memref<1x128xi32, #tpu.memory_space<vmem>> -> memref<128xi32, #tpu.memory_space<vmem>>
        %dma_wait3A_43 = arith.constant 0 : i32
        %dma_wait3A_44 = arith.constant 0 : i32
        %dma_wait3A_45 = tpu.memref_slice %arg6[%dma_wait3A_43, %dma_wait3A_44] : memref<10000x128xf32, #tpu.memory_space<hbm>> -> memref<10000x128xf32, #tpu.memory_space<hbm>>
        tpu.wait_indirect_dma semaphore(%arg16 : memref<!tpu.dma_semaphore, #tpu.memory_space<semaphore_mem>>) src(%dma_wait3A_45 : memref<10000x128xf32, #tpu.memory_space<hbm>>) dst(%arg11 : memref<128x128xf32, #tpu.memory_space<vmem>>)
        %run_scoped3A = arith.constant 7 : i32
        "tpu.region"() ({
          %run_scoped3A_46 = tpu.sem_alloc : memref<!tpu.dma_semaphore, #tpu.memory_space<semaphore_mem>>
          %dma_start3A = arith.constant 0 : i32
          %dma_start3A_47 = tpu.memref_slice %arg13[%run_scoped3A, %dma_start3A] : memref<8x128xi32, #tpu.memory_space<vmem>> -> memref<1x128xi32, #tpu.memory_space<vmem>>
          %dma_start3A_48 = tpu.memref_squeeze %dma_start3A_47 : memref<1x128xi32, #tpu.memory_space<vmem>> -> memref<128xi32, #tpu.memory_space<vmem>>
          %dma_start3A_49 = arith.constant 0 : i32
          %dma_start3A_50 = arith.constant 0 : i32
          %dma_start3A_51 = tpu.memref_slice %arg14[%dma_start3A_49, %dma_start3A_50] : memref<10000x128xf32, #tpu.memory_space<vmem_shared>> -> memref<10000x128xf32, #tpu.memory_space<vmem_shared>>
          tpu.enqueue_indirect_dma source(%arg11 : memref<128x128xf32, #tpu.memory_space<vmem>>) target(%dma_start3A_51 : memref<10000x128xf32, #tpu.memory_space<vmem_shared>>) offsets(%dma_start3A_48 : memref<128xi32, #tpu.memory_space<vmem>>) semaphore(%run_scoped3A_46 : memref<!tpu.dma_semaphore, #tpu.memory_space<semaphore_mem>>) {add = true}
          %dma_wait3A_52 = arith.constant 0 : i32
          %dma_wait3A_53 = tpu.memref_slice %arg13[%run_scoped3A, %dma_wait3A_52] : memref<8x128xi32, #tpu.memory_space<vmem>> -> memref<1x128xi32, #tpu.memory_space<vmem>>
          %dma_wait3A_54 = tpu.memref_squeeze %dma_wait3A_53 : memref<1x128xi32, #tpu.memory_space<vmem>> -> memref<128xi32, #tpu.memory_space<vmem>>
          %dma_wait3A_55 = arith.constant 0 : i32
          %dma_wait3A_56 = arith.constant 0 : i32
          %dma_wait3A_57 = tpu.memref_slice %arg14[%dma_wait3A_55, %dma_wait3A_56] : memref<10000x128xf32, #tpu.memory_space<vmem_shared>> -> memref<10000x128xf32, #tpu.memory_space<vmem_shared>>
          tpu.wait_indirect_dma semaphore(%run_scoped3A_46 : memref<!tpu.dma_semaphore, #tpu.memory_space<semaphore_mem>>) src(%arg11 : memref<128x128xf32, #tpu.memory_space<vmem>>) dst(%dma_wait3A_57 : memref<10000x128xf32, #tpu.memory_space<vmem_shared>>)
          tpu.yield
        }) : () -> ()
      } else {
      }
      %barrier3A_33 = arith.constant 0 : index
      tpu.barrier barrier_id(%barrier3A_33)
      %scan3A_34 = arith.constant 0 : i32
      %scan3A_35 = arith.constant 0 : i32
      %scan3A_36 = arith.constant 2 : i32
      %scan3A_37 = arith.addi %scan3A_35, %scan3A_36 : i32
      %scan3A_38 = arith.constant 1 : i32
      scf.for %scan3A_40 = %scan3A_35 to %scan3A_37 step %scan3A_38  : i32 {
        %mul3A_41 = arith.constant 16 : i32
        %mul3A_42 = arith.muli %scan3A_40, %mul3A_41 : i32
        %add3A_43 = arith.addi %mul3A_42, %arg1 : i32
        %lt3A_44 = arith.constant 25 : i32
        %lt3A_45 = arith.cmpi slt, %add3A_43, %lt3A_44 : i32
        %convert_element_type3A_46 = arith.extui %lt3A_45 : i1 to i32
        %cond3A_47 = arith.constant 0 : i32
        %cond3A_48 = arith.cmpi ne, %convert_element_type3A_46, %cond3A_47 : i32
        scf.if %cond3A_48 {
          %mul3A_49 = arith.constant 400 : i32
          %mul3A_50 = arith.muli %add3A_43, %mul3A_49 : i32
          "tpu.region"() ({
            %run_scoped3A = tpu.sem_alloc : memref<!tpu.dma_semaphore, #tpu.memory_space<semaphore_mem>>
            %dma_start3A = arith.constant 0 : i32
            %dma_start3A_51 = tpu.memref_slice %arg9[%mul3A_50, %dma_start3A] : memref<10000x128xf32, #tpu.memory_space<hbm>> -> memref<400x128xf32, #tpu.memory_space<hbm>>
            %dma_start3A_52 = arith.constant 0 : i32
            %dma_start3A_53 = tpu.memref_slice %arg14[%mul3A_50, %dma_start3A_52] : memref<10000x128xf32, #tpu.memory_space<vmem_shared>> -> memref<400x128xf32, #tpu.memory_space<vmem_shared>>
            tpu.enqueue_dma source(%dma_start3A_53 : memref<400x128xf32, #tpu.memory_space<vmem_shared>>) target(%dma_start3A_51 : memref<400x128xf32, #tpu.memory_space<hbm>>) target_semaphore(%run_scoped3A : memref<!tpu.dma_semaphore, #tpu.memory_space<semaphore_mem>>)
            %dma_wait3A = arith.constant 0 : i32
            %dma_wait3A_54 = tpu.memref_slice %arg9[%mul3A_50, %dma_wait3A] : memref<10000x128xf32, #tpu.memory_space<hbm>> -> memref<400x128xf32, #tpu.memory_space<hbm>>
            %dma_wait3A_55 = arith.constant 0 : i32
            %dma_wait3A_56 = tpu.memref_slice %arg14[%mul3A_50, %dma_wait3A_55] : memref<10000x128xf32, #tpu.memory_space<vmem_shared>> -> memref<400x128xf32, #tpu.memory_space<vmem_shared>>
            tpu.wait_dma2 semaphore(%run_scoped3A : memref<!tpu.dma_semaphore, #tpu.memory_space<semaphore_mem>>) src(%dma_wait3A_56 : memref<400x128xf32, #tpu.memory_space<vmem_shared>>) dst(%dma_wait3A_54 : memref<400x128xf32, #tpu.memory_space<hbm>>)
            tpu.yield
          }) : () -> ()
        } else {
        }
      }
      %scan3A_39 = arith.constant 2 : i32
    } else {
    }
    return
  }
}

#map = affine_map<(d0, d1) -> (0, 0)>
#map1 = affine_map<(d0, d1) -> (0)>
module attributes {stable_mosaic.version = 14 : i64} {
  func.func @_dec_gather_body(%arg0: i32, %arg1: i32, %arg2: memref<10000x128xf32, #tpu.memory_space<hbm>>, %arg3: memref<10000x128xf32, #tpu.memory_space<hbm>>, %arg4: memref<200096xi32, #tpu.memory_space<hbm>>, %arg5: memref<100096x128xf32, #tpu.memory_space<hbm>>, %arg6: memref<128xi32, #tpu.memory_space<vmem>>, %arg7: memref<128xi32, #tpu.memory_space<vmem>>, %arg8: memref<128xi32, #tpu.memory_space<vmem>>, %arg9: memref<128xi32, #tpu.memory_space<vmem>>, %arg10: memref<128x128xf32, #tpu.memory_space<vmem>>, %arg11: memref<128x128xf32, #tpu.memory_space<vmem>>, %arg12: memref<!tpu.dma_semaphore, #tpu.memory_space<semaphore_mem>>, %arg13: memref<!tpu.dma_semaphore, #tpu.memory_space<semaphore_mem>>, %arg14: memref<!tpu.dma_semaphore, #tpu.memory_space<semaphore_mem>>, %arg15: memref<!tpu.dma_semaphore, #tpu.memory_space<semaphore_mem>>) attributes {dimension_semantics = [#tpu.dimension_semantics<core_parallel>, #tpu.dimension_semantics<subcore_parallel>], iteration_bounds = array<i64: 2, 16>, scalar_prefetch = 0 : i64, scratch_operands = 10 : i64, tpu.core_type = #tpu.core_type<sc_vector_subcore>, window_params = [{transform_indices = #map}, {transform_indices = #map}, {transform_indices = #map1}, {transform_indices = #map}]} {
    %mul3A = arith.constant 16 : i32
    %mul3A_0 = arith.muli %arg0, %mul3A : i32
    %add3A = arith.addi %mul3A_0, %arg1 : i32
    %add3A_1 = arith.constant 0 : i32
    %add3A_2 = arith.addi %add3A_1, %add3A : i32
    %lt3A = arith.constant 782 : i32
    %lt3A_3 = arith.cmpi slt, %add3A_2, %lt3A : i32
    %convert_element_type3A = arith.extui %lt3A_3 : i1 to i32
    %cond3A = arith.constant 0 : i32
    %cond3A_4 = arith.cmpi ne, %convert_element_type3A, %cond3A : i32
    scf.if %cond3A_4 {
      %mul3A_10 = arith.constant 128 : i32
      %mul3A_11 = arith.muli %add3A_2, %mul3A_10 : i32
      "tpu.region"() ({
        %run_scoped3A = tpu.sem_alloc : memref<!tpu.dma_semaphore, #tpu.memory_space<semaphore_mem>>
        %dma_start3A_14 = tpu.memref_slice %arg4[%mul3A_11] : memref<200096xi32, #tpu.memory_space<hbm>> -> memref<128xi32, #tpu.memory_space<hbm>>
        %dma_start3A_15 = tpu.memref_slice %arg4[%mul3A_11] : memref<200096xi32, #tpu.memory_space<hbm>> -> memref<128xi32, #tpu.memory_space<hbm>>
        tpu.enqueue_dma source(%dma_start3A_15 : memref<128xi32, #tpu.memory_space<hbm>>) target(%arg6 : memref<128xi32, #tpu.memory_space<vmem>>) target_semaphore(%run_scoped3A : memref<!tpu.dma_semaphore, #tpu.memory_space<semaphore_mem>>)
        %dma_wait3A = tpu.memref_slice %arg4[%mul3A_11] : memref<200096xi32, #tpu.memory_space<hbm>> -> memref<128xi32, #tpu.memory_space<hbm>>
        %dma_wait3A_16 = tpu.memref_slice %arg4[%mul3A_11] : memref<200096xi32, #tpu.memory_space<hbm>> -> memref<128xi32, #tpu.memory_space<hbm>>
        tpu.wait_dma2 semaphore(%run_scoped3A : memref<!tpu.dma_semaphore, #tpu.memory_space<semaphore_mem>>) src(%dma_wait3A_16 : memref<128xi32, #tpu.memory_space<hbm>>) dst(%arg6 : memref<128xi32, #tpu.memory_space<vmem>>)
        tpu.yield
      }) : () -> ()
      %dma_start3A = arith.constant 0 : i32
      %dma_start3A_12 = arith.constant 0 : i32
      %dma_start3A_13 = tpu.memref_slice %arg2[%dma_start3A, %dma_start3A_12] : memref<10000x128xf32, #tpu.memory_space<hbm>> -> memref<10000x128xf32, #tpu.memory_space<hbm>>
      tpu.enqueue_indirect_dma source(%dma_start3A_13 : memref<10000x128xf32, #tpu.memory_space<hbm>>) target(%arg10 : memref<128x128xf32, #tpu.memory_space<vmem>>) offsets(%arg6 : memref<128xi32, #tpu.memory_space<vmem>>) semaphore(%arg12 : memref<!tpu.dma_semaphore, #tpu.memory_space<semaphore_mem>>)
    } else {
    }
    %scan3A = arith.constant 0 : i32
    %scan3A_5 = arith.constant 0 : i32
    %scan3A_6 = arith.constant 13 : i32
    %scan3A_7 = arith.addi %scan3A_5, %scan3A_6 : i32
    %scan3A_8 = arith.constant 1 : i32
    scf.for %scan3A_10 = %scan3A_5 to %scan3A_7 step %scan3A_8  : i32 {
      %mul3A_11 = arith.constant 2 : i32
      %mul3A_12 = arith.muli %mul3A_11, %scan3A_10 : i32
      %add3A_13 = arith.constant 1 : i32
      %add3A_14 = arith.addi %mul3A_12, %add3A_13 : i32
      %mul3A_15 = arith.constant 32 : i32
      %mul3A_16 = arith.muli %add3A_14, %mul3A_15 : i32
      %add3A_17 = arith.addi %mul3A_16, %add3A : i32
      %lt3A_18 = arith.constant 782 : i32
      %lt3A_19 = arith.cmpi slt, %add3A_17, %lt3A_18 : i32
      %convert_element_type3A_20 = arith.extui %lt3A_19 : i1 to i32
      %cond3A_21 = arith.constant 0 : i32
      %cond3A_22 = arith.cmpi ne, %convert_element_type3A_20, %cond3A_21 : i32
      scf.if %cond3A_22 {
        %mul3A_69 = arith.constant 128 : i32
        %mul3A_70 = arith.muli %add3A_17, %mul3A_69 : i32
        "tpu.region"() ({
          %run_scoped3A = tpu.sem_alloc : memref<!tpu.dma_semaphore, #tpu.memory_space<semaphore_mem>>
          %dma_start3A_73 = tpu.memref_slice %arg4[%mul3A_70] : memref<200096xi32, #tpu.memory_space<hbm>> -> memref<128xi32, #tpu.memory_space<hbm>>
          %dma_start3A_74 = tpu.memref_slice %arg4[%mul3A_70] : memref<200096xi32, #tpu.memory_space<hbm>> -> memref<128xi32, #tpu.memory_space<hbm>>
          tpu.enqueue_dma source(%dma_start3A_74 : memref<128xi32, #tpu.memory_space<hbm>>) target(%arg7 : memref<128xi32, #tpu.memory_space<vmem>>) target_semaphore(%run_scoped3A : memref<!tpu.dma_semaphore, #tpu.memory_space<semaphore_mem>>)
          %dma_wait3A = tpu.memref_slice %arg4[%mul3A_70] : memref<200096xi32, #tpu.memory_space<hbm>> -> memref<128xi32, #tpu.memory_space<hbm>>
          %dma_wait3A_75 = tpu.memref_slice %arg4[%mul3A_70] : memref<200096xi32, #tpu.memory_space<hbm>> -> memref<128xi32, #tpu.memory_space<hbm>>
          tpu.wait_dma2 semaphore(%run_scoped3A : memref<!tpu.dma_semaphore, #tpu.memory_space<semaphore_mem>>) src(%dma_wait3A_75 : memref<128xi32, #tpu.memory_space<hbm>>) dst(%arg7 : memref<128xi32, #tpu.memory_space<vmem>>)
          tpu.yield
        }) : () -> ()
        %dma_start3A = arith.constant 0 : i32
        %dma_start3A_71 = arith.constant 0 : i32
        %dma_start3A_72 = tpu.memref_slice %arg2[%dma_start3A, %dma_start3A_71] : memref<10000x128xf32, #tpu.memory_space<hbm>> -> memref<10000x128xf32, #tpu.memory_space<hbm>>
        tpu.enqueue_indirect_dma source(%dma_start3A_72 : memref<10000x128xf32, #tpu.memory_space<hbm>>) target(%arg11 : memref<128x128xf32, #tpu.memory_space<vmem>>) offsets(%arg7 : memref<128xi32, #tpu.memory_space<vmem>>) semaphore(%arg13 : memref<!tpu.dma_semaphore, #tpu.memory_space<semaphore_mem>>)
      } else {
      }
      %mul3A_23 = arith.constant 32 : i32
      %mul3A_24 = arith.muli %mul3A_12, %mul3A_23 : i32
      %add3A_25 = arith.addi %mul3A_24, %add3A : i32
      %lt3A_26 = arith.constant 782 : i32
      %lt3A_27 = arith.cmpi slt, %add3A_25, %lt3A_26 : i32
      %convert_element_type3A_28 = arith.extui %lt3A_27 : i1 to i32
      %cond3A_29 = arith.constant 0 : i32
      %cond3A_30 = arith.cmpi ne, %convert_element_type3A_28, %cond3A_29 : i32
      scf.if %cond3A_30 {
        %dma_wait3A = arith.constant 0 : i32
        %dma_wait3A_69 = arith.constant 0 : i32
        %dma_wait3A_70 = tpu.memref_slice %arg2[%dma_wait3A, %dma_wait3A_69] : memref<10000x128xf32, #tpu.memory_space<hbm>> -> memref<10000x128xf32, #tpu.memory_space<hbm>>
        tpu.wait_indirect_dma semaphore(%arg12 : memref<!tpu.dma_semaphore, #tpu.memory_space<semaphore_mem>>) src(%dma_wait3A_70 : memref<10000x128xf32, #tpu.memory_space<hbm>>) dst(%arg10 : memref<128x128xf32, #tpu.memory_space<vmem>>)
        %mul3A_71 = arith.constant 128 : i32
        %mul3A_72 = arith.muli %add3A_25, %mul3A_71 : i32
        %add3A_73 = arith.constant 100000 : i32
        %add3A_74 = arith.addi %add3A_73, %mul3A_72 : i32
        "tpu.region"() ({
          %run_scoped3A = tpu.sem_alloc : memref<!tpu.dma_semaphore, #tpu.memory_space<semaphore_mem>>
          %dma_start3A_77 = tpu.memref_slice %arg4[%add3A_74] : memref<200096xi32, #tpu.memory_space<hbm>> -> memref<128xi32, #tpu.memory_space<hbm>>
          %dma_start3A_78 = tpu.memref_slice %arg4[%add3A_74] : memref<200096xi32, #tpu.memory_space<hbm>> -> memref<128xi32, #tpu.memory_space<hbm>>
          tpu.enqueue_dma source(%dma_start3A_78 : memref<128xi32, #tpu.memory_space<hbm>>) target(%arg8 : memref<128xi32, #tpu.memory_space<vmem>>) target_semaphore(%run_scoped3A : memref<!tpu.dma_semaphore, #tpu.memory_space<semaphore_mem>>)
          %dma_wait3A_79 = tpu.memref_slice %arg4[%add3A_74] : memref<200096xi32, #tpu.memory_space<hbm>> -> memref<128xi32, #tpu.memory_space<hbm>>
          %dma_wait3A_80 = tpu.memref_slice %arg4[%add3A_74] : memref<200096xi32, #tpu.memory_space<hbm>> -> memref<128xi32, #tpu.memory_space<hbm>>
          tpu.wait_dma2 semaphore(%run_scoped3A : memref<!tpu.dma_semaphore, #tpu.memory_space<semaphore_mem>>) src(%dma_wait3A_80 : memref<128xi32, #tpu.memory_space<hbm>>) dst(%arg8 : memref<128xi32, #tpu.memory_space<vmem>>)
          tpu.yield
        }) : () -> ()
        %dma_start3A = arith.constant 0 : i32
        %dma_start3A_75 = arith.constant 0 : i32
        %dma_start3A_76 = tpu.memref_slice %arg3[%dma_start3A, %dma_start3A_75] : memref<10000x128xf32, #tpu.memory_space<hbm>> -> memref<10000x128xf32, #tpu.memory_space<hbm>>
        tpu.enqueue_indirect_dma source(%dma_start3A_76 : memref<10000x128xf32, #tpu.memory_space<hbm>>) target(%arg10 : memref<128x128xf32, #tpu.memory_space<vmem>>) offsets(%arg8 : memref<128xi32, #tpu.memory_space<vmem>>) semaphore(%arg14 : memref<!tpu.dma_semaphore, #tpu.memory_space<semaphore_mem>>) {add = true}
      } else {
      }
      %mul3A_31 = arith.constant 32 : i32
      %mul3A_32 = arith.muli %mul3A_12, %mul3A_31 : i32
      %add3A_33 = arith.addi %mul3A_32, %add3A : i32
      %lt3A_34 = arith.constant 782 : i32
      %lt3A_35 = arith.cmpi slt, %add3A_33, %lt3A_34 : i32
      %convert_element_type3A_36 = arith.extui %lt3A_35 : i1 to i32
      %cond3A_37 = arith.constant 0 : i32
      %cond3A_38 = arith.cmpi ne, %convert_element_type3A_36, %cond3A_37 : i32
      scf.if %cond3A_38 {
        %dma_wait3A = arith.constant 0 : i32
        %dma_wait3A_69 = arith.constant 0 : i32
        %dma_wait3A_70 = tpu.memref_slice %arg3[%dma_wait3A, %dma_wait3A_69] : memref<10000x128xf32, #tpu.memory_space<hbm>> -> memref<10000x128xf32, #tpu.memory_space<hbm>>
        tpu.wait_indirect_dma semaphore(%arg14 : memref<!tpu.dma_semaphore, #tpu.memory_space<semaphore_mem>>) src(%dma_wait3A_70 : memref<10000x128xf32, #tpu.memory_space<hbm>>) dst(%arg10 : memref<128x128xf32, #tpu.memory_space<vmem>>)
        %mul3A_71 = arith.constant 128 : i32
        %mul3A_72 = arith.muli %add3A_33, %mul3A_71 : i32
        "tpu.region"() ({
          %run_scoped3A = tpu.sem_alloc : memref<!tpu.dma_semaphore, #tpu.memory_space<semaphore_mem>>
          %dma_start3A = arith.constant 0 : i32
          %dma_start3A_73 = tpu.memref_slice %arg5[%mul3A_72, %dma_start3A] : memref<100096x128xf32, #tpu.memory_space<hbm>> -> memref<128x128xf32, #tpu.memory_space<hbm>>
          %dma_start3A_74 = arith.constant 0 : i32
          %dma_start3A_75 = tpu.memref_slice %arg5[%mul3A_72, %dma_start3A_74] : memref<100096x128xf32, #tpu.memory_space<hbm>> -> memref<128x128xf32, #tpu.memory_space<hbm>>
          tpu.enqueue_dma source(%arg10 : memref<128x128xf32, #tpu.memory_space<vmem>>) target(%dma_start3A_75 : memref<128x128xf32, #tpu.memory_space<hbm>>) target_semaphore(%run_scoped3A : memref<!tpu.dma_semaphore, #tpu.memory_space<semaphore_mem>>)
          %dma_wait3A_76 = arith.constant 0 : i32
          %dma_wait3A_77 = tpu.memref_slice %arg5[%mul3A_72, %dma_wait3A_76] : memref<100096x128xf32, #tpu.memory_space<hbm>> -> memref<128x128xf32, #tpu.memory_space<hbm>>
          %dma_wait3A_78 = arith.constant 0 : i32
          %dma_wait3A_79 = tpu.memref_slice %arg5[%mul3A_72, %dma_wait3A_78] : memref<100096x128xf32, #tpu.memory_space<hbm>> -> memref<128x128xf32, #tpu.memory_space<hbm>>
          tpu.wait_dma2 semaphore(%run_scoped3A : memref<!tpu.dma_semaphore, #tpu.memory_space<semaphore_mem>>) src(%arg10 : memref<128x128xf32, #tpu.memory_space<vmem>>) dst(%dma_wait3A_79 : memref<128x128xf32, #tpu.memory_space<hbm>>)
          tpu.yield
        }) : () -> ()
      } else {
      }
      %add3A_39 = arith.constant 2 : i32
      %add3A_40 = arith.addi %mul3A_12, %add3A_39 : i32
      %mul3A_41 = arith.constant 32 : i32
      %mul3A_42 = arith.muli %add3A_40, %mul3A_41 : i32
      %add3A_43 = arith.addi %mul3A_42, %add3A : i32
      %lt3A_44 = arith.constant 782 : i32
      %lt3A_45 = arith.cmpi slt, %add3A_43, %lt3A_44 : i32
      %convert_element_type3A_46 = arith.extui %lt3A_45 : i1 to i32
      %cond3A_47 = arith.constant 0 : i32
      %cond3A_48 = arith.cmpi ne, %convert_element_type3A_46, %cond3A_47 : i32
      scf.if %cond3A_48 {
        %mul3A_69 = arith.constant 128 : i32
        %mul3A_70 = arith.muli %add3A_43, %mul3A_69 : i32
        "tpu.region"() ({
          %run_scoped3A = tpu.sem_alloc : memref<!tpu.dma_semaphore, #tpu.memory_space<semaphore_mem>>
          %dma_start3A_73 = tpu.memref_slice %arg4[%mul3A_70] : memref<200096xi32, #tpu.memory_space<hbm>> -> memref<128xi32, #tpu.memory_space<hbm>>
          %dma_start3A_74 = tpu.memref_slice %arg4[%mul3A_70] : memref<200096xi32, #tpu.memory_space<hbm>> -> memref<128xi32, #tpu.memory_space<hbm>>
          tpu.enqueue_dma source(%dma_start3A_74 : memref<128xi32, #tpu.memory_space<hbm>>) target(%arg6 : memref<128xi32, #tpu.memory_space<vmem>>) target_semaphore(%run_scoped3A : memref<!tpu.dma_semaphore, #tpu.memory_space<semaphore_mem>>)
          %dma_wait3A = tpu.memref_slice %arg4[%mul3A_70] : memref<200096xi32, #tpu.memory_space<hbm>> -> memref<128xi32, #tpu.memory_space<hbm>>
          %dma_wait3A_75 = tpu.memref_slice %arg4[%mul3A_70] : memref<200096xi32, #tpu.memory_space<hbm>> -> memref<128xi32, #tpu.memory_space<hbm>>
          tpu.wait_dma2 semaphore(%run_scoped3A : memref<!tpu.dma_semaphore, #tpu.memory_space<semaphore_mem>>) src(%dma_wait3A_75 : memref<128xi32, #tpu.memory_space<hbm>>) dst(%arg6 : memref<128xi32, #tpu.memory_space<vmem>>)
          tpu.yield
        }) : () -> ()
        %dma_start3A = arith.constant 0 : i32
        %dma_start3A_71 = arith.constant 0 : i32
        %dma_start3A_72 = tpu.memref_slice %arg2[%dma_start3A, %dma_start3A_71] : memref<10000x128xf32, #tpu.memory_space<hbm>> -> memref<10000x128xf32, #tpu.memory_space<hbm>>
        tpu.enqueue_indirect_dma source(%dma_start3A_72 : memref<10000x128xf32, #tpu.memory_space<hbm>>) target(%arg10 : memref<128x128xf32, #tpu.memory_space<vmem>>) offsets(%arg6 : memref<128xi32, #tpu.memory_space<vmem>>) semaphore(%arg12 : memref<!tpu.dma_semaphore, #tpu.memory_space<semaphore_mem>>)
      } else {
      }
      %add3A_49 = arith.constant 1 : i32
      %add3A_50 = arith.addi %mul3A_12, %add3A_49 : i32
      %mul3A_51 = arith.constant 32 : i32
      %mul3A_52 = arith.muli %add3A_50, %mul3A_51 : i32
      %add3A_53 = arith.addi %mul3A_52, %add3A : i32
      %lt3A_54 = arith.constant 782 : i32
      %lt3A_55 = arith.cmpi slt, %add3A_53, %lt3A_54 : i32
      %convert_element_type3A_56 = arith.extui %lt3A_55 : i1 to i32
      %cond3A_57 = arith.constant 0 : i32
      %cond3A_58 = arith.cmpi ne, %convert_element_type3A_56, %cond3A_57 : i32
      scf.if %cond3A_58 {
        %dma_wait3A = arith.constant 0 : i32
        %dma_wait3A_69 = arith.constant 0 : i32
        %dma_wait3A_70 = tpu.memref_slice %arg2[%dma_wait3A, %dma_wait3A_69] : memref<10000x128xf32, #tpu.memory_space<hbm>> -> memref<10000x128xf32, #tpu.memory_space<hbm>>
        tpu.wait_indirect_dma semaphore(%arg13 : memref<!tpu.dma_semaphore, #tpu.memory_space<semaphore_mem>>) src(%dma_wait3A_70 : memref<10000x128xf32, #tpu.memory_space<hbm>>) dst(%arg11 : memref<128x128xf32, #tpu.memory_space<vmem>>)
        %mul3A_71 = arith.constant 128 : i32
        %mul3A_72 = arith.muli %add3A_53, %mul3A_71 : i32
        %add3A_73 = arith.constant 100000 : i32
        %add3A_74 = arith.addi %add3A_73, %mul3A_72 : i32
        "tpu.region"() ({
          %run_scoped3A = tpu.sem_alloc : memref<!tpu.dma_semaphore, #tpu.memory_space<semaphore_mem>>
          %dma_start3A_77 = tpu.memref_slice %arg4[%add3A_74] : memref<200096xi32, #tpu.memory_space<hbm>> -> memref<128xi32, #tpu.memory_space<hbm>>
          %dma_start3A_78 = tpu.memref_slice %arg4[%add3A_74] : memref<200096xi32, #tpu.memory_space<hbm>> -> memref<128xi32, #tpu.memory_space<hbm>>
          tpu.enqueue_dma source(%dma_start3A_78 : memref<128xi32, #tpu.memory_space<hbm>>) target(%arg9 : memref<128xi32, #tpu.memory_space<vmem>>) target_semaphore(%run_scoped3A : memref<!tpu.dma_semaphore, #tpu.memory_space<semaphore_mem>>)
          %dma_wait3A_79 = tpu.memref_slice %arg4[%add3A_74] : memref<200096xi32, #tpu.memory_space<hbm>> -> memref<128xi32, #tpu.memory_space<hbm>>
          %dma_wait3A_80 = tpu.memref_slice %arg4[%add3A_74] : memref<200096xi32, #tpu.memory_space<hbm>> -> memref<128xi32, #tpu.memory_space<hbm>>
          tpu.wait_dma2 semaphore(%run_scoped3A : memref<!tpu.dma_semaphore, #tpu.memory_space<semaphore_mem>>) src(%dma_wait3A_80 : memref<128xi32, #tpu.memory_space<hbm>>) dst(%arg9 : memref<128xi32, #tpu.memory_space<vmem>>)
          tpu.yield
        }) : () -> ()
        %dma_start3A = arith.constant 0 : i32
        %dma_start3A_75 = arith.constant 0 : i32
        %dma_start3A_76 = tpu.memref_slice %arg3[%dma_start3A, %dma_start3A_75] : memref<10000x128xf32, #tpu.memory_space<hbm>> -> memref<10000x128xf32, #tpu.memory_space<hbm>>
        tpu.enqueue_indirect_dma source(%dma_start3A_76 : memref<10000x128xf32, #tpu.memory_space<hbm>>) target(%arg11 : memref<128x128xf32, #tpu.memory_space<vmem>>) offsets(%arg9 : memref<128xi32, #tpu.memory_space<vmem>>) semaphore(%arg15 : memref<!tpu.dma_semaphore, #tpu.memory_space<semaphore_mem>>) {add = true}
      } else {
      }
      %add3A_59 = arith.constant 1 : i32
      %add3A_60 = arith.addi %mul3A_12, %add3A_59 : i32
      %mul3A_61 = arith.constant 32 : i32
      %mul3A_62 = arith.muli %add3A_60, %mul3A_61 : i32
      %add3A_63 = arith.addi %mul3A_62, %add3A : i32
      %lt3A_64 = arith.constant 782 : i32
      %lt3A_65 = arith.cmpi slt, %add3A_63, %lt3A_64 : i32
      %convert_element_type3A_66 = arith.extui %lt3A_65 : i1 to i32
      %cond3A_67 = arith.constant 0 : i32
      %cond3A_68 = arith.cmpi ne, %convert_element_type3A_66, %cond3A_67 : i32
      scf.if %cond3A_68 {
        %dma_wait3A = arith.constant 0 : i32
        %dma_wait3A_69 = arith.constant 0 : i32
        %dma_wait3A_70 = tpu.memref_slice %arg3[%dma_wait3A, %dma_wait3A_69] : memref<10000x128xf32, #tpu.memory_space<hbm>> -> memref<10000x128xf32, #tpu.memory_space<hbm>>
        tpu.wait_indirect_dma semaphore(%arg15 : memref<!tpu.dma_semaphore, #tpu.memory_space<semaphore_mem>>) src(%dma_wait3A_70 : memref<10000x128xf32, #tpu.memory_space<hbm>>) dst(%arg11 : memref<128x128xf32, #tpu.memory_space<vmem>>)
        %mul3A_71 = arith.constant 128 : i32
        %mul3A_72 = arith.muli %add3A_63, %mul3A_71 : i32
        "tpu.region"() ({
          %run_scoped3A = tpu.sem_alloc : memref<!tpu.dma_semaphore, #tpu.memory_space<semaphore_mem>>
          %dma_start3A = arith.constant 0 : i32
          %dma_start3A_73 = tpu.memref_slice %arg5[%mul3A_72, %dma_start3A] : memref<100096x128xf32, #tpu.memory_space<hbm>> -> memref<128x128xf32, #tpu.memory_space<hbm>>
          %dma_start3A_74 = arith.constant 0 : i32
          %dma_start3A_75 = tpu.memref_slice %arg5[%mul3A_72, %dma_start3A_74] : memref<100096x128xf32, #tpu.memory_space<hbm>> -> memref<128x128xf32, #tpu.memory_space<hbm>>
          tpu.enqueue_dma source(%arg11 : memref<128x128xf32, #tpu.memory_space<vmem>>) target(%dma_start3A_75 : memref<128x128xf32, #tpu.memory_space<hbm>>) target_semaphore(%run_scoped3A : memref<!tpu.dma_semaphore, #tpu.memory_space<semaphore_mem>>)
          %dma_wait3A_76 = arith.constant 0 : i32
          %dma_wait3A_77 = tpu.memref_slice %arg5[%mul3A_72, %dma_wait3A_76] : memref<100096x128xf32, #tpu.memory_space<hbm>> -> memref<128x128xf32, #tpu.memory_space<hbm>>
          %dma_wait3A_78 = arith.constant 0 : i32
          %dma_wait3A_79 = tpu.memref_slice %arg5[%mul3A_72, %dma_wait3A_78] : memref<100096x128xf32, #tpu.memory_space<hbm>> -> memref<128x128xf32, #tpu.memory_space<hbm>>
          tpu.wait_dma2 semaphore(%run_scoped3A : memref<!tpu.dma_semaphore, #tpu.memory_space<semaphore_mem>>) src(%arg11 : memref<128x128xf32, #tpu.memory_space<vmem>>) dst(%dma_wait3A_79 : memref<128x128xf32, #tpu.memory_space<hbm>>)
          tpu.yield
        }) : () -> ()
      } else {
      }
    }
    %scan3A_9 = arith.constant 13 : i32
    return
  }
}

module attributes {stable_mosaic.version = 14 : i64} {
  func.func @_quad_body(%arg0: i32, %arg1: memref<1000x128xf32, #tpu.memory_space<vmem>>, %arg2: memref<1000x128xf32, #tpu.memory_space<vmem>>, %arg3: memref<128x128xf32, #tpu.memory_space<vmem>>, %arg4: memref<128x128xf32, #tpu.memory_space<vmem>>, %arg5: memref<128x128xf32, #tpu.memory_space<vmem>>, %arg6: memref<128x128xf32, #tpu.memory_space<vmem>>, %arg7: memref<1x128xf32, #tpu.memory_space<vmem>>, %arg8: memref<1x128xf32, #tpu.memory_space<vmem>>, %arg9: memref<1000x128xf32, #tpu.memory_space<vmem>>, %arg10: memref<1000x128xf32, #tpu.memory_space<vmem>>, %arg11: memref<1000x128xf32, #tpu.memory_space<vmem>>, %arg12: memref<1000x128xf32, #tpu.memory_space<vmem>>) attributes {dimension_semantics = [#tpu.dimension_semantics<arbitrary>], iteration_bounds = array<i64: 10>, scalar_prefetch = 0 : i64, scratch_operands = 0 : i64, tpu.core_type = #tpu.core_type<tc>, window_params = [{transform_indices = @transform_0, window_bounds = array<i64: 1000, 128>}, {transform_indices = @transform_1, window_bounds = array<i64: 1000, 128>}, {pipeline_mode = #tpu.pipeline_mode<synchronous>, transform_indices = @transform_2, window_bounds = array<i64: 128, 128>}, {pipeline_mode = #tpu.pipeline_mode<synchronous>, transform_indices = @transform_3, window_bounds = array<i64: 128, 128>}, {pipeline_mode = #tpu.pipeline_mode<synchronous>, transform_indices = @transform_4, window_bounds = array<i64: 128, 128>}, {pipeline_mode = #tpu.pipeline_mode<synchronous>, transform_indices = @transform_5, window_bounds = array<i64: 128, 128>}, {pipeline_mode = #tpu.pipeline_mode<synchronous>, transform_indices = @transform_6, window_bounds = array<i64: 1, 128>}, {pipeline_mode = #tpu.pipeline_mode<synchronous>, transform_indices = @transform_7, window_bounds = array<i64: 1, 128>}, {transform_indices = @transform_8, window_bounds = array<i64: 1000, 128>}, {transform_indices = @transform_9, window_bounds = array<i64: 1000, 128>}, {transform_indices = @transform_10, window_bounds = array<i64: 1000, 128>}, {transform_indices = @transform_11, window_bounds = array<i64: 1000, 128>}]} {
    %get3A = arith.constant 0 : index
    %get3A_0 = arith.constant 0 : index
    %get3A_1 = vector.load %arg1[%get3A, %get3A_0] : memref<1000x128xf32, #tpu.memory_space<vmem>>, vector<1000x128xf32>
    %get3A_2 = arith.constant 0 : index
    %get3A_3 = arith.constant 0 : index
    %get3A_4 = vector.load %arg2[%get3A_2, %get3A_3] : memref<1000x128xf32, #tpu.memory_space<vmem>>, vector<1000x128xf32>
    %get3A_5 = arith.constant 0 : index
    %get3A_6 = arith.constant 0 : index
    %get3A_7 = vector.load %arg3[%get3A_5, %get3A_6] : memref<128x128xf32, #tpu.memory_space<vmem>>, vector<128x128xf32>
    %dot_general3A = arith.constant dense<0.000000e+00> : vector<1000x128xf32>
    %dot_general3A_8 = tpu.matmul %get3A_1, %get3A_7, %dot_general3A {dimension_numbers = #tpu.dot_dimension_numbers<[1], [0], [0], [1], [0, 0, 1, 1], [], []>, transpose_lhs_hint = false} : vector<1000x128xf32>, vector<128x128xf32>, vector<1000x128xf32> -> vector<1000x128xf32>
    %swap3A = arith.constant 0 : index
    %swap3A_9 = arith.constant 0 : index
    %swap3A_10 = vector.load %arg9[%swap3A, %swap3A_9] : memref<1000x128xf32, #tpu.memory_space<vmem>>, vector<1000x128xf32>
    tpu.vector_store %arg9[%swap3A, %swap3A_9], %dot_general3A_8 {strides = array<i32>} : memref<1000x128xf32, #tpu.memory_space<vmem>>, vector<1000x128xf32>,
    %get3A_11 = arith.constant 0 : index
    %get3A_12 = arith.constant 0 : index
    %get3A_13 = vector.load %arg4[%get3A_11, %get3A_12] : memref<128x128xf32, #tpu.memory_space<vmem>>, vector<128x128xf32>
    %dot_general3A_14 = arith.constant dense<0.000000e+00> : vector<1000x128xf32>
    %dot_general3A_15 = tpu.matmul %get3A_4, %get3A_13, %dot_general3A_14 {dimension_numbers = #tpu.dot_dimension_numbers<[1], [0], [0], [1], [0, 0, 1, 1], [], []>, transpose_lhs_hint = false} : vector<1000x128xf32>, vector<128x128xf32>, vector<1000x128xf32> -> vector<1000x128xf32>
    %get3A_16 = arith.constant 0 : index
    %get3A_17 = arith.constant 0 : index
    %get3A_18 = vector.load %arg7[%get3A_16, %get3A_17] : memref<1x128xf32, #tpu.memory_space<vmem>>, vector<1x128xf32>
    %add3A = vector.broadcast %get3A_18 : vector<1x128xf32> to vector<1000x128xf32>
    %add3A_19 = arith.addf %dot_general3A_15, %add3A : vector<1000x128xf32>
    %swap3A_20 = arith.constant 0 : index
    %swap3A_21 = arith.constant 0 : index
    %swap3A_22 = vector.load %arg10[%swap3A_20, %swap3A_21] : memref<1000x128xf32, #tpu.memory_space<vmem>>, vector<1000x128xf32>
    tpu.vector_store %arg10[%swap3A_20, %swap3A_21], %add3A_19 {strides = array<i32>} : memref<1000x128xf32, #tpu.memory_space<vmem>>, vector<1000x128xf32>,
    %get3A_23 = arith.constant 0 : index
    %get3A_24 = arith.constant 0 : index
    %get3A_25 = vector.load %arg5[%get3A_23, %get3A_24] : memref<128x128xf32, #tpu.memory_space<vmem>>, vector<128x128xf32>
    %dot_general3A_26 = arith.constant dense<0.000000e+00> : vector<1000x128xf32>
    %dot_general3A_27 = tpu.matmul %get3A_4, %get3A_25, %dot_general3A_26 {dimension_numbers = #tpu.dot_dimension_numbers<[1], [0], [0], [1], [0, 0, 1, 1], [], []>, transpose_lhs_hint = false} : vector<1000x128xf32>, vector<128x128xf32>, vector<1000x128xf32> -> vector<1000x128xf32>
    %swap3A_28 = arith.constant 0 : index
    %swap3A_29 = arith.constant 0 : index
    %swap3A_30 = vector.load %arg11[%swap3A_28, %swap3A_29] : memref<1000x128xf32, #tpu.memory_space<vmem>>, vector<1000x128xf32>
    tpu.vector_store %arg11[%swap3A_28, %swap3A_29], %dot_general3A_27 {strides = array<i32>} : memref<1000x128xf32, #tpu.memory_space<vmem>>, vector<1000x128xf32>,
    %get3A_31 = arith.constant 0 : index
    %get3A_32 = arith.constant 0 : index
    %get3A_33 = vector.load %arg6[%get3A_31, %get3A_32] : memref<128x128xf32, #tpu.memory_space<vmem>>, vector<128x128xf32>
    %dot_general3A_34 = arith.constant dense<0.000000e+00> : vector<1000x128xf32>
    %dot_general3A_35 = tpu.matmul %get3A_1, %get3A_33, %dot_general3A_34 {dimension_numbers = #tpu.dot_dimension_numbers<[1], [0], [0], [1], [0, 0, 1, 1], [], []>, transpose_lhs_hint = false} : vector<1000x128xf32>, vector<128x128xf32>, vector<1000x128xf32> -> vector<1000x128xf32>
    %get3A_36 = arith.constant 0 : index
    %get3A_37 = arith.constant 0 : index
    %get3A_38 = vector.load %arg8[%get3A_36, %get3A_37] : memref<1x128xf32, #tpu.memory_space<vmem>>, vector<1x128xf32>
    %add3A_39 = vector.broadcast %get3A_38 : vector<1x128xf32> to vector<1000x128xf32>
    %add3A_40 = arith.addf %dot_general3A_35, %add3A_39 : vector<1000x128xf32>
    %swap3A_41 = arith.constant 0 : index
    %swap3A_42 = arith.constant 0 : index
    %swap3A_43 = vector.load %arg12[%swap3A_41, %swap3A_42] : memref<1000x128xf32, #tpu.memory_space<vmem>>, vector<1000x128xf32>
    tpu.vector_store %arg12[%swap3A_41, %swap3A_42], %add3A_40 {strides = array<i32>} : memref<1000x128xf32, #tpu.memory_space<vmem>>, vector<1000x128xf32>,
    return
  }
  func.func @transform_0(%arg0: i32) -> (i32, i32) {
    %c0_i32 = arith.constant 0 : i32
    %c0_i32_0 = arith.constant 0 : i32
    return %arg0, %c0_i32 : i32, i32
  }
  func.func @transform_1(%arg0: i32) -> (i32, i32) {
    %c0_i32 = arith.constant 0 : i32
    %c0_i32_0 = arith.constant 0 : i32
    return %arg0, %c0_i32 : i32, i32
  }
  func.func @transform_2(%arg0: i32) -> (i32, i32) {
    %c0_i32 = arith.constant 0 : i32
    %c0_i32_0 = arith.constant 0 : i32
    %c0_i32_1 = arith.constant 0 : i32
    return %c0_i32, %c0_i32_0 : i32, i32
  }
  func.func @transform_3(%arg0: i32) -> (i32, i32) {
    %c0_i32 = arith.constant 0 : i32
    %c0_i32_0 = arith.constant 0 : i32
    %c0_i32_1 = arith.constant 0 : i32
    return %c0_i32, %c0_i32_0 : i32, i32
  }
  func.func @transform_4(%arg0: i32) -> (i32, i32) {
    %c0_i32 = arith.constant 0 : i32
    %c0_i32_0 = arith.constant 0 : i32
    %c0_i32_1 = arith.constant 0 : i32
    return %c0_i32, %c0_i32_0 : i32, i32
  }
  func.func @transform_5(%arg0: i32) -> (i32, i32) {
    %c0_i32 = arith.constant 0 : i32
    %c0_i32_0 = arith.constant 0 : i32
    %c0_i32_1 = arith.constant 0 : i32
    return %c0_i32, %c0_i32_0 : i32, i32
  }
  func.func @transform_6(%arg0: i32) -> (i32, i32) {
    %c0_i32 = arith.constant 0 : i32
    %c0_i32_0 = arith.constant 0 : i32
    %c0_i32_1 = arith.constant 0 : i32
    return %c0_i32, %c0_i32_0 : i32, i32
  }
  func.func @transform_7(%arg0: i32) -> (i32, i32) {
    %c0_i32 = arith.constant 0 : i32
    %c0_i32_0 = arith.constant 0 : i32
    %c0_i32_1 = arith.constant 0 : i32
    return %c0_i32, %c0_i32_0 : i32, i32
  }
  func.func @transform_8(%arg0: i32) -> (i32, i32) {
    %c0_i32 = arith.constant 0 : i32
    %c0_i32_0 = arith.constant 0 : i32
    return %arg0, %c0_i32 : i32, i32
  }
  func.func @transform_9(%arg0: i32) -> (i32, i32) {
    %c0_i32 = arith.constant 0 : i32
    %c0_i32_0 = arith.constant 0 : i32
    return %arg0, %c0_i32 : i32, i32
  }
  func.func @transform_10(%arg0: i32) -> (i32, i32) {
    %c0_i32 = arith.constant 0 : i32
    %c0_i32_0 = arith.constant 0 : i32
    return %arg0, %c0_i32 : i32, i32
  }
  func.func @transform_11(%arg0: i32) -> (i32, i32) {
    %c0_i32 = arith.constant 0 : i32
    %c0_i32_0 = arith.constant 0 : i32
    return %arg0, %c0_i32 : i32, i32
  }
}

module attributes {stable_mosaic.version = 14 : i64} {
  func.func @_quad_body(%arg0: i32, %arg1: memref<1000x128xf32, #tpu.memory_space<vmem>>, %arg2: memref<1000x128xf32, #tpu.memory_space<vmem>>, %arg3: memref<128x128xf32, #tpu.memory_space<vmem>>, %arg4: memref<128x128xf32, #tpu.memory_space<vmem>>, %arg5: memref<128x128xf32, #tpu.memory_space<vmem>>, %arg6: memref<128x128xf32, #tpu.memory_space<vmem>>, %arg7: memref<1x128xf32, #tpu.memory_space<vmem>>, %arg8: memref<1x128xf32, #tpu.memory_space<vmem>>, %arg9: memref<1000x128xf32, #tpu.memory_space<vmem>>, %arg10: memref<1000x128xf32, #tpu.memory_space<vmem>>, %arg11: memref<1000x128xf32, #tpu.memory_space<vmem>>, %arg12: memref<1000x128xf32, #tpu.memory_space<vmem>>) attributes {dimension_semantics = [#tpu.dimension_semantics<arbitrary>], iteration_bounds = array<i64: 10>, scalar_prefetch = 0 : i64, scratch_operands = 0 : i64, tpu.core_type = #tpu.core_type<tc>, window_params = [{transform_indices = @transform_0, window_bounds = array<i64: 1000, 128>}, {transform_indices = @transform_1, window_bounds = array<i64: 1000, 128>}, {pipeline_mode = #tpu.pipeline_mode<synchronous>, transform_indices = @transform_2, window_bounds = array<i64: 128, 128>}, {pipeline_mode = #tpu.pipeline_mode<synchronous>, transform_indices = @transform_3, window_bounds = array<i64: 128, 128>}, {pipeline_mode = #tpu.pipeline_mode<synchronous>, transform_indices = @transform_4, window_bounds = array<i64: 128, 128>}, {pipeline_mode = #tpu.pipeline_mode<synchronous>, transform_indices = @transform_5, window_bounds = array<i64: 128, 128>}, {pipeline_mode = #tpu.pipeline_mode<synchronous>, transform_indices = @transform_6, window_bounds = array<i64: 1, 128>}, {pipeline_mode = #tpu.pipeline_mode<synchronous>, transform_indices = @transform_7, window_bounds = array<i64: 1, 128>}, {transform_indices = @transform_8, window_bounds = array<i64: 1000, 128>}, {transform_indices = @transform_9, window_bounds = array<i64: 1000, 128>}, {transform_indices = @transform_10, window_bounds = array<i64: 1000, 128>}, {transform_indices = @transform_11, window_bounds = array<i64: 1000, 128>}]} {
    %get3A = arith.constant 0 : index
    %get3A_0 = arith.constant 0 : index
    %get3A_1 = vector.load %arg1[%get3A, %get3A_0] : memref<1000x128xf32, #tpu.memory_space<vmem>>, vector<1000x128xf32>
    %get3A_2 = arith.constant 0 : index
    %get3A_3 = arith.constant 0 : index
    %get3A_4 = vector.load %arg2[%get3A_2, %get3A_3] : memref<1000x128xf32, #tpu.memory_space<vmem>>, vector<1000x128xf32>
    %max3A = arith.constant 0.000000e+00 : f32
    %max3A_5 = vector.broadcast %max3A : f32 to vector<1000x128xf32>
    %max3A_6 = arith.maximumf %get3A_1, %max3A_5 : vector<1000x128xf32>
    %max3A_7 = arith.constant 0.000000e+00 : f32
    %max3A_8 = vector.broadcast %max3A_7 : f32 to vector<1000x128xf32>
    %max3A_9 = arith.maximumf %get3A_4, %max3A_8 : vector<1000x128xf32>
    %get3A_10 = arith.constant 0 : index
    %get3A_11 = arith.constant 0 : index
    %get3A_12 = vector.load %arg3[%get3A_10, %get3A_11] : memref<128x128xf32, #tpu.memory_space<vmem>>, vector<128x128xf32>
    %dot_general3A = arith.constant dense<0.000000e+00> : vector<1000x128xf32>
    %dot_general3A_13 = tpu.matmul %max3A_6, %get3A_12, %dot_general3A {dimension_numbers = #tpu.dot_dimension_numbers<[1], [0], [0], [1], [0, 0, 1, 1], [], []>, transpose_lhs_hint = false} : vector<1000x128xf32>, vector<128x128xf32>, vector<1000x128xf32> -> vector<1000x128xf32>
    %swap3A = arith.constant 0 : index
    %swap3A_14 = arith.constant 0 : index
    %swap3A_15 = vector.load %arg9[%swap3A, %swap3A_14] : memref<1000x128xf32, #tpu.memory_space<vmem>>, vector<1000x128xf32>
    tpu.vector_store %arg9[%swap3A, %swap3A_14], %dot_general3A_13 {strides = array<i32>} : memref<1000x128xf32, #tpu.memory_space<vmem>>, vector<1000x128xf32>,
    %get3A_16 = arith.constant 0 : index
    %get3A_17 = arith.constant 0 : index
    %get3A_18 = vector.load %arg4[%get3A_16, %get3A_17] : memref<128x128xf32, #tpu.memory_space<vmem>>, vector<128x128xf32>
    %dot_general3A_19 = arith.constant dense<0.000000e+00> : vector<1000x128xf32>
    %dot_general3A_20 = tpu.matmul %max3A_9, %get3A_18, %dot_general3A_19 {dimension_numbers = #tpu.dot_dimension_numbers<[1], [0], [0], [1], [0, 0, 1, 1], [], []>, transpose_lhs_hint = false} : vector<1000x128xf32>, vector<128x128xf32>, vector<1000x128xf32> -> vector<1000x128xf32>
    %get3A_21 = arith.constant 0 : index
    %get3A_22 = arith.constant 0 : index
    %get3A_23 = vector.load %arg7[%get3A_21, %get3A_22] : memref<1x128xf32, #tpu.memory_space<vmem>>, vector<1x128xf32>
    %add3A = vector.broadcast %get3A_23 : vector<1x128xf32> to vector<1000x128xf32>
    %add3A_24 = arith.addf %dot_general3A_20, %add3A : vector<1000x128xf32>
    %swap3A_25 = arith.constant 0 : index
    %swap3A_26 = arith.constant 0 : index
    %swap3A_27 = vector.load %arg10[%swap3A_25, %swap3A_26] : memref<1000x128xf32, #tpu.memory_space<vmem>>, vector<1000x128xf32>
    tpu.vector_store %arg10[%swap3A_25, %swap3A_26], %add3A_24 {strides = array<i32>} : memref<1000x128xf32, #tpu.memory_space<vmem>>, vector<1000x128xf32>,
    %get3A_28 = arith.constant 0 : index
    %get3A_29 = arith.constant 0 : index
    %get3A_30 = vector.load %arg5[%get3A_28, %get3A_29] : memref<128x128xf32, #tpu.memory_space<vmem>>, vector<128x128xf32>
    %dot_general3A_31 = arith.constant dense<0.000000e+00> : vector<1000x128xf32>
    %dot_general3A_32 = tpu.matmul %max3A_9, %get3A_30, %dot_general3A_31 {dimension_numbers = #tpu.dot_dimension_numbers<[1], [0], [0], [1], [0, 0, 1, 1], [], []>, transpose_lhs_hint = false} : vector<1000x128xf32>, vector<128x128xf32>, vector<1000x128xf32> -> vector<1000x128xf32>
    %swap3A_33 = arith.constant 0 : index
    %swap3A_34 = arith.constant 0 : index
    %swap3A_35 = vector.load %arg11[%swap3A_33, %swap3A_34] : memref<1000x128xf32, #tpu.memory_space<vmem>>, vector<1000x128xf32>
    tpu.vector_store %arg11[%swap3A_33, %swap3A_34], %dot_general3A_32 {strides = array<i32>} : memref<1000x128xf32, #tpu.memory_space<vmem>>, vector<1000x128xf32>,
    %get3A_36 = arith.constant 0 : index
    %get3A_37 = arith.constant 0 : index
    %get3A_38 = vector.load %arg6[%get3A_36, %get3A_37] : memref<128x128xf32, #tpu.memory_space<vmem>>, vector<128x128xf32>
    %dot_general3A_39 = arith.constant dense<0.000000e+00> : vector<1000x128xf32>
    %dot_general3A_40 = tpu.matmul %max3A_6, %get3A_38, %dot_general3A_39 {dimension_numbers = #tpu.dot_dimension_numbers<[1], [0], [0], [1], [0, 0, 1, 1], [], []>, transpose_lhs_hint = false} : vector<1000x128xf32>, vector<128x128xf32>, vector<1000x128xf32> -> vector<1000x128xf32>
    %get3A_41 = arith.constant 0 : index
    %get3A_42 = arith.constant 0 : index
    %get3A_43 = vector.load %arg8[%get3A_41, %get3A_42] : memref<1x128xf32, #tpu.memory_space<vmem>>, vector<1x128xf32>
    %add3A_44 = vector.broadcast %get3A_43 : vector<1x128xf32> to vector<1000x128xf32>
    %add3A_45 = arith.addf %dot_general3A_40, %add3A_44 : vector<1000x128xf32>
    %swap3A_46 = arith.constant 0 : index
    %swap3A_47 = arith.constant 0 : index
    %swap3A_48 = vector.load %arg12[%swap3A_46, %swap3A_47] : memref<1000x128xf32, #tpu.memory_space<vmem>>, vector<1000x128xf32>
    tpu.vector_store %arg12[%swap3A_46, %swap3A_47], %add3A_45 {strides = array<i32>} : memref<1000x128xf32, #tpu.memory_space<vmem>>, vector<1000x128xf32>,
    return
  }
  func.func @transform_0(%arg0: i32) -> (i32, i32) {
    %c0_i32 = arith.constant 0 : i32
    %c0_i32_0 = arith.constant 0 : i32
    return %arg0, %c0_i32 : i32, i32
  }
  func.func @transform_1(%arg0: i32) -> (i32, i32) {
    %c0_i32 = arith.constant 0 : i32
    %c0_i32_0 = arith.constant 0 : i32
    return %arg0, %c0_i32 : i32, i32
  }
  func.func @transform_2(%arg0: i32) -> (i32, i32) {
    %c0_i32 = arith.constant 0 : i32
    %c0_i32_0 = arith.constant 0 : i32
    %c0_i32_1 = arith.constant 0 : i32
    return %c0_i32, %c0_i32_0 : i32, i32
  }
  func.func @transform_3(%arg0: i32) -> (i32, i32) {
    %c0_i32 = arith.constant 0 : i32
    %c0_i32_0 = arith.constant 0 : i32
    %c0_i32_1 = arith.constant 0 : i32
    return %c0_i32, %c0_i32_0 : i32, i32
  }
  func.func @transform_4(%arg0: i32) -> (i32, i32) {
    %c0_i32 = arith.constant 0 : i32
    %c0_i32_0 = arith.constant 0 : i32
    %c0_i32_1 = arith.constant 0 : i32
    return %c0_i32, %c0_i32_0 : i32, i32
  }
  func.func @transform_5(%arg0: i32) -> (i32, i32) {
    %c0_i32 = arith.constant 0 : i32
    %c0_i32_0 = arith.constant 0 : i32
    %c0_i32_1 = arith.constant 0 : i32
    return %c0_i32, %c0_i32_0 : i32, i32
  }
  func.func @transform_6(%arg0: i32) -> (i32, i32) {
    %c0_i32 = arith.constant 0 : i32
    %c0_i32_0 = arith.constant 0 : i32
    %c0_i32_1 = arith.constant 0 : i32
    return %c0_i32, %c0_i32_0 : i32, i32
  }
  func.func @transform_7(%arg0: i32) -> (i32, i32) {
    %c0_i32 = arith.constant 0 : i32
    %c0_i32_0 = arith.constant 0 : i32
    %c0_i32_1 = arith.constant 0 : i32
    return %c0_i32, %c0_i32_0 : i32, i32
  }
  func.func @transform_8(%arg0: i32) -> (i32, i32) {
    %c0_i32 = arith.constant 0 : i32
    %c0_i32_0 = arith.constant 0 : i32
    return %arg0, %c0_i32 : i32, i32
  }
  func.func @transform_9(%arg0: i32) -> (i32, i32) {
    %c0_i32 = arith.constant 0 : i32
    %c0_i32_0 = arith.constant 0 : i32
    return %arg0, %c0_i32 : i32, i32
  }
  func.func @transform_10(%arg0: i32) -> (i32, i32) {
    %c0_i32 = arith.constant 0 : i32
    %c0_i32_0 = arith.constant 0 : i32
    return %arg0, %c0_i32 : i32, i32
  }
  func.func @transform_11(%arg0: i32) -> (i32, i32) {
    %c0_i32 = arith.constant 0 : i32
    %c0_i32_0 = arith.constant 0 : i32
    return %arg0, %c0_i32 : i32, i32
  }
}

module attributes {stable_mosaic.version = 14 : i64} {
  func.func @_dual_body(%arg0: i32, %arg1: memref<1000x128xf32, #tpu.memory_space<vmem>>, %arg2: memref<1000x128xf32, #tpu.memory_space<vmem>>, %arg3: memref<128x128xf32, #tpu.memory_space<vmem>>, %arg4: memref<128x128xf32, #tpu.memory_space<vmem>>, %arg5: memref<1x128xf32, #tpu.memory_space<vmem>>, %arg6: memref<1000x128xf32, #tpu.memory_space<vmem>>, %arg7: memref<1000x128xf32, #tpu.memory_space<vmem>>) attributes {dimension_semantics = [#tpu.dimension_semantics<arbitrary>], iteration_bounds = array<i64: 10>, scalar_prefetch = 0 : i64, scratch_operands = 0 : i64, tpu.core_type = #tpu.core_type<tc>, window_params = [{transform_indices = @transform_0, window_bounds = array<i64: 1000, 128>}, {transform_indices = @transform_1, window_bounds = array<i64: 1000, 128>}, {pipeline_mode = #tpu.pipeline_mode<synchronous>, transform_indices = @transform_2, window_bounds = array<i64: 128, 128>}, {pipeline_mode = #tpu.pipeline_mode<synchronous>, transform_indices = @transform_3, window_bounds = array<i64: 128, 128>}, {pipeline_mode = #tpu.pipeline_mode<synchronous>, transform_indices = @transform_4, window_bounds = array<i64: 1, 128>}, {transform_indices = @transform_5, window_bounds = array<i64: 1000, 128>}, {transform_indices = @transform_6, window_bounds = array<i64: 1000, 128>}]} {
    %get3A = arith.constant 0 : index
    %get3A_0 = arith.constant 0 : index
    %get3A_1 = vector.load %arg1[%get3A, %get3A_0] : memref<1000x128xf32, #tpu.memory_space<vmem>>, vector<1000x128xf32>
    %get3A_2 = arith.constant 0 : index
    %get3A_3 = arith.constant 0 : index
    %get3A_4 = vector.load %arg3[%get3A_2, %get3A_3] : memref<128x128xf32, #tpu.memory_space<vmem>>, vector<128x128xf32>
    %dot_general3A = arith.constant dense<0.000000e+00> : vector<1000x128xf32>
    %dot_general3A_5 = tpu.matmul %get3A_1, %get3A_4, %dot_general3A {dimension_numbers = #tpu.dot_dimension_numbers<[1], [0], [0], [1], [0, 0, 1, 1], [], []>, transpose_lhs_hint = false} : vector<1000x128xf32>, vector<128x128xf32>, vector<1000x128xf32> -> vector<1000x128xf32>
    %get3A_6 = arith.constant 0 : index
    %get3A_7 = arith.constant 0 : index
    %get3A_8 = vector.load %arg5[%get3A_6, %get3A_7] : memref<1x128xf32, #tpu.memory_space<vmem>>, vector<1x128xf32>
    %add3A = vector.broadcast %get3A_8 : vector<1x128xf32> to vector<1000x128xf32>
    %add3A_9 = arith.addf %dot_general3A_5, %add3A : vector<1000x128xf32>
    %swap3A = arith.constant 0 : index
    %swap3A_10 = arith.constant 0 : index
    %swap3A_11 = vector.load %arg6[%swap3A, %swap3A_10] : memref<1000x128xf32, #tpu.memory_space<vmem>>, vector<1000x128xf32>
    tpu.vector_store %arg6[%swap3A, %swap3A_10], %add3A_9 {strides = array<i32>} : memref<1000x128xf32, #tpu.memory_space<vmem>>, vector<1000x128xf32>,
    %get3A_12 = arith.constant 0 : index
    %get3A_13 = arith.constant 0 : index
    %get3A_14 = vector.load %arg2[%get3A_12, %get3A_13] : memref<1000x128xf32, #tpu.memory_space<vmem>>, vector<1000x128xf32>
    %get3A_15 = arith.constant 0 : index
    %get3A_16 = arith.constant 0 : index
    %get3A_17 = vector.load %arg4[%get3A_15, %get3A_16] : memref<128x128xf32, #tpu.memory_space<vmem>>, vector<128x128xf32>
    %dot_general3A_18 = arith.constant dense<0.000000e+00> : vector<1000x128xf32>
    %dot_general3A_19 = tpu.matmul %get3A_14, %get3A_17, %dot_general3A_18 {dimension_numbers = #tpu.dot_dimension_numbers<[1], [0], [0], [1], [0, 0, 1, 1], [], []>, transpose_lhs_hint = false} : vector<1000x128xf32>, vector<128x128xf32>, vector<1000x128xf32> -> vector<1000x128xf32>
    %swap3A_20 = arith.constant 0 : index
    %swap3A_21 = arith.constant 0 : index
    %swap3A_22 = vector.load %arg7[%swap3A_20, %swap3A_21] : memref<1000x128xf32, #tpu.memory_space<vmem>>, vector<1000x128xf32>
    tpu.vector_store %arg7[%swap3A_20, %swap3A_21], %dot_general3A_19 {strides = array<i32>} : memref<1000x128xf32, #tpu.memory_space<vmem>>, vector<1000x128xf32>,
    return
  }
  func.func @transform_0(%arg0: i32) -> (i32, i32) {
    %c0_i32 = arith.constant 0 : i32
    %c0_i32_0 = arith.constant 0 : i32
    return %arg0, %c0_i32 : i32, i32
  }
  func.func @transform_1(%arg0: i32) -> (i32, i32) {
    %c0_i32 = arith.constant 0 : i32
    %c0_i32_0 = arith.constant 0 : i32
    return %arg0, %c0_i32 : i32, i32
  }
  func.func @transform_2(%arg0: i32) -> (i32, i32) {
    %c0_i32 = arith.constant 0 : i32
    %c0_i32_0 = arith.constant 0 : i32
    %c0_i32_1 = arith.constant 0 : i32
    return %c0_i32, %c0_i32_0 : i32, i32
  }
  func.func @transform_3(%arg0: i32) -> (i32, i32) {
    %c0_i32 = arith.constant 0 : i32
    %c0_i32_0 = arith.constant 0 : i32
    %c0_i32_1 = arith.constant 0 : i32
    return %c0_i32, %c0_i32_0 : i32, i32
  }
  func.func @transform_4(%arg0: i32) -> (i32, i32) {
    %c0_i32 = arith.constant 0 : i32
    %c0_i32_0 = arith.constant 0 : i32
    %c0_i32_1 = arith.constant 0 : i32
    return %c0_i32, %c0_i32_0 : i32, i32
  }
  func.func @transform_5(%arg0: i32) -> (i32, i32) {
    %c0_i32 = arith.constant 0 : i32
    %c0_i32_0 = arith.constant 0 : i32
    return %arg0, %c0_i32 : i32, i32
  }
  func.func @transform_6(%arg0: i32) -> (i32, i32) {
    %c0_i32 = arith.constant 0 : i32
    %c0_i32_0 = arith.constant 0 : i32
    return %arg0, %c0_i32 : i32, i32
  }
}

module attributes {stable_mosaic.version = 14 : i64} {
  func.func @_dec_out_body(%arg0: i32, %arg1: memref<2176x128xf32, #tpu.memory_space<vmem>>, %arg2: memref<1x128xf32, #tpu.memory_space<vmem>>, %arg3: memref<1x1xf32, #tpu.memory_space<vmem>>, %arg4: memref<2176x1xf32, #tpu.memory_space<vmem>>) attributes {dimension_semantics = [#tpu.dimension_semantics<arbitrary>], iteration_bounds = array<i64: 46>, scalar_prefetch = 0 : i64, scratch_operands = 0 : i64, tpu.core_type = #tpu.core_type<tc>, window_params = [{transform_indices = @transform_0, window_bounds = array<i64: 2176, 128>}, {pipeline_mode = #tpu.pipeline_mode<synchronous>, transform_indices = @transform_1, window_bounds = array<i64: 1, 128>}, {pipeline_mode = #tpu.pipeline_mode<synchronous>, transform_indices = @transform_2, window_bounds = array<i64: 1, 1>}, {transform_indices = @transform_3, window_bounds = array<i64: 2176, 1>}]} {
    %get3A = arith.constant 0 : index
    %get3A_0 = arith.constant 0 : index
    %get3A_1 = vector.load %arg1[%get3A, %get3A_0] : memref<2176x128xf32, #tpu.memory_space<vmem>>, vector<2176x128xf32>
    %max3A = arith.constant 0.000000e+00 : f32
    %max3A_2 = vector.broadcast %max3A : f32 to vector<2176x128xf32>
    %max3A_3 = arith.maximumf %get3A_1, %max3A_2 : vector<2176x128xf32>
    %get3A_4 = arith.constant 0 : index
    %get3A_5 = arith.constant 0 : index
    %get3A_6 = vector.load %arg2[%get3A_4, %get3A_5] : memref<1x128xf32, #tpu.memory_space<vmem>>, vector<1x128xf32>
    %mul3A = vector.broadcast %get3A_6 : vector<1x128xf32> to vector<2176x128xf32>
    %mul3A_7 = arith.mulf %max3A_3, %mul3A : vector<2176x128xf32>
    %reduce_sum3A = arith.constant dense<0.000000e+00> : vector<2176xf32>
    %reduce_sum3A_8 = vector.multi_reduction <add>, %mul3A_7, %reduce_sum3A [1] : vector<2176x128xf32> to vector<2176xf32>
    %broadcast_in_dim3A = vector.shape_cast %reduce_sum3A_8 : vector<2176xf32> to vector<2176x1xf32>
    %get3A_9 = arith.constant 0 : index
    %get3A_10 = arith.constant 0 : index
    %get3A_11 = vector.load %arg3[%get3A_9, %get3A_10] : memref<1x1xf32, #tpu.memory_space<vmem>>, vector<1x1xf32>
    %add3A = vector.broadcast %get3A_11 : vector<1x1xf32> to vector<2176x1xf32>
    %add3A_12 = arith.addf %broadcast_in_dim3A, %add3A : vector<2176x1xf32>
    %swap3A = arith.constant 0 : index
    %swap3A_13 = arith.constant 0 : index
    %swap3A_14 = vector.load %arg4[%swap3A, %swap3A_13] : memref<2176x1xf32, #tpu.memory_space<vmem>>, vector<2176x1xf32>
    tpu.vector_store %arg4[%swap3A, %swap3A_13], %add3A_12 {strides = array<i32>} : memref<2176x1xf32, #tpu.memory_space<vmem>>, vector<2176x1xf32>,
    return
  }
  func.func @transform_0(%arg0: i32) -> (i32, i32) {
    %c0_i32 = arith.constant 0 : i32
    %c0_i32_0 = arith.constant 0 : i32
    return %arg0, %c0_i32 : i32, i32
  }
  func.func @transform_1(%arg0: i32) -> (i32, i32) {
    %c0_i32 = arith.constant 0 : i32
    %c0_i32_0 = arith.constant 0 : i32
    %c0_i32_1 = arith.constant 0 : i32
    return %c0_i32, %c0_i32_0 : i32, i32
  }
  func.func @transform_2(%arg0: i32) -> (i32, i32) {
    %c0_i32 = arith.constant 0 : i32
    %c0_i32_0 = arith.constant 0 : i32
    %c0_i32_1 = arith.constant 0 : i32
    return %c0_i32, %c0_i32_0 : i32, i32
  }
  func.func @transform_3(%arg0: i32) -> (i32, i32) {
    %c0_i32 = arith.constant 0 : i32
    %c0_i32_0 = arith.constant 0 : i32
    return %arg0, %c0_i32 : i32, i32
  }
}

</mosaic_0001>

<sc_bundles>
// kernel: kernel.12.cloned.1.call-start
scs
__scs_entry_jumppad:
0x0: {  	(pc) =	sbr.rel $0x88, $3  }
0x1: {  	(tag) =	ssettag $0x0;
	lr =	simm.s32 $0x1  }
0x2: {  	[smem:$0x3F8C] =	sst lr;
	_ =	strace $0xD0000000  }
0x3: {  	_ = 	snop  }
0x4: {  	_ = 	snop  }
0x5: {  	_ = 	snop  }
0x6: {  	_ = 	snop  }
0x7: {  	_ = 	snop  }
__scs_overlays_trampoline_lowered:
0x8: {  	[smem:$0x3F9B] =	sst s0  }
0x9: {  	[smem:$0x3F9C] =	sst s1  }
0xa: {  	[smem:$0x3F9D] =	sst s2  }
0xb: {  	[smem:$0x3F9E] =	sst s3  }
0xc: {  	[smem:$0x3F9F] =	sst s4  }
0xd: {  	[smem:$0x3FA0] =	sst s5  }
0xe: {  	[smem:$0x3FA1] =	sst s6  }
0xf: {  	[smem:$0x3FA2] =	sst s7  }
0x10: {  	[smem:$0x3FA3] =	sst s8  }
0x11: {  	[smem:$0x3FA4] =	sst s9;
	s0 =	simm.s32 @!p0 $0x0  }
0x12: {  	s1 =	sld [smem:$0x3F8A];
	s0 =	simm.s32 @p0 $0x1  }
0x13: {  	[smem:$0x3FA5] =	sst s0;
	s0 =	simm.s32 @!p1 $0x0  }
0x14: {  	s2 =	sld [smem:$0x3F89];
	s0 =	simm.s32 @p1 $0x1  }
0x15: {  	[smem:$0x3FA6] =	sst s0;
	s0 =	simm.s32 @!p2 $0x0  }
0x16: {  	s3 =	sld [smem:$0x3FDB];
	s0 =	simm.s32 @p2 $0x1  }
0x17: {  	s4 =	simm.s32 $0x1BF5;
	[smem:$0x3FA8] =	sst s0  }
0x18: {  	s0 =	sld [smem:$0x3F8B];
	_ =	swait.ge [sflag:s4], $0x0  }
0x19: {  	s7 =	sld [smem:$0x3F8C]  }
0x1a: {  	s8 =	sadd.s32 $0xFFFFE003, lr  }
0x1b: {  	s9 =	sadd.s32 $0xFFFFFEF7, lr;
	s5 =	simm.s32 $0xFFFFFFFF;
	p2 =	slt.u32 s8, $0xFFFFF086  }
0x1c: {  	p1 =	slt.u32 s9, $0xF7A;
	s5 =	simm.s32 @!p2 $0x0  }
0x1d: {  	s5 =	simm.s32 @p1 $0x1;
	p0 =	seq.s32 s7, s2  }
0x1e: {  	s7 =	smul.u32 @!p0 $0xF7A, s2;
	p2 =	seq.s32 @!p0 s5, $0x0  }
0x1f: {  	s9 =	smul.u32 $0xF7A, s1;
	s8 =	simm.s32 @!p0 $0x1BF5;
	p2 =	por !p2, p0  }
0x20: {  	[sflag:s8] =	ssyncset.s32 @!p0 $0xFFFFF086;
	s6 =	sadd.s32 @!p0 s3, s7;
	s7 =	simm.s32 @!p0 $0x108  }
0x21: {  	s3 =	sadd.s32 s3, s9;
	s6 =	sadd.s32 @!p0 $0x88, s6;
	s7 =	simm.s32 @p2 $0x1082  }
0x22: {  	[simem:s7], [sflag:s8] =	dma.local @!p0 [hbm:s6], $0xF7A  }
0x23: {  	s9 =	sor.u32 $0xD0000000, s2;
	s6 =	simm.s32 $0x108;
	_ =	swait.ge @!p0 [sflag:s8], $0x0  }
0x24: {  	s3 =	sadd.s32 $0x88, s3;
	s6 =	simm.s32 @!p1 $0x1082;
	[sflag:s4] =	ssyncset.s32 $0xFFFFF086  }
0x25: {  	[simem:s6], [sflag:s4] =	dma.local [hbm:s3], $0xF7A  }
0x26: {  	[smem:$0x3F8C] =	sst s1;
	(tag) =	ssettag s2;
	_ =	strace s9  }
0x27: {  	s1 =	sld [smem:$0x3F9C]  }
0x28: {  	s2 =	sld [smem:$0x3F9D]  }
0x29: {  	s4 =	sld [smem:$0x3F9F]  }
0x2a: {  	p0 =	seq.s32 s5, $0x0;
	s5 =	sld [smem:$0x3FA0]  }
0x2b: {  	s6 =	sld [smem:$0x3FA1]  }
0x2c: {  	s7 =	sld [smem:$0x3FA2]  }
0x2d: {  	s3 =	simm.s32 $0x108;
	s8 =	sld [smem:$0x3FA3]  }
0x2e: {  	s3 =	simm.s32 @!p0 $0x1082;
	s9 =	sld [smem:$0x3FA4]  }
0x2f: {  	lr =	sadd.s32 s0, s3;
	s0 =	sld [smem:$0x3F9B]  }
0x30: {  	s3 =	sld [smem:$0x3F9E]  }
0x31: {  	[smem:$0x3FA7] =	sst s10  }
0x32: {  	s10 =	sld [smem:$0x3FA5];
	_ =	sdelay $0x3  }
0x33: {  	p0 =	seq.s32 s10, $0x1;
	s10 =	sld [smem:$0x3FA7];
	_ =	sdelay $0x3  }
0x34: {  	[smem:$0x3FA7] =	sst s10  }
0x35: {  	s10 =	sld [smem:$0x3FA6];
	_ =	sdelay $0x3  }
0x36: {  	p1 =	seq.s32 s10, $0x1;
	s10 =	sld [smem:$0x3FA7];
	_ =	sdelay $0x3  }
0x37: {  	[smem:$0x3FA7] =	sst s10  }
0x38: {  	s10 =	sld [smem:$0x3FA8]  }
0x39: {  	_ = 	snop;
	(pc) =	sbr.ind lr, $3  }
0x3a: {  	_ = 	snop  }
0x3b: {  	_ = 	snop  }
0x3c: {  	p2 =	seq.s32 s10, $0x1;
	s10 =	sld [smem:$0x3FA7]  }
0x3d: {  	_ =	shalt  }
0x3e: {  	_ =	shalt  }
0x3f: {  	_ =	shalt  }
0x40: {  	_ =	shalt  }
0x41: {  	_ =	shalt  }
0x42: {  	_ =	shalt  }
0x43: {  	_ =	shalt  }
0x44: {  	_ =	shalt  }
0x45: {  	_ =	shalt  }
0x46: {  	_ =	shalt  }
0x47: {  	_ =	shalt  }
0x48: {  	_ =	shalt  }
0x49: {  	_ =	shalt  }
0x4a: {  	_ =	shalt  }
0x4b: {  	_ =	shalt  }
0x4c: {  	_ =	shalt  }
0x4d: {  	_ =	shalt  }
0x4e: {  	_ =	shalt  }
0x4f: {  	_ =	shalt  }
0x50: {  	_ =	shalt  }
0x51: {  	_ =	shalt  }
0x52: {  	_ =	shalt  }
0x53: {  	_ =	shalt  }
0x54: {  	_ =	shalt  }
0x55: {  	_ =	shalt  }
0x56: {  	_ =	shalt  }
0x57: {  	_ =	shalt  }
0x58: {  	_ =	shalt  }
0x59: {  	_ =	shalt  }
0x5a: {  	_ =	shalt  }
0x5b: {  	_ =	shalt  }
0x5c: {  	_ =	shalt  }
0x5d: {  	_ =	shalt  }
0x5e: {  	_ =	shalt  }
0x5f: {  	_ =	shalt  }
0x60: {  	_ =	shalt  }
0x61: {  	_ =	shalt  }
0x62: {  	_ =	shalt  }
0x63: {  	_ =	shalt  }
0x64: {  	_ =	shalt  }
0x65: {  	_ =	shalt  }
0x66: {  	_ =	shalt  }
0x67: {  	_ =	shalt  }
0x68: {  	_ =	shalt  }
0x69: {  	_ =	shalt  }
0x6a: {  	_ =	shalt  }
0x6b: {  	_ =	shalt  }
0x6c: {  	_ =	shalt  }
0x6d: {  	_ =	shalt  }
0x6e: {  	_ =	shalt  }
0x6f: {  	_ =	shalt  }
0x70: {  	_ =	shalt  }
0x71: {  	_ =	shalt  }
0x72: {  	_ =	shalt  }
0x73: {  	_ =	shalt  }
0x74: {  	_ =	shalt  }
0x75: {  	_ =	shalt  }
0x76: {  	_ =	shalt  }
0x77: {  	_ =	shalt  }
0x78: {  	_ =	shalt  }
0x79: {  	_ =	shalt  }
0x7a: {  	_ =	shalt  }
0x7b: {  	_ =	shalt  }
0x7c: {  	_ =	shalt  }
0x7d: {  	_ =	shalt  }
0x7e: {  	_ =	shalt  }
0x7f: {  	_ =	shalt  }
0x80: {  	_ =	shalt  }
0x81: {  	_ =	shalt  }
0x82: {  	_ =	shalt  }
0x83: {  	_ =	shalt  }
0x84: {  	_ =	shalt  }
0x85: {  	_ =	shalt  }
0x86: {  	_ =	shalt  }
0x87: {  	_ =	shalt  }
.Lfunc_end0:
.L_simem_size_0:
called_computation.1_lowered:
.L_overlay_start_0:
0x88: {  	s2 =	sld [smem:$0x3FD9]  }
0x89: {  	s3 =	sld [smem:$0x3FFE];
	_ =	sdelay $0x1  }
0x8a: {  	s1 =	srdreg.scid  }
0x8b: {  	s0 =	sand.u32 $0x1, s1  }
0x8c: {  	s14 =	sshll.u32 s0, $0xA;
	s2 =	sadd.s32 s3, s2  }
0x8d: {  	s2 =	sadd.s32 s2, s14  }
0x8e: {  	[smem:$0x3FB3] =	sst s2  }
0x8f: {  	_ = 	snop  }
0x90: {  	s2 =	sld [smem:$0x3FD0];
	_ =	sdelay $0x2  }
0x91: {  	s15 =	simm.s32 $0xA;
	s4 =	simm.s32 $0x10  }
0x92: {  	[smem:s4], [sflag:s15] =	dma.local [hbm:s2], $0x1  }
0x93: {  	_ =	swait.eq [sflag:s15], $0x1  }
0x94: {  	[sflag:s15] =	ssyncset.done $0x0  }
0x95: {  	s16 =	sld [smem:$0x10];
	[sflag:s15] =	ssyncadd.s32 $0xFFFFFFFF  }
0x96: {  	s17 =	sld [smem:$0x11];
	(tm) =	ssettm $0x1  }
0x97: {  	s18 =	sld [smem:$0x3FFB];
	_ =	sdelay $0x3  }
0x98: {  	_ =	strace s18  }
0x99: {  	s4 =	sld [smem:$0x3FFC];
	_ =	sdelay $0x3  }
0x9a: {  	_ =	strace s4  }
0x9b: {  	s4 =	sld [smem:$0x3FFD];
	_ =	sdelay $0x3  }
0x9c: {  	_ =	strace s4  }
0x9d: {  	_ =	strace $0x8FFFFFFF  }
0x9e: {  	s19 =	sld [smem:$0x3FDB];
	_ =	sdelay $0x1  }
0x9f: {  	s5 =	simm.s32 $_scs_section_size  }
0xa0: {  	s6 =	simm.s32 $_size__tile_overlayer_lowered;
	s7 =	simm.s32 $_tile_overlayer_lowered  }
0xa1: {  	s22 =	simm.s32 $0x1BFF;
	s21 =	sshll.u32 s7, $0x1;
	s4 =	sadd.s32 s5, s19  }
0xa2: {  	s8 =	simm.s32 $0x0;
	s20 =	sshll.u32 s6, $0x1;
	s6 =	sadd.s32 s21, s4  }
0xa3: {  	[timem:s8], [sflag:s22] =	dma.local [hbm:s6], s20  }
0xa4: {  	_ =	swait.ge [sflag:s22], s20  }
0xa5: {  	s5 =	ssub.s32 $0x0, s20;
	[sflag:s22] =	ssyncset.done $0x0  }
0xa6: {  	[sflag:s22] =	ssyncadd.s32 s5;
	_ =	sdelay $0x1  }
0xa7: {  	s23 =	simm.s32 $0x1B8B  }
0xa8: {  	_ =	swait.ge [sflag:s23], $0x1  }
0xa9: {  	[sflag:s23] =	ssyncset.done $0x0  }
0xaa: {  	s25 =	simm.s32 $0x1B8E;
	s24 =	sld [smem:$0x3FFE];
	[sflag:s23] =	ssyncadd.s32 $0xFFFFFFFF  }
0xab: {  	s26 =	simm.s32 $execute0_lowered;
	[smem:$0x3FD2] =	sst s25  }
0xac: {  	s6 =	sshll.u32 s26, $0x1;
	_ =	strace $0x80000049;
	[dreg:$0x1] =	wrdreg $0xFFFFFFFF  }
0xad: {  	s28 =	simm.s32 $_size_execute0_lowered;
	s4 =	sadd.s32 s4, s6;
	[dreg:$0x0] =	wrdreg $0x0  }
0xae: {  	s6 =	sshll.u32 s28, $0x1;
	[dreg:$0x2] =	wrdreg s4  }
0xaf: {  	[dreg:$0x3] =	wrdreg s6  }
0xb0: {  	[dreg:$0x4] =	wrdreg $0xC0  }
0xb1: {  	_ =	task [dreg:s8], $0x5FFFF  }
0xb2: {  	[dreg:$0x1] =	wrdreg $0xFFFFFFFF  }
0xb3: {  	[dreg:$0x0] =	wrdreg $0x60  }
0xb4: {  	[dreg:$0x2] =	wrdreg s24  }
0xb5: {  	[dreg:$0x3] =	wrdreg s17  }
0xb6: {  	[dreg:$0x4] =	wrdreg s16  }
0xb7: {  	[dreg:$0x5] =	wrdreg $0x88000  }
0xb8: {  	[dreg:$0x6] =	wrdreg $0x9  }
0xb9: {  	_ =	task.clear_ibuf [dreg:s8], $0x7FFFF;
	_ =	strace $0x90000049  }
0xba: {  	s29 =	simm.s32 $0x9;
	_ =	strace $0x8000004B  }
0xbb: {  	_ =	swait.ge [sflag:s29], $0x1  }
0xbc: {  	[sflag:s29] =	ssyncadd.s32 $0xFFFFFFFF  }
0xbd: {  	_ =	strace $0x9000004B  }
0xbe: {  	_ =	sfence  }
0xbf: {  	s30 =	sld [smem:$0x0];
	_ =	sdelay $0x2  }
0xc0: {  	s31 =	sshll.u32 s1, $0xD;
	s1 =	sshrl.u32 s1, $0x2  }
0xc1: {  	s3 =	sand.u32 $0x4000, s31;
	s1 =	sadd.s32 s1, s30  }
0xc2: {  	s0 =	sor.u32 s3, s0;
	s1 =	sshll.u32 s1, $0x11  }
0xc3: {  	s0 =	sor.u32 s1, s0  }
0xc4: {  	s0 =	sadd.s32 $0x8F2B, s0  }
0xc5: {  	[sflag:s0] =	ssyncadd.remote.s32 $0x1  }
0xc6: {  	_ =	sfence.sel $0xFFFF  }
0xc7: {  	[dreg:$0x0] =	wrdreg $0xFFFFFFFF;
	(pc) =	sbr.abs _section_cstart, $3  }
0xc8: {  	[dreg:$0x1] =	wrdreg $0xFFFFFFFF  }
0xc9: {  	_ =	task.clear_ibuf [dreg:s8], $0x2FFFF;
	_ =	strace $0x9FFFFFFF  }
0xca: {  	(tm) =	ssettm $0x7FFFFFFF  }
0xcb: {  	_ =	shalt  }
tec
execute0_lowered:
.L_overlay_start_1:
0x0: {  	(tag) =	ssettag $0x1  }
0x1: {  	s0 =	rddreg [dreg:$0x0]  }
0x2: {  	s13 =	rddreg [dreg:$0x1]  }
0x3: {  	s14 =	rddreg [dreg:$0x2]  }
0x4: {  	s3 =	rddreg [dreg:$0x3];
	s4 =	simm.s32 $0x0  }
0x5: {  	s6 =	stileid.u32;
	s1 =	srdreg.scid;
	s28 =	simm.s32 $0x8080  }
0x6: {  	s29 =	simm.s32 $0x4000;
	s30 =	simm.s32 $0x1;
	s31 =	simm.s32 $0x8200  }
0x7: {  	[smem:$0x7FF] =	sst s4;
	s5 =	sadd.s32 $0x2CC00, s0;
	s2 =	sadd.s32 $0x53E00, s0  }
0x8: {  	s7 =	sshll.u32 s6, $0x7;
	s1 =	sand.u32 $0x1, s1;
	s11 =	smul.u32 $0x32000, s6  }
0x9: {  	s26 =	smul.u32 $0x1900, s6;
	s12 =	sor.u32 $0x10, s6;
	s25 =	sshll.u32 s6, $0x2  }
0xa: {  	p1 =	sne.s32 s6, $0x0;
	_ =	strace $0x8000004A;
	s8 =	sadd.s32 s7, s0  }
0xb: {  	s7 =	sadd.s32 $0x7B000, s0;
	s9 =	ssub.s32 $0x2, s1;
	s0 =	sadd.s32 $0xA2200, s0  }
0xc: {  	p0 =	seq.s32 s1, $0x1;
	s16 =	smul.u32 $0x32000, s12;
	s15 =	sadd.s32 $0x5800, s8  }
0xd: {  	s17 =	smul.u32 $0x1900, s12;
	s19 =	sadd.s32 s2, s26;
	[dreg:$0x5] =	wrdreg s15  }
0xe: {  	p2 =	sgt.u32 s12, $0x18;
	s21 =	sadd.s32 s13, s26;
	[dreg:$0xa] =	wrdreg s19  }
0xf: {  	p3 =	slt.u32 s12, $0x19;
	s22 =	sadd.s32 s0, s26;
	[dreg:$0xd] =	wrdreg s21  }
0x10: {  	s10 =	sshrl.u32 s9, $0x1;
	s11 =	sshrl.u32 s11, $0x2;
	[dreg:$0xe] =	wrdreg s22  }
0x11: {  	s23 =	sadd.s32 s14, s26;
	s24 =	sadd.s32 $0x6000, s8;
	[dreg:$0x7] =	wrdreg s17  }
0x12: {  	s26 =	sadd.s32 $0x19A00, s8;
	s14 =	simm.s32 $0x5;
	[dreg:$0x10] =	wrdreg s23  }
0x13: {  	s13 =	simm.s32 $0x8300;
	s9 =	ssub.s32 s9, s10;
	[dreg:$0x11] =	wrdreg s24  }
0x14: {  	s15 =	sadd.s32 $0x19200, s8;
	s18 =	sadd.s32 s11, s3;
	[dreg:$0x13] =	wrdreg s26  }
0x15: {  	s1 =	sshrl.u32 s16, $0x2;
	s20 =	sadd.s32 s2, s17;
	[dreg:$0x6] =	wrdreg s15  }
0x16: {  	s0 =	sadd.s32 s0, s17;
	s23 =	simm.s32 $0x8000;
	[dreg:$0x9] =	wrdreg s18  }
0x17: {  	s26 =	simm.s32 $0x80;
	s2 =	simm.s32 $0x2;
	[dreg:$0xc] =	wrdreg s20  }
.Ltmp0:
0x18: {  	s9 =	smax.u32 s9, $0x1;
	[dreg:$0xf] =	wrdreg s0;
	(pc) =	sbr.rel .LBB2_1-.Ltmp0, $4  }
0x19: {  	s8 =	simm.s32 $0x8280;
	s1 =	sadd.s32 s1, s3;
	[dreg:$0x8] =	wrdreg s9  }
0x1a: {  	s16 =	simm.s32 $0x0;
	s0 =	sor.u32 $0xFFFFFFC0, s25;
	[dreg:$0xb] =	wrdreg s1  }
0x1b: {  	s25 =	simm.s32 $0x3;
	s15 =	simm.s32 $0x8380;
	[dreg:$0x12] =	wrdreg s0  }
0x1c: {  	s0 =	simm.s32 $0x6;
	s1 =	simm.s32 $0x8100;
	s9 =	simm.s32 $0x8180  }
.LBB2_8:
0x1d: {  	s11 =	rddreg [dreg:$0x7]  }
0x1e: {  	s24 =	rddreg [dreg:$0xb]  }
0x1f: {  	s10 =	sadd.s32 s10, s11;
	s11 =	sshrl.u32 s24, $0x3  }
0x20: {  	[hbm:s10], [sflag:s17] =	dma.local [spmem:s11], $0x1900  }
0x21: {  	_ =	swait.ge [sflag:s14], $0x1900  }
0x22: {  	[sflag:s14] =	ssyncset.done $0x0  }
0x23: {  	[sflag:s14] =	ssyncadd.s32 $0xFFFFE700  }
.LBB2_9:
0x24: {  	s16 =	sadd.s32 $0x1, s16;
	s10 =	rddreg [dreg:$0x8]  }
0x25: {  	p4 =	sne.s32 s16, s10  }
.Ltmp1:
0x26: {  	_ = 	snop;
	(pc) =	sbr.rel @!p4 .LBB2_10-.Ltmp1, $1  }
0x27: {  	_ =	sdelay $0x3  }
.LBB2_1:
.Ltmp2:
0x28: {  	(pc) =	sbr.rel @!p0 .LBB2_2-.Ltmp2, $4  }
0x29: {  	_ = 	snop  }
0x2a: {  	s10 =	rddreg [dreg:$0x9]  }
0x2b: {  	s11 =	sshll.u32 s6, $0x6;
	s12 =	sshrl.u32 s10, $0x3;
	s10 =	rddreg [dreg:$0xb]  }
0x2c: {  	s17 =	sor.u32 $0x1C05, s11;
	s10 =	sshrl.u32 @!p2 s10, $0x3;
	[dreg:$0x14] =	wrdreg s12  }
0x2d: {  	s11 =	rddreg [dreg:$0x6]  }
0x2e: {  	s21 =	rddreg [dreg:$0xe]  }
0x2f: {  	[tilespmem:s23], [sflag:$0x3] =	stream.linear.gather [hbm4b:s11+s4], $0x400, $0x38;
	[tilespmem:$0x1C080] =	vst v63  }
0x30: {  	[spmem:s12], [sflag:s17] =	dma.local [hbm:s21], $0x1900  }
0x31: {  	_ =	swait.ge [sflag:s14], $0x1900  }
0x32: {  	[sflag:s14] =	ssyncset.done $0x0  }
0x33: {  	s11 =	rddreg [dreg:$0xf];
	[sflag:s14] =	ssyncadd.s32 $0xFFFFE700  }
0x34: {  	[spmem:s10], [sflag:s17] =	dma.local @!p2 [hbm:s11], $0x1900  }
0x35: {  	s10 =	simm.s32 @!p2 $0x5  }
0x36: {  	_ =	swait.ge @!p2 [sflag:s10], $0x1900  }
0x37: {  	[sflag:s10] =	ssyncset.done @!p2 $0x0  }
0x38: {  	[sflag:s10] =	ssyncadd.s32 @!p2 $0xFFFFE700  }
0x39: {  	[bflag:$0x0] =	sbarrier.arrive $0xFFFF  }
0x3a: {  	_ =	swait.ge [sflag:s25], $0x400  }
0x3b: {  	s20 =	rddreg [dreg:$0x12]  }
0x3c: {  	[sflag:s25] =	ssyncset.done $0x0;
	p5 =	sgt.u32 s20, $0x9C0  }
0x3d: {  	s18 =	sadd.s32 $0x0, s6;
	[sflag:s25] =	ssyncadd.s32 $0xFFFFFC00;
	s10 =	simm.s32 @!p5 $0x2  }
0x3e: {  	[tilespmem:s4], [sflag:$0x1] =	stream.indirect.gather [hbm4b:s7+s26], $0x80, s23, s26, $0xb8;
	[tilespmem:$0x1C080] =	vst v63  }
0x3f: {  	s22 =	sadd.s32 $0x10, s18;
	_ =	swait.ge @!p5 [sflag:s10], $0x4000  }
0x40: {  	s11 =	simm.s32 @!p5 $0x4000;
	s12 =	simm.s32 @!p5 $0x80;
	[sflag:s10] =	ssyncset.done @!p5 $0x0  }
0x41: {  	s14 =	simm.s32 @!p5 $0x8780;
	[sflag:s10] =	ssyncadd.s32 @!p5 $0xFFFFC000;
	s10 =	simm.s32 @!p5 $0x6  }
0x42: {  	[spmem:s3] =	stream.indirect.scatter.add.f32 @!p5 [tilespmem:s11], [sflag:$0x6], $0x80, s14, s12, $0xb8;
	[tilespmem:$0x1C080] =	vst v63  }
0x43: {  	p4 =	sgt.u32 s22, $0x270;
	_ =	swait.ge @!p5 [sflag:s10], $0x4000  }
0x44: {  	s11 =	simm.s32 @!p4 $0x8400;
	[sflag:s10] =	ssyncset.done @!p5 $0x0  }
0x45: {  	s21 =	rddreg [dreg:$0x13];
	[sflag:s10] =	ssyncadd.s32 @!p5 $0xFFFFC000;
	s10 =	simm.s32 @!p4 $0x0  }
0x46: {  	[tilespmem:s11], [sflag:$0x4] =	stream.linear.gather @!p4 [hbm4b:s21+s10], $0x400, $0x38;
	[tilespmem:$0x1C080] =	vst v63  }
0x47: {  	_ = 	snop  }
0x48: {  	[tilespmem:s29], [sflag:$0x2] =	stream.indirect.gather [hbm4b:s7+s26], $0x80, s28, s26, $0xb8;
	[tilespmem:$0x1C080] =	vst v63  }
0x49: {  	_ =	swait.ge [sflag:s30], $0x4000  }
0x4a: {  	[sflag:s30] =	ssyncset.done $0x0  }
0x4b: {  	[sflag:s30] =	ssyncadd.s32 $0xFFFFC000  }
0x4c: {  	[spmem:s3] =	stream.indirect.scatter.add.f32 [tilespmem:s4], [sflag:$0x6], $0x80, s31, s26, $0xb8;
	[tilespmem:$0x1C080] =	vst v63  }
0x4d: {  	_ =	swait.ge [sflag:s0], $0x4000  }
0x4e: {  	[sflag:s0] =	ssyncset.done $0x0  }
0x4f: {  	[sflag:s0] =	ssyncadd.s32 $0xFFFFC000  }
0x50: {  	[tilespmem:s4], [sflag:$0x1] =	stream.indirect.gather [hbm4b:s7+s26], $0x80, s1, s26, $0xb8;
	[tilespmem:$0x1C080] =	vst v63  }
0x51: {  	_ =	swait.ge [sflag:s2], $0x4000  }
0x52: {  	[sflag:s2] =	ssyncset.done $0x0  }
0x53: {  	[sflag:s2] =	ssyncadd.s32 $0xFFFFC000  }
0x54: {  	[spmem:s3] =	stream.indirect.scatter.add.f32 [tilespmem:s29], [sflag:$0x6], $0x80, s8, s26, $0xb8;
	[tilespmem:$0x1C080] =	vst v63  }
0x55: {  	_ =	swait.ge [sflag:s0], $0x4000  }
0x56: {  	[sflag:s0] =	ssyncset.done $0x0  }
0x57: {  	[sflag:s0] =	ssyncadd.s32 $0xFFFFC000  }
0x58: {  	[tilespmem:s29], [sflag:$0x2] =	stream.indirect.gather [hbm4b:s7+s26], $0x80, s9, s26, $0xb8;
	[tilespmem:$0x1C080] =	vst v63  }
0x59: {  	_ =	swait.ge [sflag:s30], $0x4000  }
0x5a: {  	[sflag:s30] =	ssyncset.done $0x0  }
0x5b: {  	[sflag:s30] =	ssyncadd.s32 $0xFFFFC000  }
0x5c: {  	[spmem:s3] =	stream.indirect.scatter.add.f32 [tilespmem:s4], [sflag:$0x6], $0x80, s13, s26, $0xb8;
	[tilespmem:$0x1C080] =	vst v63  }
0x5d: {  	_ =	swait.ge [sflag:s0], $0x4000  }
0x5e: {  	[sflag:s0] =	ssyncset.done $0x0  }
0x5f: {  	s12 =	simm.s32 @!p4 $0x4;
	[sflag:s0] =	ssyncadd.s32 $0xFFFFC000  }
0x60: {  	_ =	swait.ge @!p4 [sflag:s12], $0x400  }
0x61: {  	[sflag:s12] =	ssyncset.done @!p4 $0x0  }
0x62: {  	s14 =	simm.s32 @!p4 $0x80;
	[sflag:s12] =	ssyncadd.s32 @!p4 $0xFFFFFC00  }
0x63: {  	[tilespmem:s10], [sflag:$0x1] =	stream.indirect.gather @!p4 [hbm4b:s7+s14], $0x80, s11, s14, $0xb8;
	[tilespmem:$0x1C080] =	vst v63  }
0x64: {  	_ =	swait.ge [sflag:s2], $0x4000  }
0x65: {  	[sflag:s2] =	ssyncset.done $0x0  }
0x66: {  	s24 =	sadd.s32 $0x20, s18;
	[sflag:s2] =	ssyncadd.s32 $0xFFFFC000  }
0x67: {  	[spmem:s3] =	stream.indirect.scatter.add.f32 [tilespmem:s29], [sflag:$0x6], $0x80, s15, s26, $0xb8;
	[tilespmem:$0x1C080] =	vst v63  }
0x68: {  	p5 =	sgt.u32 s24, $0x270;
	_ =	swait.ge [sflag:s0], $0x4000  }
0x69: {  	s18 =	simm.s32 @!p5 $0x0;
	[sflag:s0] =	ssyncset.done $0x0  }
0x6a: {  	s12 =	simm.s32 @!p5 $0x8000;
	s11 =	sadd.s32 @!p5 $0x800, s21;
	[sflag:s0] =	ssyncadd.s32 $0xFFFFC000  }
0x6b: {  	[tilespmem:s12], [sflag:$0x3] =	stream.linear.gather @!p5 [hbm4b:s11+s18], $0x400, $0x38;
	[tilespmem:$0x1C080] =	vst v63  }
0x6c: {  	s11 =	simm.s32 @!p4 $0x4000;
	s12 =	simm.s32 @!p4 $0x8480;
	s18 =	simm.s32 @!p4 $0x1  }
0x6d: {  	[tilespmem:s11], [sflag:$0x2] =	stream.indirect.gather @!p4 [hbm4b:s7+s14], $0x80, s12, s14, $0xb8;
	[tilespmem:$0x1C080] =	vst v63  }
0x6e: {  	_ =	swait.ge @!p4 [sflag:s18], $0x4000  }
0x6f: {  	[sflag:s18] =	ssyncset.done @!p4 $0x0  }
0x70: {  	s19 =	simm.s32 @!p4 $0x6;
	s12 =	simm.s32 @!p4 $0x8600;
	[sflag:s18] =	ssyncadd.s32 @!p4 $0xFFFFC000  }
0x71: {  	[spmem:s3] =	stream.indirect.scatter.add.f32 @!p4 [tilespmem:s10], [sflag:$0x6], $0x80, s12, s14, $0xb8;
	[tilespmem:$0x1C080] =	vst v63  }
0x72: {  	_ =	swait.ge @!p4 [sflag:s19], $0x4000  }
0x73: {  	[sflag:s19] =	ssyncset.done @!p4 $0x0  }
0x74: {  	s12 =	simm.s32 @!p4 $0x8500;
	[sflag:s19] =	ssyncadd.s32 @!p4 $0xFFFFC000  }
0x75: {  	[tilespmem:s10], [sflag:$0x1] =	stream.indirect.gather @!p4 [hbm4b:s7+s14], $0x80, s12, s14, $0xb8;
	[tilespmem:$0x1C080] =	vst v63  }
0x76: {  	s12 =	simm.s32 @!p4 $0x2  }
0x77: {  	_ =	swait.ge @!p4 [sflag:s12], $0x4000  }
0x78: {  	[sflag:s12] =	ssyncset.done @!p4 $0x0  }
0x79: {  	[sflag:s12] =	ssyncadd.s32 @!p4 $0xFFFFC000;
	s12 =	simm.s32 @!p4 $0x8680  }
0x7a: {  	[spmem:s3] =	stream.indirect.scatter.add.f32 @!p4 [tilespmem:s11], [sflag:$0x6], $0x80, s12, s14, $0xb8;
	[tilespmem:$0x1C080] =	vst v63  }
0x7b: {  	_ =	swait.ge @!p4 [sflag:s19], $0x4000  }
0x7c: {  	[sflag:s19] =	ssyncset.done @!p4 $0x0  }
0x7d: {  	s12 =	simm.s32 @!p4 $0x8580;
	[sflag:s19] =	ssyncadd.s32 @!p4 $0xFFFFC000  }
0x7e: {  	[tilespmem:s11], [sflag:$0x2] =	stream.indirect.gather @!p4 [hbm4b:s7+s14], $0x80, s12, s14, $0xb8;
	[tilespmem:$0x1C080] =	vst v63  }
0x7f: {  	_ =	swait.ge @!p4 [sflag:s18], $0x4000  }
0x80: {  	[sflag:s18] =	ssyncset.done @!p4 $0x0  }
0x81: {  	s11 =	simm.s32 @!p4 $0x8700;
	[sflag:s18] =	ssyncadd.s32 @!p4 $0xFFFFC000  }
0x82: {  	[spmem:s3] =	stream.indirect.scatter.add.f32 @!p4 [tilespmem:s10], [sflag:$0x5], $0x80, s11, s14, $0xb8;
	[tilespmem:$0x1C080] =	vst v63  }
0x83: {  	s19 =	simm.s32 $0x20;
	s14 =	simm.s32 @!p4 $0x5  }
0x84: {  	s10 =	sadd.s32 $0x80, s20;
	s20 =	smov.u32 s21;
	_ =	swait.ge @!p4 [sflag:s14], $0x4000  }
.LBB2_6:
0x85: {  	[sflag:s14] =	ssyncset.done @!p4 $0x0  }
0x86: {  	s20 =	sadd.s32 $0x1000, s20;
	s11 =	smov.u32 s19;
	s19 =	sadd.s32 $0x20, s19  }
0x87: {  	p5 =	sne.s32 s19, $0x280;
	[sflag:s14] =	ssyncadd.s32 @!p4 $0xFFFFC000  }
0x88: {  	_ =	swait.ge [sflag:s25], $0x400  }
0x89: {  	p6 =	sgt.u32 s10, $0x9C0;
	[sflag:s25] =	ssyncset.done $0x0  }
0x8a: {  	s12 =	simm.s32 @!p6 $0x2;
	[sflag:s25] =	ssyncadd.s32 $0xFFFFFC00  }
0x8b: {  	[tilespmem:s4], [sflag:$0x1] =	stream.indirect.gather [hbm4b:s7+s26], $0x80, s23, s26, $0xb8;
	[tilespmem:$0x1C080] =	vst v63  }
0x8c: {  	s14 =	simm.s32 @!p6 $0x4000;
	_ =	swait.ge @!p6 [sflag:s12], $0x4000  }
0x8d: {  	s18 =	simm.s32 @!p6 $0x80;
	s21 =	simm.s32 @!p6 $0x8780;
	[sflag:s12] =	ssyncset.done @!p6 $0x0  }
0x8e: {  	s11 =	sadd.s32 s11, s6;
	[sflag:s12] =	ssyncadd.s32 @!p6 $0xFFFFC000;
	s12 =	simm.s32 @!p6 $0x6  }
0x8f: {  	[spmem:s3] =	stream.indirect.scatter.add.f32 @!p6 [tilespmem:s14], [sflag:$0x6], $0x80, s21, s18, $0xb8;
	[tilespmem:$0x1C080] =	vst v63  }
0x90: {  	s18 =	sadd.s32 $0x10, s11;
	s14 =	sadd.s32 $0x20, s11;
	_ =	swait.ge @!p6 [sflag:s12], $0x4000  }
0x91: {  	p4 =	sgt.u32 s18, $0x270;
	[sflag:s12] =	ssyncset.done @!p6 $0x0  }
0x92: {  	s18 =	simm.s32 @!p4 $0x8400;
	[sflag:s12] =	ssyncadd.s32 @!p6 $0xFFFFC000;
	s12 =	simm.s32 @!p4 $0x0  }
0x93: {  	[tilespmem:s18], [sflag:$0x4] =	stream.linear.gather @!p4 [hbm4b:s20+s12], $0x400, $0x38;
	[tilespmem:$0x1C080] =	vst v63  }
0x94: {  	_ = 	snop  }
0x95: {  	[tilespmem:s29], [sflag:$0x2] =	stream.indirect.gather [hbm4b:s7+s26], $0x80, s28, s26, $0xb8;
	[tilespmem:$0x1C080] =	vst v63  }
0x96: {  	_ =	swait.ge [sflag:s30], $0x4000  }
0x97: {  	[sflag:s30] =	ssyncset.done $0x0  }
0x98: {  	[sflag:s30] =	ssyncadd.s32 $0xFFFFC000  }
0x99: {  	[spmem:s3] =	stream.indirect.scatter.add.f32 [tilespmem:s4], [sflag:$0x6], $0x80, s31, s26, $0xb8;
	[tilespmem:$0x1C080] =	vst v63  }
0x9a: {  	_ =	swait.ge [sflag:s0], $0x4000  }
0x9b: {  	[sflag:s0] =	ssyncset.done $0x0  }
0x9c: {  	[sflag:s0] =	ssyncadd.s32 $0xFFFFC000  }
0x9d: {  	[tilespmem:s4], [sflag:$0x1] =	stream.indirect.gather [hbm4b:s7+s26], $0x80, s1, s26, $0xb8;
	[tilespmem:$0x1C080] =	vst v63  }
0x9e: {  	_ =	swait.ge [sflag:s2], $0x4000  }
0x9f: {  	[sflag:s2] =	ssyncset.done $0x0  }
0xa0: {  	[sflag:s2] =	ssyncadd.s32 $0xFFFFC000  }
0xa1: {  	[spmem:s3] =	stream.indirect.scatter.add.f32 [tilespmem:s29], [sflag:$0x6], $0x80, s8, s26, $0xb8;
	[tilespmem:$0x1C080] =	vst v63  }
0xa2: {  	_ =	swait.ge [sflag:s0], $0x4000  }
0xa3: {  	[sflag:s0] =	ssyncset.done $0x0  }
0xa4: {  	[sflag:s0] =	ssyncadd.s32 $0xFFFFC000  }
0xa5: {  	[tilespmem:s29], [sflag:$0x2] =	stream.indirect.gather [hbm4b:s7+s26], $0x80, s9, s26, $0xb8;
	[tilespmem:$0x1C080] =	vst v63  }
0xa6: {  	_ =	swait.ge [sflag:s30], $0x4000  }
0xa7: {  	[sflag:s30] =	ssyncset.done $0x0  }
0xa8: {  	[sflag:s30] =	ssyncadd.s32 $0xFFFFC000  }
0xa9: {  	[spmem:s3] =	stream.indirect.scatter.add.f32 [tilespmem:s4], [sflag:$0x6], $0x80, s13, s26, $0xb8;
	[tilespmem:$0x1C080] =	vst v63  }
0xaa: {  	_ =	swait.ge [sflag:s0], $0x4000  }
0xab: {  	s21 =	simm.s32 @!p4 $0x4;
	[sflag:s0] =	ssyncset.done $0x0  }
0xac: {  	[sflag:s0] =	ssyncadd.s32 $0xFFFFC000  }
0xad: {  	_ =	swait.ge @!p4 [sflag:s21], $0x400  }
0xae: {  	s11 =	simm.s32 @!p4 $0x80;
	[sflag:s21] =	ssyncset.done @!p4 $0x0  }
0xaf: {  	[sflag:s21] =	ssyncadd.s32 @!p4 $0xFFFFFC00  }
0xb0: {  	[tilespmem:s12], [sflag:$0x1] =	stream.indirect.gather @!p4 [hbm4b:s7+s11], $0x80, s18, s11, $0xb8;
	[tilespmem:$0x1C080] =	vst v63  }
0xb1: {  	_ =	swait.ge [sflag:s2], $0x4000  }
0xb2: {  	[sflag:s2] =	ssyncset.done $0x0  }
0xb3: {  	[sflag:s2] =	ssyncadd.s32 $0xFFFFC000  }
0xb4: {  	[spmem:s3] =	stream.indirect.scatter.add.f32 [tilespmem:s29], [sflag:$0x6], $0x80, s15, s26, $0xb8;
	[tilespmem:$0x1C080] =	vst v63  }
0xb5: {  	p6 =	sgt.u32 s14, $0x270;
	s14 =	simm.s32 @!p4 $0x4000;
	_ =	swait.ge [sflag:s0], $0x4000  }
0xb6: {  	s21 =	simm.s32 @!p6 $0x8000;
	s18 =	sadd.s32 @!p6 $0x800, s20;
	[sflag:s0] =	ssyncset.done $0x0  }
0xb7: {  	s24 =	simm.s32 @!p4 $0x8480;
	s22 =	simm.s32 @!p6 $0x0;
	[sflag:s0] =	ssyncadd.s32 $0xFFFFC000  }
0xb8: {  	[tilespmem:s21], [sflag:$0x3] =	stream.linear.gather @!p6 [hbm4b:s18+s22], $0x400, $0x38;
	[tilespmem:$0x1C080] =	vst v63  }
0xb9: {  	s18 =	simm.s32 @!p4 $0x1  }
0xba: {  	[tilespmem:s14], [sflag:$0x2] =	stream.indirect.gather @!p4 [hbm4b:s7+s11], $0x80, s24, s11, $0xb8;
	[tilespmem:$0x1C080] =	vst v63  }
0xbb: {  	_ =	swait.ge @!p4 [sflag:s18], $0x4000  }
0xbc: {  	s21 =	simm.s32 @!p4 $0x8600;
	[sflag:s18] =	ssyncset.done @!p4 $0x0  }
0xbd: {  	s22 =	simm.s32 @!p4 $0x6;
	[sflag:s18] =	ssyncadd.s32 @!p4 $0xFFFFC000  }
0xbe: {  	[spmem:s3] =	stream.indirect.scatter.add.f32 @!p4 [tilespmem:s12], [sflag:$0x6], $0x80, s21, s11, $0xb8;
	[tilespmem:$0x1C080] =	vst v63  }
0xbf: {  	_ =	swait.ge @!p4 [sflag:s22], $0x4000  }
0xc0: {  	s21 =	simm.s32 @!p4 $0x8500;
	[sflag:s22] =	ssyncset.done @!p4 $0x0  }
0xc1: {  	s24 =	simm.s32 @!p4 $0x2;
	[sflag:s22] =	ssyncadd.s32 @!p4 $0xFFFFC000  }
0xc2: {  	[tilespmem:s12], [sflag:$0x1] =	stream.indirect.gather @!p4 [hbm4b:s7+s11], $0x80, s21, s11, $0xb8;
	[tilespmem:$0x1C080] =	vst v63  }
0xc3: {  	_ =	swait.ge @!p4 [sflag:s24], $0x4000  }
0xc4: {  	s21 =	simm.s32 @!p4 $0x8680;
	[sflag:s24] =	ssyncset.done @!p4 $0x0  }
0xc5: {  	[sflag:s24] =	ssyncadd.s32 @!p4 $0xFFFFC000  }
0xc6: {  	[spmem:s3] =	stream.indirect.scatter.add.f32 @!p4 [tilespmem:s14], [sflag:$0x6], $0x80, s21, s11, $0xb8;
	[tilespmem:$0x1C080] =	vst v63  }
0xc7: {  	_ =	swait.ge @!p4 [sflag:s22], $0x4000  }
0xc8: {  	s21 =	simm.s32 @!p4 $0x8580;
	[sflag:s22] =	ssyncset.done @!p4 $0x0  }
0xc9: {  	[sflag:s22] =	ssyncadd.s32 @!p4 $0xFFFFC000  }
0xca: {  	[tilespmem:s14], [sflag:$0x2] =	stream.indirect.gather @!p4 [hbm4b:s7+s11], $0x80, s21, s11, $0xb8;
	[tilespmem:$0x1C080] =	vst v63  }
.Ltmp3:
0xcb: {  	_ =	swait.ge @!p4 [sflag:s18], $0x4000;
	(pc) =	sbr.rel @p5 .LBB2_6-.Ltmp3, $4  }
0xcc: {  	s21 =	simm.s32 @!p4 $0x8700;
	[sflag:s18] =	ssyncset.done @!p4 $0x0  }
0xcd: {  	s14 =	simm.s32 @!p4 $0x5;
	[sflag:s18] =	ssyncadd.s32 @!p4 $0xFFFFC000  }
0xce: {  	[spmem:s3] =	stream.indirect.scatter.add.f32 @!p4 [tilespmem:s12], [sflag:$0x5], $0x80, s21, s11, $0xb8;
	[tilespmem:$0x1C080] =	vst v63  }
0xcf: {  	s10 =	sadd.s32 $0x80, s10;
	_ =	swait.ge @!p4 [sflag:s14], $0x4000  }
0xd0: {  	[sflag:s14] =	ssyncset.done @!p4 $0x0  }
0xd1: {  	s10 =	simm.s32 @!p1 $0x2;
	[sflag:s14] =	ssyncadd.s32 @!p4 $0xFFFFC000  }
0xd2: {  	_ =	swait.ge @!p1 [sflag:s10], $0x4000  }
0xd3: {  	s11 =	simm.s32 @!p1 $0x8780;
	[sflag:s10] =	ssyncset.done @!p1 $0x0  }
0xd4: {  	s12 =	simm.s32 @!p1 $0x4000;
	[sflag:s10] =	ssyncadd.s32 @!p1 $0xFFFFC000;
	s10 =	simm.s32 @!p1 $0x80  }
0xd5: {  	[spmem:s3] =	stream.indirect.scatter.add.f32 @!p1 [tilespmem:s12], [sflag:$0x5], $0x80, s11, s10, $0xb8;
	[tilespmem:$0x1C080] =	vst v63  }
0xd6: {  	s10 =	simm.s32 @!p1 $0x5  }
0xd7: {  	_ =	swait.ge @!p1 [sflag:s10], $0x4000  }
0xd8: {  	[sflag:s10] =	ssyncset.done @!p1 $0x0  }
0xd9: {  	[sflag:s10] =	ssyncadd.s32 @!p1 $0xFFFFC000  }
0xda: {  	[bflag:$0x0] =	sbarrier.arrive $0xFFFF  }
0xdb: {  	s22 =	rddreg [dreg:$0x10]  }
0xdc: {  	s24 =	rddreg [dreg:$0x14]  }
0xdd: {  	[hbm:s22], [sflag:s17] =	dma.local [spmem:s24], $0x1900  }
.Ltmp4:
0xde: {  	s14 =	simm.s32 $0x5;
	(pc) =	sbr.rel @p2 .LBB2_9-.Ltmp4, $4  }
.Ltmp5:
0xdf: {  	_ =	swait.ge [sflag:s14], $0x1900;
	(pc) =	sbr.rel @!p2 .LBB2_8-.Ltmp5, $4  }
0xe0: {  	[sflag:s14] =	ssyncset.done $0x0  }
0xe1: {  	[sflag:s14] =	ssyncadd.s32 $0xFFFFE700  }
0xe2: {  	s10 =	rddreg [dreg:$0x2]  }
0xe3: {  	_ = 	snop  }
.LBB2_2:
0xe4: {  	s11 =	rddreg [dreg:$0x5]  }
0xe5: {  	s21 =	rddreg [dreg:$0xa]  }
0xe6: {  	[tilespmem:s23], [sflag:$0x3] =	stream.linear.gather [hbm4b:s11+s4], $0x400, $0x38;
	[tilespmem:$0x1C080] =	vst v63  }
0xe7: {  	[spmem:s12], [sflag:s17] =	dma.local [hbm:s21], $0x1900  }
0xe8: {  	_ =	swait.ge [sflag:s14], $0x1900  }
0xe9: {  	[sflag:s14] =	ssyncset.done $0x0  }
0xea: {  	s11 =	rddreg [dreg:$0xc];
	[sflag:s14] =	ssyncadd.s32 $0xFFFFE700  }
0xeb: {  	[spmem:s10], [sflag:s17] =	dma.local @!p2 [hbm:s11], $0x1900  }
0xec: {  	s10 =	simm.s32 @!p2 $0x5  }
0xed: {  	_ =	swait.ge @!p2 [sflag:s10], $0x1900  }
0xee: {  	[sflag:s10] =	ssyncset.done @!p2 $0x0  }
0xef: {  	[sflag:s10] =	ssyncadd.s32 @!p2 $0xFFFFE700  }
0xf0: {  	[bflag:$0x0] =	sbarrier.arrive $0xFFFF  }
0xf1: {  	_ =	swait.ge [sflag:s25], $0x400  }
0xf2: {  	s21 =	rddreg [dreg:$0x12]  }
0xf3: {  	[sflag:s25] =	ssyncset.done $0x0;
	p5 =	sgt.u32 s21, $0x9C0  }
0xf4: {  	s19 =	sadd.s32 $0x0, s6;
	[sflag:s25] =	ssyncadd.s32 $0xFFFFFC00;
	s10 =	simm.s32 @!p5 $0x2  }
0xf5: {  	[tilespmem:s4], [sflag:$0x1] =	stream.indirect.gather [hbm4b:s5+s26], $0x80, s23, s26, $0xb8;
	[tilespmem:$0x1C080] =	vst v63  }
0xf6: {  	s22 =	sadd.s32 $0x10, s19;
	_ =	swait.ge @!p5 [sflag:s10], $0x4000  }
0xf7: {  	s11 =	simm.s32 @!p5 $0x4000;
	s12 =	simm.s32 @!p5 $0x80;
	[sflag:s10] =	ssyncset.done @!p5 $0x0  }
0xf8: {  	s14 =	simm.s32 @!p5 $0x8780;
	[sflag:s10] =	ssyncadd.s32 @!p5 $0xFFFFC000;
	s10 =	simm.s32 @!p5 $0x6  }
0xf9: {  	[spmem:s3] =	stream.indirect.scatter.add.f32 @!p5 [tilespmem:s11], [sflag:$0x6], $0x80, s14, s12, $0xb8;
	[tilespmem:$0x1C080] =	vst v63  }
0xfa: {  	p4 =	sgt.u32 s22, $0x270;
	_ =	swait.ge @!p5 [sflag:s10], $0x4000  }
0xfb: {  	s11 =	simm.s32 @!p4 $0x8400;
	[sflag:s10] =	ssyncset.done @!p5 $0x0  }
0xfc: {  	s18 =	rddreg [dreg:$0x11];
	[sflag:s10] =	ssyncadd.s32 @!p5 $0xFFFFC000;
	s10 =	simm.s32 @!p4 $0x0  }
0xfd: {  	[tilespmem:s11], [sflag:$0x4] =	stream.linear.gather @!p4 [hbm4b:s18+s10], $0x400, $0x38;
	[tilespmem:$0x1C080] =	vst v63  }
0xfe: {  	_ = 	snop  }
0xff: {  	[tilespmem:s29], [sflag:$0x2] =	stream.indirect.gather [hbm4b:s5+s26], $0x80, s28, s26, $0xb8;
	[tilespmem:$0x1C080] =	vst v63  }
0x100: {  	_ =	swait.ge [sflag:s30], $0x4000  }
0x101: {  	[sflag:s30] =	ssyncset.done $0x0  }
0x102: {  	[sflag:s30] =	ssyncadd.s32 $0xFFFFC000  }
0x103: {  	[spmem:s3] =	stream.indirect.scatter.add.f32 [tilespmem:s4], [sflag:$0x6], $0x80, s31, s26, $0xb8;
	[tilespmem:$0x1C080] =	vst v63  }
0x104: {  	_ =	swait.ge [sflag:s0], $0x4000  }
0x105: {  	[sflag:s0] =	ssyncset.done $0x0  }
0x106: {  	[sflag:s0] =	ssyncadd.s32 $0xFFFFC000  }
0x107: {  	[tilespmem:s4], [sflag:$0x1] =	stream.indirect.gather [hbm4b:s5+s26], $0x80, s1, s26, $0xb8;
	[tilespmem:$0x1C080] =	vst v63  }
0x108: {  	_ =	swait.ge [sflag:s2], $0x4000  }
0x109: {  	[sflag:s2] =	ssyncset.done $0x0  }
0x10a: {  	[sflag:s2] =	ssyncadd.s32 $0xFFFFC000  }
0x10b: {  	[spmem:s3] =	stream.indirect.scatter.add.f32 [tilespmem:s29], [sflag:$0x6], $0x80, s8, s26, $0xb8;
	[tilespmem:$0x1C080] =	vst v63  }
0x10c: {  	_ =	swait.ge [sflag:s0], $0x4000  }
0x10d: {  	[sflag:s0] =	ssyncset.done $0x0  }
0x10e: {  	[sflag:s0] =	ssyncadd.s32 $0xFFFFC000  }
0x10f: {  	[tilespmem:s29], [sflag:$0x2] =	stream.indirect.gather [hbm4b:s5+s26], $0x80, s9, s26, $0xb8;
	[tilespmem:$0x1C080] =	vst v63  }
0x110: {  	_ =	swait.ge [sflag:s30], $0x4000  }
0x111: {  	[sflag:s30] =	ssyncset.done $0x0  }
0x112: {  	[sflag:s30] =	ssyncadd.s32 $0xFFFFC000  }
0x113: {  	[spmem:s3] =	stream.indirect.scatter.add.f32 [tilespmem:s4], [sflag:$0x6], $0x80, s13, s26, $0xb8;
	[tilespmem:$0x1C080] =	vst v63  }
0x114: {  	_ =	swait.ge [sflag:s0], $0x4000  }
0x115: {  	[sflag:s0] =	ssyncset.done $0x0  }
0x116: {  	s12 =	simm.s32 @!p4 $0x4;
	[sflag:s0] =	ssyncadd.s32 $0xFFFFC000  }
0x117: {  	_ =	swait.ge @!p4 [sflag:s12], $0x400  }
0x118: {  	[sflag:s12] =	ssyncset.done @!p4 $0x0  }
0x119: {  	s14 =	simm.s32 @!p4 $0x80;
	[sflag:s12] =	ssyncadd.s32 @!p4 $0xFFFFFC00  }
0x11a: {  	[tilespmem:s10], [sflag:$0x1] =	stream.indirect.gather @!p4 [hbm4b:s5+s14], $0x80, s11, s14, $0xb8;
	[tilespmem:$0x1C080] =	vst v63  }
0x11b: {  	_ =	swait.ge [sflag:s2], $0x4000  }
0x11c: {  	[sflag:s2] =	ssyncset.done $0x0  }
0x11d: {  	s24 =	sadd.s32 $0x20, s19;
	[sflag:s2] =	ssyncadd.s32 $0xFFFFC000  }
0x11e: {  	[spmem:s3] =	stream.indirect.scatter.add.f32 [tilespmem:s29], [sflag:$0x6], $0x80, s15, s26, $0xb8;
	[tilespmem:$0x1C080] =	vst v63  }
0x11f: {  	p5 =	sgt.u32 s24, $0x270;
	_ =	swait.ge [sflag:s0], $0x4000  }
0x120: {  	s19 =	simm.s32 @!p5 $0x0;
	[sflag:s0] =	ssyncset.done $0x0  }
0x121: {  	s12 =	simm.s32 @!p5 $0x8000;
	s11 =	sadd.s32 @!p5 $0x800, s18;
	[sflag:s0] =	ssyncadd.s32 $0xFFFFC000  }
0x122: {  	[tilespmem:s12], [sflag:$0x3] =	stream.linear.gather @!p5 [hbm4b:s11+s19], $0x400, $0x38;
	[tilespmem:$0x1C080] =	vst v63  }
0x123: {  	s11 =	simm.s32 @!p4 $0x4000;
	s12 =	simm.s32 @!p4 $0x8480;
	s19 =	simm.s32 @!p4 $0x1  }
0x124: {  	[tilespmem:s11], [sflag:$0x2] =	stream.indirect.gather @!p4 [hbm4b:s5+s14], $0x80, s12, s14, $0xb8;
	[tilespmem:$0x1C080] =	vst v63  }
0x125: {  	_ =	swait.ge @!p4 [sflag:s19], $0x4000  }
0x126: {  	[sflag:s19] =	ssyncset.done @!p4 $0x0  }
0x127: {  	s20 =	simm.s32 @!p4 $0x6;
	s12 =	simm.s32 @!p4 $0x8600;
	[sflag:s19] =	ssyncadd.s32 @!p4 $0xFFFFC000  }
0x128: {  	[spmem:s3] =	stream.indirect.scatter.add.f32 @!p4 [tilespmem:s10], [sflag:$0x6], $0x80, s12, s14, $0xb8;
	[tilespmem:$0x1C080] =	vst v63  }
0x129: {  	_ =	swait.ge @!p4 [sflag:s20], $0x4000  }
0x12a: {  	[sflag:s20] =	ssyncset.done @!p4 $0x0  }
0x12b: {  	s12 =	simm.s32 @!p4 $0x8500;
	[sflag:s20] =	ssyncadd.s32 @!p4 $0xFFFFC000  }
0x12c: {  	[tilespmem:s10], [sflag:$0x1] =	stream.indirect.gather @!p4 [hbm4b:s5+s14], $0x80, s12, s14, $0xb8;
	[tilespmem:$0x1C080] =	vst v63  }
0x12d: {  	s12 =	simm.s32 @!p4 $0x2  }
0x12e: {  	_ =	swait.ge @!p4 [sflag:s12], $0x4000  }
0x12f: {  	[sflag:s12] =	ssyncset.done @!p4 $0x0  }
0x130: {  	[sflag:s12] =	ssyncadd.s32 @!p4 $0xFFFFC000;
	s12 =	simm.s32 @!p4 $0x8680  }
0x131: {  	[spmem:s3] =	stream.indirect.scatter.add.f32 @!p4 [tilespmem:s11], [sflag:$0x6], $0x80, s12, s14, $0xb8;
	[tilespmem:$0x1C080] =	vst v63  }
0x132: {  	_ =	swait.ge @!p4 [sflag:s20], $0x4000  }
0x133: {  	[sflag:s20] =	ssyncset.done @!p4 $0x0  }
0x134: {  	s12 =	simm.s32 @!p4 $0x8580;
	[sflag:s20] =	ssyncadd.s32 @!p4 $0xFFFFC000  }
0x135: {  	[tilespmem:s11], [sflag:$0x2] =	stream.indirect.gather @!p4 [hbm4b:s5+s14], $0x80, s12, s14, $0xb8;
	[tilespmem:$0x1C080] =	vst v63  }
0x136: {  	_ =	swait.ge @!p4 [sflag:s19], $0x4000  }
0x137: {  	[sflag:s19] =	ssyncset.done @!p4 $0x0  }
0x138: {  	s11 =	simm.s32 @!p4 $0x8700;
	[sflag:s19] =	ssyncadd.s32 @!p4 $0xFFFFC000  }
0x139: {  	[spmem:s3] =	stream.indirect.scatter.add.f32 @!p4 [tilespmem:s10], [sflag:$0x5], $0x80, s11, s14, $0xb8;
	[tilespmem:$0x1C080] =	vst v63  }
0x13a: {  	s20 =	smov.u32 s18;
	s14 =	simm.s32 @!p4 $0x5  }
0x13b: {  	s19 =	simm.s32 $0x20;
	s10 =	sadd.s32 $0x80, s21;
	_ =	swait.ge @!p4 [sflag:s14], $0x4000  }
.LBB2_3:
0x13c: {  	[sflag:s14] =	ssyncset.done @!p4 $0x0  }
0x13d: {  	s20 =	sadd.s32 $0x1000, s20;
	s11 =	smov.u32 s19;
	s19 =	sadd.s32 $0x20, s19  }
0x13e: {  	p5 =	sne.s32 s19, $0x280;
	[sflag:s14] =	ssyncadd.s32 @!p4 $0xFFFFC000  }
0x13f: {  	_ =	swait.ge [sflag:s25], $0x400  }
0x140: {  	p6 =	sgt.u32 s10, $0x9C0;
	[sflag:s25] =	ssyncset.done $0x0  }
0x141: {  	s12 =	simm.s32 @!p6 $0x2;
	[sflag:s25] =	ssyncadd.s32 $0xFFFFFC00  }
0x142: {  	[tilespmem:s4], [sflag:$0x1] =	stream.indirect.gather [hbm4b:s5+s26], $0x80, s23, s26, $0xb8;
	[tilespmem:$0x1C080] =	vst v63  }
0x143: {  	s14 =	simm.s32 @!p6 $0x4000;
	_ =	swait.ge @!p6 [sflag:s12], $0x4000  }
0x144: {  	s22 =	simm.s32 @!p6 $0x80;
	s21 =	simm.s32 @!p6 $0x8780;
	[sflag:s12] =	ssyncset.done @!p6 $0x0  }
0x145: {  	s11 =	sadd.s32 s11, s6;
	[sflag:s12] =	ssyncadd.s32 @!p6 $0xFFFFC000;
	s12 =	simm.s32 @!p6 $0x6  }
0x146: {  	[spmem:s3] =	stream.indirect.scatter.add.f32 @!p6 [tilespmem:s14], [sflag:$0x6], $0x80, s21, s22, $0xb8;
	[tilespmem:$0x1C080] =	vst v63  }
0x147: {  	s21 =	sadd.s32 $0x10, s11;
	s14 =	sadd.s32 $0x20, s11;
	_ =	swait.ge @!p6 [sflag:s12], $0x4000  }
0x148: {  	p4 =	sgt.u32 s21, $0x270;
	[sflag:s12] =	ssyncset.done @!p6 $0x0  }
0x149: {  	s21 =	simm.s32 @!p4 $0x8400;
	[sflag:s12] =	ssyncadd.s32 @!p6 $0xFFFFC000;
	s12 =	simm.s32 @!p4 $0x0  }
0x14a: {  	[tilespmem:s21], [sflag:$0x4] =	stream.linear.gather @!p4 [hbm4b:s20+s12], $0x400, $0x38;
	[tilespmem:$0x1C080] =	vst v63  }
0x14b: {  	_ = 	snop  }
0x14c: {  	[tilespmem:s29], [sflag:$0x2] =	stream.indirect.gather [hbm4b:s5+s26], $0x80, s28, s26, $0xb8;
	[tilespmem:$0x1C080] =	vst v63  }
0x14d: {  	_ =	swait.ge [sflag:s30], $0x4000  }
0x14e: {  	[sflag:s30] =	ssyncset.done $0x0  }
0x14f: {  	[sflag:s30] =	ssyncadd.s32 $0xFFFFC000  }
0x150: {  	[spmem:s3] =	stream.indirect.scatter.add.f32 [tilespmem:s4], [sflag:$0x6], $0x80, s31, s26, $0xb8;
	[tilespmem:$0x1C080] =	vst v63  }
0x151: {  	_ =	swait.ge [sflag:s0], $0x4000  }
0x152: {  	[sflag:s0] =	ssyncset.done $0x0  }
0x153: {  	[sflag:s0] =	ssyncadd.s32 $0xFFFFC000  }
0x154: {  	[tilespmem:s4], [sflag:$0x1] =	stream.indirect.gather [hbm4b:s5+s26], $0x80, s1, s26, $0xb8;
	[tilespmem:$0x1C080] =	vst v63  }
0x155: {  	_ =	swait.ge [sflag:s2], $0x4000  }
0x156: {  	[sflag:s2] =	ssyncset.done $0x0  }
0x157: {  	[sflag:s2] =	ssyncadd.s32 $0xFFFFC000  }
0x158: {  	[spmem:s3] =	stream.indirect.scatter.add.f32 [tilespmem:s29], [sflag:$0x6], $0x80, s8, s26, $0xb8;
	[tilespmem:$0x1C080] =	vst v63  }
0x159: {  	_ =	swait.ge [sflag:s0], $0x4000  }
0x15a: {  	[sflag:s0] =	ssyncset.done $0x0  }
0x15b: {  	[sflag:s0] =	ssyncadd.s32 $0xFFFFC000  }
0x15c: {  	[tilespmem:s29], [sflag:$0x2] =	stream.indirect.gather [hbm4b:s5+s26], $0x80, s9, s26, $0xb8;
	[tilespmem:$0x1C080] =	vst v63  }
0x15d: {  	_ =	swait.ge [sflag:s30], $0x4000  }
0x15e: {  	[sflag:s30] =	ssyncset.done $0x0  }
0x15f: {  	[sflag:s30] =	ssyncadd.s32 $0xFFFFC000  }
0x160: {  	[spmem:s3] =	stream.indirect.scatter.add.f32 [tilespmem:s4], [sflag:$0x6], $0x80, s13, s26, $0xb8;
	[tilespmem:$0x1C080] =	vst v63  }
0x161: {  	_ =	swait.ge [sflag:s0], $0x4000  }
0x162: {  	s22 =	simm.s32 @!p4 $0x4;
	[sflag:s0] =	ssyncset.done $0x0  }
0x163: {  	[sflag:s0] =	ssyncadd.s32 $0xFFFFC000  }
0x164: {  	_ =	swait.ge @!p4 [sflag:s22], $0x400  }
0x165: {  	s11 =	simm.s32 @!p4 $0x80;
	[sflag:s22] =	ssyncset.done @!p4 $0x0  }
0x166: {  	[sflag:s22] =	ssyncadd.s32 @!p4 $0xFFFFFC00  }
0x167: {  	[tilespmem:s12], [sflag:$0x1] =	stream.indirect.gather @!p4 [hbm4b:s5+s11], $0x80, s21, s11, $0xb8;
	[tilespmem:$0x1C080] =	vst v63  }
0x168: {  	_ =	swait.ge [sflag:s2], $0x4000  }
0x169: {  	[sflag:s2] =	ssyncset.done $0x0  }
0x16a: {  	[sflag:s2] =	ssyncadd.s32 $0xFFFFC000  }
0x16b: {  	[spmem:s3] =	stream.indirect.scatter.add.f32 [tilespmem:s29], [sflag:$0x6], $0x80, s15, s26, $0xb8;
	[tilespmem:$0x1C080] =	vst v63  }
0x16c: {  	p6 =	sgt.u32 s14, $0x270;
	s14 =	simm.s32 @!p4 $0x4000;
	_ =	swait.ge [sflag:s0], $0x4000  }
0x16d: {  	s22 =	simm.s32 @!p6 $0x8000;
	s21 =	sadd.s32 @!p6 $0x800, s20;
	[sflag:s0] =	ssyncset.done $0x0  }
0x16e: {  	s24 =	simm.s32 @!p4 $0x8480;
	s18 =	simm.s32 @!p6 $0x0;
	[sflag:s0] =	ssyncadd.s32 $0xFFFFC000  }
0x16f: {  	[tilespmem:s22], [sflag:$0x3] =	stream.linear.gather @!p6 [hbm4b:s21+s18], $0x400, $0x38;
	[tilespmem:$0x1C080] =	vst v63  }
0x170: {  	s18 =	simm.s32 @!p4 $0x1  }
0x171: {  	[tilespmem:s14], [sflag:$0x2] =	stream.indirect.gather @!p4 [hbm4b:s5+s11], $0x80, s24, s11, $0xb8;
	[tilespmem:$0x1C080] =	vst v63  }
0x172: {  	_ =	swait.ge @!p4 [sflag:s18], $0x4000  }
0x173: {  	s21 =	simm.s32 @!p4 $0x8600;
	[sflag:s18] =	ssyncset.done @!p4 $0x0  }
0x174: {  	s22 =	simm.s32 @!p4 $0x6;
	[sflag:s18] =	ssyncadd.s32 @!p4 $0xFFFFC000  }
0x175: {  	[spmem:s3] =	stream.indirect.scatter.add.f32 @!p4 [tilespmem:s12], [sflag:$0x6], $0x80, s21, s11, $0xb8;
	[tilespmem:$0x1C080] =	vst v63  }
0x176: {  	_ =	swait.ge @!p4 [sflag:s22], $0x4000  }
0x177: {  	s21 =	simm.s32 @!p4 $0x8500;
	[sflag:s22] =	ssyncset.done @!p4 $0x0  }
0x178: {  	s24 =	simm.s32 @!p4 $0x2;
	[sflag:s22] =	ssyncadd.s32 @!p4 $0xFFFFC000  }
0x179: {  	[tilespmem:s12], [sflag:$0x1] =	stream.indirect.gather @!p4 [hbm4b:s5+s11], $0x80, s21, s11, $0xb8;
	[tilespmem:$0x1C080] =	vst v63  }
0x17a: {  	_ =	swait.ge @!p4 [sflag:s24], $0x4000  }
0x17b: {  	s21 =	simm.s32 @!p4 $0x8680;
	[sflag:s24] =	ssyncset.done @!p4 $0x0  }
0x17c: {  	[sflag:s24] =	ssyncadd.s32 @!p4 $0xFFFFC000  }
0x17d: {  	[spmem:s3] =	stream.indirect.scatter.add.f32 @!p4 [tilespmem:s14], [sflag:$0x6], $0x80, s21, s11, $0xb8;
	[tilespmem:$0x1C080] =	vst v63  }
0x17e: {  	_ =	swait.ge @!p4 [sflag:s22], $0x4000  }
0x17f: {  	s21 =	simm.s32 @!p4 $0x8580;
	[sflag:s22] =	ssyncset.done @!p4 $0x0  }
0x180: {  	[sflag:s22] =	ssyncadd.s32 @!p4 $0xFFFFC000  }
0x181: {  	[tilespmem:s14], [sflag:$0x2] =	stream.indirect.gather @!p4 [hbm4b:s5+s11], $0x80, s21, s11, $0xb8;
	[tilespmem:$0x1C080] =	vst v63  }
.Ltmp6:
0x182: {  	_ =	swait.ge @!p4 [sflag:s18], $0x4000;
	(pc) =	sbr.rel @p5 .LBB2_3-.Ltmp6, $4  }
0x183: {  	s21 =	simm.s32 @!p4 $0x8700;
	[sflag:s18] =	ssyncset.done @!p4 $0x0  }
0x184: {  	s14 =	simm.s32 @!p4 $0x5;
	[sflag:s18] =	ssyncadd.s32 @!p4 $0xFFFFC000  }
0x185: {  	[spmem:s3] =	stream.indirect.scatter.add.f32 @!p4 [tilespmem:s12], [sflag:$0x5], $0x80, s21, s11, $0xb8;
	[tilespmem:$0x1C080] =	vst v63  }
0x186: {  	s10 =	sadd.s32 $0x80, s10;
	_ =	swait.ge @!p4 [sflag:s14], $0x4000  }
0x187: {  	[sflag:s14] =	ssyncset.done @!p4 $0x0  }
0x188: {  	s10 =	simm.s32 @!p1 $0x2;
	[sflag:s14] =	ssyncadd.s32 @!p4 $0xFFFFC000  }
0x189: {  	_ =	swait.ge @!p1 [sflag:s10], $0x4000  }
0x18a: {  	s11 =	simm.s32 @!p1 $0x8780;
	[sflag:s10] =	ssyncset.done @!p1 $0x0  }
0x18b: {  	s12 =	simm.s32 @!p1 $0x4000;
	[sflag:s10] =	ssyncadd.s32 @!p1 $0xFFFFC000;
	s10 =	simm.s32 @!p1 $0x80  }
0x18c: {  	[spmem:s3] =	stream.indirect.scatter.add.f32 @!p1 [tilespmem:s12], [sflag:$0x5], $0x80, s11, s10, $0xb8;
	[tilespmem:$0x1C080] =	vst v63  }
0x18d: {  	s10 =	simm.s32 @!p1 $0x5  }
0x18e: {  	_ =	swait.ge @!p1 [sflag:s10], $0x4000  }
0x18f: {  	[sflag:s10] =	ssyncset.done @!p1 $0x0  }
0x190: {  	[sflag:s10] =	ssyncadd.s32 @!p1 $0xFFFFC000  }
0x191: {  	[bflag:$0x0] =	sbarrier.arrive $0xFFFF  }
0x192: {  	s22 =	rddreg [dreg:$0xd]  }
0x193: {  	s24 =	rddreg [dreg:$0x14]  }
0x194: {  	[hbm:s22], [sflag:s17] =	dma.local [spmem:s24], $0x1900  }
.Ltmp7:
0x195: {  	s14 =	simm.s32 $0x5;
	(pc) =	sbr.rel @p3 .LBB2_8-.Ltmp7, $4  }
.Ltmp8:
0x196: {  	_ =	swait.ge [sflag:s14], $0x1900;
	(pc) =	sbr.rel @!p3 .LBB2_9-.Ltmp8, $4  }
0x197: {  	[sflag:s14] =	ssyncset.done $0x0  }
0x198: {  	[sflag:s14] =	ssyncadd.s32 $0xFFFFE700  }
0x199: {  	s10 =	rddreg [dreg:$0x1]  }
0x19a: {  	_ = 	snop  }
.LBB2_10:
0x19b: {  	_ =	sfence.sel $0x180000  }
0x19c: {  	[bflag:$0x0] =	sbarrier.arrive $0xFFFF  }
0x19d: {  	_ =	strace $0x9000004A  }
0x19e: {  	[bflag:$0x2] =	sbarrier.arrive $0xFFFF  }
0x19f: {  	s0 =	rddreg [dreg:$0x4]  }
0x1a0: {  	s0 =	sadd.s32 @!p1 $0x100000, s0  }
0x1a1: {  	[sflag:s0] =	ssyncadd.tile.s32 @!p1 $0x1;
	_ =	shalt  }
.Lfunc_end2:
_tile_overlayer_lowered:
.L_overlay_start_2:
0x1a2: {  	(tag) =	ssettag $0x2  }
0x1a3: {  	s0 =	rddreg [dreg:$0x0];
	s2 =	stileid.u32  }
0x1a4: {  	s1 =	rddreg [dreg:$0x1];
	p0 =	sne.s32 s2, $0x0  }
0x1a5: {  	s3 =	rddreg [dreg:$0x2];
	[bflag:$0x3] =	sbarrier.arrive $0xFFFF;
	s2 =	simm.s32 @!p0 $0x1C05  }
0x1a6: {  	[timem:s3], [sflag:s2] =	dma.local @!p0 [hbm:s0], s1  }
0x1a7: {  	s0 =	simm.s32 @!p0 $0x5  }
0x1a8: {  	_ =	swait.ge @!p0 [sflag:s0], s1  }
0x1a9: {  	s1 =	ssub.s32 @!p0 $0x0, s1;
	[sflag:s0] =	ssyncset.done @!p0 $0x0  }
0x1aa: {  	[sflag:s0] =	ssyncadd.s32 @!p0 s1  }
0x1ab: {  	[bflag:$0x3] =	sbarrier.arrive $0xFFFF  }
0x1ac: {  	_ =	shalt  }

// kernel: kernel.15.cloned.1.call-start
scs
__scs_entry_jumppad:
0x0: {  	(pc) =	sbr.rel $0x88, $3  }
0x1: {  	(tag) =	ssettag $0x0;
	lr =	simm.s32 $0x1  }
0x2: {  	[smem:$0x3F8C] =	sst lr;
	_ =	strace $0xD0000000  }
0x3: {  	_ = 	snop  }
0x4: {  	_ = 	snop  }
0x5: {  	_ = 	snop  }
0x6: {  	_ = 	snop  }
0x7: {  	_ = 	snop  }
__scs_overlays_trampoline_lowered:
0x8: {  	[smem:$0x3F9B] =	sst s0  }
0x9: {  	[smem:$0x3F9C] =	sst s1  }
0xa: {  	[smem:$0x3F9D] =	sst s2  }
0xb: {  	[smem:$0x3F9E] =	sst s3  }
0xc: {  	[smem:$0x3F9F] =	sst s4  }
0xd: {  	[smem:$0x3FA0] =	sst s5  }
0xe: {  	[smem:$0x3FA1] =	sst s6  }
0xf: {  	[smem:$0x3FA2] =	sst s7  }
0x10: {  	[smem:$0x3FA3] =	sst s8  }
0x11: {  	[smem:$0x3FA4] =	sst s9;
	s0 =	simm.s32 @!p0 $0x0  }
0x12: {  	s1 =	sld [smem:$0x3F8A];
	s0 =	simm.s32 @p0 $0x1  }
0x13: {  	[smem:$0x3FA5] =	sst s0;
	s0 =	simm.s32 @!p1 $0x0  }
0x14: {  	s2 =	sld [smem:$0x3F89];
	s0 =	simm.s32 @p1 $0x1  }
0x15: {  	[smem:$0x3FA6] =	sst s0;
	s0 =	simm.s32 @!p2 $0x0  }
0x16: {  	s3 =	sld [smem:$0x3FDB];
	s0 =	simm.s32 @p2 $0x1  }
0x17: {  	s4 =	simm.s32 $0x1BF5;
	[smem:$0x3FA8] =	sst s0  }
0x18: {  	s0 =	sld [smem:$0x3F8B];
	_ =	swait.ge [sflag:s4], $0x0  }
0x19: {  	s7 =	sld [smem:$0x3F8C]  }
0x1a: {  	s8 =	sadd.s32 $0xFFFFE003, lr  }
0x1b: {  	s9 =	sadd.s32 $0xFFFFFEF7, lr;
	s5 =	simm.s32 $0xFFFFFFFF;
	p2 =	slt.u32 s8, $0xFFFFF086  }
0x1c: {  	p1 =	slt.u32 s9, $0xF7A;
	s5 =	simm.s32 @!p2 $0x0  }
0x1d: {  	s5 =	simm.s32 @p1 $0x1;
	p0 =	seq.s32 s7, s2  }
0x1e: {  	s7 =	smul.u32 @!p0 $0xF7A, s2;
	p2 =	seq.s32 @!p0 s5, $0x0  }
0x1f: {  	s9 =	smul.u32 $0xF7A, s1;
	s8 =	simm.s32 @!p0 $0x1BF5;
	p2 =	por !p2, p0  }
0x20: {  	[sflag:s8] =	ssyncset.s32 @!p0 $0xFFFFF086;
	s6 =	sadd.s32 @!p0 s3, s7;
	s7 =	simm.s32 @!p0 $0x108  }
0x21: {  	s3 =	sadd.s32 s3, s9;
	s6 =	sadd.s32 @!p0 $0x88, s6;
	s7 =	simm.s32 @p2 $0x1082  }
0x22: {  	[simem:s7], [sflag:s8] =	dma.local @!p0 [hbm:s6], $0xF7A  }
0x23: {  	s9 =	sor.u32 $0xD0000000, s2;
	s6 =	simm.s32 $0x108;
	_ =	swait.ge @!p0 [sflag:s8], $0x0  }
0x24: {  	s3 =	sadd.s32 $0x88, s3;
	s6 =	simm.s32 @!p1 $0x1082;
	[sflag:s4] =	ssyncset.s32 $0xFFFFF086  }
0x25: {  	[simem:s6], [sflag:s4] =	dma.local [hbm:s3], $0xF7A  }
0x26: {  	[smem:$0x3F8C] =	sst s1;
	(tag) =	ssettag s2;
	_ =	strace s9  }
0x27: {  	s1 =	sld [smem:$0x3F9C]  }
0x28: {  	s2 =	sld [smem:$0x3F9D]  }
0x29: {  	s4 =	sld [smem:$0x3F9F]  }
0x2a: {  	p0 =	seq.s32 s5, $0x0;
	s5 =	sld [smem:$0x3FA0]  }
0x2b: {  	s6 =	sld [smem:$0x3FA1]  }
0x2c: {  	s7 =	sld [smem:$0x3FA2]  }
0x2d: {  	s3 =	simm.s32 $0x108;
	s8 =	sld [smem:$0x3FA3]  }
0x2e: {  	s3 =	simm.s32 @!p0 $0x1082;
	s9 =	sld [smem:$0x3FA4]  }
0x2f: {  	lr =	sadd.s32 s0, s3;
	s0 =	sld [smem:$0x3F9B]  }
0x30: {  	s3 =	sld [smem:$0x3F9E]  }
0x31: {  	[smem:$0x3FA7] =	sst s10  }
0x32: {  	s10 =	sld [smem:$0x3FA5];
	_ =	sdelay $0x3  }
0x33: {  	p0 =	seq.s32 s10, $0x1;
	s10 =	sld [smem:$0x3FA7];
	_ =	sdelay $0x3  }
0x34: {  	[smem:$0x3FA7] =	sst s10  }
0x35: {  	s10 =	sld [smem:$0x3FA6];
	_ =	sdelay $0x3  }
0x36: {  	p1 =	seq.s32 s10, $0x1;
	s10 =	sld [smem:$0x3FA7];
	_ =	sdelay $0x3  }
0x37: {  	[smem:$0x3FA7] =	sst s10  }
0x38: {  	s10 =	sld [smem:$0x3FA8]  }
0x39: {  	_ = 	snop;
	(pc) =	sbr.ind lr, $3  }
0x3a: {  	_ = 	snop  }
0x3b: {  	_ = 	snop  }
0x3c: {  	p2 =	seq.s32 s10, $0x1;
	s10 =	sld [smem:$0x3FA7]  }
0x3d: {  	_ =	shalt  }
0x3e: {  	_ =	shalt  }
0x3f: {  	_ =	shalt  }
0x40: {  	_ =	shalt  }
0x41: {  	_ =	shalt  }
0x42: {  	_ =	shalt  }
0x43: {  	_ =	shalt  }
0x44: {  	_ =	shalt  }
0x45: {  	_ =	shalt  }
0x46: {  	_ =	shalt  }
0x47: {  	_ =	shalt  }
0x48: {  	_ =	shalt  }
0x49: {  	_ =	shalt  }
0x4a: {  	_ =	shalt  }
0x4b: {  	_ =	shalt  }
0x4c: {  	_ =	shalt  }
0x4d: {  	_ =	shalt  }
0x4e: {  	_ =	shalt  }
0x4f: {  	_ =	shalt  }
0x50: {  	_ =	shalt  }
0x51: {  	_ =	shalt  }
0x52: {  	_ =	shalt  }
0x53: {  	_ =	shalt  }
0x54: {  	_ =	shalt  }
0x55: {  	_ =	shalt  }
0x56: {  	_ =	shalt  }
0x57: {  	_ =	shalt  }
0x58: {  	_ =	shalt  }
0x59: {  	_ =	shalt  }
0x5a: {  	_ =	shalt  }
0x5b: {  	_ =	shalt  }
0x5c: {  	_ =	shalt  }
0x5d: {  	_ =	shalt  }
0x5e: {  	_ =	shalt  }
0x5f: {  	_ =	shalt  }
0x60: {  	_ =	shalt  }
0x61: {  	_ =	shalt  }
0x62: {  	_ =	shalt  }
0x63: {  	_ =	shalt  }
0x64: {  	_ =	shalt  }
0x65: {  	_ =	shalt  }
0x66: {  	_ =	shalt  }
0x67: {  	_ =	shalt  }
0x68: {  	_ =	shalt  }
0x69: {  	_ =	shalt  }
0x6a: {  	_ =	shalt  }
0x6b: {  	_ =	shalt  }
0x6c: {  	_ =	shalt  }
0x6d: {  	_ =	shalt  }
0x6e: {  	_ =	shalt  }
0x6f: {  	_ =	shalt  }
0x70: {  	_ =	shalt  }
0x71: {  	_ =	shalt  }
0x72: {  	_ =	shalt  }
0x73: {  	_ =	shalt  }
0x74: {  	_ =	shalt  }
0x75: {  	_ =	shalt  }
0x76: {  	_ =	shalt  }
0x77: {  	_ =	shalt  }
0x78: {  	_ =	shalt  }
0x79: {  	_ =	shalt  }
0x7a: {  	_ =	shalt  }
0x7b: {  	_ =	shalt  }
0x7c: {  	_ =	shalt  }
0x7d: {  	_ =	shalt  }
0x7e: {  	_ =	shalt  }
0x7f: {  	_ =	shalt  }
0x80: {  	_ =	shalt  }
0x81: {  	_ =	shalt  }
0x82: {  	_ =	shalt  }
0x83: {  	_ =	shalt  }
0x84: {  	_ =	shalt  }
0x85: {  	_ =	shalt  }
0x86: {  	_ =	shalt  }
0x87: {  	_ =	shalt  }
.Lfunc_end0:
.L_simem_size_0:
called_computation.2_lowered:
.L_overlay_start_0:
0x88: {  	s2 =	sld [smem:$0x3FD9]  }
0x89: {  	s3 =	sld [smem:$0x3FFE];
	_ =	sdelay $0x1  }
0x8a: {  	s1 =	srdreg.scid  }
0x8b: {  	s0 =	sand.u32 $0x1, s1  }
0x8c: {  	s16 =	sshll.u32 s0, $0xA;
	s2 =	sadd.s32 s3, s2  }
0x8d: {  	s2 =	sadd.s32 s2, s16  }
0x8e: {  	[smem:$0x3FB3] =	sst s2  }
0x8f: {  	_ = 	snop  }
0x90: {  	(tm) =	ssettm $0x1  }
0x91: {  	s17 =	sld [smem:$0x3FFB];
	_ =	sdelay $0x3  }
0x92: {  	_ =	strace s17  }
0x93: {  	s2 =	sld [smem:$0x3FFC];
	_ =	sdelay $0x3  }
0x94: {  	_ =	strace s2  }
0x95: {  	s2 =	sld [smem:$0x3FFD];
	_ =	sdelay $0x3  }
0x96: {  	_ =	strace s2  }
0x97: {  	_ =	strace $0x8FFFFFFF  }
0x98: {  	s18 =	sld [smem:$0x3FDB];
	_ =	sdelay $0x1  }
0x99: {  	s19 =	simm.s32 $_scs_section_size  }
0x9a: {  	s4 =	simm.s32 $_size__tile_overlayer_lowered;
	s5 =	simm.s32 $_tile_overlayer_lowered  }
0x9b: {  	s22 =	simm.s32 $0x1BFF;
	s21 =	sshll.u32 s5, $0x1;
	s2 =	sadd.s32 s19, s18  }
0x9c: {  	s6 =	simm.s32 $0x0;
	s20 =	sshll.u32 s4, $0x1;
	s4 =	sadd.s32 s21, s2  }
0x9d: {  	[timem:s6], [sflag:s22] =	dma.local [hbm:s4], s20  }
0x9e: {  	_ =	swait.ge [sflag:s22], s20  }
0x9f: {  	s3 =	ssub.s32 $0x0, s20;
	[sflag:s22] =	ssyncset.done $0x0  }
0xa0: {  	[sflag:s22] =	ssyncadd.s32 s3;
	_ =	sdelay $0x1  }
0xa1: {  	s23 =	simm.s32 $0x1B8B  }
0xa2: {  	_ =	swait.ge [sflag:s23], $0x1  }
0xa3: {  	[sflag:s23] =	ssyncset.done $0x0  }
0xa4: {  	s25 =	simm.s32 $0x1B8E;
	s24 =	sld [smem:$0x3FFE];
	[sflag:s23] =	ssyncadd.s32 $0xFFFFFFFF  }
0xa5: {  	s26 =	simm.s32 $execute0_lowered;
	[smem:$0x3FD2] =	sst s25  }
0xa6: {  	s4 =	sshll.u32 s26, $0x1;
	_ =	strace $0x8000004C;
	[dreg:$0x1] =	wrdreg $0xFFFFFFFF  }
0xa7: {  	s28 =	simm.s32 $_size_execute0_lowered;
	s2 =	sadd.s32 s2, s4;
	[dreg:$0x0] =	wrdreg $0x0  }
0xa8: {  	s4 =	sshll.u32 s28, $0x1;
	[dreg:$0x2] =	wrdreg s2  }
0xa9: {  	[dreg:$0x3] =	wrdreg s4  }
0xaa: {  	[dreg:$0x4] =	wrdreg $0xC0  }
0xab: {  	_ =	task [dreg:s6], $0x5FFFF  }
0xac: {  	[dreg:$0x1] =	wrdreg $0xFFFFFFFF  }
0xad: {  	[dreg:$0x0] =	wrdreg $0x60  }
0xae: {  	[dreg:$0x2] =	wrdreg s24  }
0xaf: {  	[dreg:$0x3] =	wrdreg $0x9  }
0xb0: {  	_ =	task.clear_ibuf [dreg:s6], $0x4FFFF;
	_ =	strace $0x9000004C  }
0xb1: {  	s29 =	simm.s32 $0x9;
	_ =	strace $0x8000004E  }
0xb2: {  	_ =	swait.ge [sflag:s29], $0x1  }
0xb3: {  	[sflag:s29] =	ssyncadd.s32 $0xFFFFFFFF  }
0xb4: {  	_ =	strace $0x9000004E  }
0xb5: {  	_ =	sfence  }
0xb6: {  	s30 =	sld [smem:$0x0];
	_ =	sdelay $0x2  }
0xb7: {  	s31 =	sshll.u32 s1, $0xD;
	s1 =	sshrl.u32 s1, $0x2  }
0xb8: {  	s3 =	sand.u32 $0x4000, s31;
	s1 =	sadd.s32 s1, s30  }
0xb9: {  	s0 =	sor.u32 s3, s0;
	s1 =	sshll.u32 s1, $0x11  }
0xba: {  	s0 =	sor.u32 s1, s0  }
0xbb: {  	s0 =	sadd.s32 $0x8F2B, s0  }
0xbc: {  	[sflag:s0] =	ssyncadd.remote.s32 $0x1  }
0xbd: {  	_ =	sfence.sel $0xFFFF  }
0xbe: {  	[dreg:$0x0] =	wrdreg $0xFFFFFFFF;
	(pc) =	sbr.abs _section_cstart, $3  }
0xbf: {  	[dreg:$0x1] =	wrdreg $0xFFFFFFFF  }
0xc0: {  	_ =	task.clear_ibuf [dreg:s6], $0x2FFFF;
	_ =	strace $0x9FFFFFFF  }
0xc1: {  	(tm) =	ssettm $0x7FFFFFFF  }
tec
execute0_lowered:
.L_overlay_start_1:
0x0: {  	(tag) =	ssettag $0x1  }
0x1: {  	s5 =	rddreg [dreg:$0x0]  }
0x2: {  	s0 =	rddreg [dreg:$0x1];
	s1 =	simm.s32 $0x0  }
0x3: {  	s2 =	srdreg.scid;
	s13 =	simm.s32 $0x0;
	[smem:$0x7FF] =	sst s1  }
0x4: {  	s3 =	sadd.s32 $0x5800, s5;
	s4 =	sadd.s32 $0x2CA00, s5;
	s6 =	sand.u32 $0x1, s2  }
0x5: {  	s7 =	sadd.s32 $0xC9400, s5;
	s2 =	stileid.u32;
	_ =	strace $0x8000004D  }
0x6: {  	s8 =	sshll.u32 s6, $0x4;
	s9 =	sshll.u32 s6, $0xF;
	s10 =	ssub.s32 $0x2, s6  }
0x7: {  	s6 =	sshll.u32 s6, $0x8;
	s31 =	sshll.u32 s2, $0x4;
	s12 =	sshll.u32 s2, $0xB  }
0x8: {  	s8 =	sor.u32 s2, s8;
	s9 =	sadd.s32 s9, s5;
	s30 =	sshrl.u32 s10, $0x1  }
0x9: {  	s11 =	sshll.u32 s8, $0x4;
	s10 =	ssub.s32 s10, s30;
	s9 =	sadd.s32 s12, s9  }
0xa: {  	s8 =	sor.u32 $0x40, s8;
	s12 =	simm.s32 $0x200;
	s5 =	sadd.s32 s7, s11  }
0xb: {  	s7 =	sadd.s32 s6, s7;
	s6 =	smax.u32 s10, $0x1;
	s9 =	sadd.s32 $0xCF600, s9  }
0xc: {  	s10 =	simm.s32 $0x5;
	s11 =	simm.s32 $0x80;
	s7 =	sadd.s32 s31, s7  }
.LBB2_1:
0xd: {  	[tilespmem:s1], [sflag:$0x5] =	stream.linear.gather [hbm4b:s5+s1], $0x80, $0x38;
	[tilespmem:$0x8200] =	vst v63  }
0xe: {  	s14 =	sadd.s32 $0xFFFFFFE0, s8;
	_ =	swait.ge [sflag:s10], $0x80  }
0xf: {  	p1 =	sgt.u32 s14, $0x30D;
	[sflag:s10] =	ssyncset.done $0x0  }
0x10: {  	s15 =	sadd.s32 @!p1 $0x0, s7;
	s16 =	simm.s32 @!p1 $0x6;
	[sflag:s10] =	ssyncadd.s32 $0xFFFFFF80  }
0x11: {  	[tilespmem:s12], [sflag:$0x1] =	stream.indirect.gather [hbm4b:s3+s11], $0x80, s1, s11, $0xb8;
	[tilespmem:$0x8200] =	vst v63  }
0x12: {  	s14 =	simm.s32 @!p1 $0x0;
	s18 =	simm.s32 @!p1 $0x80;
	s17 =	sadd.s32 @!p1 $0x200, s15  }
0x13: {  	[tilespmem:s18], [sflag:$0x6] =	stream.linear.gather @!p1 [hbm4b:s17+s14], $0x80, $0x38;
	[tilespmem:$0x8200] =	vst v63  }
0x14: {  	s30 =	sadd.s32 $0xFFFFFFC0, s8;
	_ =	swait.ge @!p1 [sflag:s16], $0x80  }
0x15: {  	p0 =	sgt.u32 s30, $0x30D;
	[sflag:s16] =	ssyncset.done @!p1 $0x0  }
0x16: {  	s19 =	simm.s32 @!p0 $0x1;
	s17 =	simm.s32 @!p1 $0x4200;
	[sflag:s16] =	ssyncadd.s32 @!p1 $0xFFFFFF80  }
0x17: {  	[tilespmem:s17], [sflag:$0x2] =	stream.indirect.gather @!p1 [hbm4b:s3+s18], $0x80, s18, s18, $0xb8;
	[tilespmem:$0x8200] =	vst v63  }
0x18: {  	s20 =	sadd.s32 @!p0 $0x0, s7;
	_ =	swait.ge @!p0 [sflag:s19], $0x4000  }
0x19: {  	s21 =	simm.s32 @!p0 $0x0;
	s22 =	simm.s32 @!p0 $0x100;
	[sflag:s19] =	ssyncset.done @!p0 $0x0  }
0x1a: {  	s20 =	sadd.s32 @!p0 $0x30D4, s20;
	[sflag:s19] =	ssyncadd.s32 @!p0 $0xFFFFC000;
	s19 =	simm.s32 @!p0 $0x6  }
0x1b: {  	[tilespmem:s22], [sflag:$0x6] =	stream.linear.gather @!p0 [hbm4b:s20+s21], $0x80, $0x38;
	[tilespmem:$0x8200] =	vst v63  }
0x1c: {  	_ =	swait.ge @!p0 [sflag:s19], $0x80  }
0x1d: {  	s23 =	simm.s32 @!p0 $0x200;
	[sflag:s19] =	ssyncset.done @!p0 $0x0  }
0x1e: {  	s24 =	simm.s32 @!p0 $0x3;
	s20 =	simm.s32 @!p0 $0x80;
	[sflag:s19] =	ssyncadd.s32 @!p0 $0xFFFFFF80  }
0x1f: {  	[tilespmem:s23], [sflag:$0x3] =	stream.indirect.gather.add.f32 @!p0 [hbm:s4], $0x80, s22, s20, $0xb8;
	[tilespmem:$0x8200] =	vst v63  }
0x20: {  	_ =	swait.ge @!p0 [sflag:s24], $0x4000  }
0x21: {  	[sflag:s24] =	ssyncset.done @!p0 $0x0  }
0x22: {  	p2 =	sgt.u32 s8, $0x30D;
	[sflag:s24] =	ssyncadd.s32 @!p0 $0xFFFFC000  }
0x23: {  	[hbm4b:s9+s21] =	stream.linear.scatter @!p0 [tilespmem:s23], [sflag:$0x6], $0x4000, $0x38;
	[tilespmem:$0x8200] =	vst v63  }
0x24: {  	s20 =	sadd.s32 @!p2 $0x0, s7;
	_ =	swait.ge @!p0 [sflag:s19], $0x4000  }
0x25: {  	s20 =	sadd.s32 @!p2 $0x400, s20;
	[sflag:s19] =	ssyncset.done @!p0 $0x0  }
0x26: {  	s21 =	simm.s32 @!p2 $0x0;
	[sflag:s19] =	ssyncadd.s32 @!p0 $0xFFFFC000;
	s19 =	simm.s32 @!p2 $0x6  }
0x27: {  	[tilespmem:s21], [sflag:$0x6] =	stream.linear.gather @!p2 [hbm4b:s20+s21], $0x80, $0x38;
	[tilespmem:$0x8200] =	vst v63  }
0x28: {  	_ =	swait.ge @!p2 [sflag:s19], $0x80  }
0x29: {  	s22 =	simm.s32 @!p2 $0x80;
	p0 =	por p1, p1;
	[sflag:s19] =	ssyncset.done @!p2 $0x0  }
0x2a: {  	s20 =	simm.s32 @!p2 $0x200;
	s23 =	simm.s32 @!p0 $0x2;
	[sflag:s19] =	ssyncadd.s32 @!p2 $0xFFFFFF80  }
0x2b: {  	[tilespmem:s20], [sflag:$0x1] =	stream.indirect.gather @!p2 [hbm4b:s3+s22], $0x80, s21, s22, $0xb8;
	[tilespmem:$0x8200] =	vst v63  }
0x2c: {  	_ =	swait.ge @!p0 [sflag:s23], $0x4000  }
0x2d: {  	[sflag:s23] =	ssyncset.done @!p0 $0x0  }
0x2e: {  	s15 =	sadd.s32 @!p1 $0x32D4, s15;
	s19 =	simm.s32 @!p0 $0x180;
	[sflag:s23] =	ssyncadd.s32 @!p0 $0xFFFFC000  }
0x2f: {  	[tilespmem:s19], [sflag:$0x6] =	stream.linear.gather @!p0 [hbm4b:s15+s14], $0x80, $0x38;
	[tilespmem:$0x8200] =	vst v63  }
0x30: {  	_ =	swait.ge @!p0 [sflag:s16], $0x80  }
0x31: {  	[sflag:s16] =	ssyncset.done @!p0 $0x0  }
0x32: {  	s20 =	simm.s32 @!p0 $0x4;
	[sflag:s16] =	ssyncadd.s32 @!p0 $0xFFFFFF80  }
0x33: {  	[tilespmem:s17], [sflag:$0x4] =	stream.indirect.gather.add.f32 @!p0 [hbm:s4], $0x80, s19, s18, $0xb8;
	[tilespmem:$0x8200] =	vst v63  }
0x34: {  	s23 =	simm.s32 @!p0 $0x5;
	s16 =	sadd.s32 $0x40, s8;
	_ =	swait.ge @!p0 [sflag:s20], $0x4000  }
0x35: {  	s15 =	simm.s32 $0x400;
	s31 =	sadd.s32 $0xFFFFFFE0, s16;
	[sflag:s20] =	ssyncset.done @!p0 $0x0  }
0x36: {  	s18 =	sadd.s32 @!p0 $0x10000, s9;
	p2 =	sgt.u32 s31, $0x30D;
	[sflag:s20] =	ssyncadd.s32 @!p0 $0xFFFFC000  }
0x37: {  	[hbm4b:s18+s14] =	stream.linear.scatter @!p0 [tilespmem:s17], [sflag:$0x5], $0x4000, $0x38;
	[tilespmem:$0x8200] =	vst v63  }
0x38: {  	s17 =	simm.s32 $0x800;
	s14 =	sadd.s32 $0x20000, s9;
	_ =	swait.ge @!p0 [sflag:s23], $0x4000  }
.LBB2_2:
0x39: {  	s21 =	sadd.s32 @!p2 s15, s7  }
0x3a: {  	s19 =	simm.s32 @!p2 $0x6;
	[sflag:s23] =	ssyncset.done @!p0 $0x0;
	s24 =	smov.u32 s17  }
0x3b: {  	s18 =	simm.s32 @!p2 $0x0;
	s20 =	simm.s32 @!p2 $0x80;
	s25 =	sadd.s32 @!p2 $0x200, s21  }
0x3c: {  	s17 =	sadd.s32 $0x400, s17;
	s22 =	sadd.s32 @!p2 $0x32D4, s21;
	[sflag:s23] =	ssyncadd.s32 @!p0 $0xFFFFC000  }
0x3d: {  	[tilespmem:s20], [sflag:$0x6] =	stream.linear.gather @!p2 [hbm4b:s25+s18], $0x80, $0x38;
	[tilespmem:$0x8200] =	vst v63  }
0x3e: {  	p1 =	sne.s32 s17, $0x3400;
	s23 =	sadd.s32 $0xFFFFFFC0, s16;
	_ =	swait.ge @!p2 [sflag:s19], $0x80  }
0x3f: {  	s21 =	simm.s32 @!p2 $0x4200;
	p3 =	sgt.u32 s23, $0x30D;
	[sflag:s19] =	ssyncset.done @!p2 $0x0  }
0x40: {  	s23 =	simm.s32 @!p3 $0x1;
	s25 =	sadd.s32 @!p3 s15, s7;
	[sflag:s19] =	ssyncadd.s32 @!p2 $0xFFFFFF80  }
0x41: {  	[tilespmem:s21], [sflag:$0x2] =	stream.indirect.gather @!p2 [hbm4b:s3+s20], $0x80, s20, s20, $0xb8;
	[tilespmem:$0x8200] =	vst v63  }
0x42: {  	p0 =	por p2, p2;
	s25 =	sadd.s32 @!p3 $0x30D4, s25;
	_ =	swait.ge @!p3 [sflag:s23], $0x4000  }
0x43: {  	s26 =	simm.s32 @!p3 $0x0;
	s28 =	simm.s32 @!p3 $0x100;
	[sflag:s23] =	ssyncset.done @!p3 $0x0  }
0x44: {  	[sflag:s23] =	ssyncadd.s32 @!p3 $0xFFFFC000;
	s23 =	simm.s32 @!p3 $0x6  }
0x45: {  	[tilespmem:s28], [sflag:$0x6] =	stream.linear.gather @!p3 [hbm4b:s25+s26], $0x80, $0x38;
	[tilespmem:$0x8200] =	vst v63  }
0x46: {  	_ =	swait.ge @!p3 [sflag:s23], $0x80  }
0x47: {  	s29 =	simm.s32 @!p3 $0x200;
	s25 =	simm.s32 @!p3 $0x80;
	[sflag:s23] =	ssyncset.done @!p3 $0x0  }
0x48: {  	s30 =	simm.s32 @!p3 $0x3;
	[sflag:s23] =	ssyncadd.s32 @!p3 $0xFFFFFF80  }
0x49: {  	[tilespmem:s29], [sflag:$0x3] =	stream.indirect.gather.add.f32 @!p3 [hbm:s4], $0x80, s28, s25, $0xb8;
	[tilespmem:$0x8200] =	vst v63  }
0x4a: {  	_ =	swait.ge @!p3 [sflag:s30], $0x4000  }
0x4b: {  	[sflag:s30] =	ssyncset.done @!p3 $0x0  }
0x4c: {  	p2 =	sgt.u32 s16, $0x30D;
	[sflag:s30] =	ssyncadd.s32 @!p3 $0xFFFFC000  }
0x4d: {  	[hbm4b:s14+s26] =	stream.linear.scatter @!p3 [tilespmem:s29], [sflag:$0x6], $0x4000, $0x38;
	[tilespmem:$0x8200] =	vst v63  }
0x4e: {  	s25 =	sadd.s32 @!p2 s15, s7;
	s15 =	smov.u32 s24;
	_ =	swait.ge @!p3 [sflag:s23], $0x4000  }
0x4f: {  	s24 =	sadd.s32 @!p2 $0x400, s25;
	s25 =	simm.s32 @!p2 $0x0;
	[sflag:s23] =	ssyncset.done @!p3 $0x0  }
0x50: {  	[sflag:s23] =	ssyncadd.s32 @!p3 $0xFFFFC000;
	s23 =	simm.s32 @!p2 $0x6  }
0x51: {  	[tilespmem:s25], [sflag:$0x6] =	stream.linear.gather @!p2 [hbm4b:s24+s25], $0x80, $0x38;
	[tilespmem:$0x8200] =	vst v63  }
0x52: {  	s24 =	simm.s32 @!p2 $0x200;
	_ =	swait.ge @!p2 [sflag:s23], $0x80  }
0x53: {  	s28 =	simm.s32 @!p0 $0x2;
	s26 =	simm.s32 @!p2 $0x80;
	[sflag:s23] =	ssyncset.done @!p2 $0x0  }
0x54: {  	[sflag:s23] =	ssyncadd.s32 @!p2 $0xFFFFFF80  }
0x55: {  	[tilespmem:s24], [sflag:$0x1] =	stream.indirect.gather @!p2 [hbm4b:s3+s26], $0x80, s25, s26, $0xb8;
	[tilespmem:$0x8200] =	vst v63  }
0x56: {  	_ =	swait.ge @!p0 [sflag:s28], $0x4000  }
0x57: {  	s23 =	simm.s32 @!p0 $0x180;
	[sflag:s28] =	ssyncset.done @!p0 $0x0  }
0x58: {  	[sflag:s28] =	ssyncadd.s32 @!p0 $0xFFFFC000  }
0x59: {  	[tilespmem:s23], [sflag:$0x6] =	stream.linear.gather @!p0 [hbm4b:s22+s18], $0x80, $0x38;
	[tilespmem:$0x8200] =	vst v63  }
0x5a: {  	_ =	swait.ge @!p0 [sflag:s19], $0x80  }
0x5b: {  	s22 =	simm.s32 @!p0 $0x4;
	[sflag:s19] =	ssyncset.done @!p0 $0x0  }
0x5c: {  	[sflag:s19] =	ssyncadd.s32 @!p0 $0xFFFFFF80  }
0x5d: {  	[tilespmem:s21], [sflag:$0x4] =	stream.indirect.gather.add.f32 @!p0 [hbm:s4], $0x80, s23, s20, $0xb8;
	[tilespmem:$0x8200] =	vst v63  }
.Ltmp0:
0x5e: {  	s16 =	sadd.s32 $0x40, s16;
	_ =	swait.ge @!p0 [sflag:s22], $0x4000;
	(pc) =	sbr.rel @p1 .LBB2_2-.Ltmp0, $4  }
0x5f: {  	s19 =	sadd.s32 @!p0 $0x10000, s14;
	s23 =	simm.s32 @!p0 $0x5;
	[sflag:s22] =	ssyncset.done @!p0 $0x0  }
0x60: {  	s20 =	sadd.s32 $0xFFFFFFE0, s16;
	[sflag:s22] =	ssyncadd.s32 @!p0 $0xFFFFC000  }
0x61: {  	[hbm4b:s19+s18] =	stream.linear.scatter @!p0 [tilespmem:s21], [sflag:$0x5], $0x4000, $0x38;
	[tilespmem:$0x8200] =	vst v63  }
0x62: {  	s14 =	sadd.s32 $0x20000, s14;
	p2 =	sgt.u32 s20, $0x30D;
	_ =	swait.ge @!p0 [sflag:s23], $0x4000  }
0x63: {  	s18 =	sadd.s32 @!p2 s15, s7  }
0x64: {  	s19 =	simm.s32 @!p2 $0x6;
	[sflag:s23] =	ssyncset.done @!p0 $0x0;
	s17 =	simm.s32 @!p2 $0x0  }
0x65: {  	s21 =	simm.s32 @!p2 $0x80;
	s20 =	sadd.s32 @!p2 $0x200, s18;
	[sflag:s23] =	ssyncadd.s32 @!p0 $0xFFFFC000  }
0x66: {  	[tilespmem:s21], [sflag:$0x6] =	stream.linear.gather @!p2 [hbm4b:s20+s17], $0x80, $0x38;
	[tilespmem:$0x8200] =	vst v63  }
0x67: {  	s31 =	sadd.s32 $0xFFFFFFC0, s16;
	_ =	swait.ge @!p2 [sflag:s19], $0x80  }
0x68: {  	p0 =	sgt.u32 s31, $0x30D;
	[sflag:s19] =	ssyncset.done @!p2 $0x0  }
0x69: {  	s20 =	simm.s32 @!p2 $0x4200;
	s22 =	simm.s32 @!p0 $0x1;
	[sflag:s19] =	ssyncadd.s32 @!p2 $0xFFFFFF80  }
0x6a: {  	[tilespmem:s20], [sflag:$0x2] =	stream.indirect.gather @!p2 [hbm4b:s3+s21], $0x80, s21, s21, $0xb8;
	[tilespmem:$0x8200] =	vst v63  }
0x6b: {  	s23 =	sadd.s32 @!p0 s15, s7;
	_ =	swait.ge @!p0 [sflag:s22], $0x4000  }
0x6c: {  	s24 =	simm.s32 @!p0 $0x0;
	s25 =	simm.s32 @!p0 $0x100;
	[sflag:s22] =	ssyncset.done @!p0 $0x0  }
0x6d: {  	s23 =	sadd.s32 @!p0 $0x30D4, s23;
	[sflag:s22] =	ssyncadd.s32 @!p0 $0xFFFFC000;
	s22 =	simm.s32 @!p0 $0x6  }
0x6e: {  	[tilespmem:s25], [sflag:$0x6] =	stream.linear.gather @!p0 [hbm4b:s23+s24], $0x80, $0x38;
	[tilespmem:$0x8200] =	vst v63  }
0x6f: {  	_ =	swait.ge @!p0 [sflag:s22], $0x80  }
0x70: {  	s26 =	simm.s32 @!p0 $0x200;
	[sflag:s22] =	ssyncset.done @!p0 $0x0  }
0x71: {  	s28 =	simm.s32 @!p0 $0x3;
	s23 =	simm.s32 @!p0 $0x80;
	[sflag:s22] =	ssyncadd.s32 @!p0 $0xFFFFFF80  }
0x72: {  	[tilespmem:s26], [sflag:$0x3] =	stream.indirect.gather.add.f32 @!p0 [hbm:s4], $0x80, s25, s23, $0xb8;
	[tilespmem:$0x8200] =	vst v63  }
0x73: {  	_ =	swait.ge @!p0 [sflag:s28], $0x4000  }
0x74: {  	[sflag:s28] =	ssyncset.done @!p0 $0x0  }
0x75: {  	[sflag:s28] =	ssyncadd.s32 @!p0 $0xFFFFC000  }
0x76: {  	[hbm4b:s14+s24] =	stream.linear.scatter @!p0 [tilespmem:s26], [sflag:$0x6], $0x4000, $0x38;
	[tilespmem:$0x8200] =	vst v63  }
0x77: {  	p1 =	sgt.u32 s16, $0x30D;
	_ =	swait.ge @!p0 [sflag:s22], $0x4000  }
0x78: {  	s16 =	simm.s32 @!p1 $0x0;
	s15 =	sadd.s32 @!p1 s15, s7;
	[sflag:s22] =	ssyncset.done @!p0 $0x0  }
0x79: {  	s15 =	sadd.s32 @!p1 $0x400, s15;
	[sflag:s22] =	ssyncadd.s32 @!p0 $0xFFFFC000;
	s22 =	simm.s32 @!p1 $0x6  }
0x7a: {  	[tilespmem:s16], [sflag:$0x6] =	stream.linear.gather @!p1 [hbm4b:s15+s16], $0x80, $0x38;
	[tilespmem:$0x8200] =	vst v63  }
0x7b: {  	_ =	swait.ge @!p1 [sflag:s22], $0x80  }
0x7c: {  	s23 =	simm.s32 @!p1 $0x80;
	p0 =	por p2, p2;
	[sflag:s22] =	ssyncset.done @!p1 $0x0  }
0x7d: {  	s15 =	simm.s32 @!p1 $0x200;
	s24 =	simm.s32 @!p0 $0x2;
	[sflag:s22] =	ssyncadd.s32 @!p1 $0xFFFFFF80  }
0x7e: {  	[tilespmem:s15], [sflag:$0x1] =	stream.indirect.gather @!p1 [hbm4b:s3+s23], $0x80, s16, s23, $0xb8;
	[tilespmem:$0x8200] =	vst v63  }
0x7f: {  	_ =	swait.ge @!p0 [sflag:s24], $0x4000  }
0x80: {  	[sflag:s24] =	ssyncset.done @!p0 $0x0  }
0x81: {  	s15 =	sadd.s32 @!p2 $0x32D4, s18;
	s16 =	simm.s32 @!p0 $0x180;
	[sflag:s24] =	ssyncadd.s32 @!p0 $0xFFFFC000  }
0x82: {  	[tilespmem:s16], [sflag:$0x6] =	stream.linear.gather @!p0 [hbm4b:s15+s17], $0x80, $0x38;
	[tilespmem:$0x8200] =	vst v63  }
0x83: {  	_ =	swait.ge @!p0 [sflag:s19], $0x80  }
0x84: {  	[sflag:s19] =	ssyncset.done @!p0 $0x0  }
0x85: {  	s15 =	simm.s32 @!p0 $0x4;
	[sflag:s19] =	ssyncadd.s32 @!p0 $0xFFFFFF80  }
0x86: {  	[tilespmem:s20], [sflag:$0x4] =	stream.indirect.gather.add.f32 @!p0 [hbm:s4], $0x80, s16, s21, $0xb8;
	[tilespmem:$0x8200] =	vst v63  }
0x87: {  	s13 =	sadd.s32 $0x1, s13;
	_ =	swait.ge @!p0 [sflag:s15], $0x4000  }
0x88: {  	s14 =	sadd.s32 @!p0 $0x10000, s14;
	p1 =	sne.s32 s13, s6;
	[sflag:s15] =	ssyncset.done @!p0 $0x0  }
.Ltmp1:
0x89: {  	s16 =	simm.s32 @!p0 $0x5;
	[sflag:s15] =	ssyncadd.s32 @!p0 $0xFFFFC000;
	(pc) =	sbr.rel @p1 .LBB2_1-.Ltmp1, $4  }
0x8a: {  	[hbm4b:s14+s17] =	stream.linear.scatter @!p0 [tilespmem:s20], [sflag:$0x5], $0x4000, $0x38;
	[tilespmem:$0x8200] =	vst v63  }
0x8b: {  	_ =	swait.ge @!p0 [sflag:s16], $0x4000  }
0x8c: {  	[sflag:s16] =	ssyncset.done @!p0 $0x0  }
0x8d: {  	[sflag:s16] =	ssyncadd.s32 @!p0 $0xFFFFC000  }
0x8e: {  	_ =	sfence.sel $0x180000  }
0x8f: {  	[bflag:$0x0] =	sbarrier.arrive $0xFFFF  }
0x90: {  	p0 =	sne.s32 s2, $0x0;
	_ =	strace $0x9000004D  }
0x91: {  	s0 =	sadd.s32 @!p0 $0x100000, s0;
	[bflag:$0x2] =	sbarrier.arrive $0xFFFF  }
0x92: {  	[sflag:s0] =	ssyncadd.tile.s32 @!p0 $0x1;
	_ =	shalt  }
.Lfunc_end2:
_tile_overlayer_lowered:
.L_overlay_start_2:
0x93: {  	(tag) =	ssettag $0x2  }
0x94: {  	s0 =	rddreg [dreg:$0x0];
	s2 =	stileid.u32  }
0x95: {  	s1 =	rddreg [dreg:$0x1];
	p0 =	sne.s32 s2, $0x0  }
0x96: {  	s3 =	rddreg [dreg:$0x2];
	[bflag:$0x3] =	sbarrier.arrive $0xFFFF;
	s2 =	simm.s32 @!p0 $0x1C05  }
0x97: {  	[timem:s3], [sflag:s2] =	dma.local @!p0 [hbm:s0], s1  }
0x98: {  	s0 =	simm.s32 @!p0 $0x5  }
0x99: {  	_ =	swait.ge @!p0 [sflag:s0], s1  }
0x9a: {  	s1 =	ssub.s32 @!p0 $0x0, s1;
	[sflag:s0] =	ssyncset.done @!p0 $0x0  }
0x9b: {  	[sflag:s0] =	ssyncadd.s32 @!p0 s1  }
0x9c: {  	[bflag:$0x3] =	sbarrier.arrive $0xFFFF  }
0x9d: {  	_ =	shalt  }

// kernel: kernel.9.cloned.1.call-start
scs
__scs_entry_jumppad:
0x0: {  	(pc) =	sbr.rel $0x88, $3  }
0x1: {  	(tag) =	ssettag $0x0;
	lr =	simm.s32 $0x1  }
0x2: {  	[smem:$0x3F8C] =	sst lr;
	_ =	strace $0xD0000000  }
0x3: {  	_ = 	snop  }
0x4: {  	_ = 	snop  }
0x5: {  	_ = 	snop  }
0x6: {  	_ = 	snop  }
0x7: {  	_ = 	snop  }
__scs_overlays_trampoline_lowered:
0x8: {  	[smem:$0x3F9B] =	sst s0  }
0x9: {  	[smem:$0x3F9C] =	sst s1  }
0xa: {  	[smem:$0x3F9D] =	sst s2  }
0xb: {  	[smem:$0x3F9E] =	sst s3  }
0xc: {  	[smem:$0x3F9F] =	sst s4  }
0xd: {  	[smem:$0x3FA0] =	sst s5  }
0xe: {  	[smem:$0x3FA1] =	sst s6  }
0xf: {  	[smem:$0x3FA2] =	sst s7  }
0x10: {  	[smem:$0x3FA3] =	sst s8  }
0x11: {  	[smem:$0x3FA4] =	sst s9;
	s0 =	simm.s32 @!p0 $0x0  }
0x12: {  	s1 =	sld [smem:$0x3F8A];
	s0 =	simm.s32 @p0 $0x1  }
0x13: {  	[smem:$0x3FA5] =	sst s0;
	s0 =	simm.s32 @!p1 $0x0  }
0x14: {  	s2 =	sld [smem:$0x3F89];
	s0 =	simm.s32 @p1 $0x1  }
0x15: {  	[smem:$0x3FA6] =	sst s0;
	s0 =	simm.s32 @!p2 $0x0  }
0x16: {  	s3 =	sld [smem:$0x3FDB];
	s0 =	simm.s32 @p2 $0x1  }
0x17: {  	s4 =	simm.s32 $0x1BF5;
	[smem:$0x3FA8] =	sst s0  }
0x18: {  	s0 =	sld [smem:$0x3F8B];
	_ =	swait.ge [sflag:s4], $0x0  }
0x19: {  	s7 =	sld [smem:$0x3F8C]  }
0x1a: {  	s8 =	sadd.s32 $0xFFFFE003, lr  }
0x1b: {  	s9 =	sadd.s32 $0xFFFFFEF7, lr;
	s5 =	simm.s32 $0xFFFFFFFF;
	p2 =	slt.u32 s8, $0xFFFFF086  }
0x1c: {  	p1 =	slt.u32 s9, $0xF7A;
	s5 =	simm.s32 @!p2 $0x0  }
0x1d: {  	s5 =	simm.s32 @p1 $0x1;
	p0 =	seq.s32 s7, s2  }
0x1e: {  	s7 =	smul.u32 @!p0 $0xF7A, s2;
	p2 =	seq.s32 @!p0 s5, $0x0  }
0x1f: {  	s9 =	smul.u32 $0xF7A, s1;
	s8 =	simm.s32 @!p0 $0x1BF5;
	p2 =	por !p2, p0  }
0x20: {  	[sflag:s8] =	ssyncset.s32 @!p0 $0xFFFFF086;
	s6 =	sadd.s32 @!p0 s3, s7;
	s7 =	simm.s32 @!p0 $0x108  }
0x21: {  	s3 =	sadd.s32 s3, s9;
	s6 =	sadd.s32 @!p0 $0x88, s6;
	s7 =	simm.s32 @p2 $0x1082  }
0x22: {  	[simem:s7], [sflag:s8] =	dma.local @!p0 [hbm:s6], $0xF7A  }
0x23: {  	s9 =	sor.u32 $0xD0000000, s2;
	s6 =	simm.s32 $0x108;
	_ =	swait.ge @!p0 [sflag:s8], $0x0  }
0x24: {  	s3 =	sadd.s32 $0x88, s3;
	s6 =	simm.s32 @!p1 $0x1082;
	[sflag:s4] =	ssyncset.s32 $0xFFFFF086  }
0x25: {  	[simem:s6], [sflag:s4] =	dma.local [hbm:s3], $0xF7A  }
0x26: {  	[smem:$0x3F8C] =	sst s1;
	(tag) =	ssettag s2;
	_ =	strace s9  }
0x27: {  	s1 =	sld [smem:$0x3F9C]  }
0x28: {  	s2 =	sld [smem:$0x3F9D]  }
0x29: {  	s4 =	sld [smem:$0x3F9F]  }
0x2a: {  	p0 =	seq.s32 s5, $0x0;
	s5 =	sld [smem:$0x3FA0]  }
0x2b: {  	s6 =	sld [smem:$0x3FA1]  }
0x2c: {  	s7 =	sld [smem:$0x3FA2]  }
0x2d: {  	s3 =	simm.s32 $0x108;
	s8 =	sld [smem:$0x3FA3]  }
0x2e: {  	s3 =	simm.s32 @!p0 $0x1082;
	s9 =	sld [smem:$0x3FA4]  }
0x2f: {  	lr =	sadd.s32 s0, s3;
	s0 =	sld [smem:$0x3F9B]  }
0x30: {  	s3 =	sld [smem:$0x3F9E]  }
0x31: {  	[smem:$0x3FA7] =	sst s10  }
0x32: {  	s10 =	sld [smem:$0x3FA5];
	_ =	sdelay $0x3  }
0x33: {  	p0 =	seq.s32 s10, $0x1;
	s10 =	sld [smem:$0x3FA7];
	_ =	sdelay $0x3  }
0x34: {  	[smem:$0x3FA7] =	sst s10  }
0x35: {  	s10 =	sld [smem:$0x3FA6];
	_ =	sdelay $0x3  }
0x36: {  	p1 =	seq.s32 s10, $0x1;
	s10 =	sld [smem:$0x3FA7];
	_ =	sdelay $0x3  }
0x37: {  	[smem:$0x3FA7] =	sst s10  }
0x38: {  	s10 =	sld [smem:$0x3FA8]  }
0x39: {  	_ = 	snop;
	(pc) =	sbr.ind lr, $3  }
0x3a: {  	_ = 	snop  }
0x3b: {  	_ = 	snop  }
0x3c: {  	p2 =	seq.s32 s10, $0x1;
	s10 =	sld [smem:$0x3FA7]  }
0x3d: {  	_ =	shalt  }
0x3e: {  	_ =	shalt  }
0x3f: {  	_ =	shalt  }
0x40: {  	_ =	shalt  }
0x41: {  	_ =	shalt  }
0x42: {  	_ =	shalt  }
0x43: {  	_ =	shalt  }
0x44: {  	_ =	shalt  }
0x45: {  	_ =	shalt  }
0x46: {  	_ =	shalt  }
0x47: {  	_ =	shalt  }
0x48: {  	_ =	shalt  }
0x49: {  	_ =	shalt  }
0x4a: {  	_ =	shalt  }
0x4b: {  	_ =	shalt  }
0x4c: {  	_ =	shalt  }
0x4d: {  	_ =	shalt  }
0x4e: {  	_ =	shalt  }
0x4f: {  	_ =	shalt  }
0x50: {  	_ =	shalt  }
0x51: {  	_ =	shalt  }
0x52: {  	_ =	shalt  }
0x53: {  	_ =	shalt  }
0x54: {  	_ =	shalt  }
0x55: {  	_ =	shalt  }
0x56: {  	_ =	shalt  }
0x57: {  	_ =	shalt  }
0x58: {  	_ =	shalt  }
0x59: {  	_ =	shalt  }
0x5a: {  	_ =	shalt  }
0x5b: {  	_ =	shalt  }
0x5c: {  	_ =	shalt  }
0x5d: {  	_ =	shalt  }
0x5e: {  	_ =	shalt  }
0x5f: {  	_ =	shalt  }
0x60: {  	_ =	shalt  }
0x61: {  	_ =	shalt  }
0x62: {  	_ =	shalt  }
0x63: {  	_ =	shalt  }
0x64: {  	_ =	shalt  }
0x65: {  	_ =	shalt  }
0x66: {  	_ =	shalt  }
0x67: {  	_ =	shalt  }
0x68: {  	_ =	shalt  }
0x69: {  	_ =	shalt  }
0x6a: {  	_ =	shalt  }
0x6b: {  	_ =	shalt  }
0x6c: {  	_ =	shalt  }
0x6d: {  	_ =	shalt  }
0x6e: {  	_ =	shalt  }
0x6f: {  	_ =	shalt  }
0x70: {  	_ =	shalt  }
0x71: {  	_ =	shalt  }
0x72: {  	_ =	shalt  }
0x73: {  	_ =	shalt  }
0x74: {  	_ =	shalt  }
0x75: {  	_ =	shalt  }
0x76: {  	_ =	shalt  }
0x77: {  	_ =	shalt  }
0x78: {  	_ =	shalt  }
0x79: {  	_ =	shalt  }
0x7a: {  	_ =	shalt  }
0x7b: {  	_ =	shalt  }
0x7c: {  	_ =	shalt  }
0x7d: {  	_ =	shalt  }
0x7e: {  	_ =	shalt  }
0x7f: {  	_ =	shalt  }
0x80: {  	_ =	shalt  }
0x81: {  	_ =	shalt  }
0x82: {  	_ =	shalt  }
0x83: {  	_ =	shalt  }
0x84: {  	_ =	shalt  }
0x85: {  	_ =	shalt  }
0x86: {  	_ =	shalt  }
0x87: {  	_ =	shalt  }
.Lfunc_end0:
.L_simem_size_0:
called_computation_lowered:
.L_overlay_start_0:
0x88: {  	s2 =	sld [smem:$0x3FD9]  }
0x89: {  	s3 =	sld [smem:$0x3FFE];
	_ =	sdelay $0x1  }
0x8a: {  	s1 =	srdreg.scid  }
0x8b: {  	s0 =	sand.u32 $0x1, s1  }
0x8c: {  	s14 =	sshll.u32 s0, $0xA;
	s2 =	sadd.s32 s3, s2  }
0x8d: {  	s2 =	sadd.s32 s2, s14  }
0x8e: {  	[smem:$0x3FB3] =	sst s2  }
0x8f: {  	_ = 	snop  }
0x90: {  	s2 =	sld [smem:$0x3FD0];
	_ =	sdelay $0x2  }
0x91: {  	s15 =	simm.s32 $0xA;
	s4 =	simm.s32 $0x10  }
0x92: {  	[smem:s4], [sflag:s15] =	dma.local [hbm:s2], $0x1  }
0x93: {  	_ =	swait.eq [sflag:s15], $0x1  }
0x94: {  	[sflag:s15] =	ssyncset.done $0x0  }
0x95: {  	s16 =	sld [smem:$0x10];
	[sflag:s15] =	ssyncadd.s32 $0xFFFFFFFF  }
0x96: {  	s17 =	sld [smem:$0x11];
	(tm) =	ssettm $0x1  }
0x97: {  	s18 =	sld [smem:$0x3FFB];
	_ =	sdelay $0x3  }
0x98: {  	_ =	strace s18  }
0x99: {  	s4 =	sld [smem:$0x3FFC];
	_ =	sdelay $0x3  }
0x9a: {  	_ =	strace s4  }
0x9b: {  	s4 =	sld [smem:$0x3FFD];
	_ =	sdelay $0x3  }
0x9c: {  	_ =	strace s4  }
0x9d: {  	_ =	strace $0x8FFFFFFF  }
0x9e: {  	s19 =	sld [smem:$0x3FDB];
	_ =	sdelay $0x1  }
0x9f: {  	s5 =	simm.s32 $_scs_section_size  }
0xa0: {  	s6 =	simm.s32 $_size__tile_overlayer_lowered;
	s7 =	simm.s32 $_tile_overlayer_lowered  }
0xa1: {  	s22 =	simm.s32 $0x1BFF;
	s21 =	sshll.u32 s7, $0x1;
	s4 =	sadd.s32 s5, s19  }
0xa2: {  	s8 =	simm.s32 $0x0;
	s20 =	sshll.u32 s6, $0x1;
	s6 =	sadd.s32 s21, s4  }
0xa3: {  	[timem:s8], [sflag:s22] =	dma.local [hbm:s6], s20  }
0xa4: {  	_ =	swait.ge [sflag:s22], s20  }
0xa5: {  	s5 =	ssub.s32 $0x0, s20;
	[sflag:s22] =	ssyncset.done $0x0  }
0xa6: {  	[sflag:s22] =	ssyncadd.s32 s5;
	_ =	sdelay $0x1  }
0xa7: {  	s23 =	simm.s32 $0x1B8B  }
0xa8: {  	_ =	swait.ge [sflag:s23], $0x1  }
0xa9: {  	[sflag:s23] =	ssyncset.done $0x0  }
0xaa: {  	s25 =	simm.s32 $0x1B8E;
	s24 =	sld [smem:$0x3FFE];
	[sflag:s23] =	ssyncadd.s32 $0xFFFFFFFF  }
0xab: {  	s26 =	simm.s32 $execute0_lowered;
	[smem:$0x3FD2] =	sst s25  }
0xac: {  	s6 =	sshll.u32 s26, $0x1;
	_ =	strace $0x80000046;
	[dreg:$0x1] =	wrdreg $0xFFFFFFFF  }
0xad: {  	s28 =	simm.s32 $_size_execute0_lowered;
	s4 =	sadd.s32 s4, s6;
	[dreg:$0x0] =	wrdreg $0x0  }
0xae: {  	s6 =	sshll.u32 s28, $0x1;
	[dreg:$0x2] =	wrdreg s4  }
0xaf: {  	[dreg:$0x3] =	wrdreg s6  }
0xb0: {  	[dreg:$0x4] =	wrdreg $0xC0  }
0xb1: {  	_ =	task [dreg:s8], $0x5FFFF  }
0xb2: {  	[dreg:$0x1] =	wrdreg $0xFFFFFFFF  }
0xb3: {  	[dreg:$0x0] =	wrdreg $0x60  }
0xb4: {  	[dreg:$0x2] =	wrdreg s24  }
0xb5: {  	[dreg:$0x3] =	wrdreg s16  }
0xb6: {  	[dreg:$0x4] =	wrdreg s17  }
0xb7: {  	[dreg:$0x5] =	wrdreg $0x88000  }
0xb8: {  	[dreg:$0x6] =	wrdreg $0x9  }
0xb9: {  	_ =	task.clear_ibuf [dreg:s8], $0x7FFFF;
	_ =	strace $0x90000046  }
0xba: {  	s29 =	simm.s32 $0x9;
	_ =	strace $0x80000048  }
0xbb: {  	_ =	swait.ge [sflag:s29], $0x1  }
0xbc: {  	[sflag:s29] =	ssyncadd.s32 $0xFFFFFFFF  }
0xbd: {  	_ =	strace $0x90000048  }
0xbe: {  	_ =	sfence  }
0xbf: {  	s30 =	sld [smem:$0x0];
	_ =	sdelay $0x2  }
0xc0: {  	s31 =	sshll.u32 s1, $0xD;
	s1 =	sshrl.u32 s1, $0x2  }
0xc1: {  	s3 =	sand.u32 $0x4000, s31;
	s1 =	sadd.s32 s1, s30  }
0xc2: {  	s0 =	sor.u32 s3, s0;
	s1 =	sshll.u32 s1, $0x11  }
0xc3: {  	s0 =	sor.u32 s1, s0  }
0xc4: {  	s0 =	sadd.s32 $0x8F2B, s0  }
0xc5: {  	[sflag:s0] =	ssyncadd.remote.s32 $0x1  }
0xc6: {  	_ =	sfence.sel $0xFFFF  }
0xc7: {  	[dreg:$0x0] =	wrdreg $0xFFFFFFFF;
	(pc) =	sbr.abs _section_cstart, $3  }
0xc8: {  	[dreg:$0x1] =	wrdreg $0xFFFFFFFF  }
0xc9: {  	_ =	task.clear_ibuf [dreg:s8], $0x2FFFF;
	_ =	strace $0x9FFFFFFF  }
0xca: {  	(tm) =	ssettm $0x7FFFFFFF  }
0xcb: {  	_ =	shalt  }
tec
execute0_lowered:
.L_overlay_start_1:
0x0: {  	(tag) =	ssettag $0x1  }
0x1: {  	s0 =	rddreg [dreg:$0x0]  }
0x2: {  	s1 =	rddreg [dreg:$0x1]  }
0x3: {  	s6 =	rddreg [dreg:$0x2]  }
0x4: {  	s2 =	rddreg [dreg:$0x3]  }
0x5: {  	s3 =	simm.s32 $0x0;
	s4 =	stileid.u32;
	s7 =	srdreg.scid  }
0x6: {  	s28 =	simm.s32 $0x8080;
	s29 =	simm.s32 $0x4000;
	s30 =	simm.s32 $0x1  }
0x7: {  	s31 =	simm.s32 $0x8200;
	[smem:$0x7FF] =	sst s3;
	s5 =	sshll.u32 s4, $0x7  }
0x8: {  	s7 =	sand.u32 $0x1, s7;
	s9 =	sadd.s32 $0x53E00, s0;
	s11 =	smul.u32 $0x32000, s4  }
0x9: {  	s13 =	sadd.s32 $0x7B000, s0;
	s14 =	sadd.s32 $0xA2200, s0;
	s23 =	smul.u32 $0x1900, s4  }
0xa: {  	s12 =	sor.u32 $0x10, s4;
	p1 =	sne.s32 s4, $0x0;
	_ =	strace $0x80000047  }
0xb: {  	s8 =	sadd.s32 s5, s0;
	s5 =	sadd.s32 $0x2CC00, s0;
	s10 =	ssub.s32 $0x2, s7  }
0xc: {  	p0 =	seq.s32 s7, $0x1;
	s25 =	smul.u32 $0x32000, s12;
	[dreg:$0x5] =	wrdreg s13  }
0xd: {  	s26 =	smul.u32 $0x1900, s12;
	[dreg:$0x6] =	wrdreg s14;
	p2 =	sgt.u32 s12, $0x18  }
0xe: {  	p3 =	slt.u32 s12, $0x19;
	s22 =	sshrl.u32 s10, $0x1;
	s24 =	sadd.s32 $0x5800, s8  }
0xf: {  	s15 =	sadd.s32 $0x19200, s8;
	s11 =	sshrl.u32 s11, $0x2;
	[dreg:$0x7] =	wrdreg s24  }
0x10: {  	s18 =	sadd.s32 s6, s23;
	s20 =	sadd.s32 s13, s23;
	[dreg:$0x8] =	wrdreg s15  }
0x11: {  	s21 =	sadd.s32 s9, s23;
	s23 =	sadd.s32 s14, s23;
	[dreg:$0xc] =	wrdreg s18  }
0x12: {  	s13 =	simm.s32 $0x8280;
	s0 =	ssub.s32 s10, s22;
	[dreg:$0xf] =	wrdreg s20  }
0x13: {  	s16 =	sadd.s32 s11, s2;
	s17 =	sshrl.u32 s25, $0x2;
	[dreg:$0x10] =	wrdreg s21  }
0x14: {  	s19 =	sadd.s32 s6, s26;
	[dreg:$0x9] =	wrdreg s26;
	s22 =	sadd.s32 s9, s26  }
0x15: {  	[dreg:$0x12] =	wrdreg s23;
	s24 =	sadd.s32 $0x6000, s8;
	s25 =	sshll.u32 s4, $0x2  }
0x16: {  	s26 =	sadd.s32 $0x19A00, s8;
	s23 =	simm.s32 $0x8000;
	[dreg:$0xb] =	wrdreg s16  }
0x17: {  	s11 =	simm.s32 $0x5;
	s8 =	simm.s32 $0x8100;
	[dreg:$0xe] =	wrdreg s19  }
0x18: {  	s9 =	simm.s32 $0x2;
	s15 =	simm.s32 $0x8180;
	[dreg:$0x11] =	wrdreg s22  }
.Ltmp0:
0x19: {  	s18 =	simm.s32 $0x0;
	[dreg:$0x13] =	wrdreg s24;
	(pc) =	sbr.rel .LBB2_1-.Ltmp0, $4  }
0x1a: {  	s0 =	smax.u32 s0, $0x1;
	[dreg:$0x15] =	wrdreg s26;
	s26 =	simm.s32 $0x80  }
0x1b: {  	s16 =	simm.s32 $0x8300;
	[dreg:$0xa] =	wrdreg s0;
	s0 =	sadd.s32 s17, s2  }
0x1c: {  	s17 =	simm.s32 $0x8380;
	[dreg:$0xd] =	wrdreg s0;
	s0 =	sor.u32 $0xFFFFFFC0, s25  }
0x1d: {  	s25 =	simm.s32 $0x3;
	[dreg:$0x14] =	wrdreg s0;
	s0 =	simm.s32 $0x6  }
.LBB2_8:
0x1e: {  	s7 =	rddreg [dreg:$0x9]  }
0x1f: {  	s24 =	rddreg [dreg:$0xd]  }
0x20: {  	s6 =	sadd.s32 s6, s7;
	s7 =	sshrl.u32 s24, $0x3  }
0x21: {  	[hbm:s6], [sflag:s19] =	dma.local [spmem:s7], $0x1900  }
0x22: {  	_ =	swait.ge [sflag:s11], $0x1900  }
0x23: {  	[sflag:s11] =	ssyncset.done $0x0  }
0x24: {  	[sflag:s11] =	ssyncadd.s32 $0xFFFFE700  }
.LBB2_9:
0x25: {  	s18 =	sadd.s32 $0x1, s18;
	s6 =	rddreg [dreg:$0xa]  }
0x26: {  	p4 =	sne.s32 s18, s6  }
.Ltmp1:
0x27: {  	_ = 	snop;
	(pc) =	sbr.rel @!p4 .LBB2_10-.Ltmp1, $1  }
0x28: {  	_ =	sdelay $0x3  }
.LBB2_1:
.Ltmp2:
0x29: {  	(pc) =	sbr.rel @!p0 .LBB2_2-.Ltmp2, $4  }
0x2a: {  	_ = 	snop  }
0x2b: {  	s6 =	rddreg [dreg:$0xb]  }
0x2c: {  	s10 =	sshll.u32 s4, $0x6;
	s12 =	sshrl.u32 s6, $0x3;
	s6 =	rddreg [dreg:$0xd]  }
0x2d: {  	s19 =	sor.u32 $0x1C05, s10;
	s7 =	sshrl.u32 @!p2 s6, $0x3;
	[dreg:$0x16] =	wrdreg s12  }
0x2e: {  	s6 =	rddreg [dreg:$0x8]  }
0x2f: {  	s10 =	rddreg [dreg:$0x10]  }
0x30: {  	[tilespmem:s23], [sflag:$0x3] =	stream.linear.gather [hbm4b:s6+s3], $0x400, $0x38;
	[tilespmem:$0x1C080] =	vst v63  }
0x31: {  	[spmem:s12], [sflag:s19] =	dma.local [hbm:s10], $0x1900  }
0x32: {  	_ =	swait.ge [sflag:s11], $0x1900  }
0x33: {  	[sflag:s11] =	ssyncset.done $0x0  }
0x34: {  	s6 =	rddreg [dreg:$0x11];
	[sflag:s11] =	ssyncadd.s32 $0xFFFFE700  }
0x35: {  	[spmem:s7], [sflag:s19] =	dma.local @!p2 [hbm:s6], $0x1900  }
0x36: {  	s6 =	simm.s32 @!p2 $0x5  }
0x37: {  	_ =	swait.ge @!p2 [sflag:s6], $0x1900  }
0x38: {  	[sflag:s6] =	ssyncset.done @!p2 $0x0  }
0x39: {  	[sflag:s6] =	ssyncadd.s32 @!p2 $0xFFFFE700  }
0x3a: {  	[bflag:$0x0] =	sbarrier.arrive $0xFFFF  }
0x3b: {  	_ =	swait.ge [sflag:s25], $0x400  }
0x3c: {  	s20 =	rddreg [dreg:$0x14]  }
0x3d: {  	[sflag:s25] =	ssyncset.done $0x0;
	p5 =	sgt.u32 s20, $0x9C0  }
0x3e: {  	s14 =	sadd.s32 $0x0, s4;
	[sflag:s25] =	ssyncadd.s32 $0xFFFFFC00;
	s6 =	simm.s32 @!p5 $0x2  }
0x3f: {  	[tilespmem:s3], [sflag:$0x1] =	stream.indirect.gather [hbm4b:s5+s26], $0x80, s23, s26, $0xb8;
	[tilespmem:$0x1C080] =	vst v63  }
0x40: {  	s22 =	sadd.s32 $0x10, s14;
	_ =	swait.ge @!p5 [sflag:s6], $0x4000  }
0x41: {  	s7 =	simm.s32 @!p5 $0x4000;
	s10 =	simm.s32 @!p5 $0x80;
	[sflag:s6] =	ssyncset.done @!p5 $0x0  }
0x42: {  	s11 =	simm.s32 @!p5 $0x8780;
	[sflag:s6] =	ssyncadd.s32 @!p5 $0xFFFFC000;
	s6 =	simm.s32 @!p5 $0x6  }
0x43: {  	[spmem:s2] =	stream.indirect.scatter.add.f32 @!p5 [tilespmem:s7], [sflag:$0x6], $0x80, s11, s10, $0xb8;
	[tilespmem:$0x1C080] =	vst v63  }
0x44: {  	p4 =	sgt.u32 s22, $0x270;
	_ =	swait.ge @!p5 [sflag:s6], $0x4000  }
0x45: {  	s7 =	simm.s32 @!p4 $0x0;
	[sflag:s6] =	ssyncset.done @!p5 $0x0  }
0x46: {  	s21 =	rddreg [dreg:$0x15];
	[sflag:s6] =	ssyncadd.s32 @!p5 $0xFFFFC000;
	s6 =	simm.s32 @!p4 $0x8400  }
0x47: {  	[tilespmem:s6], [sflag:$0x4] =	stream.linear.gather @!p4 [hbm4b:s21+s7], $0x400, $0x38;
	[tilespmem:$0x1C080] =	vst v63  }
0x48: {  	_ = 	snop  }
0x49: {  	[tilespmem:s29], [sflag:$0x2] =	stream.indirect.gather [hbm4b:s5+s26], $0x80, s28, s26, $0xb8;
	[tilespmem:$0x1C080] =	vst v63  }
0x4a: {  	_ =	swait.ge [sflag:s30], $0x4000  }
0x4b: {  	[sflag:s30] =	ssyncset.done $0x0  }
0x4c: {  	[sflag:s30] =	ssyncadd.s32 $0xFFFFC000  }
0x4d: {  	[spmem:s2] =	stream.indirect.scatter.add.f32 [tilespmem:s3], [sflag:$0x6], $0x80, s31, s26, $0xb8;
	[tilespmem:$0x1C080] =	vst v63  }
0x4e: {  	_ =	swait.ge [sflag:s0], $0x4000  }
0x4f: {  	[sflag:s0] =	ssyncset.done $0x0  }
0x50: {  	[sflag:s0] =	ssyncadd.s32 $0xFFFFC000  }
0x51: {  	[tilespmem:s3], [sflag:$0x1] =	stream.indirect.gather [hbm4b:s5+s26], $0x80, s8, s26, $0xb8;
	[tilespmem:$0x1C080] =	vst v63  }
0x52: {  	_ =	swait.ge [sflag:s9], $0x4000  }
0x53: {  	[sflag:s9] =	ssyncset.done $0x0  }
0x54: {  	[sflag:s9] =	ssyncadd.s32 $0xFFFFC000  }
0x55: {  	[spmem:s2] =	stream.indirect.scatter.add.f32 [tilespmem:s29], [sflag:$0x6], $0x80, s13, s26, $0xb8;
	[tilespmem:$0x1C080] =	vst v63  }
0x56: {  	_ =	swait.ge [sflag:s0], $0x4000  }
0x57: {  	[sflag:s0] =	ssyncset.done $0x0  }
0x58: {  	[sflag:s0] =	ssyncadd.s32 $0xFFFFC000  }
0x59: {  	[tilespmem:s29], [sflag:$0x2] =	stream.indirect.gather [hbm4b:s5+s26], $0x80, s15, s26, $0xb8;
	[tilespmem:$0x1C080] =	vst v63  }
0x5a: {  	_ =	swait.ge [sflag:s30], $0x4000  }
0x5b: {  	[sflag:s30] =	ssyncset.done $0x0  }
0x5c: {  	[sflag:s30] =	ssyncadd.s32 $0xFFFFC000  }
0x5d: {  	[spmem:s2] =	stream.indirect.scatter.add.f32 [tilespmem:s3], [sflag:$0x6], $0x80, s16, s26, $0xb8;
	[tilespmem:$0x1C080] =	vst v63  }
0x5e: {  	_ =	swait.ge [sflag:s0], $0x4000  }
0x5f: {  	[sflag:s0] =	ssyncset.done $0x0  }
0x60: {  	s10 =	simm.s32 @!p4 $0x4;
	[sflag:s0] =	ssyncadd.s32 $0xFFFFC000  }
0x61: {  	_ =	swait.ge @!p4 [sflag:s10], $0x400  }
0x62: {  	[sflag:s10] =	ssyncset.done @!p4 $0x0  }
0x63: {  	s11 =	simm.s32 @!p4 $0x80;
	[sflag:s10] =	ssyncadd.s32 @!p4 $0xFFFFFC00  }
0x64: {  	[tilespmem:s7], [sflag:$0x1] =	stream.indirect.gather @!p4 [hbm4b:s5+s11], $0x80, s6, s11, $0xb8;
	[tilespmem:$0x1C080] =	vst v63  }
0x65: {  	_ =	swait.ge [sflag:s9], $0x4000  }
0x66: {  	[sflag:s9] =	ssyncset.done $0x0  }
0x67: {  	s24 =	sadd.s32 $0x20, s14;
	[sflag:s9] =	ssyncadd.s32 $0xFFFFC000  }
0x68: {  	[spmem:s2] =	stream.indirect.scatter.add.f32 [tilespmem:s29], [sflag:$0x6], $0x80, s17, s26, $0xb8;
	[tilespmem:$0x1C080] =	vst v63  }
0x69: {  	p5 =	sgt.u32 s24, $0x270;
	_ =	swait.ge [sflag:s0], $0x4000  }
0x6a: {  	s12 =	simm.s32 @!p5 $0x0;
	[sflag:s0] =	ssyncset.done $0x0  }
0x6b: {  	s10 =	simm.s32 @!p5 $0x8000;
	s6 =	sadd.s32 @!p5 $0x800, s21;
	[sflag:s0] =	ssyncadd.s32 $0xFFFFC000  }
0x6c: {  	[tilespmem:s10], [sflag:$0x3] =	stream.linear.gather @!p5 [hbm4b:s6+s12], $0x400, $0x38;
	[tilespmem:$0x1C080] =	vst v63  }
0x6d: {  	s6 =	simm.s32 @!p4 $0x4000;
	s10 =	simm.s32 @!p4 $0x8480;
	s12 =	simm.s32 @!p4 $0x1  }
0x6e: {  	[tilespmem:s6], [sflag:$0x2] =	stream.indirect.gather @!p4 [hbm4b:s5+s11], $0x80, s10, s11, $0xb8;
	[tilespmem:$0x1C080] =	vst v63  }
0x6f: {  	_ =	swait.ge @!p4 [sflag:s12], $0x4000  }
0x70: {  	[sflag:s12] =	ssyncset.done @!p4 $0x0  }
0x71: {  	s14 =	simm.s32 @!p4 $0x6;
	s10 =	simm.s32 @!p4 $0x8600;
	[sflag:s12] =	ssyncadd.s32 @!p4 $0xFFFFC000  }
0x72: {  	[spmem:s2] =	stream.indirect.scatter.add.f32 @!p4 [tilespmem:s7], [sflag:$0x6], $0x80, s10, s11, $0xb8;
	[tilespmem:$0x1C080] =	vst v63  }
0x73: {  	_ =	swait.ge @!p4 [sflag:s14], $0x4000  }
0x74: {  	[sflag:s14] =	ssyncset.done @!p4 $0x0  }
0x75: {  	s10 =	simm.s32 @!p4 $0x8500;
	[sflag:s14] =	ssyncadd.s32 @!p4 $0xFFFFC000  }
0x76: {  	[tilespmem:s7], [sflag:$0x1] =	stream.indirect.gather @!p4 [hbm4b:s5+s11], $0x80, s10, s11, $0xb8;
	[tilespmem:$0x1C080] =	vst v63  }
0x77: {  	s10 =	simm.s32 @!p4 $0x2  }
0x78: {  	_ =	swait.ge @!p4 [sflag:s10], $0x4000  }
0x79: {  	[sflag:s10] =	ssyncset.done @!p4 $0x0  }
0x7a: {  	[sflag:s10] =	ssyncadd.s32 @!p4 $0xFFFFC000;
	s10 =	simm.s32 @!p4 $0x8680  }
0x7b: {  	[spmem:s2] =	stream.indirect.scatter.add.f32 @!p4 [tilespmem:s6], [sflag:$0x6], $0x80, s10, s11, $0xb8;
	[tilespmem:$0x1C080] =	vst v63  }
0x7c: {  	_ =	swait.ge @!p4 [sflag:s14], $0x4000  }
0x7d: {  	[sflag:s14] =	ssyncset.done @!p4 $0x0  }
0x7e: {  	s10 =	simm.s32 @!p4 $0x8580;
	[sflag:s14] =	ssyncadd.s32 @!p4 $0xFFFFC000  }
0x7f: {  	[tilespmem:s6], [sflag:$0x2] =	stream.indirect.gather @!p4 [hbm4b:s5+s11], $0x80, s10, s11, $0xb8;
	[tilespmem:$0x1C080] =	vst v63  }
0x80: {  	_ =	swait.ge @!p4 [sflag:s12], $0x4000  }
0x81: {  	s14 =	simm.s32 @!p4 $0x5;
	[sflag:s12] =	ssyncset.done @!p4 $0x0  }
0x82: {  	s6 =	simm.s32 @!p4 $0x8700;
	s10 =	sadd.s32 $0x80, s20;
	[sflag:s12] =	ssyncadd.s32 @!p4 $0xFFFFC000  }
0x83: {  	[spmem:s2] =	stream.indirect.scatter.add.f32 @!p4 [tilespmem:s7], [sflag:$0x5], $0x80, s6, s11, $0xb8;
	[tilespmem:$0x1C080] =	vst v63  }
0x84: {  	s20 =	smov.u32 s21;
	s7 =	simm.s32 $0x20;
	_ =	swait.ge @!p4 [sflag:s14], $0x4000  }
.LBB2_6:
0x85: {  	[sflag:s14] =	ssyncset.done @!p4 $0x0  }
0x86: {  	s20 =	sadd.s32 $0x1000, s20;
	s6 =	smov.u32 s7;
	s7 =	sadd.s32 $0x20, s7  }
0x87: {  	p5 =	sne.s32 s7, $0x280;
	[sflag:s14] =	ssyncadd.s32 @!p4 $0xFFFFC000  }
0x88: {  	_ =	swait.ge [sflag:s25], $0x400  }
0x89: {  	p6 =	sgt.u32 s10, $0x9C0;
	[sflag:s25] =	ssyncset.done $0x0  }
0x8a: {  	s11 =	simm.s32 @!p6 $0x2;
	[sflag:s25] =	ssyncadd.s32 $0xFFFFFC00  }
0x8b: {  	[tilespmem:s3], [sflag:$0x1] =	stream.indirect.gather [hbm4b:s5+s26], $0x80, s23, s26, $0xb8;
	[tilespmem:$0x1C080] =	vst v63  }
0x8c: {  	s12 =	simm.s32 @!p6 $0x4000;
	_ =	swait.ge @!p6 [sflag:s11], $0x4000  }
0x8d: {  	s14 =	simm.s32 @!p6 $0x80;
	s21 =	simm.s32 @!p6 $0x8780;
	[sflag:s11] =	ssyncset.done @!p6 $0x0  }
0x8e: {  	s6 =	sadd.s32 s6, s4;
	[sflag:s11] =	ssyncadd.s32 @!p6 $0xFFFFC000;
	s11 =	simm.s32 @!p6 $0x6  }
0x8f: {  	[spmem:s2] =	stream.indirect.scatter.add.f32 @!p6 [tilespmem:s12], [sflag:$0x6], $0x80, s21, s14, $0xb8;
	[tilespmem:$0x1C080] =	vst v63  }
0x90: {  	s12 =	sadd.s32 $0x10, s6;
	s14 =	sadd.s32 $0x20, s6;
	_ =	swait.ge @!p6 [sflag:s11], $0x4000  }
0x91: {  	p4 =	sgt.u32 s12, $0x270;
	[sflag:s11] =	ssyncset.done @!p6 $0x0  }
0x92: {  	s12 =	simm.s32 @!p4 $0x0;
	s6 =	simm.s32 @!p4 $0x8400;
	[sflag:s11] =	ssyncadd.s32 @!p6 $0xFFFFC000  }
0x93: {  	[tilespmem:s6], [sflag:$0x4] =	stream.linear.gather @!p4 [hbm4b:s20+s12], $0x400, $0x38;
	[tilespmem:$0x1C080] =	vst v63  }
0x94: {  	_ = 	snop  }
0x95: {  	[tilespmem:s29], [sflag:$0x2] =	stream.indirect.gather [hbm4b:s5+s26], $0x80, s28, s26, $0xb8;
	[tilespmem:$0x1C080] =	vst v63  }
0x96: {  	_ =	swait.ge [sflag:s30], $0x4000  }
0x97: {  	[sflag:s30] =	ssyncset.done $0x0  }
0x98: {  	[sflag:s30] =	ssyncadd.s32 $0xFFFFC000  }
0x99: {  	[spmem:s2] =	stream.indirect.scatter.add.f32 [tilespmem:s3], [sflag:$0x6], $0x80, s31, s26, $0xb8;
	[tilespmem:$0x1C080] =	vst v63  }
0x9a: {  	_ =	swait.ge [sflag:s0], $0x4000  }
0x9b: {  	[sflag:s0] =	ssyncset.done $0x0  }
0x9c: {  	[sflag:s0] =	ssyncadd.s32 $0xFFFFC000  }
0x9d: {  	[tilespmem:s3], [sflag:$0x1] =	stream.indirect.gather [hbm4b:s5+s26], $0x80, s8, s26, $0xb8;
	[tilespmem:$0x1C080] =	vst v63  }
0x9e: {  	_ =	swait.ge [sflag:s9], $0x4000  }
0x9f: {  	[sflag:s9] =	ssyncset.done $0x0  }
0xa0: {  	[sflag:s9] =	ssyncadd.s32 $0xFFFFC000  }
0xa1: {  	[spmem:s2] =	stream.indirect.scatter.add.f32 [tilespmem:s29], [sflag:$0x6], $0x80, s13, s26, $0xb8;
	[tilespmem:$0x1C080] =	vst v63  }
0xa2: {  	_ =	swait.ge [sflag:s0], $0x4000  }
0xa3: {  	[sflag:s0] =	ssyncset.done $0x0  }
0xa4: {  	[sflag:s0] =	ssyncadd.s32 $0xFFFFC000  }
0xa5: {  	[tilespmem:s29], [sflag:$0x2] =	stream.indirect.gather [hbm4b:s5+s26], $0x80, s15, s26, $0xb8;
	[tilespmem:$0x1C080] =	vst v63  }
0xa6: {  	_ =	swait.ge [sflag:s30], $0x4000  }
0xa7: {  	[sflag:s30] =	ssyncset.done $0x0  }
0xa8: {  	[sflag:s30] =	ssyncadd.s32 $0xFFFFC000  }
0xa9: {  	[spmem:s2] =	stream.indirect.scatter.add.f32 [tilespmem:s3], [sflag:$0x6], $0x80, s16, s26, $0xb8;
	[tilespmem:$0x1C080] =	vst v63  }
0xaa: {  	_ =	swait.ge [sflag:s0], $0x4000  }
0xab: {  	s21 =	simm.s32 @!p4 $0x4;
	[sflag:s0] =	ssyncset.done $0x0  }
0xac: {  	[sflag:s0] =	ssyncadd.s32 $0xFFFFC000  }
0xad: {  	_ =	swait.ge @!p4 [sflag:s21], $0x400  }
0xae: {  	s11 =	simm.s32 @!p4 $0x80;
	[sflag:s21] =	ssyncset.done @!p4 $0x0  }
0xaf: {  	[sflag:s21] =	ssyncadd.s32 @!p4 $0xFFFFFC00  }
0xb0: {  	[tilespmem:s12], [sflag:$0x1] =	stream.indirect.gather @!p4 [hbm4b:s5+s11], $0x80, s6, s11, $0xb8;
	[tilespmem:$0x1C080] =	vst v63  }
0xb1: {  	_ =	swait.ge [sflag:s9], $0x4000  }
0xb2: {  	[sflag:s9] =	ssyncset.done $0x0  }
0xb3: {  	[sflag:s9] =	ssyncadd.s32 $0xFFFFC000  }
0xb4: {  	[spmem:s2] =	stream.indirect.scatter.add.f32 [tilespmem:s29], [sflag:$0x6], $0x80, s17, s26, $0xb8;
	[tilespmem:$0x1C080] =	vst v63  }
0xb5: {  	p6 =	sgt.u32 s14, $0x270;
	s6 =	simm.s32 @!p4 $0x4000;
	_ =	swait.ge [sflag:s0], $0x4000  }
0xb6: {  	s14 =	sadd.s32 @!p6 $0x800, s20;
	s21 =	simm.s32 @!p6 $0x8000;
	[sflag:s0] =	ssyncset.done $0x0  }
0xb7: {  	s24 =	simm.s32 @!p4 $0x8480;
	s22 =	simm.s32 @!p6 $0x0;
	[sflag:s0] =	ssyncadd.s32 $0xFFFFC000  }
0xb8: {  	[tilespmem:s21], [sflag:$0x3] =	stream.linear.gather @!p6 [hbm4b:s14+s22], $0x400, $0x38;
	[tilespmem:$0x1C080] =	vst v63  }
0xb9: {  	s14 =	simm.s32 @!p4 $0x1  }
0xba: {  	[tilespmem:s6], [sflag:$0x2] =	stream.indirect.gather @!p4 [hbm4b:s5+s11], $0x80, s24, s11, $0xb8;
	[tilespmem:$0x1C080] =	vst v63  }
0xbb: {  	_ =	swait.ge @!p4 [sflag:s14], $0x4000  }
0xbc: {  	s21 =	simm.s32 @!p4 $0x8600;
	[sflag:s14] =	ssyncset.done @!p4 $0x0  }
0xbd: {  	s22 =	simm.s32 @!p4 $0x6;
	[sflag:s14] =	ssyncadd.s32 @!p4 $0xFFFFC000  }
0xbe: {  	[spmem:s2] =	stream.indirect.scatter.add.f32 @!p4 [tilespmem:s12], [sflag:$0x6], $0x80, s21, s11, $0xb8;
	[tilespmem:$0x1C080] =	vst v63  }
0xbf: {  	_ =	swait.ge @!p4 [sflag:s22], $0x4000  }
0xc0: {  	s21 =	simm.s32 @!p4 $0x8500;
	[sflag:s22] =	ssyncset.done @!p4 $0x0  }
0xc1: {  	s24 =	simm.s32 @!p4 $0x2;
	[sflag:s22] =	ssyncadd.s32 @!p4 $0xFFFFC000  }
0xc2: {  	[tilespmem:s12], [sflag:$0x1] =	stream.indirect.gather @!p4 [hbm4b:s5+s11], $0x80, s21, s11, $0xb8;
	[tilespmem:$0x1C080] =	vst v63  }
0xc3: {  	_ =	swait.ge @!p4 [sflag:s24], $0x4000  }
0xc4: {  	s21 =	simm.s32 @!p4 $0x8680;
	[sflag:s24] =	ssyncset.done @!p4 $0x0  }
0xc5: {  	[sflag:s24] =	ssyncadd.s32 @!p4 $0xFFFFC000  }
0xc6: {  	[spmem:s2] =	stream.indirect.scatter.add.f32 @!p4 [tilespmem:s6], [sflag:$0x6], $0x80, s21, s11, $0xb8;
	[tilespmem:$0x1C080] =	vst v63  }
0xc7: {  	_ =	swait.ge @!p4 [sflag:s22], $0x4000  }
0xc8: {  	s21 =	simm.s32 @!p4 $0x8580;
	[sflag:s22] =	ssyncset.done @!p4 $0x0  }
0xc9: {  	[sflag:s22] =	ssyncadd.s32 @!p4 $0xFFFFC000  }
0xca: {  	[tilespmem:s6], [sflag:$0x2] =	stream.indirect.gather @!p4 [hbm4b:s5+s11], $0x80, s21, s11, $0xb8;
	[tilespmem:$0x1C080] =	vst v63  }
.Ltmp3:
0xcb: {  	_ =	swait.ge @!p4 [sflag:s14], $0x4000;
	(pc) =	sbr.rel @p5 .LBB2_6-.Ltmp3, $4  }
0xcc: {  	s6 =	simm.s32 @!p4 $0x8700;
	[sflag:s14] =	ssyncset.done @!p4 $0x0  }
0xcd: {  	[sflag:s14] =	ssyncadd.s32 @!p4 $0xFFFFC000;
	s14 =	simm.s32 @!p4 $0x5  }
0xce: {  	[spmem:s2] =	stream.indirect.scatter.add.f32 @!p4 [tilespmem:s12], [sflag:$0x5], $0x80, s6, s11, $0xb8;
	[tilespmem:$0x1C080] =	vst v63  }
0xcf: {  	s10 =	sadd.s32 $0x80, s10;
	_ =	swait.ge @!p4 [sflag:s14], $0x4000  }
0xd0: {  	[sflag:s14] =	ssyncset.done @!p4 $0x0  }
0xd1: {  	s6 =	simm.s32 @!p1 $0x2;
	[sflag:s14] =	ssyncadd.s32 @!p4 $0xFFFFC000  }
0xd2: {  	_ =	swait.ge @!p1 [sflag:s6], $0x4000  }
0xd3: {  	s7 =	simm.s32 @!p1 $0x8780;
	[sflag:s6] =	ssyncset.done @!p1 $0x0  }
0xd4: {  	s10 =	simm.s32 @!p1 $0x4000;
	[sflag:s6] =	ssyncadd.s32 @!p1 $0xFFFFC000;
	s6 =	simm.s32 @!p1 $0x80  }
0xd5: {  	[spmem:s2] =	stream.indirect.scatter.add.f32 @!p1 [tilespmem:s10], [sflag:$0x5], $0x80, s7, s6, $0xb8;
	[tilespmem:$0x1C080] =	vst v63  }
0xd6: {  	s6 =	simm.s32 @!p1 $0x5  }
0xd7: {  	_ =	swait.ge @!p1 [sflag:s6], $0x4000  }
0xd8: {  	[sflag:s6] =	ssyncset.done @!p1 $0x0  }
0xd9: {  	[sflag:s6] =	ssyncadd.s32 @!p1 $0xFFFFC000  }
0xda: {  	[bflag:$0x0] =	sbarrier.arrive $0xFFFF  }
0xdb: {  	s22 =	rddreg [dreg:$0x12]  }
0xdc: {  	s24 =	rddreg [dreg:$0x16]  }
0xdd: {  	[hbm:s22], [sflag:s19] =	dma.local [spmem:s24], $0x1900  }
.Ltmp4:
0xde: {  	_ = 	snop;
	(pc) =	sbr.rel @p2 .LBB2_9-.Ltmp4, $4  }
.Ltmp5:
0xdf: {  	s11 =	simm.s32 $0x5;
	(pc) =	sbr.rel @!p2 .LBB2_8-.Ltmp5, $4  }
0xe0: {  	_ =	swait.ge [sflag:s11], $0x1900  }
0xe1: {  	[sflag:s11] =	ssyncset.done $0x0  }
0xe2: {  	s6 =	rddreg [dreg:$0x6];
	[sflag:s11] =	ssyncadd.s32 $0xFFFFE700  }
0xe3: {  	_ = 	snop  }
.LBB2_2:
0xe4: {  	s6 =	rddreg [dreg:$0x7]  }
0xe5: {  	s21 =	rddreg [dreg:$0xc]  }
0xe6: {  	[tilespmem:s23], [sflag:$0x3] =	stream.linear.gather [hbm4b:s6+s3], $0x400, $0x38;
	[tilespmem:$0x1C080] =	vst v63  }
0xe7: {  	[spmem:s12], [sflag:s19] =	dma.local [hbm:s21], $0x1900  }
0xe8: {  	_ =	swait.ge [sflag:s11], $0x1900  }
0xe9: {  	[sflag:s11] =	ssyncset.done $0x0  }
0xea: {  	s6 =	rddreg [dreg:$0xe];
	[sflag:s11] =	ssyncadd.s32 $0xFFFFE700  }
0xeb: {  	[spmem:s7], [sflag:s19] =	dma.local @!p2 [hbm:s6], $0x1900  }
0xec: {  	s7 =	simm.s32 @!p2 $0x5  }
0xed: {  	_ =	swait.ge @!p2 [sflag:s7], $0x1900  }
0xee: {  	[sflag:s7] =	ssyncset.done @!p2 $0x0  }
0xef: {  	[sflag:s7] =	ssyncadd.s32 @!p2 $0xFFFFE700  }
0xf0: {  	[bflag:$0x0] =	sbarrier.arrive $0xFFFF  }
0xf1: {  	_ =	swait.ge [sflag:s25], $0x400  }
0xf2: {  	s21 =	rddreg [dreg:$0x14]  }
0xf3: {  	[sflag:s25] =	ssyncset.done $0x0;
	p5 =	sgt.u32 s21, $0x9C0  }
0xf4: {  	s14 =	sadd.s32 $0x0, s4;
	[sflag:s25] =	ssyncadd.s32 $0xFFFFFC00;
	s7 =	simm.s32 @!p5 $0x2  }
0xf5: {  	[tilespmem:s3], [sflag:$0x1] =	stream.indirect.gather [hbm4b:s1+s26], $0x80, s23, s26, $0xb8;
	[tilespmem:$0x1C080] =	vst v63  }
0xf6: {  	s22 =	sadd.s32 $0x10, s14;
	_ =	swait.ge @!p5 [sflag:s7], $0x4000  }
0xf7: {  	s10 =	simm.s32 @!p5 $0x4000;
	s11 =	simm.s32 @!p5 $0x80;
	[sflag:s7] =	ssyncset.done @!p5 $0x0  }
0xf8: {  	s12 =	simm.s32 @!p5 $0x8780;
	[sflag:s7] =	ssyncadd.s32 @!p5 $0xFFFFC000;
	s7 =	simm.s32 @!p5 $0x6  }
0xf9: {  	[spmem:s2] =	stream.indirect.scatter.add.f32 @!p5 [tilespmem:s10], [sflag:$0x6], $0x80, s12, s11, $0xb8;
	[tilespmem:$0x1C080] =	vst v63  }
0xfa: {  	p4 =	sgt.u32 s22, $0x270;
	_ =	swait.ge @!p5 [sflag:s7], $0x4000  }
0xfb: {  	s10 =	simm.s32 @!p4 $0x8400;
	[sflag:s7] =	ssyncset.done @!p5 $0x0  }
0xfc: {  	s6 =	rddreg [dreg:$0x13];
	[sflag:s7] =	ssyncadd.s32 @!p5 $0xFFFFC000;
	s7 =	simm.s32 @!p4 $0x0  }
0xfd: {  	[tilespmem:s10], [sflag:$0x4] =	stream.linear.gather @!p4 [hbm4b:s6+s7], $0x400, $0x38;
	[tilespmem:$0x1C080] =	vst v63  }
0xfe: {  	_ = 	snop  }
0xff: {  	[tilespmem:s29], [sflag:$0x2] =	stream.indirect.gather [hbm4b:s1+s26], $0x80, s28, s26, $0xb8;
	[tilespmem:$0x1C080] =	vst v63  }
0x100: {  	_ =	swait.ge [sflag:s30], $0x4000  }
0x101: {  	[sflag:s30] =	ssyncset.done $0x0  }
0x102: {  	[sflag:s30] =	ssyncadd.s32 $0xFFFFC000  }
0x103: {  	[spmem:s2] =	stream.indirect.scatter.add.f32 [tilespmem:s3], [sflag:$0x6], $0x80, s31, s26, $0xb8;
	[tilespmem:$0x1C080] =	vst v63  }
0x104: {  	_ =	swait.ge [sflag:s0], $0x4000  }
0x105: {  	[sflag:s0] =	ssyncset.done $0x0  }
0x106: {  	[sflag:s0] =	ssyncadd.s32 $0xFFFFC000  }
0x107: {  	[tilespmem:s3], [sflag:$0x1] =	stream.indirect.gather [hbm4b:s1+s26], $0x80, s8, s26, $0xb8;
	[tilespmem:$0x1C080] =	vst v63  }
0x108: {  	_ =	swait.ge [sflag:s9], $0x4000  }
0x109: {  	[sflag:s9] =	ssyncset.done $0x0  }
0x10a: {  	[sflag:s9] =	ssyncadd.s32 $0xFFFFC000  }
0x10b: {  	[spmem:s2] =	stream.indirect.scatter.add.f32 [tilespmem:s29], [sflag:$0x6], $0x80, s13, s26, $0xb8;
	[tilespmem:$0x1C080] =	vst v63  }
0x10c: {  	_ =	swait.ge [sflag:s0], $0x4000  }
0x10d: {  	[sflag:s0] =	ssyncset.done $0x0  }
0x10e: {  	[sflag:s0] =	ssyncadd.s32 $0xFFFFC000  }
0x10f: {  	[tilespmem:s29], [sflag:$0x2] =	stream.indirect.gather [hbm4b:s1+s26], $0x80, s15, s26, $0xb8;
	[tilespmem:$0x1C080] =	vst v63  }
0x110: {  	_ =	swait.ge [sflag:s30], $0x4000  }
0x111: {  	[sflag:s30] =	ssyncset.done $0x0  }
0x112: {  	[sflag:s30] =	ssyncadd.s32 $0xFFFFC000  }
0x113: {  	[spmem:s2] =	stream.indirect.scatter.add.f32 [tilespmem:s3], [sflag:$0x6], $0x80, s16, s26, $0xb8;
	[tilespmem:$0x1C080] =	vst v63  }
0x114: {  	_ =	swait.ge [sflag:s0], $0x4000  }
0x115: {  	[sflag:s0] =	ssyncset.done $0x0  }
0x116: {  	s11 =	simm.s32 @!p4 $0x4;
	[sflag:s0] =	ssyncadd.s32 $0xFFFFC000  }
0x117: {  	_ =	swait.ge @!p4 [sflag:s11], $0x400  }
0x118: {  	[sflag:s11] =	ssyncset.done @!p4 $0x0  }
0x119: {  	s12 =	simm.s32 @!p4 $0x80;
	[sflag:s11] =	ssyncadd.s32 @!p4 $0xFFFFFC00  }
0x11a: {  	[tilespmem:s7], [sflag:$0x1] =	stream.indirect.gather @!p4 [hbm4b:s1+s12], $0x80, s10, s12, $0xb8;
	[tilespmem:$0x1C080] =	vst v63  }
0x11b: {  	_ =	swait.ge [sflag:s9], $0x4000  }
0x11c: {  	[sflag:s9] =	ssyncset.done $0x0  }
0x11d: {  	s24 =	sadd.s32 $0x20, s14;
	[sflag:s9] =	ssyncadd.s32 $0xFFFFC000  }
0x11e: {  	[spmem:s2] =	stream.indirect.scatter.add.f32 [tilespmem:s29], [sflag:$0x6], $0x80, s17, s26, $0xb8;
	[tilespmem:$0x1C080] =	vst v63  }
0x11f: {  	p5 =	sgt.u32 s24, $0x270;
	_ =	swait.ge [sflag:s0], $0x4000  }
0x120: {  	s14 =	simm.s32 @!p5 $0x0;
	[sflag:s0] =	ssyncset.done $0x0  }
0x121: {  	s11 =	simm.s32 @!p5 $0x8000;
	s10 =	sadd.s32 @!p5 $0x800, s6;
	[sflag:s0] =	ssyncadd.s32 $0xFFFFC000  }
0x122: {  	[tilespmem:s11], [sflag:$0x3] =	stream.linear.gather @!p5 [hbm4b:s10+s14], $0x400, $0x38;
	[tilespmem:$0x1C080] =	vst v63  }
0x123: {  	s10 =	simm.s32 @!p4 $0x4000;
	s11 =	simm.s32 @!p4 $0x8480;
	s14 =	simm.s32 @!p4 $0x1  }
0x124: {  	[tilespmem:s10], [sflag:$0x2] =	stream.indirect.gather @!p4 [hbm4b:s1+s12], $0x80, s11, s12, $0xb8;
	[tilespmem:$0x1C080] =	vst v63  }
0x125: {  	_ =	swait.ge @!p4 [sflag:s14], $0x4000  }
0x126: {  	[sflag:s14] =	ssyncset.done @!p4 $0x0  }
0x127: {  	s20 =	simm.s32 @!p4 $0x6;
	s11 =	simm.s32 @!p4 $0x8600;
	[sflag:s14] =	ssyncadd.s32 @!p4 $0xFFFFC000  }
0x128: {  	[spmem:s2] =	stream.indirect.scatter.add.f32 @!p4 [tilespmem:s7], [sflag:$0x6], $0x80, s11, s12, $0xb8;
	[tilespmem:$0x1C080] =	vst v63  }
0x129: {  	_ =	swait.ge @!p4 [sflag:s20], $0x4000  }
0x12a: {  	[sflag:s20] =	ssyncset.done @!p4 $0x0  }
0x12b: {  	s11 =	simm.s32 @!p4 $0x8500;
	[sflag:s20] =	ssyncadd.s32 @!p4 $0xFFFFC000  }
0x12c: {  	[tilespmem:s7], [sflag:$0x1] =	stream.indirect.gather @!p4 [hbm4b:s1+s12], $0x80, s11, s12, $0xb8;
	[tilespmem:$0x1C080] =	vst v63  }
0x12d: {  	s11 =	simm.s32 @!p4 $0x2  }
0x12e: {  	_ =	swait.ge @!p4 [sflag:s11], $0x4000  }
0x12f: {  	[sflag:s11] =	ssyncset.done @!p4 $0x0  }
0x130: {  	[sflag:s11] =	ssyncadd.s32 @!p4 $0xFFFFC000;
	s11 =	simm.s32 @!p4 $0x8680  }
0x131: {  	[spmem:s2] =	stream.indirect.scatter.add.f32 @!p4 [tilespmem:s10], [sflag:$0x6], $0x80, s11, s12, $0xb8;
	[tilespmem:$0x1C080] =	vst v63  }
0x132: {  	_ =	swait.ge @!p4 [sflag:s20], $0x4000  }
0x133: {  	[sflag:s20] =	ssyncset.done @!p4 $0x0  }
0x134: {  	s11 =	simm.s32 @!p4 $0x8580;
	[sflag:s20] =	ssyncadd.s32 @!p4 $0xFFFFC000  }
0x135: {  	[tilespmem:s10], [sflag:$0x2] =	stream.indirect.gather @!p4 [hbm4b:s1+s12], $0x80, s11, s12, $0xb8;
	[tilespmem:$0x1C080] =	vst v63  }
0x136: {  	_ =	swait.ge @!p4 [sflag:s14], $0x4000  }
0x137: {  	s20 =	smov.u32 s6;
	[sflag:s14] =	ssyncset.done @!p4 $0x0  }
0x138: {  	s10 =	simm.s32 @!p4 $0x8700;
	[sflag:s14] =	ssyncadd.s32 @!p4 $0xFFFFC000;
	s14 =	simm.s32 @!p4 $0x5  }
0x139: {  	[spmem:s2] =	stream.indirect.scatter.add.f32 @!p4 [tilespmem:s7], [sflag:$0x5], $0x80, s10, s12, $0xb8;
	[tilespmem:$0x1C080] =	vst v63  }
0x13a: {  	s7 =	simm.s32 $0x20;
	s10 =	sadd.s32 $0x80, s21;
	_ =	swait.ge @!p4 [sflag:s14], $0x4000  }
.LBB2_3:
0x13b: {  	[sflag:s14] =	ssyncset.done @!p4 $0x0  }
0x13c: {  	s20 =	sadd.s32 $0x1000, s20;
	s11 =	smov.u32 s7;
	s7 =	sadd.s32 $0x20, s7  }
0x13d: {  	p5 =	sne.s32 s7, $0x280;
	[sflag:s14] =	ssyncadd.s32 @!p4 $0xFFFFC000  }
0x13e: {  	_ =	swait.ge [sflag:s25], $0x400  }
0x13f: {  	p6 =	sgt.u32 s10, $0x9C0;
	[sflag:s25] =	ssyncset.done $0x0  }
0x140: {  	s12 =	simm.s32 @!p6 $0x2;
	[sflag:s25] =	ssyncadd.s32 $0xFFFFFC00  }
0x141: {  	[tilespmem:s3], [sflag:$0x1] =	stream.indirect.gather [hbm4b:s1+s26], $0x80, s23, s26, $0xb8;
	[tilespmem:$0x1C080] =	vst v63  }
0x142: {  	s14 =	simm.s32 @!p6 $0x4000;
	_ =	swait.ge @!p6 [sflag:s12], $0x4000  }
0x143: {  	s22 =	simm.s32 @!p6 $0x80;
	s21 =	simm.s32 @!p6 $0x8780;
	[sflag:s12] =	ssyncset.done @!p6 $0x0  }
0x144: {  	s11 =	sadd.s32 s11, s4;
	[sflag:s12] =	ssyncadd.s32 @!p6 $0xFFFFC000;
	s12 =	simm.s32 @!p6 $0x6  }
0x145: {  	[spmem:s2] =	stream.indirect.scatter.add.f32 @!p6 [tilespmem:s14], [sflag:$0x6], $0x80, s21, s22, $0xb8;
	[tilespmem:$0x1C080] =	vst v63  }
0x146: {  	s21 =	sadd.s32 $0x10, s11;
	s14 =	sadd.s32 $0x20, s11;
	_ =	swait.ge @!p6 [sflag:s12], $0x4000  }
0x147: {  	p4 =	sgt.u32 s21, $0x270;
	[sflag:s12] =	ssyncset.done @!p6 $0x0  }
0x148: {  	s21 =	simm.s32 @!p4 $0x8400;
	[sflag:s12] =	ssyncadd.s32 @!p6 $0xFFFFC000;
	s12 =	simm.s32 @!p4 $0x0  }
0x149: {  	[tilespmem:s21], [sflag:$0x4] =	stream.linear.gather @!p4 [hbm4b:s20+s12], $0x400, $0x38;
	[tilespmem:$0x1C080] =	vst v63  }
0x14a: {  	_ = 	snop  }
0x14b: {  	[tilespmem:s29], [sflag:$0x2] =	stream.indirect.gather [hbm4b:s1+s26], $0x80, s28, s26, $0xb8;
	[tilespmem:$0x1C080] =	vst v63  }
0x14c: {  	_ =	swait.ge [sflag:s30], $0x4000  }
0x14d: {  	[sflag:s30] =	ssyncset.done $0x0  }
0x14e: {  	[sflag:s30] =	ssyncadd.s32 $0xFFFFC000  }
0x14f: {  	[spmem:s2] =	stream.indirect.scatter.add.f32 [tilespmem:s3], [sflag:$0x6], $0x80, s31, s26, $0xb8;
	[tilespmem:$0x1C080] =	vst v63  }
0x150: {  	_ =	swait.ge [sflag:s0], $0x4000  }
0x151: {  	[sflag:s0] =	ssyncset.done $0x0  }
0x152: {  	[sflag:s0] =	ssyncadd.s32 $0xFFFFC000  }
0x153: {  	[tilespmem:s3], [sflag:$0x1] =	stream.indirect.gather [hbm4b:s1+s26], $0x80, s8, s26, $0xb8;
	[tilespmem:$0x1C080] =	vst v63  }
0x154: {  	_ =	swait.ge [sflag:s9], $0x4000  }
0x155: {  	[sflag:s9] =	ssyncset.done $0x0  }
0x156: {  	[sflag:s9] =	ssyncadd.s32 $0xFFFFC000  }
0x157: {  	[spmem:s2] =	stream.indirect.scatter.add.f32 [tilespmem:s29], [sflag:$0x6], $0x80, s13, s26, $0xb8;
	[tilespmem:$0x1C080] =	vst v63  }
0x158: {  	_ =	swait.ge [sflag:s0], $0x4000  }
0x159: {  	[sflag:s0] =	ssyncset.done $0x0  }
0x15a: {  	[sflag:s0] =	ssyncadd.s32 $0xFFFFC000  }
0x15b: {  	[tilespmem:s29], [sflag:$0x2] =	stream.indirect.gather [hbm4b:s1+s26], $0x80, s15, s26, $0xb8;
	[tilespmem:$0x1C080] =	vst v63  }
0x15c: {  	_ =	swait.ge [sflag:s30], $0x4000  }
0x15d: {  	[sflag:s30] =	ssyncset.done $0x0  }
0x15e: {  	[sflag:s30] =	ssyncadd.s32 $0xFFFFC000  }
0x15f: {  	[spmem:s2] =	stream.indirect.scatter.add.f32 [tilespmem:s3], [sflag:$0x6], $0x80, s16, s26, $0xb8;
	[tilespmem:$0x1C080] =	vst v63  }
0x160: {  	_ =	swait.ge [sflag:s0], $0x4000  }
0x161: {  	s22 =	simm.s32 @!p4 $0x4;
	[sflag:s0] =	ssyncset.done $0x0  }
0x162: {  	[sflag:s0] =	ssyncadd.s32 $0xFFFFC000  }
0x163: {  	_ =	swait.ge @!p4 [sflag:s22], $0x400  }
0x164: {  	s11 =	simm.s32 @!p4 $0x80;
	[sflag:s22] =	ssyncset.done @!p4 $0x0  }
0x165: {  	[sflag:s22] =	ssyncadd.s32 @!p4 $0xFFFFFC00  }
0x166: {  	[tilespmem:s12], [sflag:$0x1] =	stream.indirect.gather @!p4 [hbm4b:s1+s11], $0x80, s21, s11, $0xb8;
	[tilespmem:$0x1C080] =	vst v63  }
0x167: {  	_ =	swait.ge [sflag:s9], $0x4000  }
0x168: {  	[sflag:s9] =	ssyncset.done $0x0  }
0x169: {  	[sflag:s9] =	ssyncadd.s32 $0xFFFFC000  }
0x16a: {  	[spmem:s2] =	stream.indirect.scatter.add.f32 [tilespmem:s29], [sflag:$0x6], $0x80, s17, s26, $0xb8;
	[tilespmem:$0x1C080] =	vst v63  }
0x16b: {  	p6 =	sgt.u32 s14, $0x270;
	s14 =	simm.s32 @!p4 $0x4000;
	_ =	swait.ge [sflag:s0], $0x4000  }
0x16c: {  	s22 =	simm.s32 @!p6 $0x8000;
	s21 =	sadd.s32 @!p6 $0x800, s20;
	[sflag:s0] =	ssyncset.done $0x0  }
0x16d: {  	s24 =	simm.s32 @!p4 $0x8480;
	s6 =	simm.s32 @!p6 $0x0;
	[sflag:s0] =	ssyncadd.s32 $0xFFFFC000  }
0x16e: {  	[tilespmem:s22], [sflag:$0x3] =	stream.linear.gather @!p6 [hbm4b:s21+s6], $0x400, $0x38;
	[tilespmem:$0x1C080] =	vst v63  }
0x16f: {  	s6 =	simm.s32 @!p4 $0x1  }
0x170: {  	[tilespmem:s14], [sflag:$0x2] =	stream.indirect.gather @!p4 [hbm4b:s1+s11], $0x80, s24, s11, $0xb8;
	[tilespmem:$0x1C080] =	vst v63  }
0x171: {  	_ =	swait.ge @!p4 [sflag:s6], $0x4000  }
0x172: {  	s21 =	simm.s32 @!p4 $0x8600;
	[sflag:s6] =	ssyncset.done @!p4 $0x0  }
0x173: {  	s22 =	simm.s32 @!p4 $0x6;
	[sflag:s6] =	ssyncadd.s32 @!p4 $0xFFFFC000  }
0x174: {  	[spmem:s2] =	stream.indirect.scatter.add.f32 @!p4 [tilespmem:s12], [sflag:$0x6], $0x80, s21, s11, $0xb8;
	[tilespmem:$0x1C080] =	vst v63  }
0x175: {  	_ =	swait.ge @!p4 [sflag:s22], $0x4000  }
0x176: {  	s21 =	simm.s32 @!p4 $0x8500;
	[sflag:s22] =	ssyncset.done @!p4 $0x0  }
0x177: {  	s24 =	simm.s32 @!p4 $0x2;
	[sflag:s22] =	ssyncadd.s32 @!p4 $0xFFFFC000  }
0x178: {  	[tilespmem:s12], [sflag:$0x1] =	stream.indirect.gather @!p4 [hbm4b:s1+s11], $0x80, s21, s11, $0xb8;
	[tilespmem:$0x1C080] =	vst v63  }
0x179: {  	_ =	swait.ge @!p4 [sflag:s24], $0x4000  }
0x17a: {  	s21 =	simm.s32 @!p4 $0x8680;
	[sflag:s24] =	ssyncset.done @!p4 $0x0  }
0x17b: {  	[sflag:s24] =	ssyncadd.s32 @!p4 $0xFFFFC000  }
0x17c: {  	[spmem:s2] =	stream.indirect.scatter.add.f32 @!p4 [tilespmem:s14], [sflag:$0x6], $0x80, s21, s11, $0xb8;
	[tilespmem:$0x1C080] =	vst v63  }
0x17d: {  	_ =	swait.ge @!p4 [sflag:s22], $0x4000  }
0x17e: {  	s21 =	simm.s32 @!p4 $0x8580;
	[sflag:s22] =	ssyncset.done @!p4 $0x0  }
0x17f: {  	[sflag:s22] =	ssyncadd.s32 @!p4 $0xFFFFC000  }
0x180: {  	[tilespmem:s14], [sflag:$0x2] =	stream.indirect.gather @!p4 [hbm4b:s1+s11], $0x80, s21, s11, $0xb8;
	[tilespmem:$0x1C080] =	vst v63  }
.Ltmp6:
0x181: {  	_ =	swait.ge @!p4 [sflag:s6], $0x4000;
	(pc) =	sbr.rel @p5 .LBB2_3-.Ltmp6, $4  }
0x182: {  	s21 =	simm.s32 @!p4 $0x8700;
	[sflag:s6] =	ssyncset.done @!p4 $0x0  }
0x183: {  	s14 =	simm.s32 @!p4 $0x5;
	[sflag:s6] =	ssyncadd.s32 @!p4 $0xFFFFC000  }
0x184: {  	[spmem:s2] =	stream.indirect.scatter.add.f32 @!p4 [tilespmem:s12], [sflag:$0x5], $0x80, s21, s11, $0xb8;
	[tilespmem:$0x1C080] =	vst v63  }
0x185: {  	s10 =	sadd.s32 $0x80, s10;
	_ =	swait.ge @!p4 [sflag:s14], $0x4000  }
0x186: {  	[sflag:s14] =	ssyncset.done @!p4 $0x0  }
0x187: {  	s6 =	simm.s32 @!p1 $0x2;
	[sflag:s14] =	ssyncadd.s32 @!p4 $0xFFFFC000  }
0x188: {  	_ =	swait.ge @!p1 [sflag:s6], $0x4000  }
0x189: {  	s7 =	simm.s32 @!p1 $0x8780;
	[sflag:s6] =	ssyncset.done @!p1 $0x0  }
0x18a: {  	s10 =	simm.s32 @!p1 $0x4000;
	[sflag:s6] =	ssyncadd.s32 @!p1 $0xFFFFC000;
	s6 =	simm.s32 @!p1 $0x80  }
0x18b: {  	[spmem:s2] =	stream.indirect.scatter.add.f32 @!p1 [tilespmem:s10], [sflag:$0x5], $0x80, s7, s6, $0xb8;
	[tilespmem:$0x1C080] =	vst v63  }
0x18c: {  	s6 =	simm.s32 @!p1 $0x5  }
0x18d: {  	_ =	swait.ge @!p1 [sflag:s6], $0x4000  }
0x18e: {  	[sflag:s6] =	ssyncset.done @!p1 $0x0  }
0x18f: {  	[sflag:s6] =	ssyncadd.s32 @!p1 $0xFFFFC000  }
0x190: {  	[bflag:$0x0] =	sbarrier.arrive $0xFFFF  }
0x191: {  	s22 =	rddreg [dreg:$0xf]  }
0x192: {  	s24 =	rddreg [dreg:$0x16]  }
0x193: {  	[hbm:s22], [sflag:s19] =	dma.local [spmem:s24], $0x1900  }
.Ltmp7:
0x194: {  	_ = 	snop;
	(pc) =	sbr.rel @p3 .LBB2_8-.Ltmp7, $4  }
.Ltmp8:
0x195: {  	s11 =	simm.s32 $0x5;
	(pc) =	sbr.rel @!p3 .LBB2_9-.Ltmp8, $4  }
0x196: {  	_ =	swait.ge [sflag:s11], $0x1900  }
0x197: {  	[sflag:s11] =	ssyncset.done $0x0  }
0x198: {  	s6 =	rddreg [dreg:$0x5];
	[sflag:s11] =	ssyncadd.s32 $0xFFFFE700  }
0x199: {  	_ = 	snop  }
.LBB2_10:
0x19a: {  	_ =	sfence.sel $0x180000  }
0x19b: {  	[bflag:$0x0] =	sbarrier.arrive $0xFFFF  }
0x19c: {  	_ =	strace $0x90000047  }
0x19d: {  	[bflag:$0x2] =	sbarrier.arrive $0xFFFF  }
0x19e: {  	s0 =	rddreg [dreg:$0x4]  }
0x19f: {  	s0 =	sadd.s32 @!p1 $0x100000, s0  }
0x1a0: {  	[sflag:s0] =	ssyncadd.tile.s32 @!p1 $0x1;
	_ =	shalt  }
.Lfunc_end2:
_tile_overlayer_lowered:
.L_overlay_start_2:
0x1a1: {  	(tag) =	ssettag $0x2  }
0x1a2: {  	s0 =	rddreg [dreg:$0x0];
	s2 =	stileid.u32  }
0x1a3: {  	s1 =	rddreg [dreg:$0x1];
	p0 =	sne.s32 s2, $0x0  }
0x1a4: {  	s3 =	rddreg [dreg:$0x2];
	[bflag:$0x3] =	sbarrier.arrive $0xFFFF;
	s2 =	simm.s32 @!p0 $0x1C05  }
0x1a5: {  	[timem:s3], [sflag:s2] =	dma.local @!p0 [hbm:s0], s1  }
0x1a6: {  	s0 =	simm.s32 @!p0 $0x5  }
0x1a7: {  	_ =	swait.ge @!p0 [sflag:s0], s1  }
0x1a8: {  	s1 =	ssub.s32 @!p0 $0x0, s1;
	[sflag:s0] =	ssyncset.done @!p0 $0x0  }
0x1a9: {  	[sflag:s0] =	ssyncadd.s32 @!p0 s1  }
0x1aa: {  	[bflag:$0x3] =	sbarrier.arrive $0xFFFF  }
0x1ab: {  	_ =	shalt  }

</sc_bundles>
